<compile_context>
chip_gen: v7x
topology: tpu7x:2x2x1
jax: 0.10.2.dev20260603
libtpu: 0.0.44.dev20260713+nightly
codegen_flags: <defaults>
</compile_context>

<pallas_src>
import functools

import jax
import jax.numpy as jnp
from jax import lax
from jax.experimental import pallas as pl
from jax.experimental.pallas import tpu as pltpu
from jax.experimental.pallas import tpu_sc as plsc

_CHUNK = 128
_NSUB = 16


def _sc_accumulate(token2, edges, attr, n_pad):
    e_real = attr.shape[0]
    chunk = _CHUNK
    total_chunks = e_real // chunk
    nc0 = (total_chunks // _NSUB) & ~1
    rem = total_chunks - (_NSUB - 1) * nc0
    assert e_real % chunk == 0 and e_real % 8 == 0 and rem % 2 == 0 and rem > 0
    assert n_pad % (8 * _NSUB) == 0
    rpt = n_pad // _NSUB

    mesh = plsc.VectorSubcoreMesh(core_axis_name="c", subcore_axis_name="s")

    @functools.partial(
        pl.kernel,
        compiler_params=pltpu.CompilerParams(use_tc_tiling_on_sc=False),
        out_type=(
            jax.ShapeDtypeStruct((n_pad, 192), jnp.float32),
            jax.ShapeDtypeStruct((n_pad, 16), jnp.float32),
        ),
        mesh=mesh,
        scratch_types=[
            pltpu.VMEM_SHARED((n_pad, 64), jnp.float32),
            pltpu.VMEM_SHARED((n_pad, 32), jnp.float32),
            pltpu.VMEM_SHARED((n_pad, 16), jnp.float32),
            pltpu.VMEM((chunk,), jnp.int32),
            pltpu.VMEM((chunk,), jnp.int32),
            pltpu.VMEM((chunk,), jnp.int32),
            pltpu.VMEM((chunk,), jnp.int32),
            pltpu.VMEM((chunk,), jnp.int32),
            pltpu.VMEM((chunk,), jnp.int32),
            pltpu.VMEM((chunk, 64), jnp.float32),
            pltpu.VMEM((chunk, 64), jnp.float32),
            pltpu.VMEM((chunk, 32), jnp.float32),
            pltpu.VMEM((chunk, 32), jnp.float32),
            pltpu.VMEM((chunk, 16), jnp.float32),
            pltpu.SemaphoreType.DMA,
            pltpu.SemaphoreType.DMA,
            pltpu.SemaphoreType.DMA,
            pltpu.SemaphoreType.DMA,
            pltpu.SemaphoreType.DMA,
            pltpu.SemaphoreType.DMA,
            pltpu.SemaphoreType.DMA,
            pltpu.SemaphoreType.DMA,
        ],
    )
    def sc_kernel(token2_h, edges_h, attr_h, acc_h, cnt_h,
                  acc_a, acc_b, acc_c,
                  idx_v0, idx_v1, src_v0, src_v1, dst_v0, dst_v1,
                  rows_v0, rows_v1, attr_v0, attr_v1, ones_v,
                  sem_i0, sem_i1, sem_g0, sem_g1, sem_a0, sem_a1,
                  sem_s0, sem_s1):
        c = lax.axis_index("c")
        s = lax.axis_index("s")
        idx_v = (idx_v0, idx_v1)
        src_v = (src_v0, src_v1)
        dst_v = (dst_v0, dst_v1)
        rows_v = (rows_v0, rows_v1)
        attr_v = (attr_v0, attr_v1)
        sem_i = (sem_i0, sem_i1)
        sem_g = (sem_g0, sem_g1)
        sem_a = (sem_a0, sem_a1)
        sem_s = (sem_s0, sem_s1)

        r0 = s * rpt
        rows = pl.ds(r0, rpt)

        def zbody(i, carry):
            for jj in range(4):
                rows_v0[i, pl.ds(jj * 16, 16)] = jnp.zeros((16,), jnp.float32)
            return carry

        lax.fori_loop(0, chunk, zbody, 0)
        for r in range(rpt // chunk):
            dst = pl.ds(r0 + r * chunk, chunk)
            pltpu.sync_copy(rows_v0.at[pl.ds(0, chunk)], acc_a.at[dst])
            pltpu.sync_copy(rows_v0.at[pl.ds(0, chunk), pl.ds(0, 32)],
                            acc_b.at[dst])

            @pl.when(c == 0)
            def _():
                pltpu.sync_copy(rows_v0.at[pl.ds(0, chunk), pl.ds(0, 16)],
                                acc_c.at[dst])

        for j in range(chunk):
            ones_v[j] = jnp.full((16,), 1.0, jnp.float32)
        plsc.subcore_barrier()

        ebase = s * nc0 * chunk
        nc = jnp.where(s == _NSUB - 1, rem, nc0)

        def issue_idx(i, b):
            e0 = ebase + i * chunk
            pltpu.async_copy(edges_h.at[0, pl.ds(e0, chunk)], src_v[b],
                             sem_i[b])
            pltpu.async_copy(edges_h.at[1, pl.ds(e0, chunk)], dst_v[b],
                             sem_i[b])

        def wait_idx(b):
            pltpu.make_async_copy(edges_h.at[0, pl.ds(0, chunk)], src_v[b],
                                  sem_i[b]).wait()
            pltpu.make_async_copy(edges_h.at[0, pl.ds(0, chunk)], dst_v[b],
                                  sem_i[b]).wait()
            for j in range(chunk // 16):
                sl = pl.ds(j * 16, 16)
                idx_v[b][sl] = src_v[b][sl] * 2 + c

        def issue_ga(i, b):
            pltpu.async_copy(token2_h.at[idx_v[b]], rows_v[b], sem_g[b])
            a0 = ebase + i * chunk
            pltpu.async_copy(attr_h.at[pl.ds(a0, chunk), pl.ds(c * 32, 32)],
                             attr_v[b], sem_a[b])

        def wait_ga(b):
            pltpu.make_async_copy(token2_h.at[idx_v[b]], rows_v[b],
                                  sem_g[b]).wait()
            pltpu.make_async_copy(attr_h.at[pl.ds(0, chunk), pl.ds(0, 32)],
                                  attr_v[b], sem_a[b]).wait()

        def issue_scatter(b):
            pltpu.async_copy(rows_v[b], acc_a.at[dst_v[b]], sem_s[b], add=True)
            pltpu.async_copy(attr_v[b], acc_b.at[dst_v[b]], sem_s[b], add=True)

            @pl.when(c == 0)
            def _():
                pltpu.async_copy(ones_v, acc_c.at[dst_v[b]], sem_s[b],
                                 add=True)

        def wait_scatter(b):
            pltpu.make_async_copy(rows_v[b], acc_a.at[dst_v[b]],
                                  sem_s[b]).wait()
            pltpu.make_async_copy(attr_v[b], acc_b.at[dst_v[b]],
                                  sem_s[b]).wait()

            @pl.when(c == 0)
            def _():
                pltpu.make_async_copy(ones_v, acc_c.at[dst_v[b]],
                                      sem_s[b]).wait()

        issue_idx(0, 0)
        wait_idx(0)
        issue_ga(0, 0)
        issue_idx(1, 1)

        def body(k, carry):
            for b in (0, 1):
                i = 2 * k + b
                b1 = 1 - b

                @pl.when(i + 1 < nc)
                def _():
                    wait_idx(b1)
                    issue_ga(i + 1, b1)

                wait_ga(b)
                issue_scatter(b)
                wait_scatter(b)

                @pl.when(i + 2 < nc)
                def _():
                    issue_idx(i + 2, b)

            return carry

        lax.fori_loop(0, nc // 2, body, 0)
        plsc.subcore_barrier()

        pltpu.sync_copy(acc_a.at[rows], acc_h.at[rows, pl.ds(c * 64, 64)])
        pltpu.sync_copy(acc_b.at[rows], acc_h.at[rows, pl.ds(128 + c * 32, 32)])

        @pl.when(c == 0)
        def _():
            pltpu.sync_copy(acc_c.at[rows], cnt_h.at[rows])

    return sc_kernel(token2, edges, attr)


def _tc_body(acc_ref, cnt_ref, row_ref, w_ref, b_ref, g_ref, be_ref, out_ref):
    s = jnp.dot(acc_ref[...], w_ref[...], preferred_element_type=jnp.float32)
    cnt = cnt_ref[:, 0:1]
    msg = (s + cnt * b_ref[...]) / jnp.maximum(cnt, 1.0)
    x = row_ref[...] + msg
    mu = jnp.mean(x, axis=-1, keepdims=True)
    var = jnp.mean((x - mu) ** 2, axis=-1, keepdims=True)
    out_ref[...] = (x - mu) * lax.rsqrt(var + 1e-5) * g_ref[...] + be_ref[...]


def kernel(row_x, token_x, t2r_edge_index, edge_attr_t2r, r2t_edge_index,
           edge_attr_r2t, W, b, gamma, beta):
    n_rows, d = row_x.shape
    de = edge_attr_t2r.shape[1]
    e = t2r_edge_index.shape[1]
    assert e % _CHUNK == 0
    n_pad = 10240

    token2 = token_x.reshape(-1, d // 2)
    acc, cnt = _sc_accumulate(token2, t2r_edge_index, edge_attr_t2r, n_pad)

    blk = 1024
    grid = -(-n_rows // blk)
    row_new = pl.pallas_call(
        _tc_body,
        grid=(grid,),
        in_specs=[
            pl.BlockSpec((blk, d + de), lambda i: (i, 0)),
            pl.BlockSpec((blk, 16), lambda i: (i, 0)),
            pl.BlockSpec((blk, d), lambda i: (i, 0)),
            pl.BlockSpec((d + de, d), lambda i: (0, 0)),
            pl.BlockSpec((1, d), lambda i: (0, 0)),
            pl.BlockSpec((1, d), lambda i: (0, 0)),
            pl.BlockSpec((1, d), lambda i: (0, 0)),
        ],
        out_specs=pl.BlockSpec((blk, d), lambda i: (i, 0)),
        out_shape=jax.ShapeDtypeStruct((n_rows, d), jnp.float32),
    )(acc, cnt, row_x, W, b.reshape(1, d), gamma.reshape(1, d),
      beta.reshape(1, d))
    return (row_new, token_x)

# --- scband reference (transcript-rebuilt; emitter-appended) ---
"""Pipeline reference for scband-gnnlayer-68161130988336 (READ-ONLY COPY).

The authoritative reference and input builder live on the scoring server;
editing this copy changes nothing except your own understanding.
"""

import jax, jax.numpy as jnp
import numpy as np

N_ROWS = 10000
N_TOKENS = 50000
E = 320000
D = 128
DE = 64


def setup_inputs(seed: int = 0) -> dict:
    key = jax.random.key(seed)
    k = jax.random.split(key, 10)
    row_x = jax.random.normal(k[0], (N_ROWS, D), dtype=jnp.float32)
    token_x = jax.random.normal(k[1], (N_TOKENS, D), dtype=jnp.float32)
    t2r_edge_index = jax.random.randint(k[2], (2, E), 0, N_ROWS, dtype=jnp.int32)
    edge_attr_t2r = jax.random.normal(k[3], (E, DE), dtype=jnp.float32)
    r2t_edge_index = jax.random.randint(k[4], (2, E), 0, N_ROWS, dtype=jnp.int32)
    edge_attr_r2t = jax.random.normal(k[5], (E, DE), dtype=jnp.float32)
    lim = 1.0 / np.sqrt(D + DE)
    W = jax.random.uniform(k[6], (D + DE, D), minval=-lim, maxval=lim, dtype=jnp.float32)
    b = jax.random.uniform(k[7], (D,), minval=-lim, maxval=lim, dtype=jnp.float32)
    gamma = jnp.ones((D,), jnp.float32)
    beta = jnp.zeros((D,), jnp.float32)
    return {"row_x": row_x, "token_x": token_x, "t2r_edge_index": t2r_edge_index,
            "edge_attr_t2r": edge_attr_t2r, "r2t_edge_index": r2t_edge_index,
            "edge_attr_r2t": edge_attr_r2t, "W": W, "b": b, "gamma": gamma, "beta": beta}


def _layer_norm(x, gamma, beta, eps=1e-5):
    mu = jnp.mean(x, axis=-1, keepdims=True)
    var = jnp.mean((x - mu) ** 2, axis=-1, keepdims=True)
    return (x - mu) / jnp.sqrt(var + eps) * gamma + beta


def reference(row_x, token_x, t2r_edge_index, edge_attr_t2r, r2t_edge_index, edge_attr_r2t, W, b, gamma, beta):
    # EdgeMeanConv: message_j = Linear(concat(token_x[src], edge_attr)); mean-aggregate by dst row
    src = t2r_edge_index[0]
    dst = t2r_edge_index[1]
    x_j = jnp.take(token_x, src, axis=0)                          # gather [E, D]
    msg = jnp.concatenate([x_j, edge_attr_t2r], axis=-1) @ W + b  # [E, D]
    s = jax.ops.segment_sum(msg, dst, num_segments=N_ROWS)        # scatter-add [N_ROWS, D]
    cnt = jax.ops.segment_sum(jnp.ones((E,), jnp.float32), dst, num_segments=N_ROWS)
    row_msg = s / jnp.maximum(cnt, 1.0)[:, None]                  # mean aggregation (0 for deg-0)
    # dropout is identity in eval mode; residual + LayerNorm
    row_new = _layer_norm(row_x + row_msg, gamma, beta)
    return (row_new, token_x)

if __name__ == "__main__":
    import jax
    _d = setup_inputs()
    print(jax.jit(kernel)(*tuple(_d.values())))

</pallas_src>

<mosaic_0001>
#map = affine_map<(d0, d1) -> (0, 0)>
module attributes {stable_mosaic.version = 14 : i64} {
  func.func @sc_kernel(%arg0: i32, %arg1: i32, %arg2: memref<100000x64xf32, #tpu.memory_space<hbm>>, %arg3: memref<2x320000xi32, #tpu.memory_space<hbm>>, %arg4: memref<320000x64xf32, #tpu.memory_space<hbm>>, %arg5: memref<10240x192xf32, #tpu.memory_space<hbm>>, %arg6: memref<10240x16xf32, #tpu.memory_space<hbm>>, %arg7: memref<10240x64xf32, #tpu.memory_space<vmem_shared>>, %arg8: memref<10240x32xf32, #tpu.memory_space<vmem_shared>>, %arg9: memref<10240x16xf32, #tpu.memory_space<vmem_shared>>, %arg10: memref<128xi32, #tpu.memory_space<vmem>>, %arg11: memref<128xi32, #tpu.memory_space<vmem>>, %arg12: memref<128xi32, #tpu.memory_space<vmem>>, %arg13: memref<128xi32, #tpu.memory_space<vmem>>, %arg14: memref<128xi32, #tpu.memory_space<vmem>>, %arg15: memref<128xi32, #tpu.memory_space<vmem>>, %arg16: memref<128x64xf32, #tpu.memory_space<vmem>>, %arg17: memref<128x64xf32, #tpu.memory_space<vmem>>, %arg18: memref<128x32xf32, #tpu.memory_space<vmem>>, %arg19: memref<128x32xf32, #tpu.memory_space<vmem>>, %arg20: memref<128x16xf32, #tpu.memory_space<vmem>>, %arg21: memref<!tpu.dma_semaphore, #tpu.memory_space<semaphore_mem>>, %arg22: memref<!tpu.dma_semaphore, #tpu.memory_space<semaphore_mem>>, %arg23: memref<!tpu.dma_semaphore, #tpu.memory_space<semaphore_mem>>, %arg24: memref<!tpu.dma_semaphore, #tpu.memory_space<semaphore_mem>>, %arg25: memref<!tpu.dma_semaphore, #tpu.memory_space<semaphore_mem>>, %arg26: memref<!tpu.dma_semaphore, #tpu.memory_space<semaphore_mem>>, %arg27: memref<!tpu.dma_semaphore, #tpu.memory_space<semaphore_mem>>, %arg28: memref<!tpu.dma_semaphore, #tpu.memory_space<semaphore_mem>>) attributes {dimension_semantics = [#tpu.dimension_semantics<core_parallel>, #tpu.dimension_semantics<subcore_parallel>], iteration_bounds = array<i64: 2, 16>, scalar_prefetch = 0 : i64, scratch_operands = 22 : i64, tpu.core_type = #tpu.core_type<sc_vector_subcore>, window_params = [{transform_indices = #map}, {transform_indices = #map}, {transform_indices = #map}, {transform_indices = #map}, {transform_indices = #map}]} {
    %mul3A = arith.constant 640 : i32
    %mul3A_0 = arith.muli %arg1, %mul3A : i32
    %scan3A = arith.constant 0 : i32
    %scan3A_1 = arith.constant 0 : i32
    %scan3A_2 = arith.constant 128 : i32
    %scan3A_3 = arith.addi %scan3A_1, %scan3A_2 : i32
    %scan3A_4 = arith.constant 1 : i32
    scf.for %scan3A_1245 = %scan3A_1 to %scan3A_3 step %scan3A_4  : i32 {
      %broadcast_in_dim3A_1246 = arith.constant 0.000000e+00 : f32
      %broadcast_in_dim3A_1247 = vector.broadcast %broadcast_in_dim3A_1246 : f32 to vector<16xf32>
      %swap3A_1248 = arith.index_cast %scan3A_1245 : i32 to index
      %swap3A_1249 = arith.constant 0 : index
      %swap3A_1250 = tpu.vector_load %arg16[%swap3A_1248, %swap3A_1249] {strides = array<i32>} : memref<128x64xf32, #tpu.memory_space<vmem>>, vector<1x16xf32>,
      %swap3A_1251 = vector.shape_cast %swap3A_1250 : vector<1x16xf32> to vector<16xf32>
      %swap3A_1252 = vector.shape_cast %broadcast_in_dim3A_1247 : vector<16xf32> to vector<1x16xf32>
      tpu.vector_store %arg16[%swap3A_1248, %swap3A_1249], %swap3A_1252 {strides = array<i32>} : memref<128x64xf32, #tpu.memory_space<vmem>>, vector<1x16xf32>,
      %broadcast_in_dim3A_1253 = arith.constant 0.000000e+00 : f32
      %broadcast_in_dim3A_1254 = vector.broadcast %broadcast_in_dim3A_1253 : f32 to vector<16xf32>
      %swap3A_1255 = arith.index_cast %scan3A_1245 : i32 to index
      %swap3A_1256 = arith.constant 16 : index
      %swap3A_1257 = tpu.vector_load %arg16[%swap3A_1255, %swap3A_1256] {strides = array<i32>} : memref<128x64xf32, #tpu.memory_space<vmem>>, vector<1x16xf32>,
      %swap3A_1258 = vector.shape_cast %swap3A_1257 : vector<1x16xf32> to vector<16xf32>
      %swap3A_1259 = vector.shape_cast %broadcast_in_dim3A_1254 : vector<16xf32> to vector<1x16xf32>
      tpu.vector_store %arg16[%swap3A_1255, %swap3A_1256], %swap3A_1259 {strides = array<i32>} : memref<128x64xf32, #tpu.memory_space<vmem>>, vector<1x16xf32>,
      %broadcast_in_dim3A_1260 = arith.constant 0.000000e+00 : f32
      %broadcast_in_dim3A_1261 = vector.broadcast %broadcast_in_dim3A_1260 : f32 to vector<16xf32>
      %swap3A_1262 = arith.index_cast %scan3A_1245 : i32 to index
      %swap3A_1263 = arith.constant 32 : index
      %swap3A_1264 = tpu.vector_load %arg16[%swap3A_1262, %swap3A_1263] {strides = array<i32>} : memref<128x64xf32, #tpu.memory_space<vmem>>, vector<1x16xf32>,
      %swap3A_1265 = vector.shape_cast %swap3A_1264 : vector<1x16xf32> to vector<16xf32>
      %swap3A_1266 = vector.shape_cast %broadcast_in_dim3A_1261 : vector<16xf32> to vector<1x16xf32>
      tpu.vector_store %arg16[%swap3A_1262, %swap3A_1263], %swap3A_1266 {strides = array<i32>} : memref<128x64xf32, #tpu.memory_space<vmem>>, vector<1x16xf32>,
      %broadcast_in_dim3A_1267 = arith.constant 0.000000e+00 : f32
      %broadcast_in_dim3A_1268 = vector.broadcast %broadcast_in_dim3A_1267 : f32 to vector<16xf32>
      %swap3A_1269 = arith.index_cast %scan3A_1245 : i32 to index
      %swap3A_1270 = arith.constant 48 : index
      %swap3A_1271 = tpu.vector_load %arg16[%swap3A_1269, %swap3A_1270] {strides = array<i32>} : memref<128x64xf32, #tpu.memory_space<vmem>>, vector<1x16xf32>,
      %swap3A_1272 = vector.shape_cast %swap3A_1271 : vector<1x16xf32> to vector<16xf32>
      %swap3A_1273 = vector.shape_cast %broadcast_in_dim3A_1268 : vector<16xf32> to vector<1x16xf32>
      tpu.vector_store %arg16[%swap3A_1269, %swap3A_1270], %swap3A_1273 {strides = array<i32>} : memref<128x64xf32, #tpu.memory_space<vmem>>, vector<1x16xf32>,
    }
    %scan3A_5 = arith.constant 128 : i32
    %add3A = arith.constant 0 : i32
    %add3A_6 = arith.addi %mul3A_0, %add3A : i32
    "tpu.region"() ({
      %run_scoped3A = tpu.sem_alloc : memref<!tpu.dma_semaphore, #tpu.memory_space<semaphore_mem>>
      %dma_start3A_1245 = arith.constant 0 : i32
      %dma_start3A_1246 = arith.constant 0 : i32
      %dma_start3A_1247 = tpu.memref_slice %arg16[%dma_start3A_1245, %dma_start3A_1246] : memref<128x64xf32, #tpu.memory_space<vmem>> -> memref<128x64xf32, #tpu.memory_space<vmem>>
      %dma_start3A_1248 = arith.constant 0 : i32
      %dma_start3A_1249 = tpu.memref_slice %arg7[%add3A_6, %dma_start3A_1248] : memref<10240x64xf32, #tpu.memory_space<vmem_shared>> -> memref<128x64xf32, #tpu.memory_space<vmem_shared>>
      %dma_start3A_1250 = arith.constant 0 : i32
      %dma_start3A_1251 = tpu.memref_slice %arg7[%add3A_6, %dma_start3A_1250] : memref<10240x64xf32, #tpu.memory_space<vmem_shared>> -> memref<128x64xf32, #tpu.memory_space<vmem_shared>>
      %dma_start3A_1252 = arith.constant 0 : i32
      %dma_start3A_1253 = arith.constant 0 : i32
      %dma_start3A_1254 = tpu.memref_slice %arg16[%dma_start3A_1252, %dma_start3A_1253] : memref<128x64xf32, #tpu.memory_space<vmem>> -> memref<128x64xf32, #tpu.memory_space<vmem>>
      tpu.enqueue_dma source(%dma_start3A_1254 : memref<128x64xf32, #tpu.memory_space<vmem>>) target(%dma_start3A_1251 : memref<128x64xf32, #tpu.memory_space<vmem_shared>>) target_semaphore(%run_scoped3A : memref<!tpu.dma_semaphore, #tpu.memory_space<semaphore_mem>>)
      %dma_wait3A_1255 = arith.constant 0 : i32
      %dma_wait3A_1256 = arith.constant 0 : i32
      %dma_wait3A_1257 = tpu.memref_slice %arg16[%dma_wait3A_1255, %dma_wait3A_1256] : memref<128x64xf32, #tpu.memory_space<vmem>> -> memref<128x64xf32, #tpu.memory_space<vmem>>
      %dma_wait3A_1258 = arith.constant 0 : i32
      %dma_wait3A_1259 = tpu.memref_slice %arg7[%add3A_6, %dma_wait3A_1258] : memref<10240x64xf32, #tpu.memory_space<vmem_shared>> -> memref<128x64xf32, #tpu.memory_space<vmem_shared>>
      %dma_wait3A_1260 = arith.constant 0 : i32
      %dma_wait3A_1261 = tpu.memref_slice %arg7[%add3A_6, %dma_wait3A_1260] : memref<10240x64xf32, #tpu.memory_space<vmem_shared>> -> memref<128x64xf32, #tpu.memory_space<vmem_shared>>
      %dma_wait3A_1262 = arith.constant 0 : i32
      %dma_wait3A_1263 = arith.constant 0 : i32
      %dma_wait3A_1264 = tpu.memref_slice %arg16[%dma_wait3A_1262, %dma_wait3A_1263] : memref<128x64xf32, #tpu.memory_space<vmem>> -> memref<128x64xf32, #tpu.memory_space<vmem>>
      tpu.wait_dma2 semaphore(%run_scoped3A : memref<!tpu.dma_semaphore, #tpu.memory_space<semaphore_mem>>) src(%dma_wait3A_1264 : memref<128x64xf32, #tpu.memory_space<vmem>>) dst(%dma_wait3A_1261 : memref<128x64xf32, #tpu.memory_space<vmem_shared>>)
      tpu.yield
    }) : () -> ()
    "tpu.region"() ({
      %run_scoped3A = tpu.sem_alloc : memref<!tpu.dma_semaphore, #tpu.memory_space<semaphore_mem>>
      %dma_start3A_1245 = arith.constant 0 : i32
      %dma_start3A_1246 = arith.constant 0 : i32
      %dma_start3A_1247 = tpu.memref_slice %arg16[%dma_start3A_1245, %dma_start3A_1246] : memref<128x64xf32, #tpu.memory_space<vmem>> -> memref<128x32xf32, #tpu.memory_space<vmem>>
      %dma_start3A_1248 = arith.constant 0 : i32
      %dma_start3A_1249 = tpu.memref_slice %arg8[%add3A_6, %dma_start3A_1248] : memref<10240x32xf32, #tpu.memory_space<vmem_shared>> -> memref<128x32xf32, #tpu.memory_space<vmem_shared>>
      %dma_start3A_1250 = arith.constant 0 : i32
      %dma_start3A_1251 = tpu.memref_slice %arg8[%add3A_6, %dma_start3A_1250] : memref<10240x32xf32, #tpu.memory_space<vmem_shared>> -> memref<128x32xf32, #tpu.memory_space<vmem_shared>>
      %dma_start3A_1252 = arith.constant 0 : i32
      %dma_start3A_1253 = arith.constant 0 : i32
      %dma_start3A_1254 = tpu.memref_slice %arg16[%dma_start3A_1252, %dma_start3A_1253] : memref<128x64xf32, #tpu.memory_space<vmem>> -> memref<128x32xf32, #tpu.memory_space<vmem>>
      tpu.enqueue_dma source(%dma_start3A_1254 : memref<128x32xf32, #tpu.memory_space<vmem>>) target(%dma_start3A_1251 : memref<128x32xf32, #tpu.memory_space<vmem_shared>>) target_semaphore(%run_scoped3A : memref<!tpu.dma_semaphore, #tpu.memory_space<semaphore_mem>>)
      %dma_wait3A_1255 = arith.constant 0 : i32
      %dma_wait3A_1256 = arith.constant 0 : i32
      %dma_wait3A_1257 = tpu.memref_slice %arg16[%dma_wait3A_1255, %dma_wait3A_1256] : memref<128x64xf32, #tpu.memory_space<vmem>> -> memref<128x32xf32, #tpu.memory_space<vmem>>
      %dma_wait3A_1258 = arith.constant 0 : i32
      %dma_wait3A_1259 = tpu.memref_slice %arg8[%add3A_6, %dma_wait3A_1258] : memref<10240x32xf32, #tpu.memory_space<vmem_shared>> -> memref<128x32xf32, #tpu.memory_space<vmem_shared>>
      %dma_wait3A_1260 = arith.constant 0 : i32
      %dma_wait3A_1261 = tpu.memref_slice %arg8[%add3A_6, %dma_wait3A_1260] : memref<10240x32xf32, #tpu.memory_space<vmem_shared>> -> memref<128x32xf32, #tpu.memory_space<vmem_shared>>
      %dma_wait3A_1262 = arith.constant 0 : i32
      %dma_wait3A_1263 = arith.constant 0 : i32
      %dma_wait3A_1264 = tpu.memref_slice %arg16[%dma_wait3A_1262, %dma_wait3A_1263] : memref<128x64xf32, #tpu.memory_space<vmem>> -> memref<128x32xf32, #tpu.memory_space<vmem>>
      tpu.wait_dma2 semaphore(%run_scoped3A : memref<!tpu.dma_semaphore, #tpu.memory_space<semaphore_mem>>) src(%dma_wait3A_1264 : memref<128x32xf32, #tpu.memory_space<vmem>>) dst(%dma_wait3A_1261 : memref<128x32xf32, #tpu.memory_space<vmem_shared>>)
      tpu.yield
    }) : () -> ()
    %eq3A = arith.constant 0 : i32
    %eq3A_7 = arith.cmpi eq, %arg0, %eq3A : i32
    %convert_element_type3A = arith.extui %eq3A_7 : i1 to i32
    %cond3A = arith.constant 0 : i32
    %cond3A_8 = arith.cmpi ne, %convert_element_type3A, %cond3A : i32
    scf.if %cond3A_8 {
      "tpu.region"() ({
        %run_scoped3A = tpu.sem_alloc : memref<!tpu.dma_semaphore, #tpu.memory_space<semaphore_mem>>
        %dma_start3A_1245 = arith.constant 0 : i32
        %dma_start3A_1246 = arith.constant 0 : i32
        %dma_start3A_1247 = tpu.memref_slice %arg16[%dma_start3A_1245, %dma_start3A_1246] : memref<128x64xf32, #tpu.memory_space<vmem>> -> memref<128x16xf32, #tpu.memory_space<vmem>>
        %dma_start3A_1248 = arith.constant 0 : i32
        %dma_start3A_1249 = tpu.memref_slice %arg9[%add3A_6, %dma_start3A_1248] : memref<10240x16xf32, #tpu.memory_space<vmem_shared>> -> memref<128x16xf32, #tpu.memory_space<vmem_shared>>
        %dma_start3A_1250 = arith.constant 0 : i32
        %dma_start3A_1251 = tpu.memref_slice %arg9[%add3A_6, %dma_start3A_1250] : memref<10240x16xf32, #tpu.memory_space<vmem_shared>> -> memref<128x16xf32, #tpu.memory_space<vmem_shared>>
        %dma_start3A_1252 = arith.constant 0 : i32
        %dma_start3A_1253 = arith.constant 0 : i32
        %dma_start3A_1254 = tpu.memref_slice %arg16[%dma_start3A_1252, %dma_start3A_1253] : memref<128x64xf32, #tpu.memory_space<vmem>> -> memref<128x16xf32, #tpu.memory_space<vmem>>
        tpu.enqueue_dma source(%dma_start3A_1254 : memref<128x16xf32, #tpu.memory_space<vmem>>) target(%dma_start3A_1251 : memref<128x16xf32, #tpu.memory_space<vmem_shared>>) target_semaphore(%run_scoped3A : memref<!tpu.dma_semaphore, #tpu.memory_space<semaphore_mem>>)
        %dma_wait3A_1255 = arith.constant 0 : i32
        %dma_wait3A_1256 = arith.constant 0 : i32
        %dma_wait3A_1257 = tpu.memref_slice %arg16[%dma_wait3A_1255, %dma_wait3A_1256] : memref<128x64xf32, #tpu.memory_space<vmem>> -> memref<128x16xf32, #tpu.memory_space<vmem>>
        %dma_wait3A_1258 = arith.constant 0 : i32
        %dma_wait3A_1259 = tpu.memref_slice %arg9[%add3A_6, %dma_wait3A_1258] : memref<10240x16xf32, #tpu.memory_space<vmem_shared>> -> memref<128x16xf32, #tpu.memory_space<vmem_shared>>
        %dma_wait3A_1260 = arith.constant 0 : i32
        %dma_wait3A_1261 = tpu.memref_slice %arg9[%add3A_6, %dma_wait3A_1260] : memref<10240x16xf32, #tpu.memory_space<vmem_shared>> -> memref<128x16xf32, #tpu.memory_space<vmem_shared>>
        %dma_wait3A_1262 = arith.constant 0 : i32
        %dma_wait3A_1263 = arith.constant 0 : i32
        %dma_wait3A_1264 = tpu.memref_slice %arg16[%dma_wait3A_1262, %dma_wait3A_1263] : memref<128x64xf32, #tpu.memory_space<vmem>> -> memref<128x16xf32, #tpu.memory_space<vmem>>
        tpu.wait_dma2 semaphore(%run_scoped3A : memref<!tpu.dma_semaphore, #tpu.memory_space<semaphore_mem>>) src(%dma_wait3A_1264 : memref<128x16xf32, #tpu.memory_space<vmem>>) dst(%dma_wait3A_1261 : memref<128x16xf32, #tpu.memory_space<vmem_shared>>)
        tpu.yield
      }) : () -> ()
    } else {
    }
    %add3A_9 = arith.constant 128 : i32
    %add3A_10 = arith.addi %mul3A_0, %add3A_9 : i32
    "tpu.region"() ({
      %run_scoped3A = tpu.sem_alloc : memref<!tpu.dma_semaphore, #tpu.memory_space<semaphore_mem>>
      %dma_start3A_1245 = arith.constant 0 : i32
      %dma_start3A_1246 = arith.constant 0 : i32
      %dma_start3A_1247 = tpu.memref_slice %arg16[%dma_start3A_1245, %dma_start3A_1246] : memref<128x64xf32, #tpu.memory_space<vmem>> -> memref<128x64xf32, #tpu.memory_space<vmem>>
      %dma_start3A_1248 = arith.constant 0 : i32
      %dma_start3A_1249 = tpu.memref_slice %arg7[%add3A_10, %dma_start3A_1248] : memref<10240x64xf32, #tpu.memory_space<vmem_shared>> -> memref<128x64xf32, #tpu.memory_space<vmem_shared>>
      %dma_start3A_1250 = arith.constant 0 : i32
      %dma_start3A_1251 = tpu.memref_slice %arg7[%add3A_10, %dma_start3A_1250] : memref<10240x64xf32, #tpu.memory_space<vmem_shared>> -> memref<128x64xf32, #tpu.memory_space<vmem_shared>>
      %dma_start3A_1252 = arith.constant 0 : i32
      %dma_start3A_1253 = arith.constant 0 : i32
      %dma_start3A_1254 = tpu.memref_slice %arg16[%dma_start3A_1252, %dma_start3A_1253] : memref<128x64xf32, #tpu.memory_space<vmem>> -> memref<128x64xf32, #tpu.memory_space<vmem>>
      tpu.enqueue_dma source(%dma_start3A_1254 : memref<128x64xf32, #tpu.memory_space<vmem>>) target(%dma_start3A_1251 : memref<128x64xf32, #tpu.memory_space<vmem_shared>>) target_semaphore(%run_scoped3A : memref<!tpu.dma_semaphore, #tpu.memory_space<semaphore_mem>>)
      %dma_wait3A_1255 = arith.constant 0 : i32
      %dma_wait3A_1256 = arith.constant 0 : i32
      %dma_wait3A_1257 = tpu.memref_slice %arg16[%dma_wait3A_1255, %dma_wait3A_1256] : memref<128x64xf32, #tpu.memory_space<vmem>> -> memref<128x64xf32, #tpu.memory_space<vmem>>
      %dma_wait3A_1258 = arith.constant 0 : i32
      %dma_wait3A_1259 = tpu.memref_slice %arg7[%add3A_10, %dma_wait3A_1258] : memref<10240x64xf32, #tpu.memory_space<vmem_shared>> -> memref<128x64xf32, #tpu.memory_space<vmem_shared>>
      %dma_wait3A_1260 = arith.constant 0 : i32
      %dma_wait3A_1261 = tpu.memref_slice %arg7[%add3A_10, %dma_wait3A_1260] : memref<10240x64xf32, #tpu.memory_space<vmem_shared>> -> memref<128x64xf32, #tpu.memory_space<vmem_shared>>
      %dma_wait3A_1262 = arith.constant 0 : i32
      %dma_wait3A_1263 = arith.constant 0 : i32
      %dma_wait3A_1264 = tpu.memref_slice %arg16[%dma_wait3A_1262, %dma_wait3A_1263] : memref<128x64xf32, #tpu.memory_space<vmem>> -> memref<128x64xf32, #tpu.memory_space<vmem>>
      tpu.wait_dma2 semaphore(%run_scoped3A : memref<!tpu.dma_semaphore, #tpu.memory_space<semaphore_mem>>) src(%dma_wait3A_1264 : memref<128x64xf32, #tpu.memory_space<vmem>>) dst(%dma_wait3A_1261 : memref<128x64xf32, #tpu.memory_space<vmem_shared>>)
      tpu.yield
    }) : () -> ()
    "tpu.region"() ({
      %run_scoped3A = tpu.sem_alloc : memref<!tpu.dma_semaphore, #tpu.memory_space<semaphore_mem>>
      %dma_start3A_1245 = arith.constant 0 : i32
      %dma_start3A_1246 = arith.constant 0 : i32
      %dma_start3A_1247 = tpu.memref_slice %arg16[%dma_start3A_1245, %dma_start3A_1246] : memref<128x64xf32, #tpu.memory_space<vmem>> -> memref<128x32xf32, #tpu.memory_space<vmem>>
      %dma_start3A_1248 = arith.constant 0 : i32
      %dma_start3A_1249 = tpu.memref_slice %arg8[%add3A_10, %dma_start3A_1248] : memref<10240x32xf32, #tpu.memory_space<vmem_shared>> -> memref<128x32xf32, #tpu.memory_space<vmem_shared>>
      %dma_start3A_1250 = arith.constant 0 : i32
      %dma_start3A_1251 = tpu.memref_slice %arg8[%add3A_10, %dma_start3A_1250] : memref<10240x32xf32, #tpu.memory_space<vmem_shared>> -> memref<128x32xf32, #tpu.memory_space<vmem_shared>>
      %dma_start3A_1252 = arith.constant 0 : i32
      %dma_start3A_1253 = arith.constant 0 : i32
      %dma_start3A_1254 = tpu.memref_slice %arg16[%dma_start3A_1252, %dma_start3A_1253] : memref<128x64xf32, #tpu.memory_space<vmem>> -> memref<128x32xf32, #tpu.memory_space<vmem>>
      tpu.enqueue_dma source(%dma_start3A_1254 : memref<128x32xf32, #tpu.memory_space<vmem>>) target(%dma_start3A_1251 : memref<128x32xf32, #tpu.memory_space<vmem_shared>>) target_semaphore(%run_scoped3A : memref<!tpu.dma_semaphore, #tpu.memory_space<semaphore_mem>>)
      %dma_wait3A_1255 = arith.constant 0 : i32
      %dma_wait3A_1256 = arith.constant 0 : i32
      %dma_wait3A_1257 = tpu.memref_slice %arg16[%dma_wait3A_1255, %dma_wait3A_1256] : memref<128x64xf32, #tpu.memory_space<vmem>> -> memref<128x32xf32, #tpu.memory_space<vmem>>
      %dma_wait3A_1258 = arith.constant 0 : i32
      %dma_wait3A_1259 = tpu.memref_slice %arg8[%add3A_10, %dma_wait3A_1258] : memref<10240x32xf32, #tpu.memory_space<vmem_shared>> -> memref<128x32xf32, #tpu.memory_space<vmem_shared>>
      %dma_wait3A_1260 = arith.constant 0 : i32
      %dma_wait3A_1261 = tpu.memref_slice %arg8[%add3A_10, %dma_wait3A_1260] : memref<10240x32xf32, #tpu.memory_space<vmem_shared>> -> memref<128x32xf32, #tpu.memory_space<vmem_shared>>
      %dma_wait3A_1262 = arith.constant 0 : i32
      %dma_wait3A_1263 = arith.constant 0 : i32
      %dma_wait3A_1264 = tpu.memref_slice %arg16[%dma_wait3A_1262, %dma_wait3A_1263] : memref<128x64xf32, #tpu.memory_space<vmem>> -> memref<128x32xf32, #tpu.memory_space<vmem>>
      tpu.wait_dma2 semaphore(%run_scoped3A : memref<!tpu.dma_semaphore, #tpu.memory_space<semaphore_mem>>) src(%dma_wait3A_1264 : memref<128x32xf32, #tpu.memory_space<vmem>>) dst(%dma_wait3A_1261 : memref<128x32xf32, #tpu.memory_space<vmem_shared>>)
      tpu.yield
    }) : () -> ()
    %eq3A_11 = arith.constant 0 : i32
    %eq3A_12 = arith.cmpi eq, %arg0, %eq3A_11 : i32
    %convert_element_type3A_13 = arith.extui %eq3A_12 : i1 to i32
    %cond3A_14 = arith.constant 0 : i32
    %cond3A_15 = arith.cmpi ne, %convert_element_type3A_13, %cond3A_14 : i32
    scf.if %cond3A_15 {
      "tpu.region"() ({
        %run_scoped3A = tpu.sem_alloc : memref<!tpu.dma_semaphore, #tpu.memory_space<semaphore_mem>>
        %dma_start3A_1245 = arith.constant 0 : i32
        %dma_start3A_1246 = arith.constant 0 : i32
        %dma_start3A_1247 = tpu.memref_slice %arg16[%dma_start3A_1245, %dma_start3A_1246] : memref<128x64xf32, #tpu.memory_space<vmem>> -> memref<128x16xf32, #tpu.memory_space<vmem>>
        %dma_start3A_1248 = arith.constant 0 : i32
        %dma_start3A_1249 = tpu.memref_slice %arg9[%add3A_10, %dma_start3A_1248] : memref<10240x16xf32, #tpu.memory_space<vmem_shared>> -> memref<128x16xf32, #tpu.memory_space<vmem_shared>>
        %dma_start3A_1250 = arith.constant 0 : i32
        %dma_start3A_1251 = tpu.memref_slice %arg9[%add3A_10, %dma_start3A_1250] : memref<10240x16xf32, #tpu.memory_space<vmem_shared>> -> memref<128x16xf32, #tpu.memory_space<vmem_shared>>
        %dma_start3A_1252 = arith.constant 0 : i32
        %dma_start3A_1253 = arith.constant 0 : i32
        %dma_start3A_1254 = tpu.memref_slice %arg16[%dma_start3A_1252, %dma_start3A_1253] : memref<128x64xf32, #tpu.memory_space<vmem>> -> memref<128x16xf32, #tpu.memory_space<vmem>>
        tpu.enqueue_dma source(%dma_start3A_1254 : memref<128x16xf32, #tpu.memory_space<vmem>>) target(%dma_start3A_1251 : memref<128x16xf32, #tpu.memory_space<vmem_shared>>) target_semaphore(%run_scoped3A : memref<!tpu.dma_semaphore, #tpu.memory_space<semaphore_mem>>)
        %dma_wait3A_1255 = arith.constant 0 : i32
        %dma_wait3A_1256 = arith.constant 0 : i32
        %dma_wait3A_1257 = tpu.memref_slice %arg16[%dma_wait3A_1255, %dma_wait3A_1256] : memref<128x64xf32, #tpu.memory_space<vmem>> -> memref<128x16xf32, #tpu.memory_space<vmem>>
        %dma_wait3A_1258 = arith.constant 0 : i32
        %dma_wait3A_1259 = tpu.memref_slice %arg9[%add3A_10, %dma_wait3A_1258] : memref<10240x16xf32, #tpu.memory_space<vmem_shared>> -> memref<128x16xf32, #tpu.memory_space<vmem_shared>>
        %dma_wait3A_1260 = arith.constant 0 : i32
        %dma_wait3A_1261 = tpu.memref_slice %arg9[%add3A_10, %dma_wait3A_1260] : memref<10240x16xf32, #tpu.memory_space<vmem_shared>> -> memref<128x16xf32, #tpu.memory_space<vmem_shared>>
        %dma_wait3A_1262 = arith.constant 0 : i32
        %dma_wait3A_1263 = arith.constant 0 : i32
        %dma_wait3A_1264 = tpu.memref_slice %arg16[%dma_wait3A_1262, %dma_wait3A_1263] : memref<128x64xf32, #tpu.memory_space<vmem>> -> memref<128x16xf32, #tpu.memory_space<vmem>>
        tpu.wait_dma2 semaphore(%run_scoped3A : memref<!tpu.dma_semaphore, #tpu.memory_space<semaphore_mem>>) src(%dma_wait3A_1264 : memref<128x16xf32, #tpu.memory_space<vmem>>) dst(%dma_wait3A_1261 : memref<128x16xf32, #tpu.memory_space<vmem_shared>>)
        tpu.yield
      }) : () -> ()
    } else {
    }
    %add3A_16 = arith.constant 256 : i32
    %add3A_17 = arith.addi %mul3A_0, %add3A_16 : i32
    "tpu.region"() ({
      %run_scoped3A = tpu.sem_alloc : memref<!tpu.dma_semaphore, #tpu.memory_space<semaphore_mem>>
      %dma_start3A_1245 = arith.constant 0 : i32
      %dma_start3A_1246 = arith.constant 0 : i32
      %dma_start3A_1247 = tpu.memref_slice %arg16[%dma_start3A_1245, %dma_start3A_1246] : memref<128x64xf32, #tpu.memory_space<vmem>> -> memref<128x64xf32, #tpu.memory_space<vmem>>
      %dma_start3A_1248 = arith.constant 0 : i32
      %dma_start3A_1249 = tpu.memref_slice %arg7[%add3A_17, %dma_start3A_1248] : memref<10240x64xf32, #tpu.memory_space<vmem_shared>> -> memref<128x64xf32, #tpu.memory_space<vmem_shared>>
      %dma_start3A_1250 = arith.constant 0 : i32
      %dma_start3A_1251 = tpu.memref_slice %arg7[%add3A_17, %dma_start3A_1250] : memref<10240x64xf32, #tpu.memory_space<vmem_shared>> -> memref<128x64xf32, #tpu.memory_space<vmem_shared>>
      %dma_start3A_1252 = arith.constant 0 : i32
      %dma_start3A_1253 = arith.constant 0 : i32
      %dma_start3A_1254 = tpu.memref_slice %arg16[%dma_start3A_1252, %dma_start3A_1253] : memref<128x64xf32, #tpu.memory_space<vmem>> -> memref<128x64xf32, #tpu.memory_space<vmem>>
      tpu.enqueue_dma source(%dma_start3A_1254 : memref<128x64xf32, #tpu.memory_space<vmem>>) target(%dma_start3A_1251 : memref<128x64xf32, #tpu.memory_space<vmem_shared>>) target_semaphore(%run_scoped3A : memref<!tpu.dma_semaphore, #tpu.memory_space<semaphore_mem>>)
      %dma_wait3A_1255 = arith.constant 0 : i32
      %dma_wait3A_1256 = arith.constant 0 : i32
      %dma_wait3A_1257 = tpu.memref_slice %arg16[%dma_wait3A_1255, %dma_wait3A_1256] : memref<128x64xf32, #tpu.memory_space<vmem>> -> memref<128x64xf32, #tpu.memory_space<vmem>>
      %dma_wait3A_1258 = arith.constant 0 : i32
      %dma_wait3A_1259 = tpu.memref_slice %arg7[%add3A_17, %dma_wait3A_1258] : memref<10240x64xf32, #tpu.memory_space<vmem_shared>> -> memref<128x64xf32, #tpu.memory_space<vmem_shared>>
      %dma_wait3A_1260 = arith.constant 0 : i32
      %dma_wait3A_1261 = tpu.memref_slice %arg7[%add3A_17, %dma_wait3A_1260] : memref<10240x64xf32, #tpu.memory_space<vmem_shared>> -> memref<128x64xf32, #tpu.memory_space<vmem_shared>>
      %dma_wait3A_1262 = arith.constant 0 : i32
      %dma_wait3A_1263 = arith.constant 0 : i32
      %dma_wait3A_1264 = tpu.memref_slice %arg16[%dma_wait3A_1262, %dma_wait3A_1263] : memref<128x64xf32, #tpu.memory_space<vmem>> -> memref<128x64xf32, #tpu.memory_space<vmem>>
      tpu.wait_dma2 semaphore(%run_scoped3A : memref<!tpu.dma_semaphore, #tpu.memory_space<semaphore_mem>>) src(%dma_wait3A_1264 : memref<128x64xf32, #tpu.memory_space<vmem>>) dst(%dma_wait3A_1261 : memref<128x64xf32, #tpu.memory_space<vmem_shared>>)
      tpu.yield
    }) : () -> ()
    "tpu.region"() ({
      %run_scoped3A = tpu.sem_alloc : memref<!tpu.dma_semaphore, #tpu.memory_space<semaphore_mem>>
      %dma_start3A_1245 = arith.constant 0 : i32
      %dma_start3A_1246 = arith.constant 0 : i32
      %dma_start3A_1247 = tpu.memref_slice %arg16[%dma_start3A_1245, %dma_start3A_1246] : memref<128x64xf32, #tpu.memory_space<vmem>> -> memref<128x32xf32, #tpu.memory_space<vmem>>
      %dma_start3A_1248 = arith.constant 0 : i32
      %dma_start3A_1249 = tpu.memref_slice %arg8[%add3A_17, %dma_start3A_1248] : memref<10240x32xf32, #tpu.memory_space<vmem_shared>> -> memref<128x32xf32, #tpu.memory_space<vmem_shared>>
      %dma_start3A_1250 = arith.constant 0 : i32
      %dma_start3A_1251 = tpu.memref_slice %arg8[%add3A_17, %dma_start3A_1250] : memref<10240x32xf32, #tpu.memory_space<vmem_shared>> -> memref<128x32xf32, #tpu.memory_space<vmem_shared>>
      %dma_start3A_1252 = arith.constant 0 : i32
      %dma_start3A_1253 = arith.constant 0 : i32
      %dma_start3A_1254 = tpu.memref_slice %arg16[%dma_start3A_1252, %dma_start3A_1253] : memref<128x64xf32, #tpu.memory_space<vmem>> -> memref<128x32xf32, #tpu.memory_space<vmem>>
      tpu.enqueue_dma source(%dma_start3A_1254 : memref<128x32xf32, #tpu.memory_space<vmem>>) target(%dma_start3A_1251 : memref<128x32xf32, #tpu.memory_space<vmem_shared>>) target_semaphore(%run_scoped3A : memref<!tpu.dma_semaphore, #tpu.memory_space<semaphore_mem>>)
      %dma_wait3A_1255 = arith.constant 0 : i32
      %dma_wait3A_1256 = arith.constant 0 : i32
      %dma_wait3A_1257 = tpu.memref_slice %arg16[%dma_wait3A_1255, %dma_wait3A_1256] : memref<128x64xf32, #tpu.memory_space<vmem>> -> memref<128x32xf32, #tpu.memory_space<vmem>>
      %dma_wait3A_1258 = arith.constant 0 : i32
      %dma_wait3A_1259 = tpu.memref_slice %arg8[%add3A_17, %dma_wait3A_1258] : memref<10240x32xf32, #tpu.memory_space<vmem_shared>> -> memref<128x32xf32, #tpu.memory_space<vmem_shared>>
      %dma_wait3A_1260 = arith.constant 0 : i32
      %dma_wait3A_1261 = tpu.memref_slice %arg8[%add3A_17, %dma_wait3A_1260] : memref<10240x32xf32, #tpu.memory_space<vmem_shared>> -> memref<128x32xf32, #tpu.memory_space<vmem_shared>>
      %dma_wait3A_1262 = arith.constant 0 : i32
      %dma_wait3A_1263 = arith.constant 0 : i32
      %dma_wait3A_1264 = tpu.memref_slice %arg16[%dma_wait3A_1262, %dma_wait3A_1263] : memref<128x64xf32, #tpu.memory_space<vmem>> -> memref<128x32xf32, #tpu.memory_space<vmem>>
      tpu.wait_dma2 semaphore(%run_scoped3A : memref<!tpu.dma_semaphore, #tpu.memory_space<semaphore_mem>>) src(%dma_wait3A_1264 : memref<128x32xf32, #tpu.memory_space<vmem>>) dst(%dma_wait3A_1261 : memref<128x32xf32, #tpu.memory_space<vmem_shared>>)
      tpu.yield
    }) : () -> ()
    %eq3A_18 = arith.constant 0 : i32
    %eq3A_19 = arith.cmpi eq, %arg0, %eq3A_18 : i32
    %convert_element_type3A_20 = arith.extui %eq3A_19 : i1 to i32
    %cond3A_21 = arith.constant 0 : i32
    %cond3A_22 = arith.cmpi ne, %convert_element_type3A_20, %cond3A_21 : i32
    scf.if %cond3A_22 {
      "tpu.region"() ({
        %run_scoped3A = tpu.sem_alloc : memref<!tpu.dma_semaphore, #tpu.memory_space<semaphore_mem>>
        %dma_start3A_1245 = arith.constant 0 : i32
        %dma_start3A_1246 = arith.constant 0 : i32
        %dma_start3A_1247 = tpu.memref_slice %arg16[%dma_start3A_1245, %dma_start3A_1246] : memref<128x64xf32, #tpu.memory_space<vmem>> -> memref<128x16xf32, #tpu.memory_space<vmem>>
        %dma_start3A_1248 = arith.constant 0 : i32
        %dma_start3A_1249 = tpu.memref_slice %arg9[%add3A_17, %dma_start3A_1248] : memref<10240x16xf32, #tpu.memory_space<vmem_shared>> -> memref<128x16xf32, #tpu.memory_space<vmem_shared>>
        %dma_start3A_1250 = arith.constant 0 : i32
        %dma_start3A_1251 = tpu.memref_slice %arg9[%add3A_17, %dma_start3A_1250] : memref<10240x16xf32, #tpu.memory_space<vmem_shared>> -> memref<128x16xf32, #tpu.memory_space<vmem_shared>>
        %dma_start3A_1252 = arith.constant 0 : i32
        %dma_start3A_1253 = arith.constant 0 : i32
        %dma_start3A_1254 = tpu.memref_slice %arg16[%dma_start3A_1252, %dma_start3A_1253] : memref<128x64xf32, #tpu.memory_space<vmem>> -> memref<128x16xf32, #tpu.memory_space<vmem>>
        tpu.enqueue_dma source(%dma_start3A_1254 : memref<128x16xf32, #tpu.memory_space<vmem>>) target(%dma_start3A_1251 : memref<128x16xf32, #tpu.memory_space<vmem_shared>>) target_semaphore(%run_scoped3A : memref<!tpu.dma_semaphore, #tpu.memory_space<semaphore_mem>>)
        %dma_wait3A_1255 = arith.constant 0 : i32
        %dma_wait3A_1256 = arith.constant 0 : i32
        %dma_wait3A_1257 = tpu.memref_slice %arg16[%dma_wait3A_1255, %dma_wait3A_1256] : memref<128x64xf32, #tpu.memory_space<vmem>> -> memref<128x16xf32, #tpu.memory_space<vmem>>
        %dma_wait3A_1258 = arith.constant 0 : i32
        %dma_wait3A_1259 = tpu.memref_slice %arg9[%add3A_17, %dma_wait3A_1258] : memref<10240x16xf32, #tpu.memory_space<vmem_shared>> -> memref<128x16xf32, #tpu.memory_space<vmem_shared>>
        %dma_wait3A_1260 = arith.constant 0 : i32
        %dma_wait3A_1261 = tpu.memref_slice %arg9[%add3A_17, %dma_wait3A_1260] : memref<10240x16xf32, #tpu.memory_space<vmem_shared>> -> memref<128x16xf32, #tpu.memory_space<vmem_shared>>
        %dma_wait3A_1262 = arith.constant 0 : i32
        %dma_wait3A_1263 = arith.constant 0 : i32
        %dma_wait3A_1264 = tpu.memref_slice %arg16[%dma_wait3A_1262, %dma_wait3A_1263] : memref<128x64xf32, #tpu.memory_space<vmem>> -> memref<128x16xf32, #tpu.memory_space<vmem>>
        tpu.wait_dma2 semaphore(%run_scoped3A : memref<!tpu.dma_semaphore, #tpu.memory_space<semaphore_mem>>) src(%dma_wait3A_1264 : memref<128x16xf32, #tpu.memory_space<vmem>>) dst(%dma_wait3A_1261 : memref<128x16xf32, #tpu.memory_space<vmem_shared>>)
        tpu.yield
      }) : () -> ()
    } else {
    }
    %add3A_23 = arith.constant 384 : i32
    %add3A_24 = arith.addi %mul3A_0, %add3A_23 : i32
    "tpu.region"() ({
      %run_scoped3A = tpu.sem_alloc : memref<!tpu.dma_semaphore, #tpu.memory_space<semaphore_mem>>
      %dma_start3A_1245 = arith.constant 0 : i32
      %dma_start3A_1246 = arith.constant 0 : i32
      %dma_start3A_1247 = tpu.memref_slice %arg16[%dma_start3A_1245, %dma_start3A_1246] : memref<128x64xf32, #tpu.memory_space<vmem>> -> memref<128x64xf32, #tpu.memory_space<vmem>>
      %dma_start3A_1248 = arith.constant 0 : i32
      %dma_start3A_1249 = tpu.memref_slice %arg7[%add3A_24, %dma_start3A_1248] : memref<10240x64xf32, #tpu.memory_space<vmem_shared>> -> memref<128x64xf32, #tpu.memory_space<vmem_shared>>
      %dma_start3A_1250 = arith.constant 0 : i32
      %dma_start3A_1251 = tpu.memref_slice %arg7[%add3A_24, %dma_start3A_1250] : memref<10240x64xf32, #tpu.memory_space<vmem_shared>> -> memref<128x64xf32, #tpu.memory_space<vmem_shared>>
      %dma_start3A_1252 = arith.constant 0 : i32
      %dma_start3A_1253 = arith.constant 0 : i32
      %dma_start3A_1254 = tpu.memref_slice %arg16[%dma_start3A_1252, %dma_start3A_1253] : memref<128x64xf32, #tpu.memory_space<vmem>> -> memref<128x64xf32, #tpu.memory_space<vmem>>
      tpu.enqueue_dma source(%dma_start3A_1254 : memref<128x64xf32, #tpu.memory_space<vmem>>) target(%dma_start3A_1251 : memref<128x64xf32, #tpu.memory_space<vmem_shared>>) target_semaphore(%run_scoped3A : memref<!tpu.dma_semaphore, #tpu.memory_space<semaphore_mem>>)
      %dma_wait3A_1255 = arith.constant 0 : i32
      %dma_wait3A_1256 = arith.constant 0 : i32
      %dma_wait3A_1257 = tpu.memref_slice %arg16[%dma_wait3A_1255, %dma_wait3A_1256] : memref<128x64xf32, #tpu.memory_space<vmem>> -> memref<128x64xf32, #tpu.memory_space<vmem>>
      %dma_wait3A_1258 = arith.constant 0 : i32
      %dma_wait3A_1259 = tpu.memref_slice %arg7[%add3A_24, %dma_wait3A_1258] : memref<10240x64xf32, #tpu.memory_space<vmem_shared>> -> memref<128x64xf32, #tpu.memory_space<vmem_shared>>
      %dma_wait3A_1260 = arith.constant 0 : i32
      %dma_wait3A_1261 = tpu.memref_slice %arg7[%add3A_24, %dma_wait3A_1260] : memref<10240x64xf32, #tpu.memory_space<vmem_shared>> -> memref<128x64xf32, #tpu.memory_space<vmem_shared>>
      %dma_wait3A_1262 = arith.constant 0 : i32
      %dma_wait3A_1263 = arith.constant 0 : i32
      %dma_wait3A_1264 = tpu.memref_slice %arg16[%dma_wait3A_1262, %dma_wait3A_1263] : memref<128x64xf32, #tpu.memory_space<vmem>> -> memref<128x64xf32, #tpu.memory_space<vmem>>
      tpu.wait_dma2 semaphore(%run_scoped3A : memref<!tpu.dma_semaphore, #tpu.memory_space<semaphore_mem>>) src(%dma_wait3A_1264 : memref<128x64xf32, #tpu.memory_space<vmem>>) dst(%dma_wait3A_1261 : memref<128x64xf32, #tpu.memory_space<vmem_shared>>)
      tpu.yield
    }) : () -> ()
    "tpu.region"() ({
      %run_scoped3A = tpu.sem_alloc : memref<!tpu.dma_semaphore, #tpu.memory_space<semaphore_mem>>
      %dma_start3A_1245 = arith.constant 0 : i32
      %dma_start3A_1246 = arith.constant 0 : i32
      %dma_start3A_1247 = tpu.memref_slice %arg16[%dma_start3A_1245, %dma_start3A_1246] : memref<128x64xf32, #tpu.memory_space<vmem>> -> memref<128x32xf32, #tpu.memory_space<vmem>>
      %dma_start3A_1248 = arith.constant 0 : i32
      %dma_start3A_1249 = tpu.memref_slice %arg8[%add3A_24, %dma_start3A_1248] : memref<10240x32xf32, #tpu.memory_space<vmem_shared>> -> memref<128x32xf32, #tpu.memory_space<vmem_shared>>
      %dma_start3A_1250 = arith.constant 0 : i32
      %dma_start3A_1251 = tpu.memref_slice %arg8[%add3A_24, %dma_start3A_1250] : memref<10240x32xf32, #tpu.memory_space<vmem_shared>> -> memref<128x32xf32, #tpu.memory_space<vmem_shared>>
      %dma_start3A_1252 = arith.constant 0 : i32
      %dma_start3A_1253 = arith.constant 0 : i32
      %dma_start3A_1254 = tpu.memref_slice %arg16[%dma_start3A_1252, %dma_start3A_1253] : memref<128x64xf32, #tpu.memory_space<vmem>> -> memref<128x32xf32, #tpu.memory_space<vmem>>
      tpu.enqueue_dma source(%dma_start3A_1254 : memref<128x32xf32, #tpu.memory_space<vmem>>) target(%dma_start3A_1251 : memref<128x32xf32, #tpu.memory_space<vmem_shared>>) target_semaphore(%run_scoped3A : memref<!tpu.dma_semaphore, #tpu.memory_space<semaphore_mem>>)
      %dma_wait3A_1255 = arith.constant 0 : i32
      %dma_wait3A_1256 = arith.constant 0 : i32
      %dma_wait3A_1257 = tpu.memref_slice %arg16[%dma_wait3A_1255, %dma_wait3A_1256] : memref<128x64xf32, #tpu.memory_space<vmem>> -> memref<128x32xf32, #tpu.memory_space<vmem>>
      %dma_wait3A_1258 = arith.constant 0 : i32
      %dma_wait3A_1259 = tpu.memref_slice %arg8[%add3A_24, %dma_wait3A_1258] : memref<10240x32xf32, #tpu.memory_space<vmem_shared>> -> memref<128x32xf32, #tpu.memory_space<vmem_shared>>
      %dma_wait3A_1260 = arith.constant 0 : i32
      %dma_wait3A_1261 = tpu.memref_slice %arg8[%add3A_24, %dma_wait3A_1260] : memref<10240x32xf32, #tpu.memory_space<vmem_shared>> -> memref<128x32xf32, #tpu.memory_space<vmem_shared>>
      %dma_wait3A_1262 = arith.constant 0 : i32
      %dma_wait3A_1263 = arith.constant 0 : i32
      %dma_wait3A_1264 = tpu.memref_slice %arg16[%dma_wait3A_1262, %dma_wait3A_1263] : memref<128x64xf32, #tpu.memory_space<vmem>> -> memref<128x32xf32, #tpu.memory_space<vmem>>
      tpu.wait_dma2 semaphore(%run_scoped3A : memref<!tpu.dma_semaphore, #tpu.memory_space<semaphore_mem>>) src(%dma_wait3A_1264 : memref<128x32xf32, #tpu.memory_space<vmem>>) dst(%dma_wait3A_1261 : memref<128x32xf32, #tpu.memory_space<vmem_shared>>)
      tpu.yield
    }) : () -> ()
    %eq3A_25 = arith.constant 0 : i32
    %eq3A_26 = arith.cmpi eq, %arg0, %eq3A_25 : i32
    %convert_element_type3A_27 = arith.extui %eq3A_26 : i1 to i32
    %cond3A_28 = arith.constant 0 : i32
    %cond3A_29 = arith.cmpi ne, %convert_element_type3A_27, %cond3A_28 : i32
    scf.if %cond3A_29 {
      "tpu.region"() ({
        %run_scoped3A = tpu.sem_alloc : memref<!tpu.dma_semaphore, #tpu.memory_space<semaphore_mem>>
        %dma_start3A_1245 = arith.constant 0 : i32
        %dma_start3A_1246 = arith.constant 0 : i32
        %dma_start3A_1247 = tpu.memref_slice %arg16[%dma_start3A_1245, %dma_start3A_1246] : memref<128x64xf32, #tpu.memory_space<vmem>> -> memref<128x16xf32, #tpu.memory_space<vmem>>
        %dma_start3A_1248 = arith.constant 0 : i32
        %dma_start3A_1249 = tpu.memref_slice %arg9[%add3A_24, %dma_start3A_1248] : memref<10240x16xf32, #tpu.memory_space<vmem_shared>> -> memref<128x16xf32, #tpu.memory_space<vmem_shared>>
        %dma_start3A_1250 = arith.constant 0 : i32
        %dma_start3A_1251 = tpu.memref_slice %arg9[%add3A_24, %dma_start3A_1250] : memref<10240x16xf32, #tpu.memory_space<vmem_shared>> -> memref<128x16xf32, #tpu.memory_space<vmem_shared>>
        %dma_start3A_1252 = arith.constant 0 : i32
        %dma_start3A_1253 = arith.constant 0 : i32
        %dma_start3A_1254 = tpu.memref_slice %arg16[%dma_start3A_1252, %dma_start3A_1253] : memref<128x64xf32, #tpu.memory_space<vmem>> -> memref<128x16xf32, #tpu.memory_space<vmem>>
        tpu.enqueue_dma source(%dma_start3A_1254 : memref<128x16xf32, #tpu.memory_space<vmem>>) target(%dma_start3A_1251 : memref<128x16xf32, #tpu.memory_space<vmem_shared>>) target_semaphore(%run_scoped3A : memref<!tpu.dma_semaphore, #tpu.memory_space<semaphore_mem>>)
        %dma_wait3A_1255 = arith.constant 0 : i32
        %dma_wait3A_1256 = arith.constant 0 : i32
        %dma_wait3A_1257 = tpu.memref_slice %arg16[%dma_wait3A_1255, %dma_wait3A_1256] : memref<128x64xf32, #tpu.memory_space<vmem>> -> memref<128x16xf32, #tpu.memory_space<vmem>>
        %dma_wait3A_1258 = arith.constant 0 : i32
        %dma_wait3A_1259 = tpu.memref_slice %arg9[%add3A_24, %dma_wait3A_1258] : memref<10240x16xf32, #tpu.memory_space<vmem_shared>> -> memref<128x16xf32, #tpu.memory_space<vmem_shared>>
        %dma_wait3A_1260 = arith.constant 0 : i32
        %dma_wait3A_1261 = tpu.memref_slice %arg9[%add3A_24, %dma_wait3A_1260] : memref<10240x16xf32, #tpu.memory_space<vmem_shared>> -> memref<128x16xf32, #tpu.memory_space<vmem_shared>>
        %dma_wait3A_1262 = arith.constant 0 : i32
        %dma_wait3A_1263 = arith.constant 0 : i32
        %dma_wait3A_1264 = tpu.memref_slice %arg16[%dma_wait3A_1262, %dma_wait3A_1263] : memref<128x64xf32, #tpu.memory_space<vmem>> -> memref<128x16xf32, #tpu.memory_space<vmem>>
        tpu.wait_dma2 semaphore(%run_scoped3A : memref<!tpu.dma_semaphore, #tpu.memory_space<semaphore_mem>>) src(%dma_wait3A_1264 : memref<128x16xf32, #tpu.memory_space<vmem>>) dst(%dma_wait3A_1261 : memref<128x16xf32, #tpu.memory_space<vmem_shared>>)
        tpu.yield
      }) : () -> ()
    } else {
    }
    %add3A_30 = arith.constant 512 : i32
    %add3A_31 = arith.addi %mul3A_0, %add3A_30 : i32
    "tpu.region"() ({
      %run_scoped3A = tpu.sem_alloc : memref<!tpu.dma_semaphore, #tpu.memory_space<semaphore_mem>>
      %dma_start3A_1245 = arith.constant 0 : i32
      %dma_start3A_1246 = arith.constant 0 : i32
      %dma_start3A_1247 = tpu.memref_slice %arg16[%dma_start3A_1245, %dma_start3A_1246] : memref<128x64xf32, #tpu.memory_space<vmem>> -> memref<128x64xf32, #tpu.memory_space<vmem>>
      %dma_start3A_1248 = arith.constant 0 : i32
      %dma_start3A_1249 = tpu.memref_slice %arg7[%add3A_31, %dma_start3A_1248] : memref<10240x64xf32, #tpu.memory_space<vmem_shared>> -> memref<128x64xf32, #tpu.memory_space<vmem_shared>>
      %dma_start3A_1250 = arith.constant 0 : i32
      %dma_start3A_1251 = tpu.memref_slice %arg7[%add3A_31, %dma_start3A_1250] : memref<10240x64xf32, #tpu.memory_space<vmem_shared>> -> memref<128x64xf32, #tpu.memory_space<vmem_shared>>
      %dma_start3A_1252 = arith.constant 0 : i32
      %dma_start3A_1253 = arith.constant 0 : i32
      %dma_start3A_1254 = tpu.memref_slice %arg16[%dma_start3A_1252, %dma_start3A_1253] : memref<128x64xf32, #tpu.memory_space<vmem>> -> memref<128x64xf32, #tpu.memory_space<vmem>>
      tpu.enqueue_dma source(%dma_start3A_1254 : memref<128x64xf32, #tpu.memory_space<vmem>>) target(%dma_start3A_1251 : memref<128x64xf32, #tpu.memory_space<vmem_shared>>) target_semaphore(%run_scoped3A : memref<!tpu.dma_semaphore, #tpu.memory_space<semaphore_mem>>)
      %dma_wait3A_1255 = arith.constant 0 : i32
      %dma_wait3A_1256 = arith.constant 0 : i32
      %dma_wait3A_1257 = tpu.memref_slice %arg16[%dma_wait3A_1255, %dma_wait3A_1256] : memref<128x64xf32, #tpu.memory_space<vmem>> -> memref<128x64xf32, #tpu.memory_space<vmem>>
      %dma_wait3A_1258 = arith.constant 0 : i32
      %dma_wait3A_1259 = tpu.memref_slice %arg7[%add3A_31, %dma_wait3A_1258] : memref<10240x64xf32, #tpu.memory_space<vmem_shared>> -> memref<128x64xf32, #tpu.memory_space<vmem_shared>>
      %dma_wait3A_1260 = arith.constant 0 : i32
      %dma_wait3A_1261 = tpu.memref_slice %arg7[%add3A_31, %dma_wait3A_1260] : memref<10240x64xf32, #tpu.memory_space<vmem_shared>> -> memref<128x64xf32, #tpu.memory_space<vmem_shared>>
      %dma_wait3A_1262 = arith.constant 0 : i32
      %dma_wait3A_1263 = arith.constant 0 : i32
      %dma_wait3A_1264 = tpu.memref_slice %arg16[%dma_wait3A_1262, %dma_wait3A_1263] : memref<128x64xf32, #tpu.memory_space<vmem>> -> memref<128x64xf32, #tpu.memory_space<vmem>>
      tpu.wait_dma2 semaphore(%run_scoped3A : memref<!tpu.dma_semaphore, #tpu.memory_space<semaphore_mem>>) src(%dma_wait3A_1264 : memref<128x64xf32, #tpu.memory_space<vmem>>) dst(%dma_wait3A_1261 : memref<128x64xf32, #tpu.memory_space<vmem_shared>>)
      tpu.yield
    }) : () -> ()
    "tpu.region"() ({
      %run_scoped3A = tpu.sem_alloc : memref<!tpu.dma_semaphore, #tpu.memory_space<semaphore_mem>>
      %dma_start3A_1245 = arith.constant 0 : i32
      %dma_start3A_1246 = arith.constant 0 : i32
      %dma_start3A_1247 = tpu.memref_slice %arg16[%dma_start3A_1245, %dma_start3A_1246] : memref<128x64xf32, #tpu.memory_space<vmem>> -> memref<128x32xf32, #tpu.memory_space<vmem>>
      %dma_start3A_1248 = arith.constant 0 : i32
      %dma_start3A_1249 = tpu.memref_slice %arg8[%add3A_31, %dma_start3A_1248] : memref<10240x32xf32, #tpu.memory_space<vmem_shared>> -> memref<128x32xf32, #tpu.memory_space<vmem_shared>>
      %dma_start3A_1250 = arith.constant 0 : i32
      %dma_start3A_1251 = tpu.memref_slice %arg8[%add3A_31, %dma_start3A_1250] : memref<10240x32xf32, #tpu.memory_space<vmem_shared>> -> memref<128x32xf32, #tpu.memory_space<vmem_shared>>
      %dma_start3A_1252 = arith.constant 0 : i32
      %dma_start3A_1253 = arith.constant 0 : i32
      %dma_start3A_1254 = tpu.memref_slice %arg16[%dma_start3A_1252, %dma_start3A_1253] : memref<128x64xf32, #tpu.memory_space<vmem>> -> memref<128x32xf32, #tpu.memory_space<vmem>>
      tpu.enqueue_dma source(%dma_start3A_1254 : memref<128x32xf32, #tpu.memory_space<vmem>>) target(%dma_start3A_1251 : memref<128x32xf32, #tpu.memory_space<vmem_shared>>) target_semaphore(%run_scoped3A : memref<!tpu.dma_semaphore, #tpu.memory_space<semaphore_mem>>)
      %dma_wait3A_1255 = arith.constant 0 : i32
      %dma_wait3A_1256 = arith.constant 0 : i32
      %dma_wait3A_1257 = tpu.memref_slice %arg16[%dma_wait3A_1255, %dma_wait3A_1256] : memref<128x64xf32, #tpu.memory_space<vmem>> -> memref<128x32xf32, #tpu.memory_space<vmem>>
      %dma_wait3A_1258 = arith.constant 0 : i32
      %dma_wait3A_1259 = tpu.memref_slice %arg8[%add3A_31, %dma_wait3A_1258] : memref<10240x32xf32, #tpu.memory_space<vmem_shared>> -> memref<128x32xf32, #tpu.memory_space<vmem_shared>>
      %dma_wait3A_1260 = arith.constant 0 : i32
      %dma_wait3A_1261 = tpu.memref_slice %arg8[%add3A_31, %dma_wait3A_1260] : memref<10240x32xf32, #tpu.memory_space<vmem_shared>> -> memref<128x32xf32, #tpu.memory_space<vmem_shared>>
      %dma_wait3A_1262 = arith.constant 0 : i32
      %dma_wait3A_1263 = arith.constant 0 : i32
      %dma_wait3A_1264 = tpu.memref_slice %arg16[%dma_wait3A_1262, %dma_wait3A_1263] : memref<128x64xf32, #tpu.memory_space<vmem>> -> memref<128x32xf32, #tpu.memory_space<vmem>>
      tpu.wait_dma2 semaphore(%run_scoped3A : memref<!tpu.dma_semaphore, #tpu.memory_space<semaphore_mem>>) src(%dma_wait3A_1264 : memref<128x32xf32, #tpu.memory_space<vmem>>) dst(%dma_wait3A_1261 : memref<128x32xf32, #tpu.memory_space<vmem_shared>>)
      tpu.yield
    }) : () -> ()
    %eq3A_32 = arith.constant 0 : i32
    %eq3A_33 = arith.cmpi eq, %arg0, %eq3A_32 : i32
    %convert_element_type3A_34 = arith.extui %eq3A_33 : i1 to i32
    %cond3A_35 = arith.constant 0 : i32
    %cond3A_36 = arith.cmpi ne, %convert_element_type3A_34, %cond3A_35 : i32
    scf.if %cond3A_36 {
      "tpu.region"() ({
        %run_scoped3A = tpu.sem_alloc : memref<!tpu.dma_semaphore, #tpu.memory_space<semaphore_mem>>
        %dma_start3A_1245 = arith.constant 0 : i32
        %dma_start3A_1246 = arith.constant 0 : i32
        %dma_start3A_1247 = tpu.memref_slice %arg16[%dma_start3A_1245, %dma_start3A_1246] : memref<128x64xf32, #tpu.memory_space<vmem>> -> memref<128x16xf32, #tpu.memory_space<vmem>>
        %dma_start3A_1248 = arith.constant 0 : i32
        %dma_start3A_1249 = tpu.memref_slice %arg9[%add3A_31, %dma_start3A_1248] : memref<10240x16xf32, #tpu.memory_space<vmem_shared>> -> memref<128x16xf32, #tpu.memory_space<vmem_shared>>
        %dma_start3A_1250 = arith.constant 0 : i32
        %dma_start3A_1251 = tpu.memref_slice %arg9[%add3A_31, %dma_start3A_1250] : memref<10240x16xf32, #tpu.memory_space<vmem_shared>> -> memref<128x16xf32, #tpu.memory_space<vmem_shared>>
        %dma_start3A_1252 = arith.constant 0 : i32
        %dma_start3A_1253 = arith.constant 0 : i32
        %dma_start3A_1254 = tpu.memref_slice %arg16[%dma_start3A_1252, %dma_start3A_1253] : memref<128x64xf32, #tpu.memory_space<vmem>> -> memref<128x16xf32, #tpu.memory_space<vmem>>
        tpu.enqueue_dma source(%dma_start3A_1254 : memref<128x16xf32, #tpu.memory_space<vmem>>) target(%dma_start3A_1251 : memref<128x16xf32, #tpu.memory_space<vmem_shared>>) target_semaphore(%run_scoped3A : memref<!tpu.dma_semaphore, #tpu.memory_space<semaphore_mem>>)
        %dma_wait3A_1255 = arith.constant 0 : i32
        %dma_wait3A_1256 = arith.constant 0 : i32
        %dma_wait3A_1257 = tpu.memref_slice %arg16[%dma_wait3A_1255, %dma_wait3A_1256] : memref<128x64xf32, #tpu.memory_space<vmem>> -> memref<128x16xf32, #tpu.memory_space<vmem>>
        %dma_wait3A_1258 = arith.constant 0 : i32
        %dma_wait3A_1259 = tpu.memref_slice %arg9[%add3A_31, %dma_wait3A_1258] : memref<10240x16xf32, #tpu.memory_space<vmem_shared>> -> memref<128x16xf32, #tpu.memory_space<vmem_shared>>
        %dma_wait3A_1260 = arith.constant 0 : i32
        %dma_wait3A_1261 = tpu.memref_slice %arg9[%add3A_31, %dma_wait3A_1260] : memref<10240x16xf32, #tpu.memory_space<vmem_shared>> -> memref<128x16xf32, #tpu.memory_space<vmem_shared>>
        %dma_wait3A_1262 = arith.constant 0 : i32
        %dma_wait3A_1263 = arith.constant 0 : i32
        %dma_wait3A_1264 = tpu.memref_slice %arg16[%dma_wait3A_1262, %dma_wait3A_1263] : memref<128x64xf32, #tpu.memory_space<vmem>> -> memref<128x16xf32, #tpu.memory_space<vmem>>
        tpu.wait_dma2 semaphore(%run_scoped3A : memref<!tpu.dma_semaphore, #tpu.memory_space<semaphore_mem>>) src(%dma_wait3A_1264 : memref<128x16xf32, #tpu.memory_space<vmem>>) dst(%dma_wait3A_1261 : memref<128x16xf32, #tpu.memory_space<vmem_shared>>)
        tpu.yield
      }) : () -> ()
    } else {
    }
    %broadcast_in_dim3A = arith.constant 1.000000e+00 : f32
    %broadcast_in_dim3A_37 = vector.broadcast %broadcast_in_dim3A : f32 to vector<16xf32>
    %swap3A = arith.constant 0 : i32
    %swap3A_38 = arith.index_cast %swap3A : i32 to index
    %swap3A_39 = arith.constant 0 : index
    %swap3A_40 = tpu.vector_load %arg20[%swap3A_38, %swap3A_39] {strides = array<i32>} : memref<128x16xf32, #tpu.memory_space<vmem>>, vector<1x16xf32>,
    %swap3A_41 = vector.shape_cast %swap3A_40 : vector<1x16xf32> to vector<16xf32>
    %swap3A_42 = vector.shape_cast %broadcast_in_dim3A_37 : vector<16xf32> to vector<1x16xf32>
    tpu.vector_store %arg20[%swap3A_38, %swap3A_39], %swap3A_42 {strides = array<i32>} : memref<128x16xf32, #tpu.memory_space<vmem>>, vector<1x16xf32>,
    %broadcast_in_dim3A_43 = arith.constant 1.000000e+00 : f32
    %broadcast_in_dim3A_44 = vector.broadcast %broadcast_in_dim3A_43 : f32 to vector<16xf32>
    %swap3A_45 = arith.constant 1 : i32
    %swap3A_46 = arith.index_cast %swap3A_45 : i32 to index
    %swap3A_47 = arith.constant 0 : index
    %swap3A_48 = tpu.vector_load %arg20[%swap3A_46, %swap3A_47] {strides = array<i32>} : memref<128x16xf32, #tpu.memory_space<vmem>>, vector<1x16xf32>,
    %swap3A_49 = vector.shape_cast %swap3A_48 : vector<1x16xf32> to vector<16xf32>
    %swap3A_50 = vector.shape_cast %broadcast_in_dim3A_44 : vector<16xf32> to vector<1x16xf32>
    tpu.vector_store %arg20[%swap3A_46, %swap3A_47], %swap3A_50 {strides = array<i32>} : memref<128x16xf32, #tpu.memory_space<vmem>>, vector<1x16xf32>,
    %broadcast_in_dim3A_51 = arith.constant 1.000000e+00 : f32
    %broadcast_in_dim3A_52 = vector.broadcast %broadcast_in_dim3A_51 : f32 to vector<16xf32>
    %swap3A_53 = arith.constant 2 : i32
    %swap3A_54 = arith.index_cast %swap3A_53 : i32 to index
    %swap3A_55 = arith.constant 0 : index
    %swap3A_56 = tpu.vector_load %arg20[%swap3A_54, %swap3A_55] {strides = array<i32>} : memref<128x16xf32, #tpu.memory_space<vmem>>, vector<1x16xf32>,
    %swap3A_57 = vector.shape_cast %swap3A_56 : vector<1x16xf32> to vector<16xf32>
    %swap3A_58 = vector.shape_cast %broadcast_in_dim3A_52 : vector<16xf32> to vector<1x16xf32>
    tpu.vector_store %arg20[%swap3A_54, %swap3A_55], %swap3A_58 {strides = array<i32>} : memref<128x16xf32, #tpu.memory_space<vmem>>, vector<1x16xf32>,
    %broadcast_in_dim3A_59 = arith.constant 1.000000e+00 : f32
    %broadcast_in_dim3A_60 = vector.broadcast %broadcast_in_dim3A_59 : f32 to vector<16xf32>
    %swap3A_61 = arith.constant 3 : i32
    %swap3A_62 = arith.index_cast %swap3A_61 : i32 to index
    %swap3A_63 = arith.constant 0 : index
    %swap3A_64 = tpu.vector_load %arg20[%swap3A_62, %swap3A_63] {strides = array<i32>} : memref<128x16xf32, #tpu.memory_space<vmem>>, vector<1x16xf32>,
    %swap3A_65 = vector.shape_cast %swap3A_64 : vector<1x16xf32> to vector<16xf32>
    %swap3A_66 = vector.shape_cast %broadcast_in_dim3A_60 : vector<16xf32> to vector<1x16xf32>
    tpu.vector_store %arg20[%swap3A_62, %swap3A_63], %swap3A_66 {strides = array<i32>} : memref<128x16xf32, #tpu.memory_space<vmem>>, vector<1x16xf32>,
    %broadcast_in_dim3A_67 = arith.constant 1.000000e+00 : f32
    %broadcast_in_dim3A_68 = vector.broadcast %broadcast_in_dim3A_67 : f32 to vector<16xf32>
    %swap3A_69 = arith.constant 4 : i32
    %swap3A_70 = arith.index_cast %swap3A_69 : i32 to index
    %swap3A_71 = arith.constant 0 : index
    %swap3A_72 = tpu.vector_load %arg20[%swap3A_70, %swap3A_71] {strides = array<i32>} : memref<128x16xf32, #tpu.memory_space<vmem>>, vector<1x16xf32>,
    %swap3A_73 = vector.shape_cast %swap3A_72 : vector<1x16xf32> to vector<16xf32>
    %swap3A_74 = vector.shape_cast %broadcast_in_dim3A_68 : vector<16xf32> to vector<1x16xf32>
    tpu.vector_store %arg20[%swap3A_70, %swap3A_71], %swap3A_74 {strides = array<i32>} : memref<128x16xf32, #tpu.memory_space<vmem>>, vector<1x16xf32>,
    %broadcast_in_dim3A_75 = arith.constant 1.000000e+00 : f32
    %broadcast_in_dim3A_76 = vector.broadcast %broadcast_in_dim3A_75 : f32 to vector<16xf32>
    %swap3A_77 = arith.constant 5 : i32
    %swap3A_78 = arith.index_cast %swap3A_77 : i32 to index
    %swap3A_79 = arith.constant 0 : index
    %swap3A_80 = tpu.vector_load %arg20[%swap3A_78, %swap3A_79] {strides = array<i32>} : memref<128x16xf32, #tpu.memory_space<vmem>>, vector<1x16xf32>,
    %swap3A_81 = vector.shape_cast %swap3A_80 : vector<1x16xf32> to vector<16xf32>
    %swap3A_82 = vector.shape_cast %broadcast_in_dim3A_76 : vector<16xf32> to vector<1x16xf32>
    tpu.vector_store %arg20[%swap3A_78, %swap3A_79], %swap3A_82 {strides = array<i32>} : memref<128x16xf32, #tpu.memory_space<vmem>>, vector<1x16xf32>,
    %broadcast_in_dim3A_83 = arith.constant 1.000000e+00 : f32
    %broadcast_in_dim3A_84 = vector.broadcast %broadcast_in_dim3A_83 : f32 to vector<16xf32>
    %swap3A_85 = arith.constant 6 : i32
    %swap3A_86 = arith.index_cast %swap3A_85 : i32 to index
    %swap3A_87 = arith.constant 0 : index
    %swap3A_88 = tpu.vector_load %arg20[%swap3A_86, %swap3A_87] {strides = array<i32>} : memref<128x16xf32, #tpu.memory_space<vmem>>, vector<1x16xf32>,
    %swap3A_89 = vector.shape_cast %swap3A_88 : vector<1x16xf32> to vector<16xf32>
    %swap3A_90 = vector.shape_cast %broadcast_in_dim3A_84 : vector<16xf32> to vector<1x16xf32>
    tpu.vector_store %arg20[%swap3A_86, %swap3A_87], %swap3A_90 {strides = array<i32>} : memref<128x16xf32, #tpu.memory_space<vmem>>, vector<1x16xf32>,
    %broadcast_in_dim3A_91 = arith.constant 1.000000e+00 : f32
    %broadcast_in_dim3A_92 = vector.broadcast %broadcast_in_dim3A_91 : f32 to vector<16xf32>
    %swap3A_93 = arith.constant 7 : i32
    %swap3A_94 = arith.index_cast %swap3A_93 : i32 to index
    %swap3A_95 = arith.constant 0 : index
    %swap3A_96 = tpu.vector_load %arg20[%swap3A_94, %swap3A_95] {strides = array<i32>} : memref<128x16xf32, #tpu.memory_space<vmem>>, vector<1x16xf32>,
    %swap3A_97 = vector.shape_cast %swap3A_96 : vector<1x16xf32> to vector<16xf32>
    %swap3A_98 = vector.shape_cast %broadcast_in_dim3A_92 : vector<16xf32> to vector<1x16xf32>
    tpu.vector_store %arg20[%swap3A_94, %swap3A_95], %swap3A_98 {strides = array<i32>} : memref<128x16xf32, #tpu.memory_space<vmem>>, vector<1x16xf32>,
    %broadcast_in_dim3A_99 = arith.constant 1.000000e+00 : f32
    %broadcast_in_dim3A_100 = vector.broadcast %broadcast_in_dim3A_99 : f32 to vector<16xf32>
    %swap3A_101 = arith.constant 8 : i32
    %swap3A_102 = arith.index_cast %swap3A_101 : i32 to index
    %swap3A_103 = arith.constant 0 : index
    %swap3A_104 = tpu.vector_load %arg20[%swap3A_102, %swap3A_103] {strides = array<i32>} : memref<128x16xf32, #tpu.memory_space<vmem>>, vector<1x16xf32>,
    %swap3A_105 = vector.shape_cast %swap3A_104 : vector<1x16xf32> to vector<16xf32>
    %swap3A_106 = vector.shape_cast %broadcast_in_dim3A_100 : vector<16xf32> to vector<1x16xf32>
    tpu.vector_store %arg20[%swap3A_102, %swap3A_103], %swap3A_106 {strides = array<i32>} : memref<128x16xf32, #tpu.memory_space<vmem>>, vector<1x16xf32>,
    %broadcast_in_dim3A_107 = arith.constant 1.000000e+00 : f32
    %broadcast_in_dim3A_108 = vector.broadcast %broadcast_in_dim3A_107 : f32 to vector<16xf32>
    %swap3A_109 = arith.constant 9 : i32
    %swap3A_110 = arith.index_cast %swap3A_109 : i32 to index
    %swap3A_111 = arith.constant 0 : index
    %swap3A_112 = tpu.vector_load %arg20[%swap3A_110, %swap3A_111] {strides = array<i32>} : memref<128x16xf32, #tpu.memory_space<vmem>>, vector<1x16xf32>,
    %swap3A_113 = vector.shape_cast %swap3A_112 : vector<1x16xf32> to vector<16xf32>
    %swap3A_114 = vector.shape_cast %broadcast_in_dim3A_108 : vector<16xf32> to vector<1x16xf32>
    tpu.vector_store %arg20[%swap3A_110, %swap3A_111], %swap3A_114 {strides = array<i32>} : memref<128x16xf32, #tpu.memory_space<vmem>>, vector<1x16xf32>,
    %broadcast_in_dim3A_115 = arith.constant 1.000000e+00 : f32
    %broadcast_in_dim3A_116 = vector.broadcast %broadcast_in_dim3A_115 : f32 to vector<16xf32>
    %swap3A_117 = arith.constant 10 : i32
    %swap3A_118 = arith.index_cast %swap3A_117 : i32 to index
    %swap3A_119 = arith.constant 0 : index
    %swap3A_120 = tpu.vector_load %arg20[%swap3A_118, %swap3A_119] {strides = array<i32>} : memref<128x16xf32, #tpu.memory_space<vmem>>, vector<1x16xf32>,
    %swap3A_121 = vector.shape_cast %swap3A_120 : vector<1x16xf32> to vector<16xf32>
    %swap3A_122 = vector.shape_cast %broadcast_in_dim3A_116 : vector<16xf32> to vector<1x16xf32>
    tpu.vector_store %arg20[%swap3A_118, %swap3A_119], %swap3A_122 {strides = array<i32>} : memref<128x16xf32, #tpu.memory_space<vmem>>, vector<1x16xf32>,
    %broadcast_in_dim3A_123 = arith.constant 1.000000e+00 : f32
    %broadcast_in_dim3A_124 = vector.broadcast %broadcast_in_dim3A_123 : f32 to vector<16xf32>
    %swap3A_125 = arith.constant 11 : i32
    %swap3A_126 = arith.index_cast %swap3A_125 : i32 to index
    %swap3A_127 = arith.constant 0 : index
    %swap3A_128 = tpu.vector_load %arg20[%swap3A_126, %swap3A_127] {strides = array<i32>} : memref<128x16xf32, #tpu.memory_space<vmem>>, vector<1x16xf32>,
    %swap3A_129 = vector.shape_cast %swap3A_128 : vector<1x16xf32> to vector<16xf32>
    %swap3A_130 = vector.shape_cast %broadcast_in_dim3A_124 : vector<16xf32> to vector<1x16xf32>
    tpu.vector_store %arg20[%swap3A_126, %swap3A_127], %swap3A_130 {strides = array<i32>} : memref<128x16xf32, #tpu.memory_space<vmem>>, vector<1x16xf32>,
    %broadcast_in_dim3A_131 = arith.constant 1.000000e+00 : f32
    %broadcast_in_dim3A_132 = vector.broadcast %broadcast_in_dim3A_131 : f32 to vector<16xf32>
    %swap3A_133 = arith.constant 12 : i32
    %swap3A_134 = arith.index_cast %swap3A_133 : i32 to index
    %swap3A_135 = arith.constant 0 : index
    %swap3A_136 = tpu.vector_load %arg20[%swap3A_134, %swap3A_135] {strides = array<i32>} : memref<128x16xf32, #tpu.memory_space<vmem>>, vector<1x16xf32>,
    %swap3A_137 = vector.shape_cast %swap3A_136 : vector<1x16xf32> to vector<16xf32>
    %swap3A_138 = vector.shape_cast %broadcast_in_dim3A_132 : vector<16xf32> to vector<1x16xf32>
    tpu.vector_store %arg20[%swap3A_134, %swap3A_135], %swap3A_138 {strides = array<i32>} : memref<128x16xf32, #tpu.memory_space<vmem>>, vector<1x16xf32>,
    %broadcast_in_dim3A_139 = arith.constant 1.000000e+00 : f32
    %broadcast_in_dim3A_140 = vector.broadcast %broadcast_in_dim3A_139 : f32 to vector<16xf32>
    %swap3A_141 = arith.constant 13 : i32
    %swap3A_142 = arith.index_cast %swap3A_141 : i32 to index
    %swap3A_143 = arith.constant 0 : index
    %swap3A_144 = tpu.vector_load %arg20[%swap3A_142, %swap3A_143] {strides = array<i32>} : memref<128x16xf32, #tpu.memory_space<vmem>>, vector<1x16xf32>,
    %swap3A_145 = vector.shape_cast %swap3A_144 : vector<1x16xf32> to vector<16xf32>
    %swap3A_146 = vector.shape_cast %broadcast_in_dim3A_140 : vector<16xf32> to vector<1x16xf32>
    tpu.vector_store %arg20[%swap3A_142, %swap3A_143], %swap3A_146 {strides = array<i32>} : memref<128x16xf32, #tpu.memory_space<vmem>>, vector<1x16xf32>,
    %broadcast_in_dim3A_147 = arith.constant 1.000000e+00 : f32
    %broadcast_in_dim3A_148 = vector.broadcast %broadcast_in_dim3A_147 : f32 to vector<16xf32>
    %swap3A_149 = arith.constant 14 : i32
    %swap3A_150 = arith.index_cast %swap3A_149 : i32 to index
    %swap3A_151 = arith.constant 0 : index
    %swap3A_152 = tpu.vector_load %arg20[%swap3A_150, %swap3A_151] {strides = array<i32>} : memref<128x16xf32, #tpu.memory_space<vmem>>, vector<1x16xf32>,
    %swap3A_153 = vector.shape_cast %swap3A_152 : vector<1x16xf32> to vector<16xf32>
    %swap3A_154 = vector.shape_cast %broadcast_in_dim3A_148 : vector<16xf32> to vector<1x16xf32>
    tpu.vector_store %arg20[%swap3A_150, %swap3A_151], %swap3A_154 {strides = array<i32>} : memref<128x16xf32, #tpu.memory_space<vmem>>, vector<1x16xf32>,
    %broadcast_in_dim3A_155 = arith.constant 1.000000e+00 : f32
    %broadcast_in_dim3A_156 = vector.broadcast %broadcast_in_dim3A_155 : f32 to vector<16xf32>
    %swap3A_157 = arith.constant 15 : i32
    %swap3A_158 = arith.index_cast %swap3A_157 : i32 to index
    %swap3A_159 = arith.constant 0 : index
    %swap3A_160 = tpu.vector_load %arg20[%swap3A_158, %swap3A_159] {strides = array<i32>} : memref<128x16xf32, #tpu.memory_space<vmem>>, vector<1x16xf32>,
    %swap3A_161 = vector.shape_cast %swap3A_160 : vector<1x16xf32> to vector<16xf32>
    %swap3A_162 = vector.shape_cast %broadcast_in_dim3A_156 : vector<16xf32> to vector<1x16xf32>
    tpu.vector_store %arg20[%swap3A_158, %swap3A_159], %swap3A_162 {strides = array<i32>} : memref<128x16xf32, #tpu.memory_space<vmem>>, vector<1x16xf32>,
    %broadcast_in_dim3A_163 = arith.constant 1.000000e+00 : f32
    %broadcast_in_dim3A_164 = vector.broadcast %broadcast_in_dim3A_163 : f32 to vector<16xf32>
    %swap3A_165 = arith.constant 16 : i32
    %swap3A_166 = arith.index_cast %swap3A_165 : i32 to index
    %swap3A_167 = arith.constant 0 : index
    %swap3A_168 = tpu.vector_load %arg20[%swap3A_166, %swap3A_167] {strides = array<i32>} : memref<128x16xf32, #tpu.memory_space<vmem>>, vector<1x16xf32>,
    %swap3A_169 = vector.shape_cast %swap3A_168 : vector<1x16xf32> to vector<16xf32>
    %swap3A_170 = vector.shape_cast %broadcast_in_dim3A_164 : vector<16xf32> to vector<1x16xf32>
    tpu.vector_store %arg20[%swap3A_166, %swap3A_167], %swap3A_170 {strides = array<i32>} : memref<128x16xf32, #tpu.memory_space<vmem>>, vector<1x16xf32>,
    %broadcast_in_dim3A_171 = arith.constant 1.000000e+00 : f32
    %broadcast_in_dim3A_172 = vector.broadcast %broadcast_in_dim3A_171 : f32 to vector<16xf32>
    %swap3A_173 = arith.constant 17 : i32
    %swap3A_174 = arith.index_cast %swap3A_173 : i32 to index
    %swap3A_175 = arith.constant 0 : index
    %swap3A_176 = tpu.vector_load %arg20[%swap3A_174, %swap3A_175] {strides = array<i32>} : memref<128x16xf32, #tpu.memory_space<vmem>>, vector<1x16xf32>,
    %swap3A_177 = vector.shape_cast %swap3A_176 : vector<1x16xf32> to vector<16xf32>
    %swap3A_178 = vector.shape_cast %broadcast_in_dim3A_172 : vector<16xf32> to vector<1x16xf32>
    tpu.vector_store %arg20[%swap3A_174, %swap3A_175], %swap3A_178 {strides = array<i32>} : memref<128x16xf32, #tpu.memory_space<vmem>>, vector<1x16xf32>,
    %broadcast_in_dim3A_179 = arith.constant 1.000000e+00 : f32
    %broadcast_in_dim3A_180 = vector.broadcast %broadcast_in_dim3A_179 : f32 to vector<16xf32>
    %swap3A_181 = arith.constant 18 : i32
    %swap3A_182 = arith.index_cast %swap3A_181 : i32 to index
    %swap3A_183 = arith.constant 0 : index
    %swap3A_184 = tpu.vector_load %arg20[%swap3A_182, %swap3A_183] {strides = array<i32>} : memref<128x16xf32, #tpu.memory_space<vmem>>, vector<1x16xf32>,
    %swap3A_185 = vector.shape_cast %swap3A_184 : vector<1x16xf32> to vector<16xf32>
    %swap3A_186 = vector.shape_cast %broadcast_in_dim3A_180 : vector<16xf32> to vector<1x16xf32>
    tpu.vector_store %arg20[%swap3A_182, %swap3A_183], %swap3A_186 {strides = array<i32>} : memref<128x16xf32, #tpu.memory_space<vmem>>, vector<1x16xf32>,
    %broadcast_in_dim3A_187 = arith.constant 1.000000e+00 : f32
    %broadcast_in_dim3A_188 = vector.broadcast %broadcast_in_dim3A_187 : f32 to vector<16xf32>
    %swap3A_189 = arith.constant 19 : i32
    %swap3A_190 = arith.index_cast %swap3A_189 : i32 to index
    %swap3A_191 = arith.constant 0 : index
    %swap3A_192 = tpu.vector_load %arg20[%swap3A_190, %swap3A_191] {strides = array<i32>} : memref<128x16xf32, #tpu.memory_space<vmem>>, vector<1x16xf32>,
    %swap3A_193 = vector.shape_cast %swap3A_192 : vector<1x16xf32> to vector<16xf32>
    %swap3A_194 = vector.shape_cast %broadcast_in_dim3A_188 : vector<16xf32> to vector<1x16xf32>
    tpu.vector_store %arg20[%swap3A_190, %swap3A_191], %swap3A_194 {strides = array<i32>} : memref<128x16xf32, #tpu.memory_space<vmem>>, vector<1x16xf32>,
    %broadcast_in_dim3A_195 = arith.constant 1.000000e+00 : f32
    %broadcast_in_dim3A_196 = vector.broadcast %broadcast_in_dim3A_195 : f32 to vector<16xf32>
    %swap3A_197 = arith.constant 20 : i32
    %swap3A_198 = arith.index_cast %swap3A_197 : i32 to index
    %swap3A_199 = arith.constant 0 : index
    %swap3A_200 = tpu.vector_load %arg20[%swap3A_198, %swap3A_199] {strides = array<i32>} : memref<128x16xf32, #tpu.memory_space<vmem>>, vector<1x16xf32>,
    %swap3A_201 = vector.shape_cast %swap3A_200 : vector<1x16xf32> to vector<16xf32>
    %swap3A_202 = vector.shape_cast %broadcast_in_dim3A_196 : vector<16xf32> to vector<1x16xf32>
    tpu.vector_store %arg20[%swap3A_198, %swap3A_199], %swap3A_202 {strides = array<i32>} : memref<128x16xf32, #tpu.memory_space<vmem>>, vector<1x16xf32>,
    %broadcast_in_dim3A_203 = arith.constant 1.000000e+00 : f32
    %broadcast_in_dim3A_204 = vector.broadcast %broadcast_in_dim3A_203 : f32 to vector<16xf32>
    %swap3A_205 = arith.constant 21 : i32
    %swap3A_206 = arith.index_cast %swap3A_205 : i32 to index
    %swap3A_207 = arith.constant 0 : index
    %swap3A_208 = tpu.vector_load %arg20[%swap3A_206, %swap3A_207] {strides = array<i32>} : memref<128x16xf32, #tpu.memory_space<vmem>>, vector<1x16xf32>,
    %swap3A_209 = vector.shape_cast %swap3A_208 : vector<1x16xf32> to vector<16xf32>
    %swap3A_210 = vector.shape_cast %broadcast_in_dim3A_204 : vector<16xf32> to vector<1x16xf32>
    tpu.vector_store %arg20[%swap3A_206, %swap3A_207], %swap3A_210 {strides = array<i32>} : memref<128x16xf32, #tpu.memory_space<vmem>>, vector<1x16xf32>,
    %broadcast_in_dim3A_211 = arith.constant 1.000000e+00 : f32
    %broadcast_in_dim3A_212 = vector.broadcast %broadcast_in_dim3A_211 : f32 to vector<16xf32>
    %swap3A_213 = arith.constant 22 : i32
    %swap3A_214 = arith.index_cast %swap3A_213 : i32 to index
    %swap3A_215 = arith.constant 0 : index
    %swap3A_216 = tpu.vector_load %arg20[%swap3A_214, %swap3A_215] {strides = array<i32>} : memref<128x16xf32, #tpu.memory_space<vmem>>, vector<1x16xf32>,
    %swap3A_217 = vector.shape_cast %swap3A_216 : vector<1x16xf32> to vector<16xf32>
    %swap3A_218 = vector.shape_cast %broadcast_in_dim3A_212 : vector<16xf32> to vector<1x16xf32>
    tpu.vector_store %arg20[%swap3A_214, %swap3A_215], %swap3A_218 {strides = array<i32>} : memref<128x16xf32, #tpu.memory_space<vmem>>, vector<1x16xf32>,
    %broadcast_in_dim3A_219 = arith.constant 1.000000e+00 : f32
    %broadcast_in_dim3A_220 = vector.broadcast %broadcast_in_dim3A_219 : f32 to vector<16xf32>
    %swap3A_221 = arith.constant 23 : i32
    %swap3A_222 = arith.index_cast %swap3A_221 : i32 to index
    %swap3A_223 = arith.constant 0 : index
    %swap3A_224 = tpu.vector_load %arg20[%swap3A_222, %swap3A_223] {strides = array<i32>} : memref<128x16xf32, #tpu.memory_space<vmem>>, vector<1x16xf32>,
    %swap3A_225 = vector.shape_cast %swap3A_224 : vector<1x16xf32> to vector<16xf32>
    %swap3A_226 = vector.shape_cast %broadcast_in_dim3A_220 : vector<16xf32> to vector<1x16xf32>
    tpu.vector_store %arg20[%swap3A_222, %swap3A_223], %swap3A_226 {strides = array<i32>} : memref<128x16xf32, #tpu.memory_space<vmem>>, vector<1x16xf32>,
    %broadcast_in_dim3A_227 = arith.constant 1.000000e+00 : f32
    %broadcast_in_dim3A_228 = vector.broadcast %broadcast_in_dim3A_227 : f32 to vector<16xf32>
    %swap3A_229 = arith.constant 24 : i32
    %swap3A_230 = arith.index_cast %swap3A_229 : i32 to index
    %swap3A_231 = arith.constant 0 : index
    %swap3A_232 = tpu.vector_load %arg20[%swap3A_230, %swap3A_231] {strides = array<i32>} : memref<128x16xf32, #tpu.memory_space<vmem>>, vector<1x16xf32>,
    %swap3A_233 = vector.shape_cast %swap3A_232 : vector<1x16xf32> to vector<16xf32>
    %swap3A_234 = vector.shape_cast %broadcast_in_dim3A_228 : vector<16xf32> to vector<1x16xf32>
    tpu.vector_store %arg20[%swap3A_230, %swap3A_231], %swap3A_234 {strides = array<i32>} : memref<128x16xf32, #tpu.memory_space<vmem>>, vector<1x16xf32>,
    %broadcast_in_dim3A_235 = arith.constant 1.000000e+00 : f32
    %broadcast_in_dim3A_236 = vector.broadcast %broadcast_in_dim3A_235 : f32 to vector<16xf32>
    %swap3A_237 = arith.constant 25 : i32
    %swap3A_238 = arith.index_cast %swap3A_237 : i32 to index
    %swap3A_239 = arith.constant 0 : index
    %swap3A_240 = tpu.vector_load %arg20[%swap3A_238, %swap3A_239] {strides = array<i32>} : memref<128x16xf32, #tpu.memory_space<vmem>>, vector<1x16xf32>,
    %swap3A_241 = vector.shape_cast %swap3A_240 : vector<1x16xf32> to vector<16xf32>
    %swap3A_242 = vector.shape_cast %broadcast_in_dim3A_236 : vector<16xf32> to vector<1x16xf32>
    tpu.vector_store %arg20[%swap3A_238, %swap3A_239], %swap3A_242 {strides = array<i32>} : memref<128x16xf32, #tpu.memory_space<vmem>>, vector<1x16xf32>,
    %broadcast_in_dim3A_243 = arith.constant 1.000000e+00 : f32
    %broadcast_in_dim3A_244 = vector.broadcast %broadcast_in_dim3A_243 : f32 to vector<16xf32>
    %swap3A_245 = arith.constant 26 : i32
    %swap3A_246 = arith.index_cast %swap3A_245 : i32 to index
    %swap3A_247 = arith.constant 0 : index
    %swap3A_248 = tpu.vector_load %arg20[%swap3A_246, %swap3A_247] {strides = array<i32>} : memref<128x16xf32, #tpu.memory_space<vmem>>, vector<1x16xf32>,
    %swap3A_249 = vector.shape_cast %swap3A_248 : vector<1x16xf32> to vector<16xf32>
    %swap3A_250 = vector.shape_cast %broadcast_in_dim3A_244 : vector<16xf32> to vector<1x16xf32>
    tpu.vector_store %arg20[%swap3A_246, %swap3A_247], %swap3A_250 {strides = array<i32>} : memref<128x16xf32, #tpu.memory_space<vmem>>, vector<1x16xf32>,
    %broadcast_in_dim3A_251 = arith.constant 1.000000e+00 : f32
    %broadcast_in_dim3A_252 = vector.broadcast %broadcast_in_dim3A_251 : f32 to vector<16xf32>
    %swap3A_253 = arith.constant 27 : i32
    %swap3A_254 = arith.index_cast %swap3A_253 : i32 to index
    %swap3A_255 = arith.constant 0 : index
    %swap3A_256 = tpu.vector_load %arg20[%swap3A_254, %swap3A_255] {strides = array<i32>} : memref<128x16xf32, #tpu.memory_space<vmem>>, vector<1x16xf32>,
    %swap3A_257 = vector.shape_cast %swap3A_256 : vector<1x16xf32> to vector<16xf32>
    %swap3A_258 = vector.shape_cast %broadcast_in_dim3A_252 : vector<16xf32> to vector<1x16xf32>
    tpu.vector_store %arg20[%swap3A_254, %swap3A_255], %swap3A_258 {strides = array<i32>} : memref<128x16xf32, #tpu.memory_space<vmem>>, vector<1x16xf32>,
    %broadcast_in_dim3A_259 = arith.constant 1.000000e+00 : f32
    %broadcast_in_dim3A_260 = vector.broadcast %broadcast_in_dim3A_259 : f32 to vector<16xf32>
    %swap3A_261 = arith.constant 28 : i32
    %swap3A_262 = arith.index_cast %swap3A_261 : i32 to index
    %swap3A_263 = arith.constant 0 : index
    %swap3A_264 = tpu.vector_load %arg20[%swap3A_262, %swap3A_263] {strides = array<i32>} : memref<128x16xf32, #tpu.memory_space<vmem>>, vector<1x16xf32>,
    %swap3A_265 = vector.shape_cast %swap3A_264 : vector<1x16xf32> to vector<16xf32>
    %swap3A_266 = vector.shape_cast %broadcast_in_dim3A_260 : vector<16xf32> to vector<1x16xf32>
    tpu.vector_store %arg20[%swap3A_262, %swap3A_263], %swap3A_266 {strides = array<i32>} : memref<128x16xf32, #tpu.memory_space<vmem>>, vector<1x16xf32>,
    %broadcast_in_dim3A_267 = arith.constant 1.000000e+00 : f32
    %broadcast_in_dim3A_268 = vector.broadcast %broadcast_in_dim3A_267 : f32 to vector<16xf32>
    %swap3A_269 = arith.constant 29 : i32
    %swap3A_270 = arith.index_cast %swap3A_269 : i32 to index
    %swap3A_271 = arith.constant 0 : index
    %swap3A_272 = tpu.vector_load %arg20[%swap3A_270, %swap3A_271] {strides = array<i32>} : memref<128x16xf32, #tpu.memory_space<vmem>>, vector<1x16xf32>,
    %swap3A_273 = vector.shape_cast %swap3A_272 : vector<1x16xf32> to vector<16xf32>
    %swap3A_274 = vector.shape_cast %broadcast_in_dim3A_268 : vector<16xf32> to vector<1x16xf32>
    tpu.vector_store %arg20[%swap3A_270, %swap3A_271], %swap3A_274 {strides = array<i32>} : memref<128x16xf32, #tpu.memory_space<vmem>>, vector<1x16xf32>,
    %broadcast_in_dim3A_275 = arith.constant 1.000000e+00 : f32
    %broadcast_in_dim3A_276 = vector.broadcast %broadcast_in_dim3A_275 : f32 to vector<16xf32>
    %swap3A_277 = arith.constant 30 : i32
    %swap3A_278 = arith.index_cast %swap3A_277 : i32 to index
    %swap3A_279 = arith.constant 0 : index
    %swap3A_280 = tpu.vector_load %arg20[%swap3A_278, %swap3A_279] {strides = array<i32>} : memref<128x16xf32, #tpu.memory_space<vmem>>, vector<1x16xf32>,
    %swap3A_281 = vector.shape_cast %swap3A_280 : vector<1x16xf32> to vector<16xf32>
    %swap3A_282 = vector.shape_cast %broadcast_in_dim3A_276 : vector<16xf32> to vector<1x16xf32>
    tpu.vector_store %arg20[%swap3A_278, %swap3A_279], %swap3A_282 {strides = array<i32>} : memref<128x16xf32, #tpu.memory_space<vmem>>, vector<1x16xf32>,
    %broadcast_in_dim3A_283 = arith.constant 1.000000e+00 : f32
    %broadcast_in_dim3A_284 = vector.broadcast %broadcast_in_dim3A_283 : f32 to vector<16xf32>
    %swap3A_285 = arith.constant 31 : i32
    %swap3A_286 = arith.index_cast %swap3A_285 : i32 to index
    %swap3A_287 = arith.constant 0 : index
    %swap3A_288 = tpu.vector_load %arg20[%swap3A_286, %swap3A_287] {strides = array<i32>} : memref<128x16xf32, #tpu.memory_space<vmem>>, vector<1x16xf32>,
    %swap3A_289 = vector.shape_cast %swap3A_288 : vector<1x16xf32> to vector<16xf32>
    %swap3A_290 = vector.shape_cast %broadcast_in_dim3A_284 : vector<16xf32> to vector<1x16xf32>
    tpu.vector_store %arg20[%swap3A_286, %swap3A_287], %swap3A_290 {strides = array<i32>} : memref<128x16xf32, #tpu.memory_space<vmem>>, vector<1x16xf32>,
    %broadcast_in_dim3A_291 = arith.constant 1.000000e+00 : f32
    %broadcast_in_dim3A_292 = vector.broadcast %broadcast_in_dim3A_291 : f32 to vector<16xf32>
    %swap3A_293 = arith.constant 32 : i32
    %swap3A_294 = arith.index_cast %swap3A_293 : i32 to index
    %swap3A_295 = arith.constant 0 : index
    %swap3A_296 = tpu.vector_load %arg20[%swap3A_294, %swap3A_295] {strides = array<i32>} : memref<128x16xf32, #tpu.memory_space<vmem>>, vector<1x16xf32>,
    %swap3A_297 = vector.shape_cast %swap3A_296 : vector<1x16xf32> to vector<16xf32>
    %swap3A_298 = vector.shape_cast %broadcast_in_dim3A_292 : vector<16xf32> to vector<1x16xf32>
    tpu.vector_store %arg20[%swap3A_294, %swap3A_295], %swap3A_298 {strides = array<i32>} : memref<128x16xf32, #tpu.memory_space<vmem>>, vector<1x16xf32>,
    %broadcast_in_dim3A_299 = arith.constant 1.000000e+00 : f32
    %broadcast_in_dim3A_300 = vector.broadcast %broadcast_in_dim3A_299 : f32 to vector<16xf32>
    %swap3A_301 = arith.constant 33 : i32
    %swap3A_302 = arith.index_cast %swap3A_301 : i32 to index
    %swap3A_303 = arith.constant 0 : index
    %swap3A_304 = tpu.vector_load %arg20[%swap3A_302, %swap3A_303] {strides = array<i32>} : memref<128x16xf32, #tpu.memory_space<vmem>>, vector<1x16xf32>,
    %swap3A_305 = vector.shape_cast %swap3A_304 : vector<1x16xf32> to vector<16xf32>
    %swap3A_306 = vector.shape_cast %broadcast_in_dim3A_300 : vector<16xf32> to vector<1x16xf32>
    tpu.vector_store %arg20[%swap3A_302, %swap3A_303], %swap3A_306 {strides = array<i32>} : memref<128x16xf32, #tpu.memory_space<vmem>>, vector<1x16xf32>,
    %broadcast_in_dim3A_307 = arith.constant 1.000000e+00 : f32
    %broadcast_in_dim3A_308 = vector.broadcast %broadcast_in_dim3A_307 : f32 to vector<16xf32>
    %swap3A_309 = arith.constant 34 : i32
    %swap3A_310 = arith.index_cast %swap3A_309 : i32 to index
    %swap3A_311 = arith.constant 0 : index
    %swap3A_312 = tpu.vector_load %arg20[%swap3A_310, %swap3A_311] {strides = array<i32>} : memref<128x16xf32, #tpu.memory_space<vmem>>, vector<1x16xf32>,
    %swap3A_313 = vector.shape_cast %swap3A_312 : vector<1x16xf32> to vector<16xf32>
    %swap3A_314 = vector.shape_cast %broadcast_in_dim3A_308 : vector<16xf32> to vector<1x16xf32>
    tpu.vector_store %arg20[%swap3A_310, %swap3A_311], %swap3A_314 {strides = array<i32>} : memref<128x16xf32, #tpu.memory_space<vmem>>, vector<1x16xf32>,
    %broadcast_in_dim3A_315 = arith.constant 1.000000e+00 : f32
    %broadcast_in_dim3A_316 = vector.broadcast %broadcast_in_dim3A_315 : f32 to vector<16xf32>
    %swap3A_317 = arith.constant 35 : i32
    %swap3A_318 = arith.index_cast %swap3A_317 : i32 to index
    %swap3A_319 = arith.constant 0 : index
    %swap3A_320 = tpu.vector_load %arg20[%swap3A_318, %swap3A_319] {strides = array<i32>} : memref<128x16xf32, #tpu.memory_space<vmem>>, vector<1x16xf32>,
    %swap3A_321 = vector.shape_cast %swap3A_320 : vector<1x16xf32> to vector<16xf32>
    %swap3A_322 = vector.shape_cast %broadcast_in_dim3A_316 : vector<16xf32> to vector<1x16xf32>
    tpu.vector_store %arg20[%swap3A_318, %swap3A_319], %swap3A_322 {strides = array<i32>} : memref<128x16xf32, #tpu.memory_space<vmem>>, vector<1x16xf32>,
    %broadcast_in_dim3A_323 = arith.constant 1.000000e+00 : f32
    %broadcast_in_dim3A_324 = vector.broadcast %broadcast_in_dim3A_323 : f32 to vector<16xf32>
    %swap3A_325 = arith.constant 36 : i32
    %swap3A_326 = arith.index_cast %swap3A_325 : i32 to index
    %swap3A_327 = arith.constant 0 : index
    %swap3A_328 = tpu.vector_load %arg20[%swap3A_326, %swap3A_327] {strides = array<i32>} : memref<128x16xf32, #tpu.memory_space<vmem>>, vector<1x16xf32>,
    %swap3A_329 = vector.shape_cast %swap3A_328 : vector<1x16xf32> to vector<16xf32>
    %swap3A_330 = vector.shape_cast %broadcast_in_dim3A_324 : vector<16xf32> to vector<1x16xf32>
    tpu.vector_store %arg20[%swap3A_326, %swap3A_327], %swap3A_330 {strides = array<i32>} : memref<128x16xf32, #tpu.memory_space<vmem>>, vector<1x16xf32>,
    %broadcast_in_dim3A_331 = arith.constant 1.000000e+00 : f32
    %broadcast_in_dim3A_332 = vector.broadcast %broadcast_in_dim3A_331 : f32 to vector<16xf32>
    %swap3A_333 = arith.constant 37 : i32
    %swap3A_334 = arith.index_cast %swap3A_333 : i32 to index
    %swap3A_335 = arith.constant 0 : index
    %swap3A_336 = tpu.vector_load %arg20[%swap3A_334, %swap3A_335] {strides = array<i32>} : memref<128x16xf32, #tpu.memory_space<vmem>>, vector<1x16xf32>,
    %swap3A_337 = vector.shape_cast %swap3A_336 : vector<1x16xf32> to vector<16xf32>
    %swap3A_338 = vector.shape_cast %broadcast_in_dim3A_332 : vector<16xf32> to vector<1x16xf32>
    tpu.vector_store %arg20[%swap3A_334, %swap3A_335], %swap3A_338 {strides = array<i32>} : memref<128x16xf32, #tpu.memory_space<vmem>>, vector<1x16xf32>,
    %broadcast_in_dim3A_339 = arith.constant 1.000000e+00 : f32
    %broadcast_in_dim3A_340 = vector.broadcast %broadcast_in_dim3A_339 : f32 to vector<16xf32>
    %swap3A_341 = arith.constant 38 : i32
    %swap3A_342 = arith.index_cast %swap3A_341 : i32 to index
    %swap3A_343 = arith.constant 0 : index
    %swap3A_344 = tpu.vector_load %arg20[%swap3A_342, %swap3A_343] {strides = array<i32>} : memref<128x16xf32, #tpu.memory_space<vmem>>, vector<1x16xf32>,
    %swap3A_345 = vector.shape_cast %swap3A_344 : vector<1x16xf32> to vector<16xf32>
    %swap3A_346 = vector.shape_cast %broadcast_in_dim3A_340 : vector<16xf32> to vector<1x16xf32>
    tpu.vector_store %arg20[%swap3A_342, %swap3A_343], %swap3A_346 {strides = array<i32>} : memref<128x16xf32, #tpu.memory_space<vmem>>, vector<1x16xf32>,
    %broadcast_in_dim3A_347 = arith.constant 1.000000e+00 : f32
    %broadcast_in_dim3A_348 = vector.broadcast %broadcast_in_dim3A_347 : f32 to vector<16xf32>
    %swap3A_349 = arith.constant 39 : i32
    %swap3A_350 = arith.index_cast %swap3A_349 : i32 to index
    %swap3A_351 = arith.constant 0 : index
    %swap3A_352 = tpu.vector_load %arg20[%swap3A_350, %swap3A_351] {strides = array<i32>} : memref<128x16xf32, #tpu.memory_space<vmem>>, vector<1x16xf32>,
    %swap3A_353 = vector.shape_cast %swap3A_352 : vector<1x16xf32> to vector<16xf32>
    %swap3A_354 = vector.shape_cast %broadcast_in_dim3A_348 : vector<16xf32> to vector<1x16xf32>
    tpu.vector_store %arg20[%swap3A_350, %swap3A_351], %swap3A_354 {strides = array<i32>} : memref<128x16xf32, #tpu.memory_space<vmem>>, vector<1x16xf32>,
    %broadcast_in_dim3A_355 = arith.constant 1.000000e+00 : f32
    %broadcast_in_dim3A_356 = vector.broadcast %broadcast_in_dim3A_355 : f32 to vector<16xf32>
    %swap3A_357 = arith.constant 40 : i32
    %swap3A_358 = arith.index_cast %swap3A_357 : i32 to index
    %swap3A_359 = arith.constant 0 : index
    %swap3A_360 = tpu.vector_load %arg20[%swap3A_358, %swap3A_359] {strides = array<i32>} : memref<128x16xf32, #tpu.memory_space<vmem>>, vector<1x16xf32>,
    %swap3A_361 = vector.shape_cast %swap3A_360 : vector<1x16xf32> to vector<16xf32>
    %swap3A_362 = vector.shape_cast %broadcast_in_dim3A_356 : vector<16xf32> to vector<1x16xf32>
    tpu.vector_store %arg20[%swap3A_358, %swap3A_359], %swap3A_362 {strides = array<i32>} : memref<128x16xf32, #tpu.memory_space<vmem>>, vector<1x16xf32>,
    %broadcast_in_dim3A_363 = arith.constant 1.000000e+00 : f32
    %broadcast_in_dim3A_364 = vector.broadcast %broadcast_in_dim3A_363 : f32 to vector<16xf32>
    %swap3A_365 = arith.constant 41 : i32
    %swap3A_366 = arith.index_cast %swap3A_365 : i32 to index
    %swap3A_367 = arith.constant 0 : index
    %swap3A_368 = tpu.vector_load %arg20[%swap3A_366, %swap3A_367] {strides = array<i32>} : memref<128x16xf32, #tpu.memory_space<vmem>>, vector<1x16xf32>,
    %swap3A_369 = vector.shape_cast %swap3A_368 : vector<1x16xf32> to vector<16xf32>
    %swap3A_370 = vector.shape_cast %broadcast_in_dim3A_364 : vector<16xf32> to vector<1x16xf32>
    tpu.vector_store %arg20[%swap3A_366, %swap3A_367], %swap3A_370 {strides = array<i32>} : memref<128x16xf32, #tpu.memory_space<vmem>>, vector<1x16xf32>,
    %broadcast_in_dim3A_371 = arith.constant 1.000000e+00 : f32
    %broadcast_in_dim3A_372 = vector.broadcast %broadcast_in_dim3A_371 : f32 to vector<16xf32>
    %swap3A_373 = arith.constant 42 : i32
    %swap3A_374 = arith.index_cast %swap3A_373 : i32 to index
    %swap3A_375 = arith.constant 0 : index
    %swap3A_376 = tpu.vector_load %arg20[%swap3A_374, %swap3A_375] {strides = array<i32>} : memref<128x16xf32, #tpu.memory_space<vmem>>, vector<1x16xf32>,
    %swap3A_377 = vector.shape_cast %swap3A_376 : vector<1x16xf32> to vector<16xf32>
    %swap3A_378 = vector.shape_cast %broadcast_in_dim3A_372 : vector<16xf32> to vector<1x16xf32>
    tpu.vector_store %arg20[%swap3A_374, %swap3A_375], %swap3A_378 {strides = array<i32>} : memref<128x16xf32, #tpu.memory_space<vmem>>, vector<1x16xf32>,
    %broadcast_in_dim3A_379 = arith.constant 1.000000e+00 : f32
    %broadcast_in_dim3A_380 = vector.broadcast %broadcast_in_dim3A_379 : f32 to vector<16xf32>
    %swap3A_381 = arith.constant 43 : i32
    %swap3A_382 = arith.index_cast %swap3A_381 : i32 to index
    %swap3A_383 = arith.constant 0 : index
    %swap3A_384 = tpu.vector_load %arg20[%swap3A_382, %swap3A_383] {strides = array<i32>} : memref<128x16xf32, #tpu.memory_space<vmem>>, vector<1x16xf32>,
    %swap3A_385 = vector.shape_cast %swap3A_384 : vector<1x16xf32> to vector<16xf32>
    %swap3A_386 = vector.shape_cast %broadcast_in_dim3A_380 : vector<16xf32> to vector<1x16xf32>
    tpu.vector_store %arg20[%swap3A_382, %swap3A_383], %swap3A_386 {strides = array<i32>} : memref<128x16xf32, #tpu.memory_space<vmem>>, vector<1x16xf32>,
    %broadcast_in_dim3A_387 = arith.constant 1.000000e+00 : f32
    %broadcast_in_dim3A_388 = vector.broadcast %broadcast_in_dim3A_387 : f32 to vector<16xf32>
    %swap3A_389 = arith.constant 44 : i32
    %swap3A_390 = arith.index_cast %swap3A_389 : i32 to index
    %swap3A_391 = arith.constant 0 : index
    %swap3A_392 = tpu.vector_load %arg20[%swap3A_390, %swap3A_391] {strides = array<i32>} : memref<128x16xf32, #tpu.memory_space<vmem>>, vector<1x16xf32>,
    %swap3A_393 = vector.shape_cast %swap3A_392 : vector<1x16xf32> to vector<16xf32>
    %swap3A_394 = vector.shape_cast %broadcast_in_dim3A_388 : vector<16xf32> to vector<1x16xf32>
    tpu.vector_store %arg20[%swap3A_390, %swap3A_391], %swap3A_394 {strides = array<i32>} : memref<128x16xf32, #tpu.memory_space<vmem>>, vector<1x16xf32>,
    %broadcast_in_dim3A_395 = arith.constant 1.000000e+00 : f32
    %broadcast_in_dim3A_396 = vector.broadcast %broadcast_in_dim3A_395 : f32 to vector<16xf32>
    %swap3A_397 = arith.constant 45 : i32
    %swap3A_398 = arith.index_cast %swap3A_397 : i32 to index
    %swap3A_399 = arith.constant 0 : index
    %swap3A_400 = tpu.vector_load %arg20[%swap3A_398, %swap3A_399] {strides = array<i32>} : memref<128x16xf32, #tpu.memory_space<vmem>>, vector<1x16xf32>,
    %swap3A_401 = vector.shape_cast %swap3A_400 : vector<1x16xf32> to vector<16xf32>
    %swap3A_402 = vector.shape_cast %broadcast_in_dim3A_396 : vector<16xf32> to vector<1x16xf32>
    tpu.vector_store %arg20[%swap3A_398, %swap3A_399], %swap3A_402 {strides = array<i32>} : memref<128x16xf32, #tpu.memory_space<vmem>>, vector<1x16xf32>,
    %broadcast_in_dim3A_403 = arith.constant 1.000000e+00 : f32
    %broadcast_in_dim3A_404 = vector.broadcast %broadcast_in_dim3A_403 : f32 to vector<16xf32>
    %swap3A_405 = arith.constant 46 : i32
    %swap3A_406 = arith.index_cast %swap3A_405 : i32 to index
    %swap3A_407 = arith.constant 0 : index
    %swap3A_408 = tpu.vector_load %arg20[%swap3A_406, %swap3A_407] {strides = array<i32>} : memref<128x16xf32, #tpu.memory_space<vmem>>, vector<1x16xf32>,
    %swap3A_409 = vector.shape_cast %swap3A_408 : vector<1x16xf32> to vector<16xf32>
    %swap3A_410 = vector.shape_cast %broadcast_in_dim3A_404 : vector<16xf32> to vector<1x16xf32>
    tpu.vector_store %arg20[%swap3A_406, %swap3A_407], %swap3A_410 {strides = array<i32>} : memref<128x16xf32, #tpu.memory_space<vmem>>, vector<1x16xf32>,
    %broadcast_in_dim3A_411 = arith.constant 1.000000e+00 : f32
    %broadcast_in_dim3A_412 = vector.broadcast %broadcast_in_dim3A_411 : f32 to vector<16xf32>
    %swap3A_413 = arith.constant 47 : i32
    %swap3A_414 = arith.index_cast %swap3A_413 : i32 to index
    %swap3A_415 = arith.constant 0 : index
    %swap3A_416 = tpu.vector_load %arg20[%swap3A_414, %swap3A_415] {strides = array<i32>} : memref<128x16xf32, #tpu.memory_space<vmem>>, vector<1x16xf32>,
    %swap3A_417 = vector.shape_cast %swap3A_416 : vector<1x16xf32> to vector<16xf32>
    %swap3A_418 = vector.shape_cast %broadcast_in_dim3A_412 : vector<16xf32> to vector<1x16xf32>
    tpu.vector_store %arg20[%swap3A_414, %swap3A_415], %swap3A_418 {strides = array<i32>} : memref<128x16xf32, #tpu.memory_space<vmem>>, vector<1x16xf32>,
    %broadcast_in_dim3A_419 = arith.constant 1.000000e+00 : f32
    %broadcast_in_dim3A_420 = vector.broadcast %broadcast_in_dim3A_419 : f32 to vector<16xf32>
    %swap3A_421 = arith.constant 48 : i32
    %swap3A_422 = arith.index_cast %swap3A_421 : i32 to index
    %swap3A_423 = arith.constant 0 : index
    %swap3A_424 = tpu.vector_load %arg20[%swap3A_422, %swap3A_423] {strides = array<i32>} : memref<128x16xf32, #tpu.memory_space<vmem>>, vector<1x16xf32>,
    %swap3A_425 = vector.shape_cast %swap3A_424 : vector<1x16xf32> to vector<16xf32>
    %swap3A_426 = vector.shape_cast %broadcast_in_dim3A_420 : vector<16xf32> to vector<1x16xf32>
    tpu.vector_store %arg20[%swap3A_422, %swap3A_423], %swap3A_426 {strides = array<i32>} : memref<128x16xf32, #tpu.memory_space<vmem>>, vector<1x16xf32>,
    %broadcast_in_dim3A_427 = arith.constant 1.000000e+00 : f32
    %broadcast_in_dim3A_428 = vector.broadcast %broadcast_in_dim3A_427 : f32 to vector<16xf32>
    %swap3A_429 = arith.constant 49 : i32
    %swap3A_430 = arith.index_cast %swap3A_429 : i32 to index
    %swap3A_431 = arith.constant 0 : index
    %swap3A_432 = tpu.vector_load %arg20[%swap3A_430, %swap3A_431] {strides = array<i32>} : memref<128x16xf32, #tpu.memory_space<vmem>>, vector<1x16xf32>,
    %swap3A_433 = vector.shape_cast %swap3A_432 : vector<1x16xf32> to vector<16xf32>
    %swap3A_434 = vector.shape_cast %broadcast_in_dim3A_428 : vector<16xf32> to vector<1x16xf32>
    tpu.vector_store %arg20[%swap3A_430, %swap3A_431], %swap3A_434 {strides = array<i32>} : memref<128x16xf32, #tpu.memory_space<vmem>>, vector<1x16xf32>,
    %broadcast_in_dim3A_435 = arith.constant 1.000000e+00 : f32
    %broadcast_in_dim3A_436 = vector.broadcast %broadcast_in_dim3A_435 : f32 to vector<16xf32>
    %swap3A_437 = arith.constant 50 : i32
    %swap3A_438 = arith.index_cast %swap3A_437 : i32 to index
    %swap3A_439 = arith.constant 0 : index
    %swap3A_440 = tpu.vector_load %arg20[%swap3A_438, %swap3A_439] {strides = array<i32>} : memref<128x16xf32, #tpu.memory_space<vmem>>, vector<1x16xf32>,
    %swap3A_441 = vector.shape_cast %swap3A_440 : vector<1x16xf32> to vector<16xf32>
    %swap3A_442 = vector.shape_cast %broadcast_in_dim3A_436 : vector<16xf32> to vector<1x16xf32>
    tpu.vector_store %arg20[%swap3A_438, %swap3A_439], %swap3A_442 {strides = array<i32>} : memref<128x16xf32, #tpu.memory_space<vmem>>, vector<1x16xf32>,
    %broadcast_in_dim3A_443 = arith.constant 1.000000e+00 : f32
    %broadcast_in_dim3A_444 = vector.broadcast %broadcast_in_dim3A_443 : f32 to vector<16xf32>
    %swap3A_445 = arith.constant 51 : i32
    %swap3A_446 = arith.index_cast %swap3A_445 : i32 to index
    %swap3A_447 = arith.constant 0 : index
    %swap3A_448 = tpu.vector_load %arg20[%swap3A_446, %swap3A_447] {strides = array<i32>} : memref<128x16xf32, #tpu.memory_space<vmem>>, vector<1x16xf32>,
    %swap3A_449 = vector.shape_cast %swap3A_448 : vector<1x16xf32> to vector<16xf32>
    %swap3A_450 = vector.shape_cast %broadcast_in_dim3A_444 : vector<16xf32> to vector<1x16xf32>
    tpu.vector_store %arg20[%swap3A_446, %swap3A_447], %swap3A_450 {strides = array<i32>} : memref<128x16xf32, #tpu.memory_space<vmem>>, vector<1x16xf32>,
    %broadcast_in_dim3A_451 = arith.constant 1.000000e+00 : f32
    %broadcast_in_dim3A_452 = vector.broadcast %broadcast_in_dim3A_451 : f32 to vector<16xf32>
    %swap3A_453 = arith.constant 52 : i32
    %swap3A_454 = arith.index_cast %swap3A_453 : i32 to index
    %swap3A_455 = arith.constant 0 : index
    %swap3A_456 = tpu.vector_load %arg20[%swap3A_454, %swap3A_455] {strides = array<i32>} : memref<128x16xf32, #tpu.memory_space<vmem>>, vector<1x16xf32>,
    %swap3A_457 = vector.shape_cast %swap3A_456 : vector<1x16xf32> to vector<16xf32>
    %swap3A_458 = vector.shape_cast %broadcast_in_dim3A_452 : vector<16xf32> to vector<1x16xf32>
    tpu.vector_store %arg20[%swap3A_454, %swap3A_455], %swap3A_458 {strides = array<i32>} : memref<128x16xf32, #tpu.memory_space<vmem>>, vector<1x16xf32>,
    %broadcast_in_dim3A_459 = arith.constant 1.000000e+00 : f32
    %broadcast_in_dim3A_460 = vector.broadcast %broadcast_in_dim3A_459 : f32 to vector<16xf32>
    %swap3A_461 = arith.constant 53 : i32
    %swap3A_462 = arith.index_cast %swap3A_461 : i32 to index
    %swap3A_463 = arith.constant 0 : index
    %swap3A_464 = tpu.vector_load %arg20[%swap3A_462, %swap3A_463] {strides = array<i32>} : memref<128x16xf32, #tpu.memory_space<vmem>>, vector<1x16xf32>,
    %swap3A_465 = vector.shape_cast %swap3A_464 : vector<1x16xf32> to vector<16xf32>
    %swap3A_466 = vector.shape_cast %broadcast_in_dim3A_460 : vector<16xf32> to vector<1x16xf32>
    tpu.vector_store %arg20[%swap3A_462, %swap3A_463], %swap3A_466 {strides = array<i32>} : memref<128x16xf32, #tpu.memory_space<vmem>>, vector<1x16xf32>,
    %broadcast_in_dim3A_467 = arith.constant 1.000000e+00 : f32
    %broadcast_in_dim3A_468 = vector.broadcast %broadcast_in_dim3A_467 : f32 to vector<16xf32>
    %swap3A_469 = arith.constant 54 : i32
    %swap3A_470 = arith.index_cast %swap3A_469 : i32 to index
    %swap3A_471 = arith.constant 0 : index
    %swap3A_472 = tpu.vector_load %arg20[%swap3A_470, %swap3A_471] {strides = array<i32>} : memref<128x16xf32, #tpu.memory_space<vmem>>, vector<1x16xf32>,
    %swap3A_473 = vector.shape_cast %swap3A_472 : vector<1x16xf32> to vector<16xf32>
    %swap3A_474 = vector.shape_cast %broadcast_in_dim3A_468 : vector<16xf32> to vector<1x16xf32>
    tpu.vector_store %arg20[%swap3A_470, %swap3A_471], %swap3A_474 {strides = array<i32>} : memref<128x16xf32, #tpu.memory_space<vmem>>, vector<1x16xf32>,
    %broadcast_in_dim3A_475 = arith.constant 1.000000e+00 : f32
    %broadcast_in_dim3A_476 = vector.broadcast %broadcast_in_dim3A_475 : f32 to vector<16xf32>
    %swap3A_477 = arith.constant 55 : i32
    %swap3A_478 = arith.index_cast %swap3A_477 : i32 to index
    %swap3A_479 = arith.constant 0 : index
    %swap3A_480 = tpu.vector_load %arg20[%swap3A_478, %swap3A_479] {strides = array<i32>} : memref<128x16xf32, #tpu.memory_space<vmem>>, vector<1x16xf32>,
    %swap3A_481 = vector.shape_cast %swap3A_480 : vector<1x16xf32> to vector<16xf32>
    %swap3A_482 = vector.shape_cast %broadcast_in_dim3A_476 : vector<16xf32> to vector<1x16xf32>
    tpu.vector_store %arg20[%swap3A_478, %swap3A_479], %swap3A_482 {strides = array<i32>} : memref<128x16xf32, #tpu.memory_space<vmem>>, vector<1x16xf32>,
    %broadcast_in_dim3A_483 = arith.constant 1.000000e+00 : f32
    %broadcast_in_dim3A_484 = vector.broadcast %broadcast_in_dim3A_483 : f32 to vector<16xf32>
    %swap3A_485 = arith.constant 56 : i32
    %swap3A_486 = arith.index_cast %swap3A_485 : i32 to index
    %swap3A_487 = arith.constant 0 : index
    %swap3A_488 = tpu.vector_load %arg20[%swap3A_486, %swap3A_487] {strides = array<i32>} : memref<128x16xf32, #tpu.memory_space<vmem>>, vector<1x16xf32>,
    %swap3A_489 = vector.shape_cast %swap3A_488 : vector<1x16xf32> to vector<16xf32>
    %swap3A_490 = vector.shape_cast %broadcast_in_dim3A_484 : vector<16xf32> to vector<1x16xf32>
    tpu.vector_store %arg20[%swap3A_486, %swap3A_487], %swap3A_490 {strides = array<i32>} : memref<128x16xf32, #tpu.memory_space<vmem>>, vector<1x16xf32>,
    %broadcast_in_dim3A_491 = arith.constant 1.000000e+00 : f32
    %broadcast_in_dim3A_492 = vector.broadcast %broadcast_in_dim3A_491 : f32 to vector<16xf32>
    %swap3A_493 = arith.constant 57 : i32
    %swap3A_494 = arith.index_cast %swap3A_493 : i32 to index
    %swap3A_495 = arith.constant 0 : index
    %swap3A_496 = tpu.vector_load %arg20[%swap3A_494, %swap3A_495] {strides = array<i32>} : memref<128x16xf32, #tpu.memory_space<vmem>>, vector<1x16xf32>,
    %swap3A_497 = vector.shape_cast %swap3A_496 : vector<1x16xf32> to vector<16xf32>
    %swap3A_498 = vector.shape_cast %broadcast_in_dim3A_492 : vector<16xf32> to vector<1x16xf32>
    tpu.vector_store %arg20[%swap3A_494, %swap3A_495], %swap3A_498 {strides = array<i32>} : memref<128x16xf32, #tpu.memory_space<vmem>>, vector<1x16xf32>,
    %broadcast_in_dim3A_499 = arith.constant 1.000000e+00 : f32
    %broadcast_in_dim3A_500 = vector.broadcast %broadcast_in_dim3A_499 : f32 to vector<16xf32>
    %swap3A_501 = arith.constant 58 : i32
    %swap3A_502 = arith.index_cast %swap3A_501 : i32 to index
    %swap3A_503 = arith.constant 0 : index
    %swap3A_504 = tpu.vector_load %arg20[%swap3A_502, %swap3A_503] {strides = array<i32>} : memref<128x16xf32, #tpu.memory_space<vmem>>, vector<1x16xf32>,
    %swap3A_505 = vector.shape_cast %swap3A_504 : vector<1x16xf32> to vector<16xf32>
    %swap3A_506 = vector.shape_cast %broadcast_in_dim3A_500 : vector<16xf32> to vector<1x16xf32>
    tpu.vector_store %arg20[%swap3A_502, %swap3A_503], %swap3A_506 {strides = array<i32>} : memref<128x16xf32, #tpu.memory_space<vmem>>, vector<1x16xf32>,
    %broadcast_in_dim3A_507 = arith.constant 1.000000e+00 : f32
    %broadcast_in_dim3A_508 = vector.broadcast %broadcast_in_dim3A_507 : f32 to vector<16xf32>
    %swap3A_509 = arith.constant 59 : i32
    %swap3A_510 = arith.index_cast %swap3A_509 : i32 to index
    %swap3A_511 = arith.constant 0 : index
    %swap3A_512 = tpu.vector_load %arg20[%swap3A_510, %swap3A_511] {strides = array<i32>} : memref<128x16xf32, #tpu.memory_space<vmem>>, vector<1x16xf32>,
    %swap3A_513 = vector.shape_cast %swap3A_512 : vector<1x16xf32> to vector<16xf32>
    %swap3A_514 = vector.shape_cast %broadcast_in_dim3A_508 : vector<16xf32> to vector<1x16xf32>
    tpu.vector_store %arg20[%swap3A_510, %swap3A_511], %swap3A_514 {strides = array<i32>} : memref<128x16xf32, #tpu.memory_space<vmem>>, vector<1x16xf32>,
    %broadcast_in_dim3A_515 = arith.constant 1.000000e+00 : f32
    %broadcast_in_dim3A_516 = vector.broadcast %broadcast_in_dim3A_515 : f32 to vector<16xf32>
    %swap3A_517 = arith.constant 60 : i32
    %swap3A_518 = arith.index_cast %swap3A_517 : i32 to index
    %swap3A_519 = arith.constant 0 : index
    %swap3A_520 = tpu.vector_load %arg20[%swap3A_518, %swap3A_519] {strides = array<i32>} : memref<128x16xf32, #tpu.memory_space<vmem>>, vector<1x16xf32>,
    %swap3A_521 = vector.shape_cast %swap3A_520 : vector<1x16xf32> to vector<16xf32>
    %swap3A_522 = vector.shape_cast %broadcast_in_dim3A_516 : vector<16xf32> to vector<1x16xf32>
    tpu.vector_store %arg20[%swap3A_518, %swap3A_519], %swap3A_522 {strides = array<i32>} : memref<128x16xf32, #tpu.memory_space<vmem>>, vector<1x16xf32>,
    %broadcast_in_dim3A_523 = arith.constant 1.000000e+00 : f32
    %broadcast_in_dim3A_524 = vector.broadcast %broadcast_in_dim3A_523 : f32 to vector<16xf32>
    %swap3A_525 = arith.constant 61 : i32
    %swap3A_526 = arith.index_cast %swap3A_525 : i32 to index
    %swap3A_527 = arith.constant 0 : index
    %swap3A_528 = tpu.vector_load %arg20[%swap3A_526, %swap3A_527] {strides = array<i32>} : memref<128x16xf32, #tpu.memory_space<vmem>>, vector<1x16xf32>,
    %swap3A_529 = vector.shape_cast %swap3A_528 : vector<1x16xf32> to vector<16xf32>
    %swap3A_530 = vector.shape_cast %broadcast_in_dim3A_524 : vector<16xf32> to vector<1x16xf32>
    tpu.vector_store %arg20[%swap3A_526, %swap3A_527], %swap3A_530 {strides = array<i32>} : memref<128x16xf32, #tpu.memory_space<vmem>>, vector<1x16xf32>,
    %broadcast_in_dim3A_531 = arith.constant 1.000000e+00 : f32
    %broadcast_in_dim3A_532 = vector.broadcast %broadcast_in_dim3A_531 : f32 to vector<16xf32>
    %swap3A_533 = arith.constant 62 : i32
    %swap3A_534 = arith.index_cast %swap3A_533 : i32 to index
    %swap3A_535 = arith.constant 0 : index
    %swap3A_536 = tpu.vector_load %arg20[%swap3A_534, %swap3A_535] {strides = array<i32>} : memref<128x16xf32, #tpu.memory_space<vmem>>, vector<1x16xf32>,
    %swap3A_537 = vector.shape_cast %swap3A_536 : vector<1x16xf32> to vector<16xf32>
    %swap3A_538 = vector.shape_cast %broadcast_in_dim3A_532 : vector<16xf32> to vector<1x16xf32>
    tpu.vector_store %arg20[%swap3A_534, %swap3A_535], %swap3A_538 {strides = array<i32>} : memref<128x16xf32, #tpu.memory_space<vmem>>, vector<1x16xf32>,
    %broadcast_in_dim3A_539 = arith.constant 1.000000e+00 : f32
    %broadcast_in_dim3A_540 = vector.broadcast %broadcast_in_dim3A_539 : f32 to vector<16xf32>
    %swap3A_541 = arith.constant 63 : i32
    %swap3A_542 = arith.index_cast %swap3A_541 : i32 to index
    %swap3A_543 = arith.constant 0 : index
    %swap3A_544 = tpu.vector_load %arg20[%swap3A_542, %swap3A_543] {strides = array<i32>} : memref<128x16xf32, #tpu.memory_space<vmem>>, vector<1x16xf32>,
    %swap3A_545 = vector.shape_cast %swap3A_544 : vector<1x16xf32> to vector<16xf32>
    %swap3A_546 = vector.shape_cast %broadcast_in_dim3A_540 : vector<16xf32> to vector<1x16xf32>
    tpu.vector_store %arg20[%swap3A_542, %swap3A_543], %swap3A_546 {strides = array<i32>} : memref<128x16xf32, #tpu.memory_space<vmem>>, vector<1x16xf32>,
    %broadcast_in_dim3A_547 = arith.constant 1.000000e+00 : f32
    %broadcast_in_dim3A_548 = vector.broadcast %broadcast_in_dim3A_547 : f32 to vector<16xf32>
    %swap3A_549 = arith.constant 64 : i32
    %swap3A_550 = arith.index_cast %swap3A_549 : i32 to index
    %swap3A_551 = arith.constant 0 : index
    %swap3A_552 = tpu.vector_load %arg20[%swap3A_550, %swap3A_551] {strides = array<i32>} : memref<128x16xf32, #tpu.memory_space<vmem>>, vector<1x16xf32>,
    %swap3A_553 = vector.shape_cast %swap3A_552 : vector<1x16xf32> to vector<16xf32>
    %swap3A_554 = vector.shape_cast %broadcast_in_dim3A_548 : vector<16xf32> to vector<1x16xf32>
    tpu.vector_store %arg20[%swap3A_550, %swap3A_551], %swap3A_554 {strides = array<i32>} : memref<128x16xf32, #tpu.memory_space<vmem>>, vector<1x16xf32>,
    %broadcast_in_dim3A_555 = arith.constant 1.000000e+00 : f32
    %broadcast_in_dim3A_556 = vector.broadcast %broadcast_in_dim3A_555 : f32 to vector<16xf32>
    %swap3A_557 = arith.constant 65 : i32
    %swap3A_558 = arith.index_cast %swap3A_557 : i32 to index
    %swap3A_559 = arith.constant 0 : index
    %swap3A_560 = tpu.vector_load %arg20[%swap3A_558, %swap3A_559] {strides = array<i32>} : memref<128x16xf32, #tpu.memory_space<vmem>>, vector<1x16xf32>,
    %swap3A_561 = vector.shape_cast %swap3A_560 : vector<1x16xf32> to vector<16xf32>
    %swap3A_562 = vector.shape_cast %broadcast_in_dim3A_556 : vector<16xf32> to vector<1x16xf32>
    tpu.vector_store %arg20[%swap3A_558, %swap3A_559], %swap3A_562 {strides = array<i32>} : memref<128x16xf32, #tpu.memory_space<vmem>>, vector<1x16xf32>,
    %broadcast_in_dim3A_563 = arith.constant 1.000000e+00 : f32
    %broadcast_in_dim3A_564 = vector.broadcast %broadcast_in_dim3A_563 : f32 to vector<16xf32>
    %swap3A_565 = arith.constant 66 : i32
    %swap3A_566 = arith.index_cast %swap3A_565 : i32 to index
    %swap3A_567 = arith.constant 0 : index
    %swap3A_568 = tpu.vector_load %arg20[%swap3A_566, %swap3A_567] {strides = array<i32>} : memref<128x16xf32, #tpu.memory_space<vmem>>, vector<1x16xf32>,
    %swap3A_569 = vector.shape_cast %swap3A_568 : vector<1x16xf32> to vector<16xf32>
    %swap3A_570 = vector.shape_cast %broadcast_in_dim3A_564 : vector<16xf32> to vector<1x16xf32>
    tpu.vector_store %arg20[%swap3A_566, %swap3A_567], %swap3A_570 {strides = array<i32>} : memref<128x16xf32, #tpu.memory_space<vmem>>, vector<1x16xf32>,
    %broadcast_in_dim3A_571 = arith.constant 1.000000e+00 : f32
    %broadcast_in_dim3A_572 = vector.broadcast %broadcast_in_dim3A_571 : f32 to vector<16xf32>
    %swap3A_573 = arith.constant 67 : i32
    %swap3A_574 = arith.index_cast %swap3A_573 : i32 to index
    %swap3A_575 = arith.constant 0 : index
    %swap3A_576 = tpu.vector_load %arg20[%swap3A_574, %swap3A_575] {strides = array<i32>} : memref<128x16xf32, #tpu.memory_space<vmem>>, vector<1x16xf32>,
    %swap3A_577 = vector.shape_cast %swap3A_576 : vector<1x16xf32> to vector<16xf32>
    %swap3A_578 = vector.shape_cast %broadcast_in_dim3A_572 : vector<16xf32> to vector<1x16xf32>
    tpu.vector_store %arg20[%swap3A_574, %swap3A_575], %swap3A_578 {strides = array<i32>} : memref<128x16xf32, #tpu.memory_space<vmem>>, vector<1x16xf32>,
    %broadcast_in_dim3A_579 = arith.constant 1.000000e+00 : f32
    %broadcast_in_dim3A_580 = vector.broadcast %broadcast_in_dim3A_579 : f32 to vector<16xf32>
    %swap3A_581 = arith.constant 68 : i32
    %swap3A_582 = arith.index_cast %swap3A_581 : i32 to index
    %swap3A_583 = arith.constant 0 : index
    %swap3A_584 = tpu.vector_load %arg20[%swap3A_582, %swap3A_583] {strides = array<i32>} : memref<128x16xf32, #tpu.memory_space<vmem>>, vector<1x16xf32>,
    %swap3A_585 = vector.shape_cast %swap3A_584 : vector<1x16xf32> to vector<16xf32>
    %swap3A_586 = vector.shape_cast %broadcast_in_dim3A_580 : vector<16xf32> to vector<1x16xf32>
    tpu.vector_store %arg20[%swap3A_582, %swap3A_583], %swap3A_586 {strides = array<i32>} : memref<128x16xf32, #tpu.memory_space<vmem>>, vector<1x16xf32>,
    %broadcast_in_dim3A_587 = arith.constant 1.000000e+00 : f32
    %broadcast_in_dim3A_588 = vector.broadcast %broadcast_in_dim3A_587 : f32 to vector<16xf32>
    %swap3A_589 = arith.constant 69 : i32
    %swap3A_590 = arith.index_cast %swap3A_589 : i32 to index
    %swap3A_591 = arith.constant 0 : index
    %swap3A_592 = tpu.vector_load %arg20[%swap3A_590, %swap3A_591] {strides = array<i32>} : memref<128x16xf32, #tpu.memory_space<vmem>>, vector<1x16xf32>,
    %swap3A_593 = vector.shape_cast %swap3A_592 : vector<1x16xf32> to vector<16xf32>
    %swap3A_594 = vector.shape_cast %broadcast_in_dim3A_588 : vector<16xf32> to vector<1x16xf32>
    tpu.vector_store %arg20[%swap3A_590, %swap3A_591], %swap3A_594 {strides = array<i32>} : memref<128x16xf32, #tpu.memory_space<vmem>>, vector<1x16xf32>,
    %broadcast_in_dim3A_595 = arith.constant 1.000000e+00 : f32
    %broadcast_in_dim3A_596 = vector.broadcast %broadcast_in_dim3A_595 : f32 to vector<16xf32>
    %swap3A_597 = arith.constant 70 : i32
    %swap3A_598 = arith.index_cast %swap3A_597 : i32 to index
    %swap3A_599 = arith.constant 0 : index
    %swap3A_600 = tpu.vector_load %arg20[%swap3A_598, %swap3A_599] {strides = array<i32>} : memref<128x16xf32, #tpu.memory_space<vmem>>, vector<1x16xf32>,
    %swap3A_601 = vector.shape_cast %swap3A_600 : vector<1x16xf32> to vector<16xf32>
    %swap3A_602 = vector.shape_cast %broadcast_in_dim3A_596 : vector<16xf32> to vector<1x16xf32>
    tpu.vector_store %arg20[%swap3A_598, %swap3A_599], %swap3A_602 {strides = array<i32>} : memref<128x16xf32, #tpu.memory_space<vmem>>, vector<1x16xf32>,
    %broadcast_in_dim3A_603 = arith.constant 1.000000e+00 : f32
    %broadcast_in_dim3A_604 = vector.broadcast %broadcast_in_dim3A_603 : f32 to vector<16xf32>
    %swap3A_605 = arith.constant 71 : i32
    %swap3A_606 = arith.index_cast %swap3A_605 : i32 to index
    %swap3A_607 = arith.constant 0 : index
    %swap3A_608 = tpu.vector_load %arg20[%swap3A_606, %swap3A_607] {strides = array<i32>} : memref<128x16xf32, #tpu.memory_space<vmem>>, vector<1x16xf32>,
    %swap3A_609 = vector.shape_cast %swap3A_608 : vector<1x16xf32> to vector<16xf32>
    %swap3A_610 = vector.shape_cast %broadcast_in_dim3A_604 : vector<16xf32> to vector<1x16xf32>
    tpu.vector_store %arg20[%swap3A_606, %swap3A_607], %swap3A_610 {strides = array<i32>} : memref<128x16xf32, #tpu.memory_space<vmem>>, vector<1x16xf32>,
    %broadcast_in_dim3A_611 = arith.constant 1.000000e+00 : f32
    %broadcast_in_dim3A_612 = vector.broadcast %broadcast_in_dim3A_611 : f32 to vector<16xf32>
    %swap3A_613 = arith.constant 72 : i32
    %swap3A_614 = arith.index_cast %swap3A_613 : i32 to index
    %swap3A_615 = arith.constant 0 : index
    %swap3A_616 = tpu.vector_load %arg20[%swap3A_614, %swap3A_615] {strides = array<i32>} : memref<128x16xf32, #tpu.memory_space<vmem>>, vector<1x16xf32>,
    %swap3A_617 = vector.shape_cast %swap3A_616 : vector<1x16xf32> to vector<16xf32>
    %swap3A_618 = vector.shape_cast %broadcast_in_dim3A_612 : vector<16xf32> to vector<1x16xf32>
    tpu.vector_store %arg20[%swap3A_614, %swap3A_615], %swap3A_618 {strides = array<i32>} : memref<128x16xf32, #tpu.memory_space<vmem>>, vector<1x16xf32>,
    %broadcast_in_dim3A_619 = arith.constant 1.000000e+00 : f32
    %broadcast_in_dim3A_620 = vector.broadcast %broadcast_in_dim3A_619 : f32 to vector<16xf32>
    %swap3A_621 = arith.constant 73 : i32
    %swap3A_622 = arith.index_cast %swap3A_621 : i32 to index
    %swap3A_623 = arith.constant 0 : index
    %swap3A_624 = tpu.vector_load %arg20[%swap3A_622, %swap3A_623] {strides = array<i32>} : memref<128x16xf32, #tpu.memory_space<vmem>>, vector<1x16xf32>,
    %swap3A_625 = vector.shape_cast %swap3A_624 : vector<1x16xf32> to vector<16xf32>
    %swap3A_626 = vector.shape_cast %broadcast_in_dim3A_620 : vector<16xf32> to vector<1x16xf32>
    tpu.vector_store %arg20[%swap3A_622, %swap3A_623], %swap3A_626 {strides = array<i32>} : memref<128x16xf32, #tpu.memory_space<vmem>>, vector<1x16xf32>,
    %broadcast_in_dim3A_627 = arith.constant 1.000000e+00 : f32
    %broadcast_in_dim3A_628 = vector.broadcast %broadcast_in_dim3A_627 : f32 to vector<16xf32>
    %swap3A_629 = arith.constant 74 : i32
    %swap3A_630 = arith.index_cast %swap3A_629 : i32 to index
    %swap3A_631 = arith.constant 0 : index
    %swap3A_632 = tpu.vector_load %arg20[%swap3A_630, %swap3A_631] {strides = array<i32>} : memref<128x16xf32, #tpu.memory_space<vmem>>, vector<1x16xf32>,
    %swap3A_633 = vector.shape_cast %swap3A_632 : vector<1x16xf32> to vector<16xf32>
    %swap3A_634 = vector.shape_cast %broadcast_in_dim3A_628 : vector<16xf32> to vector<1x16xf32>
    tpu.vector_store %arg20[%swap3A_630, %swap3A_631], %swap3A_634 {strides = array<i32>} : memref<128x16xf32, #tpu.memory_space<vmem>>, vector<1x16xf32>,
    %broadcast_in_dim3A_635 = arith.constant 1.000000e+00 : f32
    %broadcast_in_dim3A_636 = vector.broadcast %broadcast_in_dim3A_635 : f32 to vector<16xf32>
    %swap3A_637 = arith.constant 75 : i32
    %swap3A_638 = arith.index_cast %swap3A_637 : i32 to index
    %swap3A_639 = arith.constant 0 : index
    %swap3A_640 = tpu.vector_load %arg20[%swap3A_638, %swap3A_639] {strides = array<i32>} : memref<128x16xf32, #tpu.memory_space<vmem>>, vector<1x16xf32>,
    %swap3A_641 = vector.shape_cast %swap3A_640 : vector<1x16xf32> to vector<16xf32>
    %swap3A_642 = vector.shape_cast %broadcast_in_dim3A_636 : vector<16xf32> to vector<1x16xf32>
    tpu.vector_store %arg20[%swap3A_638, %swap3A_639], %swap3A_642 {strides = array<i32>} : memref<128x16xf32, #tpu.memory_space<vmem>>, vector<1x16xf32>,
    %broadcast_in_dim3A_643 = arith.constant 1.000000e+00 : f32
    %broadcast_in_dim3A_644 = vector.broadcast %broadcast_in_dim3A_643 : f32 to vector<16xf32>
    %swap3A_645 = arith.constant 76 : i32
    %swap3A_646 = arith.index_cast %swap3A_645 : i32 to index
    %swap3A_647 = arith.constant 0 : index
    %swap3A_648 = tpu.vector_load %arg20[%swap3A_646, %swap3A_647] {strides = array<i32>} : memref<128x16xf32, #tpu.memory_space<vmem>>, vector<1x16xf32>,
    %swap3A_649 = vector.shape_cast %swap3A_648 : vector<1x16xf32> to vector<16xf32>
    %swap3A_650 = vector.shape_cast %broadcast_in_dim3A_644 : vector<16xf32> to vector<1x16xf32>
    tpu.vector_store %arg20[%swap3A_646, %swap3A_647], %swap3A_650 {strides = array<i32>} : memref<128x16xf32, #tpu.memory_space<vmem>>, vector<1x16xf32>,
    %broadcast_in_dim3A_651 = arith.constant 1.000000e+00 : f32
    %broadcast_in_dim3A_652 = vector.broadcast %broadcast_in_dim3A_651 : f32 to vector<16xf32>
    %swap3A_653 = arith.constant 77 : i32
    %swap3A_654 = arith.index_cast %swap3A_653 : i32 to index
    %swap3A_655 = arith.constant 0 : index
    %swap3A_656 = tpu.vector_load %arg20[%swap3A_654, %swap3A_655] {strides = array<i32>} : memref<128x16xf32, #tpu.memory_space<vmem>>, vector<1x16xf32>,
    %swap3A_657 = vector.shape_cast %swap3A_656 : vector<1x16xf32> to vector<16xf32>
    %swap3A_658 = vector.shape_cast %broadcast_in_dim3A_652 : vector<16xf32> to vector<1x16xf32>
    tpu.vector_store %arg20[%swap3A_654, %swap3A_655], %swap3A_658 {strides = array<i32>} : memref<128x16xf32, #tpu.memory_space<vmem>>, vector<1x16xf32>,
    %broadcast_in_dim3A_659 = arith.constant 1.000000e+00 : f32
    %broadcast_in_dim3A_660 = vector.broadcast %broadcast_in_dim3A_659 : f32 to vector<16xf32>
    %swap3A_661 = arith.constant 78 : i32
    %swap3A_662 = arith.index_cast %swap3A_661 : i32 to index
    %swap3A_663 = arith.constant 0 : index
    %swap3A_664 = tpu.vector_load %arg20[%swap3A_662, %swap3A_663] {strides = array<i32>} : memref<128x16xf32, #tpu.memory_space<vmem>>, vector<1x16xf32>,
    %swap3A_665 = vector.shape_cast %swap3A_664 : vector<1x16xf32> to vector<16xf32>
    %swap3A_666 = vector.shape_cast %broadcast_in_dim3A_660 : vector<16xf32> to vector<1x16xf32>
    tpu.vector_store %arg20[%swap3A_662, %swap3A_663], %swap3A_666 {strides = array<i32>} : memref<128x16xf32, #tpu.memory_space<vmem>>, vector<1x16xf32>,
    %broadcast_in_dim3A_667 = arith.constant 1.000000e+00 : f32
    %broadcast_in_dim3A_668 = vector.broadcast %broadcast_in_dim3A_667 : f32 to vector<16xf32>
    %swap3A_669 = arith.constant 79 : i32
    %swap3A_670 = arith.index_cast %swap3A_669 : i32 to index
    %swap3A_671 = arith.constant 0 : index
    %swap3A_672 = tpu.vector_load %arg20[%swap3A_670, %swap3A_671] {strides = array<i32>} : memref<128x16xf32, #tpu.memory_space<vmem>>, vector<1x16xf32>,
    %swap3A_673 = vector.shape_cast %swap3A_672 : vector<1x16xf32> to vector<16xf32>
    %swap3A_674 = vector.shape_cast %broadcast_in_dim3A_668 : vector<16xf32> to vector<1x16xf32>
    tpu.vector_store %arg20[%swap3A_670, %swap3A_671], %swap3A_674 {strides = array<i32>} : memref<128x16xf32, #tpu.memory_space<vmem>>, vector<1x16xf32>,
    %broadcast_in_dim3A_675 = arith.constant 1.000000e+00 : f32
    %broadcast_in_dim3A_676 = vector.broadcast %broadcast_in_dim3A_675 : f32 to vector<16xf32>
    %swap3A_677 = arith.constant 80 : i32
    %swap3A_678 = arith.index_cast %swap3A_677 : i32 to index
    %swap3A_679 = arith.constant 0 : index
    %swap3A_680 = tpu.vector_load %arg20[%swap3A_678, %swap3A_679] {strides = array<i32>} : memref<128x16xf32, #tpu.memory_space<vmem>>, vector<1x16xf32>,
    %swap3A_681 = vector.shape_cast %swap3A_680 : vector<1x16xf32> to vector<16xf32>
    %swap3A_682 = vector.shape_cast %broadcast_in_dim3A_676 : vector<16xf32> to vector<1x16xf32>
    tpu.vector_store %arg20[%swap3A_678, %swap3A_679], %swap3A_682 {strides = array<i32>} : memref<128x16xf32, #tpu.memory_space<vmem>>, vector<1x16xf32>,
    %broadcast_in_dim3A_683 = arith.constant 1.000000e+00 : f32
    %broadcast_in_dim3A_684 = vector.broadcast %broadcast_in_dim3A_683 : f32 to vector<16xf32>
    %swap3A_685 = arith.constant 81 : i32
    %swap3A_686 = arith.index_cast %swap3A_685 : i32 to index
    %swap3A_687 = arith.constant 0 : index
    %swap3A_688 = tpu.vector_load %arg20[%swap3A_686, %swap3A_687] {strides = array<i32>} : memref<128x16xf32, #tpu.memory_space<vmem>>, vector<1x16xf32>,
    %swap3A_689 = vector.shape_cast %swap3A_688 : vector<1x16xf32> to vector<16xf32>
    %swap3A_690 = vector.shape_cast %broadcast_in_dim3A_684 : vector<16xf32> to vector<1x16xf32>
    tpu.vector_store %arg20[%swap3A_686, %swap3A_687], %swap3A_690 {strides = array<i32>} : memref<128x16xf32, #tpu.memory_space<vmem>>, vector<1x16xf32>,
    %broadcast_in_dim3A_691 = arith.constant 1.000000e+00 : f32
    %broadcast_in_dim3A_692 = vector.broadcast %broadcast_in_dim3A_691 : f32 to vector<16xf32>
    %swap3A_693 = arith.constant 82 : i32
    %swap3A_694 = arith.index_cast %swap3A_693 : i32 to index
    %swap3A_695 = arith.constant 0 : index
    %swap3A_696 = tpu.vector_load %arg20[%swap3A_694, %swap3A_695] {strides = array<i32>} : memref<128x16xf32, #tpu.memory_space<vmem>>, vector<1x16xf32>,
    %swap3A_697 = vector.shape_cast %swap3A_696 : vector<1x16xf32> to vector<16xf32>
    %swap3A_698 = vector.shape_cast %broadcast_in_dim3A_692 : vector<16xf32> to vector<1x16xf32>
    tpu.vector_store %arg20[%swap3A_694, %swap3A_695], %swap3A_698 {strides = array<i32>} : memref<128x16xf32, #tpu.memory_space<vmem>>, vector<1x16xf32>,
    %broadcast_in_dim3A_699 = arith.constant 1.000000e+00 : f32
    %broadcast_in_dim3A_700 = vector.broadcast %broadcast_in_dim3A_699 : f32 to vector<16xf32>
    %swap3A_701 = arith.constant 83 : i32
    %swap3A_702 = arith.index_cast %swap3A_701 : i32 to index
    %swap3A_703 = arith.constant 0 : index
    %swap3A_704 = tpu.vector_load %arg20[%swap3A_702, %swap3A_703] {strides = array<i32>} : memref<128x16xf32, #tpu.memory_space<vmem>>, vector<1x16xf32>,
    %swap3A_705 = vector.shape_cast %swap3A_704 : vector<1x16xf32> to vector<16xf32>
    %swap3A_706 = vector.shape_cast %broadcast_in_dim3A_700 : vector<16xf32> to vector<1x16xf32>
    tpu.vector_store %arg20[%swap3A_702, %swap3A_703], %swap3A_706 {strides = array<i32>} : memref<128x16xf32, #tpu.memory_space<vmem>>, vector<1x16xf32>,
    %broadcast_in_dim3A_707 = arith.constant 1.000000e+00 : f32
    %broadcast_in_dim3A_708 = vector.broadcast %broadcast_in_dim3A_707 : f32 to vector<16xf32>
    %swap3A_709 = arith.constant 84 : i32
    %swap3A_710 = arith.index_cast %swap3A_709 : i32 to index
    %swap3A_711 = arith.constant 0 : index
    %swap3A_712 = tpu.vector_load %arg20[%swap3A_710, %swap3A_711] {strides = array<i32>} : memref<128x16xf32, #tpu.memory_space<vmem>>, vector<1x16xf32>,
    %swap3A_713 = vector.shape_cast %swap3A_712 : vector<1x16xf32> to vector<16xf32>
    %swap3A_714 = vector.shape_cast %broadcast_in_dim3A_708 : vector<16xf32> to vector<1x16xf32>
    tpu.vector_store %arg20[%swap3A_710, %swap3A_711], %swap3A_714 {strides = array<i32>} : memref<128x16xf32, #tpu.memory_space<vmem>>, vector<1x16xf32>,
    %broadcast_in_dim3A_715 = arith.constant 1.000000e+00 : f32
    %broadcast_in_dim3A_716 = vector.broadcast %broadcast_in_dim3A_715 : f32 to vector<16xf32>
    %swap3A_717 = arith.constant 85 : i32
    %swap3A_718 = arith.index_cast %swap3A_717 : i32 to index
    %swap3A_719 = arith.constant 0 : index
    %swap3A_720 = tpu.vector_load %arg20[%swap3A_718, %swap3A_719] {strides = array<i32>} : memref<128x16xf32, #tpu.memory_space<vmem>>, vector<1x16xf32>,
    %swap3A_721 = vector.shape_cast %swap3A_720 : vector<1x16xf32> to vector<16xf32>
    %swap3A_722 = vector.shape_cast %broadcast_in_dim3A_716 : vector<16xf32> to vector<1x16xf32>
    tpu.vector_store %arg20[%swap3A_718, %swap3A_719], %swap3A_722 {strides = array<i32>} : memref<128x16xf32, #tpu.memory_space<vmem>>, vector<1x16xf32>,
    %broadcast_in_dim3A_723 = arith.constant 1.000000e+00 : f32
    %broadcast_in_dim3A_724 = vector.broadcast %broadcast_in_dim3A_723 : f32 to vector<16xf32>
    %swap3A_725 = arith.constant 86 : i32
    %swap3A_726 = arith.index_cast %swap3A_725 : i32 to index
    %swap3A_727 = arith.constant 0 : index
    %swap3A_728 = tpu.vector_load %arg20[%swap3A_726, %swap3A_727] {strides = array<i32>} : memref<128x16xf32, #tpu.memory_space<vmem>>, vector<1x16xf32>,
    %swap3A_729 = vector.shape_cast %swap3A_728 : vector<1x16xf32> to vector<16xf32>
    %swap3A_730 = vector.shape_cast %broadcast_in_dim3A_724 : vector<16xf32> to vector<1x16xf32>
    tpu.vector_store %arg20[%swap3A_726, %swap3A_727], %swap3A_730 {strides = array<i32>} : memref<128x16xf32, #tpu.memory_space<vmem>>, vector<1x16xf32>,
    %broadcast_in_dim3A_731 = arith.constant 1.000000e+00 : f32
    %broadcast_in_dim3A_732 = vector.broadcast %broadcast_in_dim3A_731 : f32 to vector<16xf32>
    %swap3A_733 = arith.constant 87 : i32
    %swap3A_734 = arith.index_cast %swap3A_733 : i32 to index
    %swap3A_735 = arith.constant 0 : index
    %swap3A_736 = tpu.vector_load %arg20[%swap3A_734, %swap3A_735] {strides = array<i32>} : memref<128x16xf32, #tpu.memory_space<vmem>>, vector<1x16xf32>,
    %swap3A_737 = vector.shape_cast %swap3A_736 : vector<1x16xf32> to vector<16xf32>
    %swap3A_738 = vector.shape_cast %broadcast_in_dim3A_732 : vector<16xf32> to vector<1x16xf32>
    tpu.vector_store %arg20[%swap3A_734, %swap3A_735], %swap3A_738 {strides = array<i32>} : memref<128x16xf32, #tpu.memory_space<vmem>>, vector<1x16xf32>,
    %broadcast_in_dim3A_739 = arith.constant 1.000000e+00 : f32
    %broadcast_in_dim3A_740 = vector.broadcast %broadcast_in_dim3A_739 : f32 to vector<16xf32>
    %swap3A_741 = arith.constant 88 : i32
    %swap3A_742 = arith.index_cast %swap3A_741 : i32 to index
    %swap3A_743 = arith.constant 0 : index
    %swap3A_744 = tpu.vector_load %arg20[%swap3A_742, %swap3A_743] {strides = array<i32>} : memref<128x16xf32, #tpu.memory_space<vmem>>, vector<1x16xf32>,
    %swap3A_745 = vector.shape_cast %swap3A_744 : vector<1x16xf32> to vector<16xf32>
    %swap3A_746 = vector.shape_cast %broadcast_in_dim3A_740 : vector<16xf32> to vector<1x16xf32>
    tpu.vector_store %arg20[%swap3A_742, %swap3A_743], %swap3A_746 {strides = array<i32>} : memref<128x16xf32, #tpu.memory_space<vmem>>, vector<1x16xf32>,
    %broadcast_in_dim3A_747 = arith.constant 1.000000e+00 : f32
    %broadcast_in_dim3A_748 = vector.broadcast %broadcast_in_dim3A_747 : f32 to vector<16xf32>
    %swap3A_749 = arith.constant 89 : i32
    %swap3A_750 = arith.index_cast %swap3A_749 : i32 to index
    %swap3A_751 = arith.constant 0 : index
    %swap3A_752 = tpu.vector_load %arg20[%swap3A_750, %swap3A_751] {strides = array<i32>} : memref<128x16xf32, #tpu.memory_space<vmem>>, vector<1x16xf32>,
    %swap3A_753 = vector.shape_cast %swap3A_752 : vector<1x16xf32> to vector<16xf32>
    %swap3A_754 = vector.shape_cast %broadcast_in_dim3A_748 : vector<16xf32> to vector<1x16xf32>
    tpu.vector_store %arg20[%swap3A_750, %swap3A_751], %swap3A_754 {strides = array<i32>} : memref<128x16xf32, #tpu.memory_space<vmem>>, vector<1x16xf32>,
    %broadcast_in_dim3A_755 = arith.constant 1.000000e+00 : f32
    %broadcast_in_dim3A_756 = vector.broadcast %broadcast_in_dim3A_755 : f32 to vector<16xf32>
    %swap3A_757 = arith.constant 90 : i32
    %swap3A_758 = arith.index_cast %swap3A_757 : i32 to index
    %swap3A_759 = arith.constant 0 : index
    %swap3A_760 = tpu.vector_load %arg20[%swap3A_758, %swap3A_759] {strides = array<i32>} : memref<128x16xf32, #tpu.memory_space<vmem>>, vector<1x16xf32>,
    %swap3A_761 = vector.shape_cast %swap3A_760 : vector<1x16xf32> to vector<16xf32>
    %swap3A_762 = vector.shape_cast %broadcast_in_dim3A_756 : vector<16xf32> to vector<1x16xf32>
    tpu.vector_store %arg20[%swap3A_758, %swap3A_759], %swap3A_762 {strides = array<i32>} : memref<128x16xf32, #tpu.memory_space<vmem>>, vector<1x16xf32>,
    %broadcast_in_dim3A_763 = arith.constant 1.000000e+00 : f32
    %broadcast_in_dim3A_764 = vector.broadcast %broadcast_in_dim3A_763 : f32 to vector<16xf32>
    %swap3A_765 = arith.constant 91 : i32
    %swap3A_766 = arith.index_cast %swap3A_765 : i32 to index
    %swap3A_767 = arith.constant 0 : index
    %swap3A_768 = tpu.vector_load %arg20[%swap3A_766, %swap3A_767] {strides = array<i32>} : memref<128x16xf32, #tpu.memory_space<vmem>>, vector<1x16xf32>,
    %swap3A_769 = vector.shape_cast %swap3A_768 : vector<1x16xf32> to vector<16xf32>
    %swap3A_770 = vector.shape_cast %broadcast_in_dim3A_764 : vector<16xf32> to vector<1x16xf32>
    tpu.vector_store %arg20[%swap3A_766, %swap3A_767], %swap3A_770 {strides = array<i32>} : memref<128x16xf32, #tpu.memory_space<vmem>>, vector<1x16xf32>,
    %broadcast_in_dim3A_771 = arith.constant 1.000000e+00 : f32
    %broadcast_in_dim3A_772 = vector.broadcast %broadcast_in_dim3A_771 : f32 to vector<16xf32>
    %swap3A_773 = arith.constant 92 : i32
    %swap3A_774 = arith.index_cast %swap3A_773 : i32 to index
    %swap3A_775 = arith.constant 0 : index
    %swap3A_776 = tpu.vector_load %arg20[%swap3A_774, %swap3A_775] {strides = array<i32>} : memref<128x16xf32, #tpu.memory_space<vmem>>, vector<1x16xf32>,
    %swap3A_777 = vector.shape_cast %swap3A_776 : vector<1x16xf32> to vector<16xf32>
    %swap3A_778 = vector.shape_cast %broadcast_in_dim3A_772 : vector<16xf32> to vector<1x16xf32>
    tpu.vector_store %arg20[%swap3A_774, %swap3A_775], %swap3A_778 {strides = array<i32>} : memref<128x16xf32, #tpu.memory_space<vmem>>, vector<1x16xf32>,
    %broadcast_in_dim3A_779 = arith.constant 1.000000e+00 : f32
    %broadcast_in_dim3A_780 = vector.broadcast %broadcast_in_dim3A_779 : f32 to vector<16xf32>
    %swap3A_781 = arith.constant 93 : i32
    %swap3A_782 = arith.index_cast %swap3A_781 : i32 to index
    %swap3A_783 = arith.constant 0 : index
    %swap3A_784 = tpu.vector_load %arg20[%swap3A_782, %swap3A_783] {strides = array<i32>} : memref<128x16xf32, #tpu.memory_space<vmem>>, vector<1x16xf32>,
    %swap3A_785 = vector.shape_cast %swap3A_784 : vector<1x16xf32> to vector<16xf32>
    %swap3A_786 = vector.shape_cast %broadcast_in_dim3A_780 : vector<16xf32> to vector<1x16xf32>
    tpu.vector_store %arg20[%swap3A_782, %swap3A_783], %swap3A_786 {strides = array<i32>} : memref<128x16xf32, #tpu.memory_space<vmem>>, vector<1x16xf32>,
    %broadcast_in_dim3A_787 = arith.constant 1.000000e+00 : f32
    %broadcast_in_dim3A_788 = vector.broadcast %broadcast_in_dim3A_787 : f32 to vector<16xf32>
    %swap3A_789 = arith.constant 94 : i32
    %swap3A_790 = arith.index_cast %swap3A_789 : i32 to index
    %swap3A_791 = arith.constant 0 : index
    %swap3A_792 = tpu.vector_load %arg20[%swap3A_790, %swap3A_791] {strides = array<i32>} : memref<128x16xf32, #tpu.memory_space<vmem>>, vector<1x16xf32>,
    %swap3A_793 = vector.shape_cast %swap3A_792 : vector<1x16xf32> to vector<16xf32>
    %swap3A_794 = vector.shape_cast %broadcast_in_dim3A_788 : vector<16xf32> to vector<1x16xf32>
    tpu.vector_store %arg20[%swap3A_790, %swap3A_791], %swap3A_794 {strides = array<i32>} : memref<128x16xf32, #tpu.memory_space<vmem>>, vector<1x16xf32>,
    %broadcast_in_dim3A_795 = arith.constant 1.000000e+00 : f32
    %broadcast_in_dim3A_796 = vector.broadcast %broadcast_in_dim3A_795 : f32 to vector<16xf32>
    %swap3A_797 = arith.constant 95 : i32
    %swap3A_798 = arith.index_cast %swap3A_797 : i32 to index
    %swap3A_799 = arith.constant 0 : index
    %swap3A_800 = tpu.vector_load %arg20[%swap3A_798, %swap3A_799] {strides = array<i32>} : memref<128x16xf32, #tpu.memory_space<vmem>>, vector<1x16xf32>,
    %swap3A_801 = vector.shape_cast %swap3A_800 : vector<1x16xf32> to vector<16xf32>
    %swap3A_802 = vector.shape_cast %broadcast_in_dim3A_796 : vector<16xf32> to vector<1x16xf32>
    tpu.vector_store %arg20[%swap3A_798, %swap3A_799], %swap3A_802 {strides = array<i32>} : memref<128x16xf32, #tpu.memory_space<vmem>>, vector<1x16xf32>,
    %broadcast_in_dim3A_803 = arith.constant 1.000000e+00 : f32
    %broadcast_in_dim3A_804 = vector.broadcast %broadcast_in_dim3A_803 : f32 to vector<16xf32>
    %swap3A_805 = arith.constant 96 : i32
    %swap3A_806 = arith.index_cast %swap3A_805 : i32 to index
    %swap3A_807 = arith.constant 0 : index
    %swap3A_808 = tpu.vector_load %arg20[%swap3A_806, %swap3A_807] {strides = array<i32>} : memref<128x16xf32, #tpu.memory_space<vmem>>, vector<1x16xf32>,
    %swap3A_809 = vector.shape_cast %swap3A_808 : vector<1x16xf32> to vector<16xf32>
    %swap3A_810 = vector.shape_cast %broadcast_in_dim3A_804 : vector<16xf32> to vector<1x16xf32>
    tpu.vector_store %arg20[%swap3A_806, %swap3A_807], %swap3A_810 {strides = array<i32>} : memref<128x16xf32, #tpu.memory_space<vmem>>, vector<1x16xf32>,
    %broadcast_in_dim3A_811 = arith.constant 1.000000e+00 : f32
    %broadcast_in_dim3A_812 = vector.broadcast %broadcast_in_dim3A_811 : f32 to vector<16xf32>
    %swap3A_813 = arith.constant 97 : i32
    %swap3A_814 = arith.index_cast %swap3A_813 : i32 to index
    %swap3A_815 = arith.constant 0 : index
    %swap3A_816 = tpu.vector_load %arg20[%swap3A_814, %swap3A_815] {strides = array<i32>} : memref<128x16xf32, #tpu.memory_space<vmem>>, vector<1x16xf32>,
    %swap3A_817 = vector.shape_cast %swap3A_816 : vector<1x16xf32> to vector<16xf32>
    %swap3A_818 = vector.shape_cast %broadcast_in_dim3A_812 : vector<16xf32> to vector<1x16xf32>
    tpu.vector_store %arg20[%swap3A_814, %swap3A_815], %swap3A_818 {strides = array<i32>} : memref<128x16xf32, #tpu.memory_space<vmem>>, vector<1x16xf32>,
    %broadcast_in_dim3A_819 = arith.constant 1.000000e+00 : f32
    %broadcast_in_dim3A_820 = vector.broadcast %broadcast_in_dim3A_819 : f32 to vector<16xf32>
    %swap3A_821 = arith.constant 98 : i32
    %swap3A_822 = arith.index_cast %swap3A_821 : i32 to index
    %swap3A_823 = arith.constant 0 : index
    %swap3A_824 = tpu.vector_load %arg20[%swap3A_822, %swap3A_823] {strides = array<i32>} : memref<128x16xf32, #tpu.memory_space<vmem>>, vector<1x16xf32>,
    %swap3A_825 = vector.shape_cast %swap3A_824 : vector<1x16xf32> to vector<16xf32>
    %swap3A_826 = vector.shape_cast %broadcast_in_dim3A_820 : vector<16xf32> to vector<1x16xf32>
    tpu.vector_store %arg20[%swap3A_822, %swap3A_823], %swap3A_826 {strides = array<i32>} : memref<128x16xf32, #tpu.memory_space<vmem>>, vector<1x16xf32>,
    %broadcast_in_dim3A_827 = arith.constant 1.000000e+00 : f32
    %broadcast_in_dim3A_828 = vector.broadcast %broadcast_in_dim3A_827 : f32 to vector<16xf32>
    %swap3A_829 = arith.constant 99 : i32
    %swap3A_830 = arith.index_cast %swap3A_829 : i32 to index
    %swap3A_831 = arith.constant 0 : index
    %swap3A_832 = tpu.vector_load %arg20[%swap3A_830, %swap3A_831] {strides = array<i32>} : memref<128x16xf32, #tpu.memory_space<vmem>>, vector<1x16xf32>,
    %swap3A_833 = vector.shape_cast %swap3A_832 : vector<1x16xf32> to vector<16xf32>
    %swap3A_834 = vector.shape_cast %broadcast_in_dim3A_828 : vector<16xf32> to vector<1x16xf32>
    tpu.vector_store %arg20[%swap3A_830, %swap3A_831], %swap3A_834 {strides = array<i32>} : memref<128x16xf32, #tpu.memory_space<vmem>>, vector<1x16xf32>,
    %broadcast_in_dim3A_835 = arith.constant 1.000000e+00 : f32
    %broadcast_in_dim3A_836 = vector.broadcast %broadcast_in_dim3A_835 : f32 to vector<16xf32>
    %swap3A_837 = arith.constant 100 : i32
    %swap3A_838 = arith.index_cast %swap3A_837 : i32 to index
    %swap3A_839 = arith.constant 0 : index
    %swap3A_840 = tpu.vector_load %arg20[%swap3A_838, %swap3A_839] {strides = array<i32>} : memref<128x16xf32, #tpu.memory_space<vmem>>, vector<1x16xf32>,
    %swap3A_841 = vector.shape_cast %swap3A_840 : vector<1x16xf32> to vector<16xf32>
    %swap3A_842 = vector.shape_cast %broadcast_in_dim3A_836 : vector<16xf32> to vector<1x16xf32>
    tpu.vector_store %arg20[%swap3A_838, %swap3A_839], %swap3A_842 {strides = array<i32>} : memref<128x16xf32, #tpu.memory_space<vmem>>, vector<1x16xf32>,
    %broadcast_in_dim3A_843 = arith.constant 1.000000e+00 : f32
    %broadcast_in_dim3A_844 = vector.broadcast %broadcast_in_dim3A_843 : f32 to vector<16xf32>
    %swap3A_845 = arith.constant 101 : i32
    %swap3A_846 = arith.index_cast %swap3A_845 : i32 to index
    %swap3A_847 = arith.constant 0 : index
    %swap3A_848 = tpu.vector_load %arg20[%swap3A_846, %swap3A_847] {strides = array<i32>} : memref<128x16xf32, #tpu.memory_space<vmem>>, vector<1x16xf32>,
    %swap3A_849 = vector.shape_cast %swap3A_848 : vector<1x16xf32> to vector<16xf32>
    %swap3A_850 = vector.shape_cast %broadcast_in_dim3A_844 : vector<16xf32> to vector<1x16xf32>
    tpu.vector_store %arg20[%swap3A_846, %swap3A_847], %swap3A_850 {strides = array<i32>} : memref<128x16xf32, #tpu.memory_space<vmem>>, vector<1x16xf32>,
    %broadcast_in_dim3A_851 = arith.constant 1.000000e+00 : f32
    %broadcast_in_dim3A_852 = vector.broadcast %broadcast_in_dim3A_851 : f32 to vector<16xf32>
    %swap3A_853 = arith.constant 102 : i32
    %swap3A_854 = arith.index_cast %swap3A_853 : i32 to index
    %swap3A_855 = arith.constant 0 : index
    %swap3A_856 = tpu.vector_load %arg20[%swap3A_854, %swap3A_855] {strides = array<i32>} : memref<128x16xf32, #tpu.memory_space<vmem>>, vector<1x16xf32>,
    %swap3A_857 = vector.shape_cast %swap3A_856 : vector<1x16xf32> to vector<16xf32>
    %swap3A_858 = vector.shape_cast %broadcast_in_dim3A_852 : vector<16xf32> to vector<1x16xf32>
    tpu.vector_store %arg20[%swap3A_854, %swap3A_855], %swap3A_858 {strides = array<i32>} : memref<128x16xf32, #tpu.memory_space<vmem>>, vector<1x16xf32>,
    %broadcast_in_dim3A_859 = arith.constant 1.000000e+00 : f32
    %broadcast_in_dim3A_860 = vector.broadcast %broadcast_in_dim3A_859 : f32 to vector<16xf32>
    %swap3A_861 = arith.constant 103 : i32
    %swap3A_862 = arith.index_cast %swap3A_861 : i32 to index
    %swap3A_863 = arith.constant 0 : index
    %swap3A_864 = tpu.vector_load %arg20[%swap3A_862, %swap3A_863] {strides = array<i32>} : memref<128x16xf32, #tpu.memory_space<vmem>>, vector<1x16xf32>,
    %swap3A_865 = vector.shape_cast %swap3A_864 : vector<1x16xf32> to vector<16xf32>
    %swap3A_866 = vector.shape_cast %broadcast_in_dim3A_860 : vector<16xf32> to vector<1x16xf32>
    tpu.vector_store %arg20[%swap3A_862, %swap3A_863], %swap3A_866 {strides = array<i32>} : memref<128x16xf32, #tpu.memory_space<vmem>>, vector<1x16xf32>,
    %broadcast_in_dim3A_867 = arith.constant 1.000000e+00 : f32
    %broadcast_in_dim3A_868 = vector.broadcast %broadcast_in_dim3A_867 : f32 to vector<16xf32>
    %swap3A_869 = arith.constant 104 : i32
    %swap3A_870 = arith.index_cast %swap3A_869 : i32 to index
    %swap3A_871 = arith.constant 0 : index
    %swap3A_872 = tpu.vector_load %arg20[%swap3A_870, %swap3A_871] {strides = array<i32>} : memref<128x16xf32, #tpu.memory_space<vmem>>, vector<1x16xf32>,
    %swap3A_873 = vector.shape_cast %swap3A_872 : vector<1x16xf32> to vector<16xf32>
    %swap3A_874 = vector.shape_cast %broadcast_in_dim3A_868 : vector<16xf32> to vector<1x16xf32>
    tpu.vector_store %arg20[%swap3A_870, %swap3A_871], %swap3A_874 {strides = array<i32>} : memref<128x16xf32, #tpu.memory_space<vmem>>, vector<1x16xf32>,
    %broadcast_in_dim3A_875 = arith.constant 1.000000e+00 : f32
    %broadcast_in_dim3A_876 = vector.broadcast %broadcast_in_dim3A_875 : f32 to vector<16xf32>
    %swap3A_877 = arith.constant 105 : i32
    %swap3A_878 = arith.index_cast %swap3A_877 : i32 to index
    %swap3A_879 = arith.constant 0 : index
    %swap3A_880 = tpu.vector_load %arg20[%swap3A_878, %swap3A_879] {strides = array<i32>} : memref<128x16xf32, #tpu.memory_space<vmem>>, vector<1x16xf32>,
    %swap3A_881 = vector.shape_cast %swap3A_880 : vector<1x16xf32> to vector<16xf32>
    %swap3A_882 = vector.shape_cast %broadcast_in_dim3A_876 : vector<16xf32> to vector<1x16xf32>
    tpu.vector_store %arg20[%swap3A_878, %swap3A_879], %swap3A_882 {strides = array<i32>} : memref<128x16xf32, #tpu.memory_space<vmem>>, vector<1x16xf32>,
    %broadcast_in_dim3A_883 = arith.constant 1.000000e+00 : f32
    %broadcast_in_dim3A_884 = vector.broadcast %broadcast_in_dim3A_883 : f32 to vector<16xf32>
    %swap3A_885 = arith.constant 106 : i32
    %swap3A_886 = arith.index_cast %swap3A_885 : i32 to index
    %swap3A_887 = arith.constant 0 : index
    %swap3A_888 = tpu.vector_load %arg20[%swap3A_886, %swap3A_887] {strides = array<i32>} : memref<128x16xf32, #tpu.memory_space<vmem>>, vector<1x16xf32>,
    %swap3A_889 = vector.shape_cast %swap3A_888 : vector<1x16xf32> to vector<16xf32>
    %swap3A_890 = vector.shape_cast %broadcast_in_dim3A_884 : vector<16xf32> to vector<1x16xf32>
    tpu.vector_store %arg20[%swap3A_886, %swap3A_887], %swap3A_890 {strides = array<i32>} : memref<128x16xf32, #tpu.memory_space<vmem>>, vector<1x16xf32>,
    %broadcast_in_dim3A_891 = arith.constant 1.000000e+00 : f32
    %broadcast_in_dim3A_892 = vector.broadcast %broadcast_in_dim3A_891 : f32 to vector<16xf32>
    %swap3A_893 = arith.constant 107 : i32
    %swap3A_894 = arith.index_cast %swap3A_893 : i32 to index
    %swap3A_895 = arith.constant 0 : index
    %swap3A_896 = tpu.vector_load %arg20[%swap3A_894, %swap3A_895] {strides = array<i32>} : memref<128x16xf32, #tpu.memory_space<vmem>>, vector<1x16xf32>,
    %swap3A_897 = vector.shape_cast %swap3A_896 : vector<1x16xf32> to vector<16xf32>
    %swap3A_898 = vector.shape_cast %broadcast_in_dim3A_892 : vector<16xf32> to vector<1x16xf32>
    tpu.vector_store %arg20[%swap3A_894, %swap3A_895], %swap3A_898 {strides = array<i32>} : memref<128x16xf32, #tpu.memory_space<vmem>>, vector<1x16xf32>,
    %broadcast_in_dim3A_899 = arith.constant 1.000000e+00 : f32
    %broadcast_in_dim3A_900 = vector.broadcast %broadcast_in_dim3A_899 : f32 to vector<16xf32>
    %swap3A_901 = arith.constant 108 : i32
    %swap3A_902 = arith.index_cast %swap3A_901 : i32 to index
    %swap3A_903 = arith.constant 0 : index
    %swap3A_904 = tpu.vector_load %arg20[%swap3A_902, %swap3A_903] {strides = array<i32>} : memref<128x16xf32, #tpu.memory_space<vmem>>, vector<1x16xf32>,
    %swap3A_905 = vector.shape_cast %swap3A_904 : vector<1x16xf32> to vector<16xf32>
    %swap3A_906 = vector.shape_cast %broadcast_in_dim3A_900 : vector<16xf32> to vector<1x16xf32>
    tpu.vector_store %arg20[%swap3A_902, %swap3A_903], %swap3A_906 {strides = array<i32>} : memref<128x16xf32, #tpu.memory_space<vmem>>, vector<1x16xf32>,
    %broadcast_in_dim3A_907 = arith.constant 1.000000e+00 : f32
    %broadcast_in_dim3A_908 = vector.broadcast %broadcast_in_dim3A_907 : f32 to vector<16xf32>
    %swap3A_909 = arith.constant 109 : i32
    %swap3A_910 = arith.index_cast %swap3A_909 : i32 to index
    %swap3A_911 = arith.constant 0 : index
    %swap3A_912 = tpu.vector_load %arg20[%swap3A_910, %swap3A_911] {strides = array<i32>} : memref<128x16xf32, #tpu.memory_space<vmem>>, vector<1x16xf32>,
    %swap3A_913 = vector.shape_cast %swap3A_912 : vector<1x16xf32> to vector<16xf32>
    %swap3A_914 = vector.shape_cast %broadcast_in_dim3A_908 : vector<16xf32> to vector<1x16xf32>
    tpu.vector_store %arg20[%swap3A_910, %swap3A_911], %swap3A_914 {strides = array<i32>} : memref<128x16xf32, #tpu.memory_space<vmem>>, vector<1x16xf32>,
    %broadcast_in_dim3A_915 = arith.constant 1.000000e+00 : f32
    %broadcast_in_dim3A_916 = vector.broadcast %broadcast_in_dim3A_915 : f32 to vector<16xf32>
    %swap3A_917 = arith.constant 110 : i32
    %swap3A_918 = arith.index_cast %swap3A_917 : i32 to index
    %swap3A_919 = arith.constant 0 : index
    %swap3A_920 = tpu.vector_load %arg20[%swap3A_918, %swap3A_919] {strides = array<i32>} : memref<128x16xf32, #tpu.memory_space<vmem>>, vector<1x16xf32>,
    %swap3A_921 = vector.shape_cast %swap3A_920 : vector<1x16xf32> to vector<16xf32>
    %swap3A_922 = vector.shape_cast %broadcast_in_dim3A_916 : vector<16xf32> to vector<1x16xf32>
    tpu.vector_store %arg20[%swap3A_918, %swap3A_919], %swap3A_922 {strides = array<i32>} : memref<128x16xf32, #tpu.memory_space<vmem>>, vector<1x16xf32>,
    %broadcast_in_dim3A_923 = arith.constant 1.000000e+00 : f32
    %broadcast_in_dim3A_924 = vector.broadcast %broadcast_in_dim3A_923 : f32 to vector<16xf32>
    %swap3A_925 = arith.constant 111 : i32
    %swap3A_926 = arith.index_cast %swap3A_925 : i32 to index
    %swap3A_927 = arith.constant 0 : index
    %swap3A_928 = tpu.vector_load %arg20[%swap3A_926, %swap3A_927] {strides = array<i32>} : memref<128x16xf32, #tpu.memory_space<vmem>>, vector<1x16xf32>,
    %swap3A_929 = vector.shape_cast %swap3A_928 : vector<1x16xf32> to vector<16xf32>
    %swap3A_930 = vector.shape_cast %broadcast_in_dim3A_924 : vector<16xf32> to vector<1x16xf32>
    tpu.vector_store %arg20[%swap3A_926, %swap3A_927], %swap3A_930 {strides = array<i32>} : memref<128x16xf32, #tpu.memory_space<vmem>>, vector<1x16xf32>,
    %broadcast_in_dim3A_931 = arith.constant 1.000000e+00 : f32
    %broadcast_in_dim3A_932 = vector.broadcast %broadcast_in_dim3A_931 : f32 to vector<16xf32>
    %swap3A_933 = arith.constant 112 : i32
    %swap3A_934 = arith.index_cast %swap3A_933 : i32 to index
    %swap3A_935 = arith.constant 0 : index
    %swap3A_936 = tpu.vector_load %arg20[%swap3A_934, %swap3A_935] {strides = array<i32>} : memref<128x16xf32, #tpu.memory_space<vmem>>, vector<1x16xf32>,
    %swap3A_937 = vector.shape_cast %swap3A_936 : vector<1x16xf32> to vector<16xf32>
    %swap3A_938 = vector.shape_cast %broadcast_in_dim3A_932 : vector<16xf32> to vector<1x16xf32>
    tpu.vector_store %arg20[%swap3A_934, %swap3A_935], %swap3A_938 {strides = array<i32>} : memref<128x16xf32, #tpu.memory_space<vmem>>, vector<1x16xf32>,
    %broadcast_in_dim3A_939 = arith.constant 1.000000e+00 : f32
    %broadcast_in_dim3A_940 = vector.broadcast %broadcast_in_dim3A_939 : f32 to vector<16xf32>
    %swap3A_941 = arith.constant 113 : i32
    %swap3A_942 = arith.index_cast %swap3A_941 : i32 to index
    %swap3A_943 = arith.constant 0 : index
    %swap3A_944 = tpu.vector_load %arg20[%swap3A_942, %swap3A_943] {strides = array<i32>} : memref<128x16xf32, #tpu.memory_space<vmem>>, vector<1x16xf32>,
    %swap3A_945 = vector.shape_cast %swap3A_944 : vector<1x16xf32> to vector<16xf32>
    %swap3A_946 = vector.shape_cast %broadcast_in_dim3A_940 : vector<16xf32> to vector<1x16xf32>
    tpu.vector_store %arg20[%swap3A_942, %swap3A_943], %swap3A_946 {strides = array<i32>} : memref<128x16xf32, #tpu.memory_space<vmem>>, vector<1x16xf32>,
    %broadcast_in_dim3A_947 = arith.constant 1.000000e+00 : f32
    %broadcast_in_dim3A_948 = vector.broadcast %broadcast_in_dim3A_947 : f32 to vector<16xf32>
    %swap3A_949 = arith.constant 114 : i32
    %swap3A_950 = arith.index_cast %swap3A_949 : i32 to index
    %swap3A_951 = arith.constant 0 : index
    %swap3A_952 = tpu.vector_load %arg20[%swap3A_950, %swap3A_951] {strides = array<i32>} : memref<128x16xf32, #tpu.memory_space<vmem>>, vector<1x16xf32>,
    %swap3A_953 = vector.shape_cast %swap3A_952 : vector<1x16xf32> to vector<16xf32>
    %swap3A_954 = vector.shape_cast %broadcast_in_dim3A_948 : vector<16xf32> to vector<1x16xf32>
    tpu.vector_store %arg20[%swap3A_950, %swap3A_951], %swap3A_954 {strides = array<i32>} : memref<128x16xf32, #tpu.memory_space<vmem>>, vector<1x16xf32>,
    %broadcast_in_dim3A_955 = arith.constant 1.000000e+00 : f32
    %broadcast_in_dim3A_956 = vector.broadcast %broadcast_in_dim3A_955 : f32 to vector<16xf32>
    %swap3A_957 = arith.constant 115 : i32
    %swap3A_958 = arith.index_cast %swap3A_957 : i32 to index
    %swap3A_959 = arith.constant 0 : index
    %swap3A_960 = tpu.vector_load %arg20[%swap3A_958, %swap3A_959] {strides = array<i32>} : memref<128x16xf32, #tpu.memory_space<vmem>>, vector<1x16xf32>,
    %swap3A_961 = vector.shape_cast %swap3A_960 : vector<1x16xf32> to vector<16xf32>
    %swap3A_962 = vector.shape_cast %broadcast_in_dim3A_956 : vector<16xf32> to vector<1x16xf32>
    tpu.vector_store %arg20[%swap3A_958, %swap3A_959], %swap3A_962 {strides = array<i32>} : memref<128x16xf32, #tpu.memory_space<vmem>>, vector<1x16xf32>,
    %broadcast_in_dim3A_963 = arith.constant 1.000000e+00 : f32
    %broadcast_in_dim3A_964 = vector.broadcast %broadcast_in_dim3A_963 : f32 to vector<16xf32>
    %swap3A_965 = arith.constant 116 : i32
    %swap3A_966 = arith.index_cast %swap3A_965 : i32 to index
    %swap3A_967 = arith.constant 0 : index
    %swap3A_968 = tpu.vector_load %arg20[%swap3A_966, %swap3A_967] {strides = array<i32>} : memref<128x16xf32, #tpu.memory_space<vmem>>, vector<1x16xf32>,
    %swap3A_969 = vector.shape_cast %swap3A_968 : vector<1x16xf32> to vector<16xf32>
    %swap3A_970 = vector.shape_cast %broadcast_in_dim3A_964 : vector<16xf32> to vector<1x16xf32>
    tpu.vector_store %arg20[%swap3A_966, %swap3A_967], %swap3A_970 {strides = array<i32>} : memref<128x16xf32, #tpu.memory_space<vmem>>, vector<1x16xf32>,
    %broadcast_in_dim3A_971 = arith.constant 1.000000e+00 : f32
    %broadcast_in_dim3A_972 = vector.broadcast %broadcast_in_dim3A_971 : f32 to vector<16xf32>
    %swap3A_973 = arith.constant 117 : i32
    %swap3A_974 = arith.index_cast %swap3A_973 : i32 to index
    %swap3A_975 = arith.constant 0 : index
    %swap3A_976 = tpu.vector_load %arg20[%swap3A_974, %swap3A_975] {strides = array<i32>} : memref<128x16xf32, #tpu.memory_space<vmem>>, vector<1x16xf32>,
    %swap3A_977 = vector.shape_cast %swap3A_976 : vector<1x16xf32> to vector<16xf32>
    %swap3A_978 = vector.shape_cast %broadcast_in_dim3A_972 : vector<16xf32> to vector<1x16xf32>
    tpu.vector_store %arg20[%swap3A_974, %swap3A_975], %swap3A_978 {strides = array<i32>} : memref<128x16xf32, #tpu.memory_space<vmem>>, vector<1x16xf32>,
    %broadcast_in_dim3A_979 = arith.constant 1.000000e+00 : f32
    %broadcast_in_dim3A_980 = vector.broadcast %broadcast_in_dim3A_979 : f32 to vector<16xf32>
    %swap3A_981 = arith.constant 118 : i32
    %swap3A_982 = arith.index_cast %swap3A_981 : i32 to index
    %swap3A_983 = arith.constant 0 : index
    %swap3A_984 = tpu.vector_load %arg20[%swap3A_982, %swap3A_983] {strides = array<i32>} : memref<128x16xf32, #tpu.memory_space<vmem>>, vector<1x16xf32>,
    %swap3A_985 = vector.shape_cast %swap3A_984 : vector<1x16xf32> to vector<16xf32>
    %swap3A_986 = vector.shape_cast %broadcast_in_dim3A_980 : vector<16xf32> to vector<1x16xf32>
    tpu.vector_store %arg20[%swap3A_982, %swap3A_983], %swap3A_986 {strides = array<i32>} : memref<128x16xf32, #tpu.memory_space<vmem>>, vector<1x16xf32>,
    %broadcast_in_dim3A_987 = arith.constant 1.000000e+00 : f32
    %broadcast_in_dim3A_988 = vector.broadcast %broadcast_in_dim3A_987 : f32 to vector<16xf32>
    %swap3A_989 = arith.constant 119 : i32
    %swap3A_990 = arith.index_cast %swap3A_989 : i32 to index
    %swap3A_991 = arith.constant 0 : index
    %swap3A_992 = tpu.vector_load %arg20[%swap3A_990, %swap3A_991] {strides = array<i32>} : memref<128x16xf32, #tpu.memory_space<vmem>>, vector<1x16xf32>,
    %swap3A_993 = vector.shape_cast %swap3A_992 : vector<1x16xf32> to vector<16xf32>
    %swap3A_994 = vector.shape_cast %broadcast_in_dim3A_988 : vector<16xf32> to vector<1x16xf32>
    tpu.vector_store %arg20[%swap3A_990, %swap3A_991], %swap3A_994 {strides = array<i32>} : memref<128x16xf32, #tpu.memory_space<vmem>>, vector<1x16xf32>,
    %broadcast_in_dim3A_995 = arith.constant 1.000000e+00 : f32
    %broadcast_in_dim3A_996 = vector.broadcast %broadcast_in_dim3A_995 : f32 to vector<16xf32>
    %swap3A_997 = arith.constant 120 : i32
    %swap3A_998 = arith.index_cast %swap3A_997 : i32 to index
    %swap3A_999 = arith.constant 0 : index
    %swap3A_1000 = tpu.vector_load %arg20[%swap3A_998, %swap3A_999] {strides = array<i32>} : memref<128x16xf32, #tpu.memory_space<vmem>>, vector<1x16xf32>,
    %swap3A_1001 = vector.shape_cast %swap3A_1000 : vector<1x16xf32> to vector<16xf32>
    %swap3A_1002 = vector.shape_cast %broadcast_in_dim3A_996 : vector<16xf32> to vector<1x16xf32>
    tpu.vector_store %arg20[%swap3A_998, %swap3A_999], %swap3A_1002 {strides = array<i32>} : memref<128x16xf32, #tpu.memory_space<vmem>>, vector<1x16xf32>,
    %broadcast_in_dim3A_1003 = arith.constant 1.000000e+00 : f32
    %broadcast_in_dim3A_1004 = vector.broadcast %broadcast_in_dim3A_1003 : f32 to vector<16xf32>
    %swap3A_1005 = arith.constant 121 : i32
    %swap3A_1006 = arith.index_cast %swap3A_1005 : i32 to index
    %swap3A_1007 = arith.constant 0 : index
    %swap3A_1008 = tpu.vector_load %arg20[%swap3A_1006, %swap3A_1007] {strides = array<i32>} : memref<128x16xf32, #tpu.memory_space<vmem>>, vector<1x16xf32>,
    %swap3A_1009 = vector.shape_cast %swap3A_1008 : vector<1x16xf32> to vector<16xf32>
    %swap3A_1010 = vector.shape_cast %broadcast_in_dim3A_1004 : vector<16xf32> to vector<1x16xf32>
    tpu.vector_store %arg20[%swap3A_1006, %swap3A_1007], %swap3A_1010 {strides = array<i32>} : memref<128x16xf32, #tpu.memory_space<vmem>>, vector<1x16xf32>,
    %broadcast_in_dim3A_1011 = arith.constant 1.000000e+00 : f32
    %broadcast_in_dim3A_1012 = vector.broadcast %broadcast_in_dim3A_1011 : f32 to vector<16xf32>
    %swap3A_1013 = arith.constant 122 : i32
    %swap3A_1014 = arith.index_cast %swap3A_1013 : i32 to index
    %swap3A_1015 = arith.constant 0 : index
    %swap3A_1016 = tpu.vector_load %arg20[%swap3A_1014, %swap3A_1015] {strides = array<i32>} : memref<128x16xf32, #tpu.memory_space<vmem>>, vector<1x16xf32>,
    %swap3A_1017 = vector.shape_cast %swap3A_1016 : vector<1x16xf32> to vector<16xf32>
    %swap3A_1018 = vector.shape_cast %broadcast_in_dim3A_1012 : vector<16xf32> to vector<1x16xf32>
    tpu.vector_store %arg20[%swap3A_1014, %swap3A_1015], %swap3A_1018 {strides = array<i32>} : memref<128x16xf32, #tpu.memory_space<vmem>>, vector<1x16xf32>,
    %broadcast_in_dim3A_1019 = arith.constant 1.000000e+00 : f32
    %broadcast_in_dim3A_1020 = vector.broadcast %broadcast_in_dim3A_1019 : f32 to vector<16xf32>
    %swap3A_1021 = arith.constant 123 : i32
    %swap3A_1022 = arith.index_cast %swap3A_1021 : i32 to index
    %swap3A_1023 = arith.constant 0 : index
    %swap3A_1024 = tpu.vector_load %arg20[%swap3A_1022, %swap3A_1023] {strides = array<i32>} : memref<128x16xf32, #tpu.memory_space<vmem>>, vector<1x16xf32>,
    %swap3A_1025 = vector.shape_cast %swap3A_1024 : vector<1x16xf32> to vector<16xf32>
    %swap3A_1026 = vector.shape_cast %broadcast_in_dim3A_1020 : vector<16xf32> to vector<1x16xf32>
    tpu.vector_store %arg20[%swap3A_1022, %swap3A_1023], %swap3A_1026 {strides = array<i32>} : memref<128x16xf32, #tpu.memory_space<vmem>>, vector<1x16xf32>,
    %broadcast_in_dim3A_1027 = arith.constant 1.000000e+00 : f32
    %broadcast_in_dim3A_1028 = vector.broadcast %broadcast_in_dim3A_1027 : f32 to vector<16xf32>
    %swap3A_1029 = arith.constant 124 : i32
    %swap3A_1030 = arith.index_cast %swap3A_1029 : i32 to index
    %swap3A_1031 = arith.constant 0 : index
    %swap3A_1032 = tpu.vector_load %arg20[%swap3A_1030, %swap3A_1031] {strides = array<i32>} : memref<128x16xf32, #tpu.memory_space<vmem>>, vector<1x16xf32>,
    %swap3A_1033 = vector.shape_cast %swap3A_1032 : vector<1x16xf32> to vector<16xf32>
    %swap3A_1034 = vector.shape_cast %broadcast_in_dim3A_1028 : vector<16xf32> to vector<1x16xf32>
    tpu.vector_store %arg20[%swap3A_1030, %swap3A_1031], %swap3A_1034 {strides = array<i32>} : memref<128x16xf32, #tpu.memory_space<vmem>>, vector<1x16xf32>,
    %broadcast_in_dim3A_1035 = arith.constant 1.000000e+00 : f32
    %broadcast_in_dim3A_1036 = vector.broadcast %broadcast_in_dim3A_1035 : f32 to vector<16xf32>
    %swap3A_1037 = arith.constant 125 : i32
    %swap3A_1038 = arith.index_cast %swap3A_1037 : i32 to index
    %swap3A_1039 = arith.constant 0 : index
    %swap3A_1040 = tpu.vector_load %arg20[%swap3A_1038, %swap3A_1039] {strides = array<i32>} : memref<128x16xf32, #tpu.memory_space<vmem>>, vector<1x16xf32>,
    %swap3A_1041 = vector.shape_cast %swap3A_1040 : vector<1x16xf32> to vector<16xf32>
    %swap3A_1042 = vector.shape_cast %broadcast_in_dim3A_1036 : vector<16xf32> to vector<1x16xf32>
    tpu.vector_store %arg20[%swap3A_1038, %swap3A_1039], %swap3A_1042 {strides = array<i32>} : memref<128x16xf32, #tpu.memory_space<vmem>>, vector<1x16xf32>,
    %broadcast_in_dim3A_1043 = arith.constant 1.000000e+00 : f32
    %broadcast_in_dim3A_1044 = vector.broadcast %broadcast_in_dim3A_1043 : f32 to vector<16xf32>
    %swap3A_1045 = arith.constant 126 : i32
    %swap3A_1046 = arith.index_cast %swap3A_1045 : i32 to index
    %swap3A_1047 = arith.constant 0 : index
    %swap3A_1048 = tpu.vector_load %arg20[%swap3A_1046, %swap3A_1047] {strides = array<i32>} : memref<128x16xf32, #tpu.memory_space<vmem>>, vector<1x16xf32>,
    %swap3A_1049 = vector.shape_cast %swap3A_1048 : vector<1x16xf32> to vector<16xf32>
    %swap3A_1050 = vector.shape_cast %broadcast_in_dim3A_1044 : vector<16xf32> to vector<1x16xf32>
    tpu.vector_store %arg20[%swap3A_1046, %swap3A_1047], %swap3A_1050 {strides = array<i32>} : memref<128x16xf32, #tpu.memory_space<vmem>>, vector<1x16xf32>,
    %broadcast_in_dim3A_1051 = arith.constant 1.000000e+00 : f32
    %broadcast_in_dim3A_1052 = vector.broadcast %broadcast_in_dim3A_1051 : f32 to vector<16xf32>
    %swap3A_1053 = arith.constant 127 : i32
    %swap3A_1054 = arith.index_cast %swap3A_1053 : i32 to index
    %swap3A_1055 = arith.constant 0 : index
    %swap3A_1056 = tpu.vector_load %arg20[%swap3A_1054, %swap3A_1055] {strides = array<i32>} : memref<128x16xf32, #tpu.memory_space<vmem>>, vector<1x16xf32>,
    %swap3A_1057 = vector.shape_cast %swap3A_1056 : vector<1x16xf32> to vector<16xf32>
    %swap3A_1058 = vector.shape_cast %broadcast_in_dim3A_1052 : vector<16xf32> to vector<1x16xf32>
    tpu.vector_store %arg20[%swap3A_1054, %swap3A_1055], %swap3A_1058 {strides = array<i32>} : memref<128x16xf32, #tpu.memory_space<vmem>>, vector<1x16xf32>,
    %barrier3A = arith.constant 0 : index
    tpu.barrier barrier_id(%barrier3A)
    %mul3A_1059 = arith.constant 156 : i32
    %mul3A_1060 = arith.muli %arg1, %mul3A_1059 : i32
    %mul3A_1061 = arith.constant 128 : i32
    %mul3A_1062 = arith.muli %mul3A_1060, %mul3A_1061 : i32
    %eq3A_1063 = arith.constant 15 : i32
    %eq3A_1064 = arith.cmpi eq, %arg1, %eq3A_1063 : i32
    %jit3A = arith.constant 160 : i32
    %jit3A_1065 = arith.constant 156 : i32
    %select_n3A = arith.select %eq3A_1064, %jit3A, %jit3A_1065 : i32
    %add3A_1066 = arith.constant 0 : i32
    %add3A_1067 = arith.addi %mul3A_1062, %add3A_1066 : i32
    %dma_start3A = arith.constant 0 : i32
    %dma_start3A_1068 = tpu.memref_slice %arg3[%dma_start3A, %add3A_1067] : memref<2x320000xi32, #tpu.memory_space<hbm>> -> memref<1x128xi32, #tpu.memory_space<hbm>>
    %dma_start3A_1069 = tpu.memref_squeeze %dma_start3A_1068 : memref<1x128xi32, #tpu.memory_space<hbm>> -> memref<128xi32, #tpu.memory_space<hbm>>
    %dma_start3A_1070 = tpu.memref_slice %arg3[%dma_start3A, %add3A_1067] : memref<2x320000xi32, #tpu.memory_space<hbm>> -> memref<1x128xi32, #tpu.memory_space<hbm>>
    %dma_start3A_1071 = tpu.memref_squeeze %dma_start3A_1070 : memref<1x128xi32, #tpu.memory_space<hbm>> -> memref<128xi32, #tpu.memory_space<hbm>>
    tpu.enqueue_dma source(%dma_start3A_1071 : memref<128xi32, #tpu.memory_space<hbm>>) target(%arg12 : memref<128xi32, #tpu.memory_space<vmem>>) target_semaphore(%arg21 : memref<!tpu.dma_semaphore, #tpu.memory_space<semaphore_mem>>)
    %dma_start3A_1072 = arith.constant 1 : i32
    %dma_start3A_1073 = tpu.memref_slice %arg3[%dma_start3A_1072, %add3A_1067] : memref<2x320000xi32, #tpu.memory_space<hbm>> -> memref<1x128xi32, #tpu.memory_space<hbm>>
    %dma_start3A_1074 = tpu.memref_squeeze %dma_start3A_1073 : memref<1x128xi32, #tpu.memory_space<hbm>> -> memref<128xi32, #tpu.memory_space<hbm>>
    %dma_start3A_1075 = tpu.memref_slice %arg3[%dma_start3A_1072, %add3A_1067] : memref<2x320000xi32, #tpu.memory_space<hbm>> -> memref<1x128xi32, #tpu.memory_space<hbm>>
    %dma_start3A_1076 = tpu.memref_squeeze %dma_start3A_1075 : memref<1x128xi32, #tpu.memory_space<hbm>> -> memref<128xi32, #tpu.memory_space<hbm>>
    tpu.enqueue_dma source(%dma_start3A_1076 : memref<128xi32, #tpu.memory_space<hbm>>) target(%arg14 : memref<128xi32, #tpu.memory_space<vmem>>) target_semaphore(%arg21 : memref<!tpu.dma_semaphore, #tpu.memory_space<semaphore_mem>>)
    %dma_wait3A = arith.constant 0 : i32
    %dma_wait3A_1077 = arith.constant 0 : i32
    %dma_wait3A_1078 = tpu.memref_slice %arg3[%dma_wait3A, %dma_wait3A_1077] : memref<2x320000xi32, #tpu.memory_space<hbm>> -> memref<1x128xi32, #tpu.memory_space<hbm>>
    %dma_wait3A_1079 = tpu.memref_squeeze %dma_wait3A_1078 : memref<1x128xi32, #tpu.memory_space<hbm>> -> memref<128xi32, #tpu.memory_space<hbm>>
    %dma_wait3A_1080 = arith.constant 0 : i32
    %dma_wait3A_1081 = tpu.memref_slice %arg3[%dma_wait3A, %dma_wait3A_1080] : memref<2x320000xi32, #tpu.memory_space<hbm>> -> memref<1x128xi32, #tpu.memory_space<hbm>>
    %dma_wait3A_1082 = tpu.memref_squeeze %dma_wait3A_1081 : memref<1x128xi32, #tpu.memory_space<hbm>> -> memref<128xi32, #tpu.memory_space<hbm>>
    tpu.wait_dma2 semaphore(%arg21 : memref<!tpu.dma_semaphore, #tpu.memory_space<semaphore_mem>>) src(%dma_wait3A_1082 : memref<128xi32, #tpu.memory_space<hbm>>) dst(%arg12 : memref<128xi32, #tpu.memory_space<vmem>>)
    %dma_wait3A_1083 = arith.constant 0 : i32
    %dma_wait3A_1084 = arith.constant 0 : i32
    %dma_wait3A_1085 = tpu.memref_slice %arg3[%dma_wait3A_1083, %dma_wait3A_1084] : memref<2x320000xi32, #tpu.memory_space<hbm>> -> memref<1x128xi32, #tpu.memory_space<hbm>>
    %dma_wait3A_1086 = tpu.memref_squeeze %dma_wait3A_1085 : memref<1x128xi32, #tpu.memory_space<hbm>> -> memref<128xi32, #tpu.memory_space<hbm>>
    %dma_wait3A_1087 = arith.constant 0 : i32
    %dma_wait3A_1088 = tpu.memref_slice %arg3[%dma_wait3A_1083, %dma_wait3A_1087] : memref<2x320000xi32, #tpu.memory_space<hbm>> -> memref<1x128xi32, #tpu.memory_space<hbm>>
    %dma_wait3A_1089 = tpu.memref_squeeze %dma_wait3A_1088 : memref<1x128xi32, #tpu.memory_space<hbm>> -> memref<128xi32, #tpu.memory_space<hbm>>
    tpu.wait_dma2 semaphore(%arg21 : memref<!tpu.dma_semaphore, #tpu.memory_space<semaphore_mem>>) src(%dma_wait3A_1089 : memref<128xi32, #tpu.memory_space<hbm>>) dst(%arg14 : memref<128xi32, #tpu.memory_space<vmem>>)
    %get3A = arith.constant 0 : index
    %get3A_1090 = tpu.vector_load %arg12[%get3A] {strides = array<i32>} : memref<128xi32, #tpu.memory_space<vmem>>, vector<16xi32>,
    %get3A_1091 = vector.shape_cast %get3A_1090 : vector<16xi32> to vector<16xi32>
    %mul3A_1092 = arith.constant 2 : i32
    %mul3A_1093 = vector.broadcast %mul3A_1092 : i32 to vector<16xi32>
    %mul3A_1094 = arith.muli %get3A_1091, %mul3A_1093 : vector<16xi32>
    %add3A_1095 = vector.broadcast %arg0 : i32 to vector<16xi32>
    %add3A_1096 = arith.addi %mul3A_1094, %add3A_1095 : vector<16xi32>
    %swap3A_1097 = arith.constant 0 : index
    %swap3A_1098 = tpu.vector_load %arg10[%swap3A_1097] {strides = array<i32>} : memref<128xi32, #tpu.memory_space<vmem>>, vector<16xi32>,
    %swap3A_1099 = vector.shape_cast %swap3A_1098 : vector<16xi32> to vector<16xi32>
    %swap3A_1100 = vector.shape_cast %add3A_1096 : vector<16xi32> to vector<16xi32>
    tpu.vector_store %arg10[%swap3A_1097], %swap3A_1100 {strides = array<i32>} : memref<128xi32, #tpu.memory_space<vmem>>, vector<16xi32>,
    %get3A_1101 = arith.constant 16 : index
    %get3A_1102 = tpu.vector_load %arg12[%get3A_1101] {strides = array<i32>} : memref<128xi32, #tpu.memory_space<vmem>>, vector<16xi32>,
    %get3A_1103 = vector.shape_cast %get3A_1102 : vector<16xi32> to vector<16xi32>
    %mul3A_1104 = arith.constant 2 : i32
    %mul3A_1105 = vector.broadcast %mul3A_1104 : i32 to vector<16xi32>
    %mul3A_1106 = arith.muli %get3A_1103, %mul3A_1105 : vector<16xi32>
    %add3A_1107 = vector.broadcast %arg0 : i32 to vector<16xi32>
    %add3A_1108 = arith.addi %mul3A_1106, %add3A_1107 : vector<16xi32>
    %swap3A_1109 = arith.constant 16 : index
    %swap3A_1110 = tpu.vector_load %arg10[%swap3A_1109] {strides = array<i32>} : memref<128xi32, #tpu.memory_space<vmem>>, vector<16xi32>,
    %swap3A_1111 = vector.shape_cast %swap3A_1110 : vector<16xi32> to vector<16xi32>
    %swap3A_1112 = vector.shape_cast %add3A_1108 : vector<16xi32> to vector<16xi32>
    tpu.vector_store %arg10[%swap3A_1109], %swap3A_1112 {strides = array<i32>} : memref<128xi32, #tpu.memory_space<vmem>>, vector<16xi32>,
    %get3A_1113 = arith.constant 32 : index
    %get3A_1114 = tpu.vector_load %arg12[%get3A_1113] {strides = array<i32>} : memref<128xi32, #tpu.memory_space<vmem>>, vector<16xi32>,
    %get3A_1115 = vector.shape_cast %get3A_1114 : vector<16xi32> to vector<16xi32>
    %mul3A_1116 = arith.constant 2 : i32
    %mul3A_1117 = vector.broadcast %mul3A_1116 : i32 to vector<16xi32>
    %mul3A_1118 = arith.muli %get3A_1115, %mul3A_1117 : vector<16xi32>
    %add3A_1119 = vector.broadcast %arg0 : i32 to vector<16xi32>
    %add3A_1120 = arith.addi %mul3A_1118, %add3A_1119 : vector<16xi32>
    %swap3A_1121 = arith.constant 32 : index
    %swap3A_1122 = tpu.vector_load %arg10[%swap3A_1121] {strides = array<i32>} : memref<128xi32, #tpu.memory_space<vmem>>, vector<16xi32>,
    %swap3A_1123 = vector.shape_cast %swap3A_1122 : vector<16xi32> to vector<16xi32>
    %swap3A_1124 = vector.shape_cast %add3A_1120 : vector<16xi32> to vector<16xi32>
    tpu.vector_store %arg10[%swap3A_1121], %swap3A_1124 {strides = array<i32>} : memref<128xi32, #tpu.memory_space<vmem>>, vector<16xi32>,
    %get3A_1125 = arith.constant 48 : index
    %get3A_1126 = tpu.vector_load %arg12[%get3A_1125] {strides = array<i32>} : memref<128xi32, #tpu.memory_space<vmem>>, vector<16xi32>,
    %get3A_1127 = vector.shape_cast %get3A_1126 : vector<16xi32> to vector<16xi32>
    %mul3A_1128 = arith.constant 2 : i32
    %mul3A_1129 = vector.broadcast %mul3A_1128 : i32 to vector<16xi32>
    %mul3A_1130 = arith.muli %get3A_1127, %mul3A_1129 : vector<16xi32>
    %add3A_1131 = vector.broadcast %arg0 : i32 to vector<16xi32>
    %add3A_1132 = arith.addi %mul3A_1130, %add3A_1131 : vector<16xi32>
    %swap3A_1133 = arith.constant 48 : index
    %swap3A_1134 = tpu.vector_load %arg10[%swap3A_1133] {strides = array<i32>} : memref<128xi32, #tpu.memory_space<vmem>>, vector<16xi32>,
    %swap3A_1135 = vector.shape_cast %swap3A_1134 : vector<16xi32> to vector<16xi32>
    %swap3A_1136 = vector.shape_cast %add3A_1132 : vector<16xi32> to vector<16xi32>
    tpu.vector_store %arg10[%swap3A_1133], %swap3A_1136 {strides = array<i32>} : memref<128xi32, #tpu.memory_space<vmem>>, vector<16xi32>,
    %get3A_1137 = arith.constant 64 : index
    %get3A_1138 = tpu.vector_load %arg12[%get3A_1137] {strides = array<i32>} : memref<128xi32, #tpu.memory_space<vmem>>, vector<16xi32>,
    %get3A_1139 = vector.shape_cast %get3A_1138 : vector<16xi32> to vector<16xi32>
    %mul3A_1140 = arith.constant 2 : i32
    %mul3A_1141 = vector.broadcast %mul3A_1140 : i32 to vector<16xi32>
    %mul3A_1142 = arith.muli %get3A_1139, %mul3A_1141 : vector<16xi32>
    %add3A_1143 = vector.broadcast %arg0 : i32 to vector<16xi32>
    %add3A_1144 = arith.addi %mul3A_1142, %add3A_1143 : vector<16xi32>
    %swap3A_1145 = arith.constant 64 : index
    %swap3A_1146 = tpu.vector_load %arg10[%swap3A_1145] {strides = array<i32>} : memref<128xi32, #tpu.memory_space<vmem>>, vector<16xi32>,
    %swap3A_1147 = vector.shape_cast %swap3A_1146 : vector<16xi32> to vector<16xi32>
    %swap3A_1148 = vector.shape_cast %add3A_1144 : vector<16xi32> to vector<16xi32>
    tpu.vector_store %arg10[%swap3A_1145], %swap3A_1148 {strides = array<i32>} : memref<128xi32, #tpu.memory_space<vmem>>, vector<16xi32>,
    %get3A_1149 = arith.constant 80 : index
    %get3A_1150 = tpu.vector_load %arg12[%get3A_1149] {strides = array<i32>} : memref<128xi32, #tpu.memory_space<vmem>>, vector<16xi32>,
    %get3A_1151 = vector.shape_cast %get3A_1150 : vector<16xi32> to vector<16xi32>
    %mul3A_1152 = arith.constant 2 : i32
    %mul3A_1153 = vector.broadcast %mul3A_1152 : i32 to vector<16xi32>
    %mul3A_1154 = arith.muli %get3A_1151, %mul3A_1153 : vector<16xi32>
    %add3A_1155 = vector.broadcast %arg0 : i32 to vector<16xi32>
    %add3A_1156 = arith.addi %mul3A_1154, %add3A_1155 : vector<16xi32>
    %swap3A_1157 = arith.constant 80 : index
    %swap3A_1158 = tpu.vector_load %arg10[%swap3A_1157] {strides = array<i32>} : memref<128xi32, #tpu.memory_space<vmem>>, vector<16xi32>,
    %swap3A_1159 = vector.shape_cast %swap3A_1158 : vector<16xi32> to vector<16xi32>
    %swap3A_1160 = vector.shape_cast %add3A_1156 : vector<16xi32> to vector<16xi32>
    tpu.vector_store %arg10[%swap3A_1157], %swap3A_1160 {strides = array<i32>} : memref<128xi32, #tpu.memory_space<vmem>>, vector<16xi32>,
    %get3A_1161 = arith.constant 96 : index
    %get3A_1162 = tpu.vector_load %arg12[%get3A_1161] {strides = array<i32>} : memref<128xi32, #tpu.memory_space<vmem>>, vector<16xi32>,
    %get3A_1163 = vector.shape_cast %get3A_1162 : vector<16xi32> to vector<16xi32>
    %mul3A_1164 = arith.constant 2 : i32
    %mul3A_1165 = vector.broadcast %mul3A_1164 : i32 to vector<16xi32>
    %mul3A_1166 = arith.muli %get3A_1163, %mul3A_1165 : vector<16xi32>
    %add3A_1167 = vector.broadcast %arg0 : i32 to vector<16xi32>
    %add3A_1168 = arith.addi %mul3A_1166, %add3A_1167 : vector<16xi32>
    %swap3A_1169 = arith.constant 96 : index
    %swap3A_1170 = tpu.vector_load %arg10[%swap3A_1169] {strides = array<i32>} : memref<128xi32, #tpu.memory_space<vmem>>, vector<16xi32>,
    %swap3A_1171 = vector.shape_cast %swap3A_1170 : vector<16xi32> to vector<16xi32>
    %swap3A_1172 = vector.shape_cast %add3A_1168 : vector<16xi32> to vector<16xi32>
    tpu.vector_store %arg10[%swap3A_1169], %swap3A_1172 {strides = array<i32>} : memref<128xi32, #tpu.memory_space<vmem>>, vector<16xi32>,
    %get3A_1173 = arith.constant 112 : index
    %get3A_1174 = tpu.vector_load %arg12[%get3A_1173] {strides = array<i32>} : memref<128xi32, #tpu.memory_space<vmem>>, vector<16xi32>,
    %get3A_1175 = vector.shape_cast %get3A_1174 : vector<16xi32> to vector<16xi32>
    %mul3A_1176 = arith.constant 2 : i32
    %mul3A_1177 = vector.broadcast %mul3A_1176 : i32 to vector<16xi32>
    %mul3A_1178 = arith.muli %get3A_1175, %mul3A_1177 : vector<16xi32>
    %add3A_1179 = vector.broadcast %arg0 : i32 to vector<16xi32>
    %add3A_1180 = arith.addi %mul3A_1178, %add3A_1179 : vector<16xi32>
    %swap3A_1181 = arith.constant 112 : index
    %swap3A_1182 = tpu.vector_load %arg10[%swap3A_1181] {strides = array<i32>} : memref<128xi32, #tpu.memory_space<vmem>>, vector<16xi32>,
    %swap3A_1183 = vector.shape_cast %swap3A_1182 : vector<16xi32> to vector<16xi32>
    %swap3A_1184 = vector.shape_cast %add3A_1180 : vector<16xi32> to vector<16xi32>
    tpu.vector_store %arg10[%swap3A_1181], %swap3A_1184 {strides = array<i32>} : memref<128xi32, #tpu.memory_space<vmem>>, vector<16xi32>,
    %dma_start3A_1185 = arith.constant 0 : i32
    %dma_start3A_1186 = arith.constant 0 : i32
    %dma_start3A_1187 = tpu.memref_slice %arg2[%dma_start3A_1185, %dma_start3A_1186] : memref<100000x64xf32, #tpu.memory_space<hbm>> -> memref<100000x64xf32, #tpu.memory_space<hbm>>
    tpu.enqueue_indirect_dma source(%dma_start3A_1187 : memref<100000x64xf32, #tpu.memory_space<hbm>>) target(%arg16 : memref<128x64xf32, #tpu.memory_space<vmem>>) offsets(%arg10 : memref<128xi32, #tpu.memory_space<vmem>>) semaphore(%arg23 : memref<!tpu.dma_semaphore, #tpu.memory_space<semaphore_mem>>)
    %add3A_1188 = arith.constant 0 : i32
    %add3A_1189 = arith.addi %mul3A_1062, %add3A_1188 : i32
    %mul3A_1190 = arith.constant 32 : i32
    %mul3A_1191 = arith.muli %arg0, %mul3A_1190 : i32
    %dma_start3A_1192 = tpu.memref_slice %arg4[%add3A_1189, %mul3A_1191] : memref<320000x64xf32, #tpu.memory_space<hbm>> -> memref<128x32xf32, #tpu.memory_space<hbm>>
    %dma_start3A_1193 = tpu.memref_slice %arg4[%add3A_1189, %mul3A_1191] : memref<320000x64xf32, #tpu.memory_space<hbm>> -> memref<128x32xf32, #tpu.memory_space<hbm>>
    tpu.enqueue_dma source(%dma_start3A_1193 : memref<128x32xf32, #tpu.memory_space<hbm>>) target(%arg18 : memref<128x32xf32, #tpu.memory_space<vmem>>) target_semaphore(%arg25 : memref<!tpu.dma_semaphore, #tpu.memory_space<semaphore_mem>>)
    %add3A_1194 = arith.constant 128 : i32
    %add3A_1195 = arith.addi %mul3A_1062, %add3A_1194 : i32
    %dma_start3A_1196 = arith.constant 0 : i32
    %dma_start3A_1197 = tpu.memref_slice %arg3[%dma_start3A_1196, %add3A_1195] : memref<2x320000xi32, #tpu.memory_space<hbm>> -> memref<1x128xi32, #tpu.memory_space<hbm>>
    %dma_start3A_1198 = tpu.memref_squeeze %dma_start3A_1197 : memref<1x128xi32, #tpu.memory_space<hbm>> -> memref<128xi32, #tpu.memory_space<hbm>>
    %dma_start3A_1199 = tpu.memref_slice %arg3[%dma_start3A_1196, %add3A_1195] : memref<2x320000xi32, #tpu.memory_space<hbm>> -> memref<1x128xi32, #tpu.memory_space<hbm>>
    %dma_start3A_1200 = tpu.memref_squeeze %dma_start3A_1199 : memref<1x128xi32, #tpu.memory_space<hbm>> -> memref<128xi32, #tpu.memory_space<hbm>>
    tpu.enqueue_dma source(%dma_start3A_1200 : memref<128xi32, #tpu.memory_space<hbm>>) target(%arg13 : memref<128xi32, #tpu.memory_space<vmem>>) target_semaphore(%arg22 : memref<!tpu.dma_semaphore, #tpu.memory_space<semaphore_mem>>)
    %dma_start3A_1201 = arith.constant 1 : i32
    %dma_start3A_1202 = tpu.memref_slice %arg3[%dma_start3A_1201, %add3A_1195] : memref<2x320000xi32, #tpu.memory_space<hbm>> -> memref<1x128xi32, #tpu.memory_space<hbm>>
    %dma_start3A_1203 = tpu.memref_squeeze %dma_start3A_1202 : memref<1x128xi32, #tpu.memory_space<hbm>> -> memref<128xi32, #tpu.memory_space<hbm>>
    %dma_start3A_1204 = tpu.memref_slice %arg3[%dma_start3A_1201, %add3A_1195] : memref<2x320000xi32, #tpu.memory_space<hbm>> -> memref<1x128xi32, #tpu.memory_space<hbm>>
    %dma_start3A_1205 = tpu.memref_squeeze %dma_start3A_1204 : memref<1x128xi32, #tpu.memory_space<hbm>> -> memref<128xi32, #tpu.memory_space<hbm>>
    tpu.enqueue_dma source(%dma_start3A_1205 : memref<128xi32, #tpu.memory_space<hbm>>) target(%arg15 : memref<128xi32, #tpu.memory_space<vmem>>) target_semaphore(%arg22 : memref<!tpu.dma_semaphore, #tpu.memory_space<semaphore_mem>>)
    %jit3A_1206 = arith.constant 2 : i32
    %div3A = arith.divsi %select_n3A, %jit3A_1206 : i32
    %sign3A = arith.constant 0 : i32
    %sign3A_1207 = arith.cmpi sgt, %select_n3A, %sign3A : i32
    %sign3A_1208 = arith.extui %sign3A_1207 : i1 to i32
    %sign3A_1209 = arith.constant 0 : i32
    %sign3A_1210 = arith.cmpi slt, %select_n3A, %sign3A_1209 : i32
    %sign3A_1211 = arith.extui %sign3A_1210 : i1 to i32
    %sign3A_1212 = arith.subi %sign3A_1208, %sign3A_1211 : i32
    %sign3A_1213 = arith.constant 0 : i32
    %sign3A_1214 = arith.cmpi sgt, %jit3A_1206, %sign3A_1213 : i32
    %sign3A_1215 = arith.extui %sign3A_1214 : i1 to i32
    %sign3A_1216 = arith.constant 0 : i32
    %sign3A_1217 = arith.cmpi slt, %jit3A_1206, %sign3A_1216 : i32
    %sign3A_1218 = arith.extui %sign3A_1217 : i1 to i32
    %sign3A_1219 = arith.subi %sign3A_1215, %sign3A_1218 : i32
    %ne3A = arith.cmpi ne, %sign3A_1212, %sign3A_1219 : i32
    %rem3A = arith.remsi %select_n3A, %jit3A_1206 : i32
    %ne3A_1220 = arith.constant 0 : i32
    %ne3A_1221 = arith.cmpi ne, %rem3A, %ne3A_1220 : i32
    %and3A = arith.andi %ne3A, %ne3A_1221 : i1
    %sub3A = arith.constant 1 : i32
    %sub3A_1222 = arith.subi %div3A, %sub3A : i32
    %select_n3A_1223 = arith.select %and3A, %sub3A_1222, %div3A : i32
    %while3A = arith.constant 0 : i32
    %while3A_1224 = arith.constant 0 : i32
    %while3A_1225 = arith.subi %select_n3A_1223, %while3A_1224 : i32
    %while3A_1226 = arith.addi %while3A_1224, %while3A_1225 : i32
    %while3A_1227 = arith.constant 1 : i32
    %while3A_1228 = arith.divsi %while3A_1225, %while3A_1227 : i32
    %while3A_1229 = arith.muli %while3A_1228, %while3A_1227 : i32
    %while3A_1230 = arith.addi %while3A_1224, %while3A_1229 : i32
    %while3A_1231 = arith.constant 1 : i32
    scf.for %while3A_1245 = %while3A_1224 to %while3A_1230 step %while3A_1231  : i32 {
      %mul3A_1246 = arith.constant 2 : i32
      %mul3A_1247 = arith.muli %mul3A_1246, %while3A_1245 : i32
      %add3A_1248 = arith.constant 0 : i32
      %add3A_1249 = arith.addi %mul3A_1247, %add3A_1248 : i32
      %add3A_1250 = arith.constant 1 : i32
      %add3A_1251 = arith.addi %add3A_1249, %add3A_1250 : i32
      %lt3A = arith.cmpi slt, %add3A_1251, %select_n3A : i32
      %convert_element_type3A_1252 = arith.extui %lt3A : i1 to i32
      %cond3A_1253 = arith.constant 0 : i32
      %cond3A_1254 = arith.cmpi ne, %convert_element_type3A_1252, %cond3A_1253 : i32
      scf.if %cond3A_1254 {
        %dma_wait3A_1339 = arith.constant 0 : i32
        %dma_wait3A_1340 = arith.constant 0 : i32
        %dma_wait3A_1341 = tpu.memref_slice %arg3[%dma_wait3A_1339, %dma_wait3A_1340] : memref<2x320000xi32, #tpu.memory_space<hbm>> -> memref<1x128xi32, #tpu.memory_space<hbm>>
        %dma_wait3A_1342 = tpu.memref_squeeze %dma_wait3A_1341 : memref<1x128xi32, #tpu.memory_space<hbm>> -> memref<128xi32, #tpu.memory_space<hbm>>
        %dma_wait3A_1343 = arith.constant 0 : i32
        %dma_wait3A_1344 = tpu.memref_slice %arg3[%dma_wait3A_1339, %dma_wait3A_1343] : memref<2x320000xi32, #tpu.memory_space<hbm>> -> memref<1x128xi32, #tpu.memory_space<hbm>>
        %dma_wait3A_1345 = tpu.memref_squeeze %dma_wait3A_1344 : memref<1x128xi32, #tpu.memory_space<hbm>> -> memref<128xi32, #tpu.memory_space<hbm>>
        tpu.wait_dma2 semaphore(%arg22 : memref<!tpu.dma_semaphore, #tpu.memory_space<semaphore_mem>>) src(%dma_wait3A_1345 : memref<128xi32, #tpu.memory_space<hbm>>) dst(%arg13 : memref<128xi32, #tpu.memory_space<vmem>>)
        %dma_wait3A_1346 = arith.constant 0 : i32
        %dma_wait3A_1347 = arith.constant 0 : i32
        %dma_wait3A_1348 = tpu.memref_slice %arg3[%dma_wait3A_1346, %dma_wait3A_1347] : memref<2x320000xi32, #tpu.memory_space<hbm>> -> memref<1x128xi32, #tpu.memory_space<hbm>>
        %dma_wait3A_1349 = tpu.memref_squeeze %dma_wait3A_1348 : memref<1x128xi32, #tpu.memory_space<hbm>> -> memref<128xi32, #tpu.memory_space<hbm>>
        %dma_wait3A_1350 = arith.constant 0 : i32
        %dma_wait3A_1351 = tpu.memref_slice %arg3[%dma_wait3A_1346, %dma_wait3A_1350] : memref<2x320000xi32, #tpu.memory_space<hbm>> -> memref<1x128xi32, #tpu.memory_space<hbm>>
        %dma_wait3A_1352 = tpu.memref_squeeze %dma_wait3A_1351 : memref<1x128xi32, #tpu.memory_space<hbm>> -> memref<128xi32, #tpu.memory_space<hbm>>
        tpu.wait_dma2 semaphore(%arg22 : memref<!tpu.dma_semaphore, #tpu.memory_space<semaphore_mem>>) src(%dma_wait3A_1352 : memref<128xi32, #tpu.memory_space<hbm>>) dst(%arg15 : memref<128xi32, #tpu.memory_space<vmem>>)
        %get3A_1353 = arith.constant 0 : index
        %get3A_1354 = tpu.vector_load %arg13[%get3A_1353] {strides = array<i32>} : memref<128xi32, #tpu.memory_space<vmem>>, vector<16xi32>,
        %get3A_1355 = vector.shape_cast %get3A_1354 : vector<16xi32> to vector<16xi32>
        %mul3A_1356 = arith.constant 2 : i32
        %mul3A_1357 = vector.broadcast %mul3A_1356 : i32 to vector<16xi32>
        %mul3A_1358 = arith.muli %get3A_1355, %mul3A_1357 : vector<16xi32>
        %add3A_1359 = vector.broadcast %arg0 : i32 to vector<16xi32>
        %add3A_1360 = arith.addi %mul3A_1358, %add3A_1359 : vector<16xi32>
        %swap3A_1361 = arith.constant 0 : index
        %swap3A_1362 = tpu.vector_load %arg11[%swap3A_1361] {strides = array<i32>} : memref<128xi32, #tpu.memory_space<vmem>>, vector<16xi32>,
        %swap3A_1363 = vector.shape_cast %swap3A_1362 : vector<16xi32> to vector<16xi32>
        %swap3A_1364 = vector.shape_cast %add3A_1360 : vector<16xi32> to vector<16xi32>
        tpu.vector_store %arg11[%swap3A_1361], %swap3A_1364 {strides = array<i32>} : memref<128xi32, #tpu.memory_space<vmem>>, vector<16xi32>,
        %get3A_1365 = arith.constant 16 : index
        %get3A_1366 = tpu.vector_load %arg13[%get3A_1365] {strides = array<i32>} : memref<128xi32, #tpu.memory_space<vmem>>, vector<16xi32>,
        %get3A_1367 = vector.shape_cast %get3A_1366 : vector<16xi32> to vector<16xi32>
        %mul3A_1368 = arith.constant 2 : i32
        %mul3A_1369 = vector.broadcast %mul3A_1368 : i32 to vector<16xi32>
        %mul3A_1370 = arith.muli %get3A_1367, %mul3A_1369 : vector<16xi32>
        %add3A_1371 = vector.broadcast %arg0 : i32 to vector<16xi32>
        %add3A_1372 = arith.addi %mul3A_1370, %add3A_1371 : vector<16xi32>
        %swap3A_1373 = arith.constant 16 : index
        %swap3A_1374 = tpu.vector_load %arg11[%swap3A_1373] {strides = array<i32>} : memref<128xi32, #tpu.memory_space<vmem>>, vector<16xi32>,
        %swap3A_1375 = vector.shape_cast %swap3A_1374 : vector<16xi32> to vector<16xi32>
        %swap3A_1376 = vector.shape_cast %add3A_1372 : vector<16xi32> to vector<16xi32>
        tpu.vector_store %arg11[%swap3A_1373], %swap3A_1376 {strides = array<i32>} : memref<128xi32, #tpu.memory_space<vmem>>, vector<16xi32>,
        %get3A_1377 = arith.constant 32 : index
        %get3A_1378 = tpu.vector_load %arg13[%get3A_1377] {strides = array<i32>} : memref<128xi32, #tpu.memory_space<vmem>>, vector<16xi32>,
        %get3A_1379 = vector.shape_cast %get3A_1378 : vector<16xi32> to vector<16xi32>
        %mul3A_1380 = arith.constant 2 : i32
        %mul3A_1381 = vector.broadcast %mul3A_1380 : i32 to vector<16xi32>
        %mul3A_1382 = arith.muli %get3A_1379, %mul3A_1381 : vector<16xi32>
        %add3A_1383 = vector.broadcast %arg0 : i32 to vector<16xi32>
        %add3A_1384 = arith.addi %mul3A_1382, %add3A_1383 : vector<16xi32>
        %swap3A_1385 = arith.constant 32 : index
        %swap3A_1386 = tpu.vector_load %arg11[%swap3A_1385] {strides = array<i32>} : memref<128xi32, #tpu.memory_space<vmem>>, vector<16xi32>,
        %swap3A_1387 = vector.shape_cast %swap3A_1386 : vector<16xi32> to vector<16xi32>
        %swap3A_1388 = vector.shape_cast %add3A_1384 : vector<16xi32> to vector<16xi32>
        tpu.vector_store %arg11[%swap3A_1385], %swap3A_1388 {strides = array<i32>} : memref<128xi32, #tpu.memory_space<vmem>>, vector<16xi32>,
        %get3A_1389 = arith.constant 48 : index
        %get3A_1390 = tpu.vector_load %arg13[%get3A_1389] {strides = array<i32>} : memref<128xi32, #tpu.memory_space<vmem>>, vector<16xi32>,
        %get3A_1391 = vector.shape_cast %get3A_1390 : vector<16xi32> to vector<16xi32>
        %mul3A_1392 = arith.constant 2 : i32
        %mul3A_1393 = vector.broadcast %mul3A_1392 : i32 to vector<16xi32>
        %mul3A_1394 = arith.muli %get3A_1391, %mul3A_1393 : vector<16xi32>
        %add3A_1395 = vector.broadcast %arg0 : i32 to vector<16xi32>
        %add3A_1396 = arith.addi %mul3A_1394, %add3A_1395 : vector<16xi32>
        %swap3A_1397 = arith.constant 48 : index
        %swap3A_1398 = tpu.vector_load %arg11[%swap3A_1397] {strides = array<i32>} : memref<128xi32, #tpu.memory_space<vmem>>, vector<16xi32>,
        %swap3A_1399 = vector.shape_cast %swap3A_1398 : vector<16xi32> to vector<16xi32>
        %swap3A_1400 = vector.shape_cast %add3A_1396 : vector<16xi32> to vector<16xi32>
        tpu.vector_store %arg11[%swap3A_1397], %swap3A_1400 {strides = array<i32>} : memref<128xi32, #tpu.memory_space<vmem>>, vector<16xi32>,
        %get3A_1401 = arith.constant 64 : index
        %get3A_1402 = tpu.vector_load %arg13[%get3A_1401] {strides = array<i32>} : memref<128xi32, #tpu.memory_space<vmem>>, vector<16xi32>,
        %get3A_1403 = vector.shape_cast %get3A_1402 : vector<16xi32> to vector<16xi32>
        %mul3A_1404 = arith.constant 2 : i32
        %mul3A_1405 = vector.broadcast %mul3A_1404 : i32 to vector<16xi32>
        %mul3A_1406 = arith.muli %get3A_1403, %mul3A_1405 : vector<16xi32>
        %add3A_1407 = vector.broadcast %arg0 : i32 to vector<16xi32>
        %add3A_1408 = arith.addi %mul3A_1406, %add3A_1407 : vector<16xi32>
        %swap3A_1409 = arith.constant 64 : index
        %swap3A_1410 = tpu.vector_load %arg11[%swap3A_1409] {strides = array<i32>} : memref<128xi32, #tpu.memory_space<vmem>>, vector<16xi32>,
        %swap3A_1411 = vector.shape_cast %swap3A_1410 : vector<16xi32> to vector<16xi32>
        %swap3A_1412 = vector.shape_cast %add3A_1408 : vector<16xi32> to vector<16xi32>
        tpu.vector_store %arg11[%swap3A_1409], %swap3A_1412 {strides = array<i32>} : memref<128xi32, #tpu.memory_space<vmem>>, vector<16xi32>,
        %get3A_1413 = arith.constant 80 : index
        %get3A_1414 = tpu.vector_load %arg13[%get3A_1413] {strides = array<i32>} : memref<128xi32, #tpu.memory_space<vmem>>, vector<16xi32>,
        %get3A_1415 = vector.shape_cast %get3A_1414 : vector<16xi32> to vector<16xi32>
        %mul3A_1416 = arith.constant 2 : i32
        %mul3A_1417 = vector.broadcast %mul3A_1416 : i32 to vector<16xi32>
        %mul3A_1418 = arith.muli %get3A_1415, %mul3A_1417 : vector<16xi32>
        %add3A_1419 = vector.broadcast %arg0 : i32 to vector<16xi32>
        %add3A_1420 = arith.addi %mul3A_1418, %add3A_1419 : vector<16xi32>
        %swap3A_1421 = arith.constant 80 : index
        %swap3A_1422 = tpu.vector_load %arg11[%swap3A_1421] {strides = array<i32>} : memref<128xi32, #tpu.memory_space<vmem>>, vector<16xi32>,
        %swap3A_1423 = vector.shape_cast %swap3A_1422 : vector<16xi32> to vector<16xi32>
        %swap3A_1424 = vector.shape_cast %add3A_1420 : vector<16xi32> to vector<16xi32>
        tpu.vector_store %arg11[%swap3A_1421], %swap3A_1424 {strides = array<i32>} : memref<128xi32, #tpu.memory_space<vmem>>, vector<16xi32>,
        %get3A_1425 = arith.constant 96 : index
        %get3A_1426 = tpu.vector_load %arg13[%get3A_1425] {strides = array<i32>} : memref<128xi32, #tpu.memory_space<vmem>>, vector<16xi32>,
        %get3A_1427 = vector.shape_cast %get3A_1426 : vector<16xi32> to vector<16xi32>
        %mul3A_1428 = arith.constant 2 : i32
        %mul3A_1429 = vector.broadcast %mul3A_1428 : i32 to vector<16xi32>
        %mul3A_1430 = arith.muli %get3A_1427, %mul3A_1429 : vector<16xi32>
        %add3A_1431 = vector.broadcast %arg0 : i32 to vector<16xi32>
        %add3A_1432 = arith.addi %mul3A_1430, %add3A_1431 : vector<16xi32>
        %swap3A_1433 = arith.constant 96 : index
        %swap3A_1434 = tpu.vector_load %arg11[%swap3A_1433] {strides = array<i32>} : memref<128xi32, #tpu.memory_space<vmem>>, vector<16xi32>,
        %swap3A_1435 = vector.shape_cast %swap3A_1434 : vector<16xi32> to vector<16xi32>
        %swap3A_1436 = vector.shape_cast %add3A_1432 : vector<16xi32> to vector<16xi32>
        tpu.vector_store %arg11[%swap3A_1433], %swap3A_1436 {strides = array<i32>} : memref<128xi32, #tpu.memory_space<vmem>>, vector<16xi32>,
        %get3A_1437 = arith.constant 112 : index
        %get3A_1438 = tpu.vector_load %arg13[%get3A_1437] {strides = array<i32>} : memref<128xi32, #tpu.memory_space<vmem>>, vector<16xi32>,
        %get3A_1439 = vector.shape_cast %get3A_1438 : vector<16xi32> to vector<16xi32>
        %mul3A_1440 = arith.constant 2 : i32
        %mul3A_1441 = vector.broadcast %mul3A_1440 : i32 to vector<16xi32>
        %mul3A_1442 = arith.muli %get3A_1439, %mul3A_1441 : vector<16xi32>
        %add3A_1443 = vector.broadcast %arg0 : i32 to vector<16xi32>
        %add3A_1444 = arith.addi %mul3A_1442, %add3A_1443 : vector<16xi32>
        %swap3A_1445 = arith.constant 112 : index
        %swap3A_1446 = tpu.vector_load %arg11[%swap3A_1445] {strides = array<i32>} : memref<128xi32, #tpu.memory_space<vmem>>, vector<16xi32>,
        %swap3A_1447 = vector.shape_cast %swap3A_1446 : vector<16xi32> to vector<16xi32>
        %swap3A_1448 = vector.shape_cast %add3A_1444 : vector<16xi32> to vector<16xi32>
        tpu.vector_store %arg11[%swap3A_1445], %swap3A_1448 {strides = array<i32>} : memref<128xi32, #tpu.memory_space<vmem>>, vector<16xi32>,
        %add3A_1449 = arith.constant 1 : i32
        %add3A_1450 = arith.addi %add3A_1249, %add3A_1449 : i32
        %dma_start3A_1451 = arith.constant 0 : i32
        %dma_start3A_1452 = arith.constant 0 : i32
        %dma_start3A_1453 = tpu.memref_slice %arg2[%dma_start3A_1451, %dma_start3A_1452] : memref<100000x64xf32, #tpu.memory_space<hbm>> -> memref<100000x64xf32, #tpu.memory_space<hbm>>
        tpu.enqueue_indirect_dma source(%dma_start3A_1453 : memref<100000x64xf32, #tpu.memory_space<hbm>>) target(%arg17 : memref<128x64xf32, #tpu.memory_space<vmem>>) offsets(%arg11 : memref<128xi32, #tpu.memory_space<vmem>>) semaphore(%arg24 : memref<!tpu.dma_semaphore, #tpu.memory_space<semaphore_mem>>)
        %mul3A_1454 = arith.constant 128 : i32
        %mul3A_1455 = arith.muli %add3A_1450, %mul3A_1454 : i32
        %add3A_1456 = arith.addi %mul3A_1062, %mul3A_1455 : i32
        %mul3A_1457 = arith.constant 32 : i32
        %mul3A_1458 = arith.muli %arg0, %mul3A_1457 : i32
        %dma_start3A_1459 = tpu.memref_slice %arg4[%add3A_1456, %mul3A_1458] : memref<320000x64xf32, #tpu.memory_space<hbm>> -> memref<128x32xf32, #tpu.memory_space<hbm>>
        %dma_start3A_1460 = tpu.memref_slice %arg4[%add3A_1456, %mul3A_1458] : memref<320000x64xf32, #tpu.memory_space<hbm>> -> memref<128x32xf32, #tpu.memory_space<hbm>>
        tpu.enqueue_dma source(%dma_start3A_1460 : memref<128x32xf32, #tpu.memory_space<hbm>>) target(%arg19 : memref<128x32xf32, #tpu.memory_space<vmem>>) target_semaphore(%arg26 : memref<!tpu.dma_semaphore, #tpu.memory_space<semaphore_mem>>)
      } else {
      }
      %dma_wait3A_1255 = arith.constant 0 : i32
      %dma_wait3A_1256 = arith.constant 0 : i32
      %dma_wait3A_1257 = tpu.memref_slice %arg2[%dma_wait3A_1255, %dma_wait3A_1256] : memref<100000x64xf32, #tpu.memory_space<hbm>> -> memref<100000x64xf32, #tpu.memory_space<hbm>>
      tpu.wait_indirect_dma semaphore(%arg23 : memref<!tpu.dma_semaphore, #tpu.memory_space<semaphore_mem>>) src(%dma_wait3A_1257 : memref<100000x64xf32, #tpu.memory_space<hbm>>) dst(%arg16 : memref<128x64xf32, #tpu.memory_space<vmem>>)
      %dma_wait3A_1258 = arith.constant 0 : i32
      %dma_wait3A_1259 = arith.constant 0 : i32
      %dma_wait3A_1260 = tpu.memref_slice %arg4[%dma_wait3A_1258, %dma_wait3A_1259] : memref<320000x64xf32, #tpu.memory_space<hbm>> -> memref<128x32xf32, #tpu.memory_space<hbm>>
      %dma_wait3A_1261 = arith.constant 0 : i32
      %dma_wait3A_1262 = arith.constant 0 : i32
      %dma_wait3A_1263 = tpu.memref_slice %arg4[%dma_wait3A_1261, %dma_wait3A_1262] : memref<320000x64xf32, #tpu.memory_space<hbm>> -> memref<128x32xf32, #tpu.memory_space<hbm>>
      tpu.wait_dma2 semaphore(%arg25 : memref<!tpu.dma_semaphore, #tpu.memory_space<semaphore_mem>>) src(%dma_wait3A_1263 : memref<128x32xf32, #tpu.memory_space<hbm>>) dst(%arg18 : memref<128x32xf32, #tpu.memory_space<vmem>>)
      %dma_start3A_1264 = arith.constant 0 : i32
      %dma_start3A_1265 = arith.constant 0 : i32
      %dma_start3A_1266 = tpu.memref_slice %arg7[%dma_start3A_1264, %dma_start3A_1265] : memref<10240x64xf32, #tpu.memory_space<vmem_shared>> -> memref<10240x64xf32, #tpu.memory_space<vmem_shared>>
      tpu.enqueue_indirect_dma source(%arg16 : memref<128x64xf32, #tpu.memory_space<vmem>>) target(%dma_start3A_1266 : memref<10240x64xf32, #tpu.memory_space<vmem_shared>>) offsets(%arg14 : memref<128xi32, #tpu.memory_space<vmem>>) semaphore(%arg27 : memref<!tpu.dma_semaphore, #tpu.memory_space<semaphore_mem>>) {add = true}
      %dma_start3A_1267 = arith.constant 0 : i32
      %dma_start3A_1268 = arith.constant 0 : i32
      %dma_start3A_1269 = tpu.memref_slice %arg8[%dma_start3A_1267, %dma_start3A_1268] : memref<10240x32xf32, #tpu.memory_space<vmem_shared>> -> memref<10240x32xf32, #tpu.memory_space<vmem_shared>>
      tpu.enqueue_indirect_dma source(%arg18 : memref<128x32xf32, #tpu.memory_space<vmem>>) target(%dma_start3A_1269 : memref<10240x32xf32, #tpu.memory_space<vmem_shared>>) offsets(%arg14 : memref<128xi32, #tpu.memory_space<vmem>>) semaphore(%arg27 : memref<!tpu.dma_semaphore, #tpu.memory_space<semaphore_mem>>) {add = true}
      %eq3A_1270 = arith.constant 0 : i32
      %eq3A_1271 = arith.cmpi eq, %arg0, %eq3A_1270 : i32
      %convert_element_type3A_1272 = arith.extui %eq3A_1271 : i1 to i32
      %cond3A_1273 = arith.constant 0 : i32
      %cond3A_1274 = arith.cmpi ne, %convert_element_type3A_1272, %cond3A_1273 : i32
      scf.if %cond3A_1274 {
        %dma_start3A_1339 = arith.constant 0 : i32
        %dma_start3A_1340 = arith.constant 0 : i32
        %dma_start3A_1341 = tpu.memref_slice %arg9[%dma_start3A_1339, %dma_start3A_1340] : memref<10240x16xf32, #tpu.memory_space<vmem_shared>> -> memref<10240x16xf32, #tpu.memory_space<vmem_shared>>
        tpu.enqueue_indirect_dma source(%arg20 : memref<128x16xf32, #tpu.memory_space<vmem>>) target(%dma_start3A_1341 : memref<10240x16xf32, #tpu.memory_space<vmem_shared>>) offsets(%arg14 : memref<128xi32, #tpu.memory_space<vmem>>) semaphore(%arg27 : memref<!tpu.dma_semaphore, #tpu.memory_space<semaphore_mem>>) {add = true}
      } else {
      }
      %dma_wait3A_1275 = arith.constant 0 : i32
      %dma_wait3A_1276 = arith.constant 0 : i32
      %dma_wait3A_1277 = tpu.memref_slice %arg7[%dma_wait3A_1275, %dma_wait3A_1276] : memref<10240x64xf32, #tpu.memory_space<vmem_shared>> -> memref<10240x64xf32, #tpu.memory_space<vmem_shared>>
      tpu.wait_indirect_dma semaphore(%arg27 : memref<!tpu.dma_semaphore, #tpu.memory_space<semaphore_mem>>) src(%arg16 : memref<128x64xf32, #tpu.memory_space<vmem>>) dst(%dma_wait3A_1277 : memref<10240x64xf32, #tpu.memory_space<vmem_shared>>)
      %dma_wait3A_1278 = arith.constant 0 : i32
      %dma_wait3A_1279 = arith.constant 0 : i32
      %dma_wait3A_1280 = tpu.memref_slice %arg8[%dma_wait3A_1278, %dma_wait3A_1279] : memref<10240x32xf32, #tpu.memory_space<vmem_shared>> -> memref<10240x32xf32, #tpu.memory_space<vmem_shared>>
      tpu.wait_indirect_dma semaphore(%arg27 : memref<!tpu.dma_semaphore, #tpu.memory_space<semaphore_mem>>) src(%arg18 : memref<128x32xf32, #tpu.memory_space<vmem>>) dst(%dma_wait3A_1280 : memref<10240x32xf32, #tpu.memory_space<vmem_shared>>)
      %eq3A_1281 = arith.constant 0 : i32
      %eq3A_1282 = arith.cmpi eq, %arg0, %eq3A_1281 : i32
      %convert_element_type3A_1283 = arith.extui %eq3A_1282 : i1 to i32
      %cond3A_1284 = arith.constant 0 : i32
      %cond3A_1285 = arith.cmpi ne, %convert_element_type3A_1283, %cond3A_1284 : i32
      scf.if %cond3A_1285 {
        %dma_wait3A_1339 = arith.constant 0 : i32
        %dma_wait3A_1340 = arith.constant 0 : i32
        %dma_wait3A_1341 = tpu.memref_slice %arg9[%dma_wait3A_1339, %dma_wait3A_1340] : memref<10240x16xf32, #tpu.memory_space<vmem_shared>> -> memref<10240x16xf32, #tpu.memory_space<vmem_shared>>
        tpu.wait_indirect_dma semaphore(%arg27 : memref<!tpu.dma_semaphore, #tpu.memory_space<semaphore_mem>>) src(%arg20 : memref<128x16xf32, #tpu.memory_space<vmem>>) dst(%dma_wait3A_1341 : memref<10240x16xf32, #tpu.memory_space<vmem_shared>>)
      } else {
      }
      %add3A_1286 = arith.constant 2 : i32
      %add3A_1287 = arith.addi %add3A_1249, %add3A_1286 : i32
      %lt3A_1288 = arith.cmpi slt, %add3A_1287, %select_n3A : i32
      %convert_element_type3A_1289 = arith.extui %lt3A_1288 : i1 to i32
      %cond3A_1290 = arith.constant 0 : i32
      %cond3A_1291 = arith.cmpi ne, %convert_element_type3A_1289, %cond3A_1290 : i32
      scf.if %cond3A_1291 {
        %add3A_1339 = arith.constant 2 : i32
        %add3A_1340 = arith.addi %add3A_1249, %add3A_1339 : i32
        %mul3A_1341 = arith.constant 128 : i32
        %mul3A_1342 = arith.muli %add3A_1340, %mul3A_1341 : i32
        %add3A_1343 = arith.addi %mul3A_1062, %mul3A_1342 : i32
        %dma_start3A_1344 = arith.constant 0 : i32
        %dma_start3A_1345 = tpu.memref_slice %arg3[%dma_start3A_1344, %add3A_1343] : memref<2x320000xi32, #tpu.memory_space<hbm>> -> memref<1x128xi32, #tpu.memory_space<hbm>>
        %dma_start3A_1346 = tpu.memref_squeeze %dma_start3A_1345 : memref<1x128xi32, #tpu.memory_space<hbm>> -> memref<128xi32, #tpu.memory_space<hbm>>
        %dma_start3A_1347 = tpu.memref_slice %arg3[%dma_start3A_1344, %add3A_1343] : memref<2x320000xi32, #tpu.memory_space<hbm>> -> memref<1x128xi32, #tpu.memory_space<hbm>>
        %dma_start3A_1348 = tpu.memref_squeeze %dma_start3A_1347 : memref<1x128xi32, #tpu.memory_space<hbm>> -> memref<128xi32, #tpu.memory_space<hbm>>
        tpu.enqueue_dma source(%dma_start3A_1348 : memref<128xi32, #tpu.memory_space<hbm>>) target(%arg12 : memref<128xi32, #tpu.memory_space<vmem>>) target_semaphore(%arg21 : memref<!tpu.dma_semaphore, #tpu.memory_space<semaphore_mem>>)
        %dma_start3A_1349 = arith.constant 1 : i32
        %dma_start3A_1350 = tpu.memref_slice %arg3[%dma_start3A_1349, %add3A_1343] : memref<2x320000xi32, #tpu.memory_space<hbm>> -> memref<1x128xi32, #tpu.memory_space<hbm>>
        %dma_start3A_1351 = tpu.memref_squeeze %dma_start3A_1350 : memref<1x128xi32, #tpu.memory_space<hbm>> -> memref<128xi32, #tpu.memory_space<hbm>>
        %dma_start3A_1352 = tpu.memref_slice %arg3[%dma_start3A_1349, %add3A_1343] : memref<2x320000xi32, #tpu.memory_space<hbm>> -> memref<1x128xi32, #tpu.memory_space<hbm>>
        %dma_start3A_1353 = tpu.memref_squeeze %dma_start3A_1352 : memref<1x128xi32, #tpu.memory_space<hbm>> -> memref<128xi32, #tpu.memory_space<hbm>>
        tpu.enqueue_dma source(%dma_start3A_1353 : memref<128xi32, #tpu.memory_space<hbm>>) target(%arg14 : memref<128xi32, #tpu.memory_space<vmem>>) target_semaphore(%arg21 : memref<!tpu.dma_semaphore, #tpu.memory_space<semaphore_mem>>)
      } else {
      }
      %mul3A_1292 = arith.constant 2 : i32
      %mul3A_1293 = arith.muli %mul3A_1292, %while3A_1245 : i32
      %add3A_1294 = arith.constant 1 : i32
      %add3A_1295 = arith.addi %mul3A_1293, %add3A_1294 : i32
      %add3A_1296 = arith.constant 1 : i32
      %add3A_1297 = arith.addi %add3A_1295, %add3A_1296 : i32
      %lt3A_1298 = arith.cmpi slt, %add3A_1297, %select_n3A : i32
      %convert_element_type3A_1299 = arith.extui %lt3A_1298 : i1 to i32
      %cond3A_1300 = arith.constant 0 : i32
      %cond3A_1301 = arith.cmpi ne, %convert_element_type3A_1299, %cond3A_1300 : i32
      scf.if %cond3A_1301 {
        %dma_wait3A_1339 = arith.constant 0 : i32
        %dma_wait3A_1340 = arith.constant 0 : i32
        %dma_wait3A_1341 = tpu.memref_slice %arg3[%dma_wait3A_1339, %dma_wait3A_1340] : memref<2x320000xi32, #tpu.memory_space<hbm>> -> memref<1x128xi32, #tpu.memory_space<hbm>>
        %dma_wait3A_1342 = tpu.memref_squeeze %dma_wait3A_1341 : memref<1x128xi32, #tpu.memory_space<hbm>> -> memref<128xi32, #tpu.memory_space<hbm>>
        %dma_wait3A_1343 = arith.constant 0 : i32
        %dma_wait3A_1344 = tpu.memref_slice %arg3[%dma_wait3A_1339, %dma_wait3A_1343] : memref<2x320000xi32, #tpu.memory_space<hbm>> -> memref<1x128xi32, #tpu.memory_space<hbm>>
        %dma_wait3A_1345 = tpu.memref_squeeze %dma_wait3A_1344 : memref<1x128xi32, #tpu.memory_space<hbm>> -> memref<128xi32, #tpu.memory_space<hbm>>
        tpu.wait_dma2 semaphore(%arg21 : memref<!tpu.dma_semaphore, #tpu.memory_space<semaphore_mem>>) src(%dma_wait3A_1345 : memref<128xi32, #tpu.memory_space<hbm>>) dst(%arg12 : memref<128xi32, #tpu.memory_space<vmem>>)
        %dma_wait3A_1346 = arith.constant 0 : i32
        %dma_wait3A_1347 = arith.constant 0 : i32
        %dma_wait3A_1348 = tpu.memref_slice %arg3[%dma_wait3A_1346, %dma_wait3A_1347] : memref<2x320000xi32, #tpu.memory_space<hbm>> -> memref<1x128xi32, #tpu.memory_space<hbm>>
        %dma_wait3A_1349 = tpu.memref_squeeze %dma_wait3A_1348 : memref<1x128xi32, #tpu.memory_space<hbm>> -> memref<128xi32, #tpu.memory_space<hbm>>
        %dma_wait3A_1350 = arith.constant 0 : i32
        %dma_wait3A_1351 = tpu.memref_slice %arg3[%dma_wait3A_1346, %dma_wait3A_1350] : memref<2x320000xi32, #tpu.memory_space<hbm>> -> memref<1x128xi32, #tpu.memory_space<hbm>>
        %dma_wait3A_1352 = tpu.memref_squeeze %dma_wait3A_1351 : memref<1x128xi32, #tpu.memory_space<hbm>> -> memref<128xi32, #tpu.memory_space<hbm>>
        tpu.wait_dma2 semaphore(%arg21 : memref<!tpu.dma_semaphore, #tpu.memory_space<semaphore_mem>>) src(%dma_wait3A_1352 : memref<128xi32, #tpu.memory_space<hbm>>) dst(%arg14 : memref<128xi32, #tpu.memory_space<vmem>>)
        %get3A_1353 = arith.constant 0 : index
        %get3A_1354 = tpu.vector_load %arg12[%get3A_1353] {strides = array<i32>} : memref<128xi32, #tpu.memory_space<vmem>>, vector<16xi32>,
        %get3A_1355 = vector.shape_cast %get3A_1354 : vector<16xi32> to vector<16xi32>
        %mul3A_1356 = arith.constant 2 : i32
        %mul3A_1357 = vector.broadcast %mul3A_1356 : i32 to vector<16xi32>
        %mul3A_1358 = arith.muli %get3A_1355, %mul3A_1357 : vector<16xi32>
        %add3A_1359 = vector.broadcast %arg0 : i32 to vector<16xi32>
        %add3A_1360 = arith.addi %mul3A_1358, %add3A_1359 : vector<16xi32>
        %swap3A_1361 = arith.constant 0 : index
        %swap3A_1362 = tpu.vector_load %arg10[%swap3A_1361] {strides = array<i32>} : memref<128xi32, #tpu.memory_space<vmem>>, vector<16xi32>,
        %swap3A_1363 = vector.shape_cast %swap3A_1362 : vector<16xi32> to vector<16xi32>
        %swap3A_1364 = vector.shape_cast %add3A_1360 : vector<16xi32> to vector<16xi32>
        tpu.vector_store %arg10[%swap3A_1361], %swap3A_1364 {strides = array<i32>} : memref<128xi32, #tpu.memory_space<vmem>>, vector<16xi32>,
        %get3A_1365 = arith.constant 16 : index
        %get3A_1366 = tpu.vector_load %arg12[%get3A_1365] {strides = array<i32>} : memref<128xi32, #tpu.memory_space<vmem>>, vector<16xi32>,
        %get3A_1367 = vector.shape_cast %get3A_1366 : vector<16xi32> to vector<16xi32>
        %mul3A_1368 = arith.constant 2 : i32
        %mul3A_1369 = vector.broadcast %mul3A_1368 : i32 to vector<16xi32>
        %mul3A_1370 = arith.muli %get3A_1367, %mul3A_1369 : vector<16xi32>
        %add3A_1371 = vector.broadcast %arg0 : i32 to vector<16xi32>
        %add3A_1372 = arith.addi %mul3A_1370, %add3A_1371 : vector<16xi32>
        %swap3A_1373 = arith.constant 16 : index
        %swap3A_1374 = tpu.vector_load %arg10[%swap3A_1373] {strides = array<i32>} : memref<128xi32, #tpu.memory_space<vmem>>, vector<16xi32>,
        %swap3A_1375 = vector.shape_cast %swap3A_1374 : vector<16xi32> to vector<16xi32>
        %swap3A_1376 = vector.shape_cast %add3A_1372 : vector<16xi32> to vector<16xi32>
        tpu.vector_store %arg10[%swap3A_1373], %swap3A_1376 {strides = array<i32>} : memref<128xi32, #tpu.memory_space<vmem>>, vector<16xi32>,
        %get3A_1377 = arith.constant 32 : index
        %get3A_1378 = tpu.vector_load %arg12[%get3A_1377] {strides = array<i32>} : memref<128xi32, #tpu.memory_space<vmem>>, vector<16xi32>,
        %get3A_1379 = vector.shape_cast %get3A_1378 : vector<16xi32> to vector<16xi32>
        %mul3A_1380 = arith.constant 2 : i32
        %mul3A_1381 = vector.broadcast %mul3A_1380 : i32 to vector<16xi32>
        %mul3A_1382 = arith.muli %get3A_1379, %mul3A_1381 : vector<16xi32>
        %add3A_1383 = vector.broadcast %arg0 : i32 to vector<16xi32>
        %add3A_1384 = arith.addi %mul3A_1382, %add3A_1383 : vector<16xi32>
        %swap3A_1385 = arith.constant 32 : index
        %swap3A_1386 = tpu.vector_load %arg10[%swap3A_1385] {strides = array<i32>} : memref<128xi32, #tpu.memory_space<vmem>>, vector<16xi32>,
        %swap3A_1387 = vector.shape_cast %swap3A_1386 : vector<16xi32> to vector<16xi32>
        %swap3A_1388 = vector.shape_cast %add3A_1384 : vector<16xi32> to vector<16xi32>
        tpu.vector_store %arg10[%swap3A_1385], %swap3A_1388 {strides = array<i32>} : memref<128xi32, #tpu.memory_space<vmem>>, vector<16xi32>,
        %get3A_1389 = arith.constant 48 : index
        %get3A_1390 = tpu.vector_load %arg12[%get3A_1389] {strides = array<i32>} : memref<128xi32, #tpu.memory_space<vmem>>, vector<16xi32>,
        %get3A_1391 = vector.shape_cast %get3A_1390 : vector<16xi32> to vector<16xi32>
        %mul3A_1392 = arith.constant 2 : i32
        %mul3A_1393 = vector.broadcast %mul3A_1392 : i32 to vector<16xi32>
        %mul3A_1394 = arith.muli %get3A_1391, %mul3A_1393 : vector<16xi32>
        %add3A_1395 = vector.broadcast %arg0 : i32 to vector<16xi32>
        %add3A_1396 = arith.addi %mul3A_1394, %add3A_1395 : vector<16xi32>
        %swap3A_1397 = arith.constant 48 : index
        %swap3A_1398 = tpu.vector_load %arg10[%swap3A_1397] {strides = array<i32>} : memref<128xi32, #tpu.memory_space<vmem>>, vector<16xi32>,
        %swap3A_1399 = vector.shape_cast %swap3A_1398 : vector<16xi32> to vector<16xi32>
        %swap3A_1400 = vector.shape_cast %add3A_1396 : vector<16xi32> to vector<16xi32>
        tpu.vector_store %arg10[%swap3A_1397], %swap3A_1400 {strides = array<i32>} : memref<128xi32, #tpu.memory_space<vmem>>, vector<16xi32>,
        %get3A_1401 = arith.constant 64 : index
        %get3A_1402 = tpu.vector_load %arg12[%get3A_1401] {strides = array<i32>} : memref<128xi32, #tpu.memory_space<vmem>>, vector<16xi32>,
        %get3A_1403 = vector.shape_cast %get3A_1402 : vector<16xi32> to vector<16xi32>
        %mul3A_1404 = arith.constant 2 : i32
        %mul3A_1405 = vector.broadcast %mul3A_1404 : i32 to vector<16xi32>
        %mul3A_1406 = arith.muli %get3A_1403, %mul3A_1405 : vector<16xi32>
        %add3A_1407 = vector.broadcast %arg0 : i32 to vector<16xi32>
        %add3A_1408 = arith.addi %mul3A_1406, %add3A_1407 : vector<16xi32>
        %swap3A_1409 = arith.constant 64 : index
        %swap3A_1410 = tpu.vector_load %arg10[%swap3A_1409] {strides = array<i32>} : memref<128xi32, #tpu.memory_space<vmem>>, vector<16xi32>,
        %swap3A_1411 = vector.shape_cast %swap3A_1410 : vector<16xi32> to vector<16xi32>
        %swap3A_1412 = vector.shape_cast %add3A_1408 : vector<16xi32> to vector<16xi32>
        tpu.vector_store %arg10[%swap3A_1409], %swap3A_1412 {strides = array<i32>} : memref<128xi32, #tpu.memory_space<vmem>>, vector<16xi32>,
        %get3A_1413 = arith.constant 80 : index
        %get3A_1414 = tpu.vector_load %arg12[%get3A_1413] {strides = array<i32>} : memref<128xi32, #tpu.memory_space<vmem>>, vector<16xi32>,
        %get3A_1415 = vector.shape_cast %get3A_1414 : vector<16xi32> to vector<16xi32>
        %mul3A_1416 = arith.constant 2 : i32
        %mul3A_1417 = vector.broadcast %mul3A_1416 : i32 to vector<16xi32>
        %mul3A_1418 = arith.muli %get3A_1415, %mul3A_1417 : vector<16xi32>
        %add3A_1419 = vector.broadcast %arg0 : i32 to vector<16xi32>
        %add3A_1420 = arith.addi %mul3A_1418, %add3A_1419 : vector<16xi32>
        %swap3A_1421 = arith.constant 80 : index
        %swap3A_1422 = tpu.vector_load %arg10[%swap3A_1421] {strides = array<i32>} : memref<128xi32, #tpu.memory_space<vmem>>, vector<16xi32>,
        %swap3A_1423 = vector.shape_cast %swap3A_1422 : vector<16xi32> to vector<16xi32>
        %swap3A_1424 = vector.shape_cast %add3A_1420 : vector<16xi32> to vector<16xi32>
        tpu.vector_store %arg10[%swap3A_1421], %swap3A_1424 {strides = array<i32>} : memref<128xi32, #tpu.memory_space<vmem>>, vector<16xi32>,
        %get3A_1425 = arith.constant 96 : index
        %get3A_1426 = tpu.vector_load %arg12[%get3A_1425] {strides = array<i32>} : memref<128xi32, #tpu.memory_space<vmem>>, vector<16xi32>,
        %get3A_1427 = vector.shape_cast %get3A_1426 : vector<16xi32> to vector<16xi32>
        %mul3A_1428 = arith.constant 2 : i32
        %mul3A_1429 = vector.broadcast %mul3A_1428 : i32 to vector<16xi32>
        %mul3A_1430 = arith.muli %get3A_1427, %mul3A_1429 : vector<16xi32>
        %add3A_1431 = vector.broadcast %arg0 : i32 to vector<16xi32>
        %add3A_1432 = arith.addi %mul3A_1430, %add3A_1431 : vector<16xi32>
        %swap3A_1433 = arith.constant 96 : index
        %swap3A_1434 = tpu.vector_load %arg10[%swap3A_1433] {strides = array<i32>} : memref<128xi32, #tpu.memory_space<vmem>>, vector<16xi32>,
        %swap3A_1435 = vector.shape_cast %swap3A_1434 : vector<16xi32> to vector<16xi32>
        %swap3A_1436 = vector.shape_cast %add3A_1432 : vector<16xi32> to vector<16xi32>
        tpu.vector_store %arg10[%swap3A_1433], %swap3A_1436 {strides = array<i32>} : memref<128xi32, #tpu.memory_space<vmem>>, vector<16xi32>,
        %get3A_1437 = arith.constant 112 : index
        %get3A_1438 = tpu.vector_load %arg12[%get3A_1437] {strides = array<i32>} : memref<128xi32, #tpu.memory_space<vmem>>, vector<16xi32>,
        %get3A_1439 = vector.shape_cast %get3A_1438 : vector<16xi32> to vector<16xi32>
        %mul3A_1440 = arith.constant 2 : i32
        %mul3A_1441 = vector.broadcast %mul3A_1440 : i32 to vector<16xi32>
        %mul3A_1442 = arith.muli %get3A_1439, %mul3A_1441 : vector<16xi32>
        %add3A_1443 = vector.broadcast %arg0 : i32 to vector<16xi32>
        %add3A_1444 = arith.addi %mul3A_1442, %add3A_1443 : vector<16xi32>
        %swap3A_1445 = arith.constant 112 : index
        %swap3A_1446 = tpu.vector_load %arg10[%swap3A_1445] {strides = array<i32>} : memref<128xi32, #tpu.memory_space<vmem>>, vector<16xi32>,
        %swap3A_1447 = vector.shape_cast %swap3A_1446 : vector<16xi32> to vector<16xi32>
        %swap3A_1448 = vector.shape_cast %add3A_1444 : vector<16xi32> to vector<16xi32>
        tpu.vector_store %arg10[%swap3A_1445], %swap3A_1448 {strides = array<i32>} : memref<128xi32, #tpu.memory_space<vmem>>, vector<16xi32>,
        %add3A_1449 = arith.constant 1 : i32
        %add3A_1450 = arith.addi %add3A_1295, %add3A_1449 : i32
        %dma_start3A_1451 = arith.constant 0 : i32
        %dma_start3A_1452 = arith.constant 0 : i32
        %dma_start3A_1453 = tpu.memref_slice %arg2[%dma_start3A_1451, %dma_start3A_1452] : memref<100000x64xf32, #tpu.memory_space<hbm>> -> memref<100000x64xf32, #tpu.memory_space<hbm>>
        tpu.enqueue_indirect_dma source(%dma_start3A_1453 : memref<100000x64xf32, #tpu.memory_space<hbm>>) target(%arg16 : memref<128x64xf32, #tpu.memory_space<vmem>>) offsets(%arg10 : memref<128xi32, #tpu.memory_space<vmem>>) semaphore(%arg23 : memref<!tpu.dma_semaphore, #tpu.memory_space<semaphore_mem>>)
        %mul3A_1454 = arith.constant 128 : i32
        %mul3A_1455 = arith.muli %add3A_1450, %mul3A_1454 : i32
        %add3A_1456 = arith.addi %mul3A_1062, %mul3A_1455 : i32
        %mul3A_1457 = arith.constant 32 : i32
        %mul3A_1458 = arith.muli %arg0, %mul3A_1457 : i32
        %dma_start3A_1459 = tpu.memref_slice %arg4[%add3A_1456, %mul3A_1458] : memref<320000x64xf32, #tpu.memory_space<hbm>> -> memref<128x32xf32, #tpu.memory_space<hbm>>
        %dma_start3A_1460 = tpu.memref_slice %arg4[%add3A_1456, %mul3A_1458] : memref<320000x64xf32, #tpu.memory_space<hbm>> -> memref<128x32xf32, #tpu.memory_space<hbm>>
        tpu.enqueue_dma source(%dma_start3A_1460 : memref<128x32xf32, #tpu.memory_space<hbm>>) target(%arg18 : memref<128x32xf32, #tpu.memory_space<vmem>>) target_semaphore(%arg25 : memref<!tpu.dma_semaphore, #tpu.memory_space<semaphore_mem>>)
      } else {
      }
      %dma_wait3A_1302 = arith.constant 0 : i32
      %dma_wait3A_1303 = arith.constant 0 : i32
      %dma_wait3A_1304 = tpu.memref_slice %arg2[%dma_wait3A_1302, %dma_wait3A_1303] : memref<100000x64xf32, #tpu.memory_space<hbm>> -> memref<100000x64xf32, #tpu.memory_space<hbm>>
      tpu.wait_indirect_dma semaphore(%arg24 : memref<!tpu.dma_semaphore, #tpu.memory_space<semaphore_mem>>) src(%dma_wait3A_1304 : memref<100000x64xf32, #tpu.memory_space<hbm>>) dst(%arg17 : memref<128x64xf32, #tpu.memory_space<vmem>>)
      %dma_wait3A_1305 = arith.constant 0 : i32
      %dma_wait3A_1306 = arith.constant 0 : i32
      %dma_wait3A_1307 = tpu.memref_slice %arg4[%dma_wait3A_1305, %dma_wait3A_1306] : memref<320000x64xf32, #tpu.memory_space<hbm>> -> memref<128x32xf32, #tpu.memory_space<hbm>>
      %dma_wait3A_1308 = arith.constant 0 : i32
      %dma_wait3A_1309 = arith.constant 0 : i32
      %dma_wait3A_1310 = tpu.memref_slice %arg4[%dma_wait3A_1308, %dma_wait3A_1309] : memref<320000x64xf32, #tpu.memory_space<hbm>> -> memref<128x32xf32, #tpu.memory_space<hbm>>
      tpu.wait_dma2 semaphore(%arg26 : memref<!tpu.dma_semaphore, #tpu.memory_space<semaphore_mem>>) src(%dma_wait3A_1310 : memref<128x32xf32, #tpu.memory_space<hbm>>) dst(%arg19 : memref<128x32xf32, #tpu.memory_space<vmem>>)
      %dma_start3A_1311 = arith.constant 0 : i32
      %dma_start3A_1312 = arith.constant 0 : i32
      %dma_start3A_1313 = tpu.memref_slice %arg7[%dma_start3A_1311, %dma_start3A_1312] : memref<10240x64xf32, #tpu.memory_space<vmem_shared>> -> memref<10240x64xf32, #tpu.memory_space<vmem_shared>>
      tpu.enqueue_indirect_dma source(%arg17 : memref<128x64xf32, #tpu.memory_space<vmem>>) target(%dma_start3A_1313 : memref<10240x64xf32, #tpu.memory_space<vmem_shared>>) offsets(%arg15 : memref<128xi32, #tpu.memory_space<vmem>>) semaphore(%arg28 : memref<!tpu.dma_semaphore, #tpu.memory_space<semaphore_mem>>) {add = true}
      %dma_start3A_1314 = arith.constant 0 : i32
      %dma_start3A_1315 = arith.constant 0 : i32
      %dma_start3A_1316 = tpu.memref_slice %arg8[%dma_start3A_1314, %dma_start3A_1315] : memref<10240x32xf32, #tpu.memory_space<vmem_shared>> -> memref<10240x32xf32, #tpu.memory_space<vmem_shared>>
      tpu.enqueue_indirect_dma source(%arg19 : memref<128x32xf32, #tpu.memory_space<vmem>>) target(%dma_start3A_1316 : memref<10240x32xf32, #tpu.memory_space<vmem_shared>>) offsets(%arg15 : memref<128xi32, #tpu.memory_space<vmem>>) semaphore(%arg28 : memref<!tpu.dma_semaphore, #tpu.memory_space<semaphore_mem>>) {add = true}
      %eq3A_1317 = arith.constant 0 : i32
      %eq3A_1318 = arith.cmpi eq, %arg0, %eq3A_1317 : i32
      %convert_element_type3A_1319 = arith.extui %eq3A_1318 : i1 to i32
      %cond3A_1320 = arith.constant 0 : i32
      %cond3A_1321 = arith.cmpi ne, %convert_element_type3A_1319, %cond3A_1320 : i32
      scf.if %cond3A_1321 {
        %dma_start3A_1339 = arith.constant 0 : i32
        %dma_start3A_1340 = arith.constant 0 : i32
        %dma_start3A_1341 = tpu.memref_slice %arg9[%dma_start3A_1339, %dma_start3A_1340] : memref<10240x16xf32, #tpu.memory_space<vmem_shared>> -> memref<10240x16xf32, #tpu.memory_space<vmem_shared>>
        tpu.enqueue_indirect_dma source(%arg20 : memref<128x16xf32, #tpu.memory_space<vmem>>) target(%dma_start3A_1341 : memref<10240x16xf32, #tpu.memory_space<vmem_shared>>) offsets(%arg15 : memref<128xi32, #tpu.memory_space<vmem>>) semaphore(%arg28 : memref<!tpu.dma_semaphore, #tpu.memory_space<semaphore_mem>>) {add = true}
      } else {
      }
      %dma_wait3A_1322 = arith.constant 0 : i32
      %dma_wait3A_1323 = arith.constant 0 : i32
      %dma_wait3A_1324 = tpu.memref_slice %arg7[%dma_wait3A_1322, %dma_wait3A_1323] : memref<10240x64xf32, #tpu.memory_space<vmem_shared>> -> memref<10240x64xf32, #tpu.memory_space<vmem_shared>>
      tpu.wait_indirect_dma semaphore(%arg28 : memref<!tpu.dma_semaphore, #tpu.memory_space<semaphore_mem>>) src(%arg17 : memref<128x64xf32, #tpu.memory_space<vmem>>) dst(%dma_wait3A_1324 : memref<10240x64xf32, #tpu.memory_space<vmem_shared>>)
      %dma_wait3A_1325 = arith.constant 0 : i32
      %dma_wait3A_1326 = arith.constant 0 : i32
      %dma_wait3A_1327 = tpu.memref_slice %arg8[%dma_wait3A_1325, %dma_wait3A_1326] : memref<10240x32xf32, #tpu.memory_space<vmem_shared>> -> memref<10240x32xf32, #tpu.memory_space<vmem_shared>>
      tpu.wait_indirect_dma semaphore(%arg28 : memref<!tpu.dma_semaphore, #tpu.memory_space<semaphore_mem>>) src(%arg19 : memref<128x32xf32, #tpu.memory_space<vmem>>) dst(%dma_wait3A_1327 : memref<10240x32xf32, #tpu.memory_space<vmem_shared>>)
      %eq3A_1328 = arith.constant 0 : i32
      %eq3A_1329 = arith.cmpi eq, %arg0, %eq3A_1328 : i32
      %convert_element_type3A_1330 = arith.extui %eq3A_1329 : i1 to i32
      %cond3A_1331 = arith.constant 0 : i32
      %cond3A_1332 = arith.cmpi ne, %convert_element_type3A_1330, %cond3A_1331 : i32
      scf.if %cond3A_1332 {
        %dma_wait3A_1339 = arith.constant 0 : i32
        %dma_wait3A_1340 = arith.constant 0 : i32
        %dma_wait3A_1341 = tpu.memref_slice %arg9[%dma_wait3A_1339, %dma_wait3A_1340] : memref<10240x16xf32, #tpu.memory_space<vmem_shared>> -> memref<10240x16xf32, #tpu.memory_space<vmem_shared>>
        tpu.wait_indirect_dma semaphore(%arg28 : memref<!tpu.dma_semaphore, #tpu.memory_space<semaphore_mem>>) src(%arg20 : memref<128x16xf32, #tpu.memory_space<vmem>>) dst(%dma_wait3A_1341 : memref<10240x16xf32, #tpu.memory_space<vmem_shared>>)
      } else {
      }
      %add3A_1333 = arith.constant 2 : i32
      %add3A_1334 = arith.addi %add3A_1295, %add3A_1333 : i32
      %lt3A_1335 = arith.cmpi slt, %add3A_1334, %select_n3A : i32
      %convert_element_type3A_1336 = arith.extui %lt3A_1335 : i1 to i32
      %cond3A_1337 = arith.constant 0 : i32
      %cond3A_1338 = arith.cmpi ne, %convert_element_type3A_1336, %cond3A_1337 : i32
      scf.if %cond3A_1338 {
        %add3A_1339 = arith.constant 2 : i32
        %add3A_1340 = arith.addi %add3A_1295, %add3A_1339 : i32
        %mul3A_1341 = arith.constant 128 : i32
        %mul3A_1342 = arith.muli %add3A_1340, %mul3A_1341 : i32
        %add3A_1343 = arith.addi %mul3A_1062, %mul3A_1342 : i32
        %dma_start3A_1344 = arith.constant 0 : i32
        %dma_start3A_1345 = tpu.memref_slice %arg3[%dma_start3A_1344, %add3A_1343] : memref<2x320000xi32, #tpu.memory_space<hbm>> -> memref<1x128xi32, #tpu.memory_space<hbm>>
        %dma_start3A_1346 = tpu.memref_squeeze %dma_start3A_1345 : memref<1x128xi32, #tpu.memory_space<hbm>> -> memref<128xi32, #tpu.memory_space<hbm>>
        %dma_start3A_1347 = tpu.memref_slice %arg3[%dma_start3A_1344, %add3A_1343] : memref<2x320000xi32, #tpu.memory_space<hbm>> -> memref<1x128xi32, #tpu.memory_space<hbm>>
        %dma_start3A_1348 = tpu.memref_squeeze %dma_start3A_1347 : memref<1x128xi32, #tpu.memory_space<hbm>> -> memref<128xi32, #tpu.memory_space<hbm>>
        tpu.enqueue_dma source(%dma_start3A_1348 : memref<128xi32, #tpu.memory_space<hbm>>) target(%arg13 : memref<128xi32, #tpu.memory_space<vmem>>) target_semaphore(%arg22 : memref<!tpu.dma_semaphore, #tpu.memory_space<semaphore_mem>>)
        %dma_start3A_1349 = arith.constant 1 : i32
        %dma_start3A_1350 = tpu.memref_slice %arg3[%dma_start3A_1349, %add3A_1343] : memref<2x320000xi32, #tpu.memory_space<hbm>> -> memref<1x128xi32, #tpu.memory_space<hbm>>
        %dma_start3A_1351 = tpu.memref_squeeze %dma_start3A_1350 : memref<1x128xi32, #tpu.memory_space<hbm>> -> memref<128xi32, #tpu.memory_space<hbm>>
        %dma_start3A_1352 = tpu.memref_slice %arg3[%dma_start3A_1349, %add3A_1343] : memref<2x320000xi32, #tpu.memory_space<hbm>> -> memref<1x128xi32, #tpu.memory_space<hbm>>
        %dma_start3A_1353 = tpu.memref_squeeze %dma_start3A_1352 : memref<1x128xi32, #tpu.memory_space<hbm>> -> memref<128xi32, #tpu.memory_space<hbm>>
        tpu.enqueue_dma source(%dma_start3A_1353 : memref<128xi32, #tpu.memory_space<hbm>>) target(%arg15 : memref<128xi32, #tpu.memory_space<vmem>>) target_semaphore(%arg22 : memref<!tpu.dma_semaphore, #tpu.memory_space<semaphore_mem>>)
      } else {
      }
    }
    %while3A_1232 = arith.constant 1 : i32
    scf.for %while3A_1245 = %while3A_1230 to %while3A_1226 step %while3A_1232  : i32 {
      %mul3A_1246 = arith.constant 2 : i32
      %mul3A_1247 = arith.muli %mul3A_1246, %while3A_1245 : i32
      %add3A_1248 = arith.constant 0 : i32
      %add3A_1249 = arith.addi %mul3A_1247, %add3A_1248 : i32
      %add3A_1250 = arith.constant 1 : i32
      %add3A_1251 = arith.addi %add3A_1249, %add3A_1250 : i32
      %lt3A = arith.cmpi slt, %add3A_1251, %select_n3A : i32
      %convert_element_type3A_1252 = arith.extui %lt3A : i1 to i32
      %cond3A_1253 = arith.constant 0 : i32
      %cond3A_1254 = arith.cmpi ne, %convert_element_type3A_1252, %cond3A_1253 : i32
      scf.if %cond3A_1254 {
        %dma_wait3A_1339 = arith.constant 0 : i32
        %dma_wait3A_1340 = arith.constant 0 : i32
        %dma_wait3A_1341 = tpu.memref_slice %arg3[%dma_wait3A_1339, %dma_wait3A_1340] : memref<2x320000xi32, #tpu.memory_space<hbm>> -> memref<1x128xi32, #tpu.memory_space<hbm>>
        %dma_wait3A_1342 = tpu.memref_squeeze %dma_wait3A_1341 : memref<1x128xi32, #tpu.memory_space<hbm>> -> memref<128xi32, #tpu.memory_space<hbm>>
        %dma_wait3A_1343 = arith.constant 0 : i32
        %dma_wait3A_1344 = tpu.memref_slice %arg3[%dma_wait3A_1339, %dma_wait3A_1343] : memref<2x320000xi32, #tpu.memory_space<hbm>> -> memref<1x128xi32, #tpu.memory_space<hbm>>
        %dma_wait3A_1345 = tpu.memref_squeeze %dma_wait3A_1344 : memref<1x128xi32, #tpu.memory_space<hbm>> -> memref<128xi32, #tpu.memory_space<hbm>>
        tpu.wait_dma2 semaphore(%arg22 : memref<!tpu.dma_semaphore, #tpu.memory_space<semaphore_mem>>) src(%dma_wait3A_1345 : memref<128xi32, #tpu.memory_space<hbm>>) dst(%arg13 : memref<128xi32, #tpu.memory_space<vmem>>)
        %dma_wait3A_1346 = arith.constant 0 : i32
        %dma_wait3A_1347 = arith.constant 0 : i32
        %dma_wait3A_1348 = tpu.memref_slice %arg3[%dma_wait3A_1346, %dma_wait3A_1347] : memref<2x320000xi32, #tpu.memory_space<hbm>> -> memref<1x128xi32, #tpu.memory_space<hbm>>
        %dma_wait3A_1349 = tpu.memref_squeeze %dma_wait3A_1348 : memref<1x128xi32, #tpu.memory_space<hbm>> -> memref<128xi32, #tpu.memory_space<hbm>>
        %dma_wait3A_1350 = arith.constant 0 : i32
        %dma_wait3A_1351 = tpu.memref_slice %arg3[%dma_wait3A_1346, %dma_wait3A_1350] : memref<2x320000xi32, #tpu.memory_space<hbm>> -> memref<1x128xi32, #tpu.memory_space<hbm>>
        %dma_wait3A_1352 = tpu.memref_squeeze %dma_wait3A_1351 : memref<1x128xi32, #tpu.memory_space<hbm>> -> memref<128xi32, #tpu.memory_space<hbm>>
        tpu.wait_dma2 semaphore(%arg22 : memref<!tpu.dma_semaphore, #tpu.memory_space<semaphore_mem>>) src(%dma_wait3A_1352 : memref<128xi32, #tpu.memory_space<hbm>>) dst(%arg15 : memref<128xi32, #tpu.memory_space<vmem>>)
        %get3A_1353 = arith.constant 0 : index
        %get3A_1354 = tpu.vector_load %arg13[%get3A_1353] {strides = array<i32>} : memref<128xi32, #tpu.memory_space<vmem>>, vector<16xi32>,
        %get3A_1355 = vector.shape_cast %get3A_1354 : vector<16xi32> to vector<16xi32>
        %mul3A_1356 = arith.constant 2 : i32
        %mul3A_1357 = vector.broadcast %mul3A_1356 : i32 to vector<16xi32>
        %mul3A_1358 = arith.muli %get3A_1355, %mul3A_1357 : vector<16xi32>
        %add3A_1359 = vector.broadcast %arg0 : i32 to vector<16xi32>
        %add3A_1360 = arith.addi %mul3A_1358, %add3A_1359 : vector<16xi32>
        %swap3A_1361 = arith.constant 0 : index
        %swap3A_1362 = tpu.vector_load %arg11[%swap3A_1361] {strides = array<i32>} : memref<128xi32, #tpu.memory_space<vmem>>, vector<16xi32>,
        %swap3A_1363 = vector.shape_cast %swap3A_1362 : vector<16xi32> to vector<16xi32>
        %swap3A_1364 = vector.shape_cast %add3A_1360 : vector<16xi32> to vector<16xi32>
        tpu.vector_store %arg11[%swap3A_1361], %swap3A_1364 {strides = array<i32>} : memref<128xi32, #tpu.memory_space<vmem>>, vector<16xi32>,
        %get3A_1365 = arith.constant 16 : index
        %get3A_1366 = tpu.vector_load %arg13[%get3A_1365] {strides = array<i32>} : memref<128xi32, #tpu.memory_space<vmem>>, vector<16xi32>,
        %get3A_1367 = vector.shape_cast %get3A_1366 : vector<16xi32> to vector<16xi32>
        %mul3A_1368 = arith.constant 2 : i32
        %mul3A_1369 = vector.broadcast %mul3A_1368 : i32 to vector<16xi32>
        %mul3A_1370 = arith.muli %get3A_1367, %mul3A_1369 : vector<16xi32>
        %add3A_1371 = vector.broadcast %arg0 : i32 to vector<16xi32>
        %add3A_1372 = arith.addi %mul3A_1370, %add3A_1371 : vector<16xi32>
        %swap3A_1373 = arith.constant 16 : index
        %swap3A_1374 = tpu.vector_load %arg11[%swap3A_1373] {strides = array<i32>} : memref<128xi32, #tpu.memory_space<vmem>>, vector<16xi32>,
        %swap3A_1375 = vector.shape_cast %swap3A_1374 : vector<16xi32> to vector<16xi32>
        %swap3A_1376 = vector.shape_cast %add3A_1372 : vector<16xi32> to vector<16xi32>
        tpu.vector_store %arg11[%swap3A_1373], %swap3A_1376 {strides = array<i32>} : memref<128xi32, #tpu.memory_space<vmem>>, vector<16xi32>,
        %get3A_1377 = arith.constant 32 : index
        %get3A_1378 = tpu.vector_load %arg13[%get3A_1377] {strides = array<i32>} : memref<128xi32, #tpu.memory_space<vmem>>, vector<16xi32>,
        %get3A_1379 = vector.shape_cast %get3A_1378 : vector<16xi32> to vector<16xi32>
        %mul3A_1380 = arith.constant 2 : i32
        %mul3A_1381 = vector.broadcast %mul3A_1380 : i32 to vector<16xi32>
        %mul3A_1382 = arith.muli %get3A_1379, %mul3A_1381 : vector<16xi32>
        %add3A_1383 = vector.broadcast %arg0 : i32 to vector<16xi32>
        %add3A_1384 = arith.addi %mul3A_1382, %add3A_1383 : vector<16xi32>
        %swap3A_1385 = arith.constant 32 : index
        %swap3A_1386 = tpu.vector_load %arg11[%swap3A_1385] {strides = array<i32>} : memref<128xi32, #tpu.memory_space<vmem>>, vector<16xi32>,
        %swap3A_1387 = vector.shape_cast %swap3A_1386 : vector<16xi32> to vector<16xi32>
        %swap3A_1388 = vector.shape_cast %add3A_1384 : vector<16xi32> to vector<16xi32>
        tpu.vector_store %arg11[%swap3A_1385], %swap3A_1388 {strides = array<i32>} : memref<128xi32, #tpu.memory_space<vmem>>, vector<16xi32>,
        %get3A_1389 = arith.constant 48 : index
        %get3A_1390 = tpu.vector_load %arg13[%get3A_1389] {strides = array<i32>} : memref<128xi32, #tpu.memory_space<vmem>>, vector<16xi32>,
        %get3A_1391 = vector.shape_cast %get3A_1390 : vector<16xi32> to vector<16xi32>
        %mul3A_1392 = arith.constant 2 : i32
        %mul3A_1393 = vector.broadcast %mul3A_1392 : i32 to vector<16xi32>
        %mul3A_1394 = arith.muli %get3A_1391, %mul3A_1393 : vector<16xi32>
        %add3A_1395 = vector.broadcast %arg0 : i32 to vector<16xi32>
        %add3A_1396 = arith.addi %mul3A_1394, %add3A_1395 : vector<16xi32>
        %swap3A_1397 = arith.constant 48 : index
        %swap3A_1398 = tpu.vector_load %arg11[%swap3A_1397] {strides = array<i32>} : memref<128xi32, #tpu.memory_space<vmem>>, vector<16xi32>,
        %swap3A_1399 = vector.shape_cast %swap3A_1398 : vector<16xi32> to vector<16xi32>
        %swap3A_1400 = vector.shape_cast %add3A_1396 : vector<16xi32> to vector<16xi32>
        tpu.vector_store %arg11[%swap3A_1397], %swap3A_1400 {strides = array<i32>} : memref<128xi32, #tpu.memory_space<vmem>>, vector<16xi32>,
        %get3A_1401 = arith.constant 64 : index
        %get3A_1402 = tpu.vector_load %arg13[%get3A_1401] {strides = array<i32>} : memref<128xi32, #tpu.memory_space<vmem>>, vector<16xi32>,
        %get3A_1403 = vector.shape_cast %get3A_1402 : vector<16xi32> to vector<16xi32>
        %mul3A_1404 = arith.constant 2 : i32
        %mul3A_1405 = vector.broadcast %mul3A_1404 : i32 to vector<16xi32>
        %mul3A_1406 = arith.muli %get3A_1403, %mul3A_1405 : vector<16xi32>
        %add3A_1407 = vector.broadcast %arg0 : i32 to vector<16xi32>
        %add3A_1408 = arith.addi %mul3A_1406, %add3A_1407 : vector<16xi32>
        %swap3A_1409 = arith.constant 64 : index
        %swap3A_1410 = tpu.vector_load %arg11[%swap3A_1409] {strides = array<i32>} : memref<128xi32, #tpu.memory_space<vmem>>, vector<16xi32>,
        %swap3A_1411 = vector.shape_cast %swap3A_1410 : vector<16xi32> to vector<16xi32>
        %swap3A_1412 = vector.shape_cast %add3A_1408 : vector<16xi32> to vector<16xi32>
        tpu.vector_store %arg11[%swap3A_1409], %swap3A_1412 {strides = array<i32>} : memref<128xi32, #tpu.memory_space<vmem>>, vector<16xi32>,
        %get3A_1413 = arith.constant 80 : index
        %get3A_1414 = tpu.vector_load %arg13[%get3A_1413] {strides = array<i32>} : memref<128xi32, #tpu.memory_space<vmem>>, vector<16xi32>,
        %get3A_1415 = vector.shape_cast %get3A_1414 : vector<16xi32> to vector<16xi32>
        %mul3A_1416 = arith.constant 2 : i32
        %mul3A_1417 = vector.broadcast %mul3A_1416 : i32 to vector<16xi32>
        %mul3A_1418 = arith.muli %get3A_1415, %mul3A_1417 : vector<16xi32>
        %add3A_1419 = vector.broadcast %arg0 : i32 to vector<16xi32>
        %add3A_1420 = arith.addi %mul3A_1418, %add3A_1419 : vector<16xi32>
        %swap3A_1421 = arith.constant 80 : index
        %swap3A_1422 = tpu.vector_load %arg11[%swap3A_1421] {strides = array<i32>} : memref<128xi32, #tpu.memory_space<vmem>>, vector<16xi32>,
        %swap3A_1423 = vector.shape_cast %swap3A_1422 : vector<16xi32> to vector<16xi32>
        %swap3A_1424 = vector.shape_cast %add3A_1420 : vector<16xi32> to vector<16xi32>
        tpu.vector_store %arg11[%swap3A_1421], %swap3A_1424 {strides = array<i32>} : memref<128xi32, #tpu.memory_space<vmem>>, vector<16xi32>,
        %get3A_1425 = arith.constant 96 : index
        %get3A_1426 = tpu.vector_load %arg13[%get3A_1425] {strides = array<i32>} : memref<128xi32, #tpu.memory_space<vmem>>, vector<16xi32>,
        %get3A_1427 = vector.shape_cast %get3A_1426 : vector<16xi32> to vector<16xi32>
        %mul3A_1428 = arith.constant 2 : i32
        %mul3A_1429 = vector.broadcast %mul3A_1428 : i32 to vector<16xi32>
        %mul3A_1430 = arith.muli %get3A_1427, %mul3A_1429 : vector<16xi32>
        %add3A_1431 = vector.broadcast %arg0 : i32 to vector<16xi32>
        %add3A_1432 = arith.addi %mul3A_1430, %add3A_1431 : vector<16xi32>
        %swap3A_1433 = arith.constant 96 : index
        %swap3A_1434 = tpu.vector_load %arg11[%swap3A_1433] {strides = array<i32>} : memref<128xi32, #tpu.memory_space<vmem>>, vector<16xi32>,
        %swap3A_1435 = vector.shape_cast %swap3A_1434 : vector<16xi32> to vector<16xi32>
        %swap3A_1436 = vector.shape_cast %add3A_1432 : vector<16xi32> to vector<16xi32>
        tpu.vector_store %arg11[%swap3A_1433], %swap3A_1436 {strides = array<i32>} : memref<128xi32, #tpu.memory_space<vmem>>, vector<16xi32>,
        %get3A_1437 = arith.constant 112 : index
        %get3A_1438 = tpu.vector_load %arg13[%get3A_1437] {strides = array<i32>} : memref<128xi32, #tpu.memory_space<vmem>>, vector<16xi32>,
        %get3A_1439 = vector.shape_cast %get3A_1438 : vector<16xi32> to vector<16xi32>
        %mul3A_1440 = arith.constant 2 : i32
        %mul3A_1441 = vector.broadcast %mul3A_1440 : i32 to vector<16xi32>
        %mul3A_1442 = arith.muli %get3A_1439, %mul3A_1441 : vector<16xi32>
        %add3A_1443 = vector.broadcast %arg0 : i32 to vector<16xi32>
        %add3A_1444 = arith.addi %mul3A_1442, %add3A_1443 : vector<16xi32>
        %swap3A_1445 = arith.constant 112 : index
        %swap3A_1446 = tpu.vector_load %arg11[%swap3A_1445] {strides = array<i32>} : memref<128xi32, #tpu.memory_space<vmem>>, vector<16xi32>,
        %swap3A_1447 = vector.shape_cast %swap3A_1446 : vector<16xi32> to vector<16xi32>
        %swap3A_1448 = vector.shape_cast %add3A_1444 : vector<16xi32> to vector<16xi32>
        tpu.vector_store %arg11[%swap3A_1445], %swap3A_1448 {strides = array<i32>} : memref<128xi32, #tpu.memory_space<vmem>>, vector<16xi32>,
        %add3A_1449 = arith.constant 1 : i32
        %add3A_1450 = arith.addi %add3A_1249, %add3A_1449 : i32
        %dma_start3A_1451 = arith.constant 0 : i32
        %dma_start3A_1452 = arith.constant 0 : i32
        %dma_start3A_1453 = tpu.memref_slice %arg2[%dma_start3A_1451, %dma_start3A_1452] : memref<100000x64xf32, #tpu.memory_space<hbm>> -> memref<100000x64xf32, #tpu.memory_space<hbm>>
        tpu.enqueue_indirect_dma source(%dma_start3A_1453 : memref<100000x64xf32, #tpu.memory_space<hbm>>) target(%arg17 : memref<128x64xf32, #tpu.memory_space<vmem>>) offsets(%arg11 : memref<128xi32, #tpu.memory_space<vmem>>) semaphore(%arg24 : memref<!tpu.dma_semaphore, #tpu.memory_space<semaphore_mem>>)
        %mul3A_1454 = arith.constant 128 : i32
        %mul3A_1455 = arith.muli %add3A_1450, %mul3A_1454 : i32
        %add3A_1456 = arith.addi %mul3A_1062, %mul3A_1455 : i32
        %mul3A_1457 = arith.constant 32 : i32
        %mul3A_1458 = arith.muli %arg0, %mul3A_1457 : i32
        %dma_start3A_1459 = tpu.memref_slice %arg4[%add3A_1456, %mul3A_1458] : memref<320000x64xf32, #tpu.memory_space<hbm>> -> memref<128x32xf32, #tpu.memory_space<hbm>>
        %dma_start3A_1460 = tpu.memref_slice %arg4[%add3A_1456, %mul3A_1458] : memref<320000x64xf32, #tpu.memory_space<hbm>> -> memref<128x32xf32, #tpu.memory_space<hbm>>
        tpu.enqueue_dma source(%dma_start3A_1460 : memref<128x32xf32, #tpu.memory_space<hbm>>) target(%arg19 : memref<128x32xf32, #tpu.memory_space<vmem>>) target_semaphore(%arg26 : memref<!tpu.dma_semaphore, #tpu.memory_space<semaphore_mem>>)
      } else {
      }
      %dma_wait3A_1255 = arith.constant 0 : i32
      %dma_wait3A_1256 = arith.constant 0 : i32
      %dma_wait3A_1257 = tpu.memref_slice %arg2[%dma_wait3A_1255, %dma_wait3A_1256] : memref<100000x64xf32, #tpu.memory_space<hbm>> -> memref<100000x64xf32, #tpu.memory_space<hbm>>
      tpu.wait_indirect_dma semaphore(%arg23 : memref<!tpu.dma_semaphore, #tpu.memory_space<semaphore_mem>>) src(%dma_wait3A_1257 : memref<100000x64xf32, #tpu.memory_space<hbm>>) dst(%arg16 : memref<128x64xf32, #tpu.memory_space<vmem>>)
      %dma_wait3A_1258 = arith.constant 0 : i32
      %dma_wait3A_1259 = arith.constant 0 : i32
      %dma_wait3A_1260 = tpu.memref_slice %arg4[%dma_wait3A_1258, %dma_wait3A_1259] : memref<320000x64xf32, #tpu.memory_space<hbm>> -> memref<128x32xf32, #tpu.memory_space<hbm>>
      %dma_wait3A_1261 = arith.constant 0 : i32
      %dma_wait3A_1262 = arith.constant 0 : i32
      %dma_wait3A_1263 = tpu.memref_slice %arg4[%dma_wait3A_1261, %dma_wait3A_1262] : memref<320000x64xf32, #tpu.memory_space<hbm>> -> memref<128x32xf32, #tpu.memory_space<hbm>>
      tpu.wait_dma2 semaphore(%arg25 : memref<!tpu.dma_semaphore, #tpu.memory_space<semaphore_mem>>) src(%dma_wait3A_1263 : memref<128x32xf32, #tpu.memory_space<hbm>>) dst(%arg18 : memref<128x32xf32, #tpu.memory_space<vmem>>)
      %dma_start3A_1264 = arith.constant 0 : i32
      %dma_start3A_1265 = arith.constant 0 : i32
      %dma_start3A_1266 = tpu.memref_slice %arg7[%dma_start3A_1264, %dma_start3A_1265] : memref<10240x64xf32, #tpu.memory_space<vmem_shared>> -> memref<10240x64xf32, #tpu.memory_space<vmem_shared>>
      tpu.enqueue_indirect_dma source(%arg16 : memref<128x64xf32, #tpu.memory_space<vmem>>) target(%dma_start3A_1266 : memref<10240x64xf32, #tpu.memory_space<vmem_shared>>) offsets(%arg14 : memref<128xi32, #tpu.memory_space<vmem>>) semaphore(%arg27 : memref<!tpu.dma_semaphore, #tpu.memory_space<semaphore_mem>>) {add = true}
      %dma_start3A_1267 = arith.constant 0 : i32
      %dma_start3A_1268 = arith.constant 0 : i32
      %dma_start3A_1269 = tpu.memref_slice %arg8[%dma_start3A_1267, %dma_start3A_1268] : memref<10240x32xf32, #tpu.memory_space<vmem_shared>> -> memref<10240x32xf32, #tpu.memory_space<vmem_shared>>
      tpu.enqueue_indirect_dma source(%arg18 : memref<128x32xf32, #tpu.memory_space<vmem>>) target(%dma_start3A_1269 : memref<10240x32xf32, #tpu.memory_space<vmem_shared>>) offsets(%arg14 : memref<128xi32, #tpu.memory_space<vmem>>) semaphore(%arg27 : memref<!tpu.dma_semaphore, #tpu.memory_space<semaphore_mem>>) {add = true}
      %eq3A_1270 = arith.constant 0 : i32
      %eq3A_1271 = arith.cmpi eq, %arg0, %eq3A_1270 : i32
      %convert_element_type3A_1272 = arith.extui %eq3A_1271 : i1 to i32
      %cond3A_1273 = arith.constant 0 : i32
      %cond3A_1274 = arith.cmpi ne, %convert_element_type3A_1272, %cond3A_1273 : i32
      scf.if %cond3A_1274 {
        %dma_start3A_1339 = arith.constant 0 : i32
        %dma_start3A_1340 = arith.constant 0 : i32
        %dma_start3A_1341 = tpu.memref_slice %arg9[%dma_start3A_1339, %dma_start3A_1340] : memref<10240x16xf32, #tpu.memory_space<vmem_shared>> -> memref<10240x16xf32, #tpu.memory_space<vmem_shared>>
        tpu.enqueue_indirect_dma source(%arg20 : memref<128x16xf32, #tpu.memory_space<vmem>>) target(%dma_start3A_1341 : memref<10240x16xf32, #tpu.memory_space<vmem_shared>>) offsets(%arg14 : memref<128xi32, #tpu.memory_space<vmem>>) semaphore(%arg27 : memref<!tpu.dma_semaphore, #tpu.memory_space<semaphore_mem>>) {add = true}
      } else {
      }
      %dma_wait3A_1275 = arith.constant 0 : i32
      %dma_wait3A_1276 = arith.constant 0 : i32
      %dma_wait3A_1277 = tpu.memref_slice %arg7[%dma_wait3A_1275, %dma_wait3A_1276] : memref<10240x64xf32, #tpu.memory_space<vmem_shared>> -> memref<10240x64xf32, #tpu.memory_space<vmem_shared>>
      tpu.wait_indirect_dma semaphore(%arg27 : memref<!tpu.dma_semaphore, #tpu.memory_space<semaphore_mem>>) src(%arg16 : memref<128x64xf32, #tpu.memory_space<vmem>>) dst(%dma_wait3A_1277 : memref<10240x64xf32, #tpu.memory_space<vmem_shared>>)
      %dma_wait3A_1278 = arith.constant 0 : i32
      %dma_wait3A_1279 = arith.constant 0 : i32
      %dma_wait3A_1280 = tpu.memref_slice %arg8[%dma_wait3A_1278, %dma_wait3A_1279] : memref<10240x32xf32, #tpu.memory_space<vmem_shared>> -> memref<10240x32xf32, #tpu.memory_space<vmem_shared>>
      tpu.wait_indirect_dma semaphore(%arg27 : memref<!tpu.dma_semaphore, #tpu.memory_space<semaphore_mem>>) src(%arg18 : memref<128x32xf32, #tpu.memory_space<vmem>>) dst(%dma_wait3A_1280 : memref<10240x32xf32, #tpu.memory_space<vmem_shared>>)
      %eq3A_1281 = arith.constant 0 : i32
      %eq3A_1282 = arith.cmpi eq, %arg0, %eq3A_1281 : i32
      %convert_element_type3A_1283 = arith.extui %eq3A_1282 : i1 to i32
      %cond3A_1284 = arith.constant 0 : i32
      %cond3A_1285 = arith.cmpi ne, %convert_element_type3A_1283, %cond3A_1284 : i32
      scf.if %cond3A_1285 {
        %dma_wait3A_1339 = arith.constant 0 : i32
        %dma_wait3A_1340 = arith.constant 0 : i32
        %dma_wait3A_1341 = tpu.memref_slice %arg9[%dma_wait3A_1339, %dma_wait3A_1340] : memref<10240x16xf32, #tpu.memory_space<vmem_shared>> -> memref<10240x16xf32, #tpu.memory_space<vmem_shared>>
        tpu.wait_indirect_dma semaphore(%arg27 : memref<!tpu.dma_semaphore, #tpu.memory_space<semaphore_mem>>) src(%arg20 : memref<128x16xf32, #tpu.memory_space<vmem>>) dst(%dma_wait3A_1341 : memref<10240x16xf32, #tpu.memory_space<vmem_shared>>)
      } else {
      }
      %add3A_1286 = arith.constant 2 : i32
      %add3A_1287 = arith.addi %add3A_1249, %add3A_1286 : i32
      %lt3A_1288 = arith.cmpi slt, %add3A_1287, %select_n3A : i32
      %convert_element_type3A_1289 = arith.extui %lt3A_1288 : i1 to i32
      %cond3A_1290 = arith.constant 0 : i32
      %cond3A_1291 = arith.cmpi ne, %convert_element_type3A_1289, %cond3A_1290 : i32
      scf.if %cond3A_1291 {
        %add3A_1339 = arith.constant 2 : i32
        %add3A_1340 = arith.addi %add3A_1249, %add3A_1339 : i32
        %mul3A_1341 = arith.constant 128 : i32
        %mul3A_1342 = arith.muli %add3A_1340, %mul3A_1341 : i32
        %add3A_1343 = arith.addi %mul3A_1062, %mul3A_1342 : i32
        %dma_start3A_1344 = arith.constant 0 : i32
        %dma_start3A_1345 = tpu.memref_slice %arg3[%dma_start3A_1344, %add3A_1343] : memref<2x320000xi32, #tpu.memory_space<hbm>> -> memref<1x128xi32, #tpu.memory_space<hbm>>
        %dma_start3A_1346 = tpu.memref_squeeze %dma_start3A_1345 : memref<1x128xi32, #tpu.memory_space<hbm>> -> memref<128xi32, #tpu.memory_space<hbm>>
        %dma_start3A_1347 = tpu.memref_slice %arg3[%dma_start3A_1344, %add3A_1343] : memref<2x320000xi32, #tpu.memory_space<hbm>> -> memref<1x128xi32, #tpu.memory_space<hbm>>
        %dma_start3A_1348 = tpu.memref_squeeze %dma_start3A_1347 : memref<1x128xi32, #tpu.memory_space<hbm>> -> memref<128xi32, #tpu.memory_space<hbm>>
        tpu.enqueue_dma source(%dma_start3A_1348 : memref<128xi32, #tpu.memory_space<hbm>>) target(%arg12 : memref<128xi32, #tpu.memory_space<vmem>>) target_semaphore(%arg21 : memref<!tpu.dma_semaphore, #tpu.memory_space<semaphore_mem>>)
        %dma_start3A_1349 = arith.constant 1 : i32
        %dma_start3A_1350 = tpu.memref_slice %arg3[%dma_start3A_1349, %add3A_1343] : memref<2x320000xi32, #tpu.memory_space<hbm>> -> memref<1x128xi32, #tpu.memory_space<hbm>>
        %dma_start3A_1351 = tpu.memref_squeeze %dma_start3A_1350 : memref<1x128xi32, #tpu.memory_space<hbm>> -> memref<128xi32, #tpu.memory_space<hbm>>
        %dma_start3A_1352 = tpu.memref_slice %arg3[%dma_start3A_1349, %add3A_1343] : memref<2x320000xi32, #tpu.memory_space<hbm>> -> memref<1x128xi32, #tpu.memory_space<hbm>>
        %dma_start3A_1353 = tpu.memref_squeeze %dma_start3A_1352 : memref<1x128xi32, #tpu.memory_space<hbm>> -> memref<128xi32, #tpu.memory_space<hbm>>
        tpu.enqueue_dma source(%dma_start3A_1353 : memref<128xi32, #tpu.memory_space<hbm>>) target(%arg14 : memref<128xi32, #tpu.memory_space<vmem>>) target_semaphore(%arg21 : memref<!tpu.dma_semaphore, #tpu.memory_space<semaphore_mem>>)
      } else {
      }
      %mul3A_1292 = arith.constant 2 : i32
      %mul3A_1293 = arith.muli %mul3A_1292, %while3A_1245 : i32
      %add3A_1294 = arith.constant 1 : i32
      %add3A_1295 = arith.addi %mul3A_1293, %add3A_1294 : i32
      %add3A_1296 = arith.constant 1 : i32
      %add3A_1297 = arith.addi %add3A_1295, %add3A_1296 : i32
      %lt3A_1298 = arith.cmpi slt, %add3A_1297, %select_n3A : i32
      %convert_element_type3A_1299 = arith.extui %lt3A_1298 : i1 to i32
      %cond3A_1300 = arith.constant 0 : i32
      %cond3A_1301 = arith.cmpi ne, %convert_element_type3A_1299, %cond3A_1300 : i32
      scf.if %cond3A_1301 {
        %dma_wait3A_1339 = arith.constant 0 : i32
        %dma_wait3A_1340 = arith.constant 0 : i32
        %dma_wait3A_1341 = tpu.memref_slice %arg3[%dma_wait3A_1339, %dma_wait3A_1340] : memref<2x320000xi32, #tpu.memory_space<hbm>> -> memref<1x128xi32, #tpu.memory_space<hbm>>
        %dma_wait3A_1342 = tpu.memref_squeeze %dma_wait3A_1341 : memref<1x128xi32, #tpu.memory_space<hbm>> -> memref<128xi32, #tpu.memory_space<hbm>>
        %dma_wait3A_1343 = arith.constant 0 : i32
        %dma_wait3A_1344 = tpu.memref_slice %arg3[%dma_wait3A_1339, %dma_wait3A_1343] : memref<2x320000xi32, #tpu.memory_space<hbm>> -> memref<1x128xi32, #tpu.memory_space<hbm>>
        %dma_wait3A_1345 = tpu.memref_squeeze %dma_wait3A_1344 : memref<1x128xi32, #tpu.memory_space<hbm>> -> memref<128xi32, #tpu.memory_space<hbm>>
        tpu.wait_dma2 semaphore(%arg21 : memref<!tpu.dma_semaphore, #tpu.memory_space<semaphore_mem>>) src(%dma_wait3A_1345 : memref<128xi32, #tpu.memory_space<hbm>>) dst(%arg12 : memref<128xi32, #tpu.memory_space<vmem>>)
        %dma_wait3A_1346 = arith.constant 0 : i32
        %dma_wait3A_1347 = arith.constant 0 : i32
        %dma_wait3A_1348 = tpu.memref_slice %arg3[%dma_wait3A_1346, %dma_wait3A_1347] : memref<2x320000xi32, #tpu.memory_space<hbm>> -> memref<1x128xi32, #tpu.memory_space<hbm>>
        %dma_wait3A_1349 = tpu.memref_squeeze %dma_wait3A_1348 : memref<1x128xi32, #tpu.memory_space<hbm>> -> memref<128xi32, #tpu.memory_space<hbm>>
        %dma_wait3A_1350 = arith.constant 0 : i32
        %dma_wait3A_1351 = tpu.memref_slice %arg3[%dma_wait3A_1346, %dma_wait3A_1350] : memref<2x320000xi32, #tpu.memory_space<hbm>> -> memref<1x128xi32, #tpu.memory_space<hbm>>
        %dma_wait3A_1352 = tpu.memref_squeeze %dma_wait3A_1351 : memref<1x128xi32, #tpu.memory_space<hbm>> -> memref<128xi32, #tpu.memory_space<hbm>>
        tpu.wait_dma2 semaphore(%arg21 : memref<!tpu.dma_semaphore, #tpu.memory_space<semaphore_mem>>) src(%dma_wait3A_1352 : memref<128xi32, #tpu.memory_space<hbm>>) dst(%arg14 : memref<128xi32, #tpu.memory_space<vmem>>)
        %get3A_1353 = arith.constant 0 : index
        %get3A_1354 = tpu.vector_load %arg12[%get3A_1353] {strides = array<i32>} : memref<128xi32, #tpu.memory_space<vmem>>, vector<16xi32>,
        %get3A_1355 = vector.shape_cast %get3A_1354 : vector<16xi32> to vector<16xi32>
        %mul3A_1356 = arith.constant 2 : i32
        %mul3A_1357 = vector.broadcast %mul3A_1356 : i32 to vector<16xi32>
        %mul3A_1358 = arith.muli %get3A_1355, %mul3A_1357 : vector<16xi32>
        %add3A_1359 = vector.broadcast %arg0 : i32 to vector<16xi32>
        %add3A_1360 = arith.addi %mul3A_1358, %add3A_1359 : vector<16xi32>
        %swap3A_1361 = arith.constant 0 : index
        %swap3A_1362 = tpu.vector_load %arg10[%swap3A_1361] {strides = array<i32>} : memref<128xi32, #tpu.memory_space<vmem>>, vector<16xi32>,
        %swap3A_1363 = vector.shape_cast %swap3A_1362 : vector<16xi32> to vector<16xi32>
        %swap3A_1364 = vector.shape_cast %add3A_1360 : vector<16xi32> to vector<16xi32>
        tpu.vector_store %arg10[%swap3A_1361], %swap3A_1364 {strides = array<i32>} : memref<128xi32, #tpu.memory_space<vmem>>, vector<16xi32>,
        %get3A_1365 = arith.constant 16 : index
        %get3A_1366 = tpu.vector_load %arg12[%get3A_1365] {strides = array<i32>} : memref<128xi32, #tpu.memory_space<vmem>>, vector<16xi32>,
        %get3A_1367 = vector.shape_cast %get3A_1366 : vector<16xi32> to vector<16xi32>
        %mul3A_1368 = arith.constant 2 : i32
        %mul3A_1369 = vector.broadcast %mul3A_1368 : i32 to vector<16xi32>
        %mul3A_1370 = arith.muli %get3A_1367, %mul3A_1369 : vector<16xi32>
        %add3A_1371 = vector.broadcast %arg0 : i32 to vector<16xi32>
        %add3A_1372 = arith.addi %mul3A_1370, %add3A_1371 : vector<16xi32>
        %swap3A_1373 = arith.constant 16 : index
        %swap3A_1374 = tpu.vector_load %arg10[%swap3A_1373] {strides = array<i32>} : memref<128xi32, #tpu.memory_space<vmem>>, vector<16xi32>,
        %swap3A_1375 = vector.shape_cast %swap3A_1374 : vector<16xi32> to vector<16xi32>
        %swap3A_1376 = vector.shape_cast %add3A_1372 : vector<16xi32> to vector<16xi32>
        tpu.vector_store %arg10[%swap3A_1373], %swap3A_1376 {strides = array<i32>} : memref<128xi32, #tpu.memory_space<vmem>>, vector<16xi32>,
        %get3A_1377 = arith.constant 32 : index
        %get3A_1378 = tpu.vector_load %arg12[%get3A_1377] {strides = array<i32>} : memref<128xi32, #tpu.memory_space<vmem>>, vector<16xi32>,
        %get3A_1379 = vector.shape_cast %get3A_1378 : vector<16xi32> to vector<16xi32>
        %mul3A_1380 = arith.constant 2 : i32
        %mul3A_1381 = vector.broadcast %mul3A_1380 : i32 to vector<16xi32>
        %mul3A_1382 = arith.muli %get3A_1379, %mul3A_1381 : vector<16xi32>
        %add3A_1383 = vector.broadcast %arg0 : i32 to vector<16xi32>
        %add3A_1384 = arith.addi %mul3A_1382, %add3A_1383 : vector<16xi32>
        %swap3A_1385 = arith.constant 32 : index
        %swap3A_1386 = tpu.vector_load %arg10[%swap3A_1385] {strides = array<i32>} : memref<128xi32, #tpu.memory_space<vmem>>, vector<16xi32>,
        %swap3A_1387 = vector.shape_cast %swap3A_1386 : vector<16xi32> to vector<16xi32>
        %swap3A_1388 = vector.shape_cast %add3A_1384 : vector<16xi32> to vector<16xi32>
        tpu.vector_store %arg10[%swap3A_1385], %swap3A_1388 {strides = array<i32>} : memref<128xi32, #tpu.memory_space<vmem>>, vector<16xi32>,
        %get3A_1389 = arith.constant 48 : index
        %get3A_1390 = tpu.vector_load %arg12[%get3A_1389] {strides = array<i32>} : memref<128xi32, #tpu.memory_space<vmem>>, vector<16xi32>,
        %get3A_1391 = vector.shape_cast %get3A_1390 : vector<16xi32> to vector<16xi32>
        %mul3A_1392 = arith.constant 2 : i32
        %mul3A_1393 = vector.broadcast %mul3A_1392 : i32 to vector<16xi32>
        %mul3A_1394 = arith.muli %get3A_1391, %mul3A_1393 : vector<16xi32>
        %add3A_1395 = vector.broadcast %arg0 : i32 to vector<16xi32>
        %add3A_1396 = arith.addi %mul3A_1394, %add3A_1395 : vector<16xi32>
        %swap3A_1397 = arith.constant 48 : index
        %swap3A_1398 = tpu.vector_load %arg10[%swap3A_1397] {strides = array<i32>} : memref<128xi32, #tpu.memory_space<vmem>>, vector<16xi32>,
        %swap3A_1399 = vector.shape_cast %swap3A_1398 : vector<16xi32> to vector<16xi32>
        %swap3A_1400 = vector.shape_cast %add3A_1396 : vector<16xi32> to vector<16xi32>
        tpu.vector_store %arg10[%swap3A_1397], %swap3A_1400 {strides = array<i32>} : memref<128xi32, #tpu.memory_space<vmem>>, vector<16xi32>,
        %get3A_1401 = arith.constant 64 : index
        %get3A_1402 = tpu.vector_load %arg12[%get3A_1401] {strides = array<i32>} : memref<128xi32, #tpu.memory_space<vmem>>, vector<16xi32>,
        %get3A_1403 = vector.shape_cast %get3A_1402 : vector<16xi32> to vector<16xi32>
        %mul3A_1404 = arith.constant 2 : i32
        %mul3A_1405 = vector.broadcast %mul3A_1404 : i32 to vector<16xi32>
        %mul3A_1406 = arith.muli %get3A_1403, %mul3A_1405 : vector<16xi32>
        %add3A_1407 = vector.broadcast %arg0 : i32 to vector<16xi32>
        %add3A_1408 = arith.addi %mul3A_1406, %add3A_1407 : vector<16xi32>
        %swap3A_1409 = arith.constant 64 : index
        %swap3A_1410 = tpu.vector_load %arg10[%swap3A_1409] {strides = array<i32>} : memref<128xi32, #tpu.memory_space<vmem>>, vector<16xi32>,
        %swap3A_1411 = vector.shape_cast %swap3A_1410 : vector<16xi32> to vector<16xi32>
        %swap3A_1412 = vector.shape_cast %add3A_1408 : vector<16xi32> to vector<16xi32>
        tpu.vector_store %arg10[%swap3A_1409], %swap3A_1412 {strides = array<i32>} : memref<128xi32, #tpu.memory_space<vmem>>, vector<16xi32>,
        %get3A_1413 = arith.constant 80 : index
        %get3A_1414 = tpu.vector_load %arg12[%get3A_1413] {strides = array<i32>} : memref<128xi32, #tpu.memory_space<vmem>>, vector<16xi32>,
        %get3A_1415 = vector.shape_cast %get3A_1414 : vector<16xi32> to vector<16xi32>
        %mul3A_1416 = arith.constant 2 : i32
        %mul3A_1417 = vector.broadcast %mul3A_1416 : i32 to vector<16xi32>
        %mul3A_1418 = arith.muli %get3A_1415, %mul3A_1417 : vector<16xi32>
        %add3A_1419 = vector.broadcast %arg0 : i32 to vector<16xi32>
        %add3A_1420 = arith.addi %mul3A_1418, %add3A_1419 : vector<16xi32>
        %swap3A_1421 = arith.constant 80 : index
        %swap3A_1422 = tpu.vector_load %arg10[%swap3A_1421] {strides = array<i32>} : memref<128xi32, #tpu.memory_space<vmem>>, vector<16xi32>,
        %swap3A_1423 = vector.shape_cast %swap3A_1422 : vector<16xi32> to vector<16xi32>
        %swap3A_1424 = vector.shape_cast %add3A_1420 : vector<16xi32> to vector<16xi32>
        tpu.vector_store %arg10[%swap3A_1421], %swap3A_1424 {strides = array<i32>} : memref<128xi32, #tpu.memory_space<vmem>>, vector<16xi32>,
        %get3A_1425 = arith.constant 96 : index
        %get3A_1426 = tpu.vector_load %arg12[%get3A_1425] {strides = array<i32>} : memref<128xi32, #tpu.memory_space<vmem>>, vector<16xi32>,
        %get3A_1427 = vector.shape_cast %get3A_1426 : vector<16xi32> to vector<16xi32>
        %mul3A_1428 = arith.constant 2 : i32
        %mul3A_1429 = vector.broadcast %mul3A_1428 : i32 to vector<16xi32>
        %mul3A_1430 = arith.muli %get3A_1427, %mul3A_1429 : vector<16xi32>
        %add3A_1431 = vector.broadcast %arg0 : i32 to vector<16xi32>
        %add3A_1432 = arith.addi %mul3A_1430, %add3A_1431 : vector<16xi32>
        %swap3A_1433 = arith.constant 96 : index
        %swap3A_1434 = tpu.vector_load %arg10[%swap3A_1433] {strides = array<i32>} : memref<128xi32, #tpu.memory_space<vmem>>, vector<16xi32>,
        %swap3A_1435 = vector.shape_cast %swap3A_1434 : vector<16xi32> to vector<16xi32>
        %swap3A_1436 = vector.shape_cast %add3A_1432 : vector<16xi32> to vector<16xi32>
        tpu.vector_store %arg10[%swap3A_1433], %swap3A_1436 {strides = array<i32>} : memref<128xi32, #tpu.memory_space<vmem>>, vector<16xi32>,
        %get3A_1437 = arith.constant 112 : index
        %get3A_1438 = tpu.vector_load %arg12[%get3A_1437] {strides = array<i32>} : memref<128xi32, #tpu.memory_space<vmem>>, vector<16xi32>,
        %get3A_1439 = vector.shape_cast %get3A_1438 : vector<16xi32> to vector<16xi32>
        %mul3A_1440 = arith.constant 2 : i32
        %mul3A_1441 = vector.broadcast %mul3A_1440 : i32 to vector<16xi32>
        %mul3A_1442 = arith.muli %get3A_1439, %mul3A_1441 : vector<16xi32>
        %add3A_1443 = vector.broadcast %arg0 : i32 to vector<16xi32>
        %add3A_1444 = arith.addi %mul3A_1442, %add3A_1443 : vector<16xi32>
        %swap3A_1445 = arith.constant 112 : index
        %swap3A_1446 = tpu.vector_load %arg10[%swap3A_1445] {strides = array<i32>} : memref<128xi32, #tpu.memory_space<vmem>>, vector<16xi32>,
        %swap3A_1447 = vector.shape_cast %swap3A_1446 : vector<16xi32> to vector<16xi32>
        %swap3A_1448 = vector.shape_cast %add3A_1444 : vector<16xi32> to vector<16xi32>
        tpu.vector_store %arg10[%swap3A_1445], %swap3A_1448 {strides = array<i32>} : memref<128xi32, #tpu.memory_space<vmem>>, vector<16xi32>,
        %add3A_1449 = arith.constant 1 : i32
        %add3A_1450 = arith.addi %add3A_1295, %add3A_1449 : i32
        %dma_start3A_1451 = arith.constant 0 : i32
        %dma_start3A_1452 = arith.constant 0 : i32
        %dma_start3A_1453 = tpu.memref_slice %arg2[%dma_start3A_1451, %dma_start3A_1452] : memref<100000x64xf32, #tpu.memory_space<hbm>> -> memref<100000x64xf32, #tpu.memory_space<hbm>>
        tpu.enqueue_indirect_dma source(%dma_start3A_1453 : memref<100000x64xf32, #tpu.memory_space<hbm>>) target(%arg16 : memref<128x64xf32, #tpu.memory_space<vmem>>) offsets(%arg10 : memref<128xi32, #tpu.memory_space<vmem>>) semaphore(%arg23 : memref<!tpu.dma_semaphore, #tpu.memory_space<semaphore_mem>>)
        %mul3A_1454 = arith.constant 128 : i32
        %mul3A_1455 = arith.muli %add3A_1450, %mul3A_1454 : i32
        %add3A_1456 = arith.addi %mul3A_1062, %mul3A_1455 : i32
        %mul3A_1457 = arith.constant 32 : i32
        %mul3A_1458 = arith.muli %arg0, %mul3A_1457 : i32
        %dma_start3A_1459 = tpu.memref_slice %arg4[%add3A_1456, %mul3A_1458] : memref<320000x64xf32, #tpu.memory_space<hbm>> -> memref<128x32xf32, #tpu.memory_space<hbm>>
        %dma_start3A_1460 = tpu.memref_slice %arg4[%add3A_1456, %mul3A_1458] : memref<320000x64xf32, #tpu.memory_space<hbm>> -> memref<128x32xf32, #tpu.memory_space<hbm>>
        tpu.enqueue_dma source(%dma_start3A_1460 : memref<128x32xf32, #tpu.memory_space<hbm>>) target(%arg18 : memref<128x32xf32, #tpu.memory_space<vmem>>) target_semaphore(%arg25 : memref<!tpu.dma_semaphore, #tpu.memory_space<semaphore_mem>>)
      } else {
      }
      %dma_wait3A_1302 = arith.constant 0 : i32
      %dma_wait3A_1303 = arith.constant 0 : i32
      %dma_wait3A_1304 = tpu.memref_slice %arg2[%dma_wait3A_1302, %dma_wait3A_1303] : memref<100000x64xf32, #tpu.memory_space<hbm>> -> memref<100000x64xf32, #tpu.memory_space<hbm>>
      tpu.wait_indirect_dma semaphore(%arg24 : memref<!tpu.dma_semaphore, #tpu.memory_space<semaphore_mem>>) src(%dma_wait3A_1304 : memref<100000x64xf32, #tpu.memory_space<hbm>>) dst(%arg17 : memref<128x64xf32, #tpu.memory_space<vmem>>)
      %dma_wait3A_1305 = arith.constant 0 : i32
      %dma_wait3A_1306 = arith.constant 0 : i32
      %dma_wait3A_1307 = tpu.memref_slice %arg4[%dma_wait3A_1305, %dma_wait3A_1306] : memref<320000x64xf32, #tpu.memory_space<hbm>> -> memref<128x32xf32, #tpu.memory_space<hbm>>
      %dma_wait3A_1308 = arith.constant 0 : i32
      %dma_wait3A_1309 = arith.constant 0 : i32
      %dma_wait3A_1310 = tpu.memref_slice %arg4[%dma_wait3A_1308, %dma_wait3A_1309] : memref<320000x64xf32, #tpu.memory_space<hbm>> -> memref<128x32xf32, #tpu.memory_space<hbm>>
      tpu.wait_dma2 semaphore(%arg26 : memref<!tpu.dma_semaphore, #tpu.memory_space<semaphore_mem>>) src(%dma_wait3A_1310 : memref<128x32xf32, #tpu.memory_space<hbm>>) dst(%arg19 : memref<128x32xf32, #tpu.memory_space<vmem>>)
      %dma_start3A_1311 = arith.constant 0 : i32
      %dma_start3A_1312 = arith.constant 0 : i32
      %dma_start3A_1313 = tpu.memref_slice %arg7[%dma_start3A_1311, %dma_start3A_1312] : memref<10240x64xf32, #tpu.memory_space<vmem_shared>> -> memref<10240x64xf32, #tpu.memory_space<vmem_shared>>
      tpu.enqueue_indirect_dma source(%arg17 : memref<128x64xf32, #tpu.memory_space<vmem>>) target(%dma_start3A_1313 : memref<10240x64xf32, #tpu.memory_space<vmem_shared>>) offsets(%arg15 : memref<128xi32, #tpu.memory_space<vmem>>) semaphore(%arg28 : memref<!tpu.dma_semaphore, #tpu.memory_space<semaphore_mem>>) {add = true}
      %dma_start3A_1314 = arith.constant 0 : i32
      %dma_start3A_1315 = arith.constant 0 : i32
      %dma_start3A_1316 = tpu.memref_slice %arg8[%dma_start3A_1314, %dma_start3A_1315] : memref<10240x32xf32, #tpu.memory_space<vmem_shared>> -> memref<10240x32xf32, #tpu.memory_space<vmem_shared>>
      tpu.enqueue_indirect_dma source(%arg19 : memref<128x32xf32, #tpu.memory_space<vmem>>) target(%dma_start3A_1316 : memref<10240x32xf32, #tpu.memory_space<vmem_shared>>) offsets(%arg15 : memref<128xi32, #tpu.memory_space<vmem>>) semaphore(%arg28 : memref<!tpu.dma_semaphore, #tpu.memory_space<semaphore_mem>>) {add = true}
      %eq3A_1317 = arith.constant 0 : i32
      %eq3A_1318 = arith.cmpi eq, %arg0, %eq3A_1317 : i32
      %convert_element_type3A_1319 = arith.extui %eq3A_1318 : i1 to i32
      %cond3A_1320 = arith.constant 0 : i32
      %cond3A_1321 = arith.cmpi ne, %convert_element_type3A_1319, %cond3A_1320 : i32
      scf.if %cond3A_1321 {
        %dma_start3A_1339 = arith.constant 0 : i32
        %dma_start3A_1340 = arith.constant 0 : i32
        %dma_start3A_1341 = tpu.memref_slice %arg9[%dma_start3A_1339, %dma_start3A_1340] : memref<10240x16xf32, #tpu.memory_space<vmem_shared>> -> memref<10240x16xf32, #tpu.memory_space<vmem_shared>>
        tpu.enqueue_indirect_dma source(%arg20 : memref<128x16xf32, #tpu.memory_space<vmem>>) target(%dma_start3A_1341 : memref<10240x16xf32, #tpu.memory_space<vmem_shared>>) offsets(%arg15 : memref<128xi32, #tpu.memory_space<vmem>>) semaphore(%arg28 : memref<!tpu.dma_semaphore, #tpu.memory_space<semaphore_mem>>) {add = true}
      } else {
      }
      %dma_wait3A_1322 = arith.constant 0 : i32
      %dma_wait3A_1323 = arith.constant 0 : i32
      %dma_wait3A_1324 = tpu.memref_slice %arg7[%dma_wait3A_1322, %dma_wait3A_1323] : memref<10240x64xf32, #tpu.memory_space<vmem_shared>> -> memref<10240x64xf32, #tpu.memory_space<vmem_shared>>
      tpu.wait_indirect_dma semaphore(%arg28 : memref<!tpu.dma_semaphore, #tpu.memory_space<semaphore_mem>>) src(%arg17 : memref<128x64xf32, #tpu.memory_space<vmem>>) dst(%dma_wait3A_1324 : memref<10240x64xf32, #tpu.memory_space<vmem_shared>>)
      %dma_wait3A_1325 = arith.constant 0 : i32
      %dma_wait3A_1326 = arith.constant 0 : i32
      %dma_wait3A_1327 = tpu.memref_slice %arg8[%dma_wait3A_1325, %dma_wait3A_1326] : memref<10240x32xf32, #tpu.memory_space<vmem_shared>> -> memref<10240x32xf32, #tpu.memory_space<vmem_shared>>
      tpu.wait_indirect_dma semaphore(%arg28 : memref<!tpu.dma_semaphore, #tpu.memory_space<semaphore_mem>>) src(%arg19 : memref<128x32xf32, #tpu.memory_space<vmem>>) dst(%dma_wait3A_1327 : memref<10240x32xf32, #tpu.memory_space<vmem_shared>>)
      %eq3A_1328 = arith.constant 0 : i32
      %eq3A_1329 = arith.cmpi eq, %arg0, %eq3A_1328 : i32
      %convert_element_type3A_1330 = arith.extui %eq3A_1329 : i1 to i32
      %cond3A_1331 = arith.constant 0 : i32
      %cond3A_1332 = arith.cmpi ne, %convert_element_type3A_1330, %cond3A_1331 : i32
      scf.if %cond3A_1332 {
        %dma_wait3A_1339 = arith.constant 0 : i32
        %dma_wait3A_1340 = arith.constant 0 : i32
        %dma_wait3A_1341 = tpu.memref_slice %arg9[%dma_wait3A_1339, %dma_wait3A_1340] : memref<10240x16xf32, #tpu.memory_space<vmem_shared>> -> memref<10240x16xf32, #tpu.memory_space<vmem_shared>>
        tpu.wait_indirect_dma semaphore(%arg28 : memref<!tpu.dma_semaphore, #tpu.memory_space<semaphore_mem>>) src(%arg20 : memref<128x16xf32, #tpu.memory_space<vmem>>) dst(%dma_wait3A_1341 : memref<10240x16xf32, #tpu.memory_space<vmem_shared>>)
      } else {
      }
      %add3A_1333 = arith.constant 2 : i32
      %add3A_1334 = arith.addi %add3A_1295, %add3A_1333 : i32
      %lt3A_1335 = arith.cmpi slt, %add3A_1334, %select_n3A : i32
      %convert_element_type3A_1336 = arith.extui %lt3A_1335 : i1 to i32
      %cond3A_1337 = arith.constant 0 : i32
      %cond3A_1338 = arith.cmpi ne, %convert_element_type3A_1336, %cond3A_1337 : i32
      scf.if %cond3A_1338 {
        %add3A_1339 = arith.constant 2 : i32
        %add3A_1340 = arith.addi %add3A_1295, %add3A_1339 : i32
        %mul3A_1341 = arith.constant 128 : i32
        %mul3A_1342 = arith.muli %add3A_1340, %mul3A_1341 : i32
        %add3A_1343 = arith.addi %mul3A_1062, %mul3A_1342 : i32
        %dma_start3A_1344 = arith.constant 0 : i32
        %dma_start3A_1345 = tpu.memref_slice %arg3[%dma_start3A_1344, %add3A_1343] : memref<2x320000xi32, #tpu.memory_space<hbm>> -> memref<1x128xi32, #tpu.memory_space<hbm>>
        %dma_start3A_1346 = tpu.memref_squeeze %dma_start3A_1345 : memref<1x128xi32, #tpu.memory_space<hbm>> -> memref<128xi32, #tpu.memory_space<hbm>>
        %dma_start3A_1347 = tpu.memref_slice %arg3[%dma_start3A_1344, %add3A_1343] : memref<2x320000xi32, #tpu.memory_space<hbm>> -> memref<1x128xi32, #tpu.memory_space<hbm>>
        %dma_start3A_1348 = tpu.memref_squeeze %dma_start3A_1347 : memref<1x128xi32, #tpu.memory_space<hbm>> -> memref<128xi32, #tpu.memory_space<hbm>>
        tpu.enqueue_dma source(%dma_start3A_1348 : memref<128xi32, #tpu.memory_space<hbm>>) target(%arg13 : memref<128xi32, #tpu.memory_space<vmem>>) target_semaphore(%arg22 : memref<!tpu.dma_semaphore, #tpu.memory_space<semaphore_mem>>)
        %dma_start3A_1349 = arith.constant 1 : i32
        %dma_start3A_1350 = tpu.memref_slice %arg3[%dma_start3A_1349, %add3A_1343] : memref<2x320000xi32, #tpu.memory_space<hbm>> -> memref<1x128xi32, #tpu.memory_space<hbm>>
        %dma_start3A_1351 = tpu.memref_squeeze %dma_start3A_1350 : memref<1x128xi32, #tpu.memory_space<hbm>> -> memref<128xi32, #tpu.memory_space<hbm>>
        %dma_start3A_1352 = tpu.memref_slice %arg3[%dma_start3A_1349, %add3A_1343] : memref<2x320000xi32, #tpu.memory_space<hbm>> -> memref<1x128xi32, #tpu.memory_space<hbm>>
        %dma_start3A_1353 = tpu.memref_squeeze %dma_start3A_1352 : memref<1x128xi32, #tpu.memory_space<hbm>> -> memref<128xi32, #tpu.memory_space<hbm>>
        tpu.enqueue_dma source(%dma_start3A_1353 : memref<128xi32, #tpu.memory_space<hbm>>) target(%arg15 : memref<128xi32, #tpu.memory_space<vmem>>) target_semaphore(%arg22 : memref<!tpu.dma_semaphore, #tpu.memory_space<semaphore_mem>>)
      } else {
      }
    }
    %barrier3A_1233 = arith.constant 0 : index
    tpu.barrier barrier_id(%barrier3A_1233)
    %mul3A_1234 = arith.constant 64 : i32
    %mul3A_1235 = arith.muli %arg0, %mul3A_1234 : i32
    "tpu.region"() ({
      %run_scoped3A = tpu.sem_alloc : memref<!tpu.dma_semaphore, #tpu.memory_space<semaphore_mem>>
      %dma_start3A_1245 = tpu.memref_slice %arg5[%mul3A_0, %mul3A_1235] : memref<10240x192xf32, #tpu.memory_space<hbm>> -> memref<640x64xf32, #tpu.memory_space<hbm>>
      %dma_start3A_1246 = arith.constant 0 : i32
      %dma_start3A_1247 = tpu.memref_slice %arg7[%mul3A_0, %dma_start3A_1246] : memref<10240x64xf32, #tpu.memory_space<vmem_shared>> -> memref<640x64xf32, #tpu.memory_space<vmem_shared>>
      tpu.enqueue_dma source(%dma_start3A_1247 : memref<640x64xf32, #tpu.memory_space<vmem_shared>>) target(%dma_start3A_1245 : memref<640x64xf32, #tpu.memory_space<hbm>>) target_semaphore(%run_scoped3A : memref<!tpu.dma_semaphore, #tpu.memory_space<semaphore_mem>>)
      %dma_wait3A_1248 = tpu.memref_slice %arg5[%mul3A_0, %mul3A_1235] : memref<10240x192xf32, #tpu.memory_space<hbm>> -> memref<640x64xf32, #tpu.memory_space<hbm>>
      %dma_wait3A_1249 = arith.constant 0 : i32
      %dma_wait3A_1250 = tpu.memref_slice %arg7[%mul3A_0, %dma_wait3A_1249] : memref<10240x64xf32, #tpu.memory_space<vmem_shared>> -> memref<640x64xf32, #tpu.memory_space<vmem_shared>>
      tpu.wait_dma2 semaphore(%run_scoped3A : memref<!tpu.dma_semaphore, #tpu.memory_space<semaphore_mem>>) src(%dma_wait3A_1250 : memref<640x64xf32, #tpu.memory_space<vmem_shared>>) dst(%dma_wait3A_1248 : memref<640x64xf32, #tpu.memory_space<hbm>>)
      tpu.yield
    }) : () -> ()
    %mul3A_1236 = arith.constant 32 : i32
    %mul3A_1237 = arith.muli %arg0, %mul3A_1236 : i32
    %add3A_1238 = arith.constant 128 : i32
    %add3A_1239 = arith.addi %add3A_1238, %mul3A_1237 : i32
    "tpu.region"() ({
      %run_scoped3A = tpu.sem_alloc : memref<!tpu.dma_semaphore, #tpu.memory_space<semaphore_mem>>
      %dma_start3A_1245 = tpu.memref_slice %arg5[%mul3A_0, %add3A_1239] : memref<10240x192xf32, #tpu.memory_space<hbm>> -> memref<640x32xf32, #tpu.memory_space<hbm>>
      %dma_start3A_1246 = arith.constant 0 : i32
      %dma_start3A_1247 = tpu.memref_slice %arg8[%mul3A_0, %dma_start3A_1246] : memref<10240x32xf32, #tpu.memory_space<vmem_shared>> -> memref<640x32xf32, #tpu.memory_space<vmem_shared>>
      tpu.enqueue_dma source(%dma_start3A_1247 : memref<640x32xf32, #tpu.memory_space<vmem_shared>>) target(%dma_start3A_1245 : memref<640x32xf32, #tpu.memory_space<hbm>>) target_semaphore(%run_scoped3A : memref<!tpu.dma_semaphore, #tpu.memory_space<semaphore_mem>>)
      %dma_wait3A_1248 = tpu.memref_slice %arg5[%mul3A_0, %add3A_1239] : memref<10240x192xf32, #tpu.memory_space<hbm>> -> memref<640x32xf32, #tpu.memory_space<hbm>>
      %dma_wait3A_1249 = arith.constant 0 : i32
      %dma_wait3A_1250 = tpu.memref_slice %arg8[%mul3A_0, %dma_wait3A_1249] : memref<10240x32xf32, #tpu.memory_space<vmem_shared>> -> memref<640x32xf32, #tpu.memory_space<vmem_shared>>
      tpu.wait_dma2 semaphore(%run_scoped3A : memref<!tpu.dma_semaphore, #tpu.memory_space<semaphore_mem>>) src(%dma_wait3A_1250 : memref<640x32xf32, #tpu.memory_space<vmem_shared>>) dst(%dma_wait3A_1248 : memref<640x32xf32, #tpu.memory_space<hbm>>)
      tpu.yield
    }) : () -> ()
    %eq3A_1240 = arith.constant 0 : i32
    %eq3A_1241 = arith.cmpi eq, %arg0, %eq3A_1240 : i32
    %convert_element_type3A_1242 = arith.extui %eq3A_1241 : i1 to i32
    %cond3A_1243 = arith.constant 0 : i32
    %cond3A_1244 = arith.cmpi ne, %convert_element_type3A_1242, %cond3A_1243 : i32
    scf.if %cond3A_1244 {
      "tpu.region"() ({
        %run_scoped3A = tpu.sem_alloc : memref<!tpu.dma_semaphore, #tpu.memory_space<semaphore_mem>>
        %dma_start3A_1245 = arith.constant 0 : i32
        %dma_start3A_1246 = tpu.memref_slice %arg6[%mul3A_0, %dma_start3A_1245] : memref<10240x16xf32, #tpu.memory_space<hbm>> -> memref<640x16xf32, #tpu.memory_space<hbm>>
        %dma_start3A_1247 = arith.constant 0 : i32
        %dma_start3A_1248 = tpu.memref_slice %arg9[%mul3A_0, %dma_start3A_1247] : memref<10240x16xf32, #tpu.memory_space<vmem_shared>> -> memref<640x16xf32, #tpu.memory_space<vmem_shared>>
        tpu.enqueue_dma source(%dma_start3A_1248 : memref<640x16xf32, #tpu.memory_space<vmem_shared>>) target(%dma_start3A_1246 : memref<640x16xf32, #tpu.memory_space<hbm>>) target_semaphore(%run_scoped3A : memref<!tpu.dma_semaphore, #tpu.memory_space<semaphore_mem>>)
        %dma_wait3A_1249 = arith.constant 0 : i32
        %dma_wait3A_1250 = tpu.memref_slice %arg6[%mul3A_0, %dma_wait3A_1249] : memref<10240x16xf32, #tpu.memory_space<hbm>> -> memref<640x16xf32, #tpu.memory_space<hbm>>
        %dma_wait3A_1251 = arith.constant 0 : i32
        %dma_wait3A_1252 = tpu.memref_slice %arg9[%mul3A_0, %dma_wait3A_1251] : memref<10240x16xf32, #tpu.memory_space<vmem_shared>> -> memref<640x16xf32, #tpu.memory_space<vmem_shared>>
        tpu.wait_dma2 semaphore(%run_scoped3A : memref<!tpu.dma_semaphore, #tpu.memory_space<semaphore_mem>>) src(%dma_wait3A_1252 : memref<640x16xf32, #tpu.memory_space<vmem_shared>>) dst(%dma_wait3A_1250 : memref<640x16xf32, #tpu.memory_space<hbm>>)
        tpu.yield
      }) : () -> ()
    } else {
    }
    return
  }
}

module attributes {stable_mosaic.version = 14 : i64} {
  func.func @_tc_body(%arg0: i32, %arg1: memref<1024x192xf32, #tpu.memory_space<vmem>>, %arg2: memref<1024x16xf32, #tpu.memory_space<vmem>>, %arg3: memref<1024x128xf32, #tpu.memory_space<vmem>>, %arg4: memref<192x128xf32, #tpu.memory_space<vmem>>, %arg5: memref<1x128xf32, #tpu.memory_space<vmem>>, %arg6: memref<1x128xf32, #tpu.memory_space<vmem>>, %arg7: memref<1x128xf32, #tpu.memory_space<vmem>>, %arg8: memref<1024x128xf32, #tpu.memory_space<vmem>>) attributes {dimension_semantics = [#tpu.dimension_semantics<arbitrary>], iteration_bounds = array<i64: 10>, scalar_prefetch = 0 : i64, scratch_operands = 0 : i64, tpu.core_type = #tpu.core_type<tc>, window_params = [{transform_indices = @transform_0, window_bounds = array<i64: 1024, 192>}, {transform_indices = @transform_1, window_bounds = array<i64: 1024, 16>}, {transform_indices = @transform_2, window_bounds = array<i64: 1024, 128>}, {pipeline_mode = #tpu.pipeline_mode<synchronous>, transform_indices = @transform_3, window_bounds = array<i64: 192, 128>}, {pipeline_mode = #tpu.pipeline_mode<synchronous>, transform_indices = @transform_4, window_bounds = array<i64: 1, 128>}, {pipeline_mode = #tpu.pipeline_mode<synchronous>, transform_indices = @transform_5, window_bounds = array<i64: 1, 128>}, {pipeline_mode = #tpu.pipeline_mode<synchronous>, transform_indices = @transform_6, window_bounds = array<i64: 1, 128>}, {transform_indices = @transform_7, window_bounds = array<i64: 1024, 128>}]} {
    %get3A = arith.constant 0 : index
    %get3A_0 = arith.constant 0 : index
    %get3A_1 = vector.load %arg1[%get3A, %get3A_0] : memref<1024x192xf32, #tpu.memory_space<vmem>>, vector<1024x192xf32>
    %get3A_2 = arith.constant 0 : index
    %get3A_3 = arith.constant 0 : index
    %get3A_4 = vector.load %arg4[%get3A_2, %get3A_3] : memref<192x128xf32, #tpu.memory_space<vmem>>, vector<192x128xf32>
    %dot_general3A = arith.constant dense<0.000000e+00> : vector<1024x128xf32>
    %dot_general3A_5 = tpu.matmul %get3A_1, %get3A_4, %dot_general3A {dimension_numbers = #tpu.dot_dimension_numbers<[1], [0], [0], [1], [0, 0, 1, 1], [], []>, transpose_lhs_hint = false} : vector<1024x192xf32>, vector<192x128xf32>, vector<1024x128xf32> -> vector<1024x128xf32>
    %get3A_6 = arith.constant 0 : index
    %get3A_7 = arith.constant 0 : index
    %get3A_8 = vector.load %arg2[%get3A_6, %get3A_7] : memref<1024x16xf32, #tpu.memory_space<vmem>>, vector<1024x1xf32>
    %get3A_9 = arith.constant 0 : index
    %get3A_10 = arith.constant 0 : index
    %get3A_11 = vector.load %arg5[%get3A_9, %get3A_10] : memref<1x128xf32, #tpu.memory_space<vmem>>, vector<1x128xf32>
    %mul3A = vector.broadcast %get3A_8 : vector<1024x1xf32> to vector<1024x128xf32>
    %mul3A_12 = vector.broadcast %get3A_11 : vector<1x128xf32> to vector<1024x128xf32>
    %mul3A_13 = arith.mulf %mul3A, %mul3A_12 : vector<1024x128xf32>
    %add3A = arith.addf %dot_general3A_5, %mul3A_13 : vector<1024x128xf32>
    %max3A = arith.constant 1.000000e+00 : f32
    %max3A_14 = vector.broadcast %max3A : f32 to vector<1024x1xf32>
    %max3A_15 = arith.maximumf %get3A_8, %max3A_14 : vector<1024x1xf32>
    %div3A = vector.broadcast %max3A_15 : vector<1024x1xf32> to vector<1024x128xf32>
    %div3A_16 = arith.divf %add3A, %div3A : vector<1024x128xf32>
    %get3A_17 = arith.constant 0 : index
    %get3A_18 = arith.constant 0 : index
    %get3A_19 = vector.load %arg3[%get3A_17, %get3A_18] : memref<1024x128xf32, #tpu.memory_space<vmem>>, vector<1024x128xf32>
    %add3A_20 = arith.addf %get3A_19, %div3A_16 : vector<1024x128xf32>
    %reduce_sum3A = arith.constant dense<0.000000e+00> : vector<1024xf32>
    %reduce_sum3A_21 = vector.multi_reduction <add>, %add3A_20, %reduce_sum3A [1] : vector<1024x128xf32> to vector<1024xf32>
    %broadcast_in_dim3A = vector.shape_cast %reduce_sum3A_21 : vector<1024xf32> to vector<1024x1xf32>
    %div3A_22 = arith.constant 1.280000e+02 : f32
    %div3A_23 = vector.broadcast %div3A_22 : f32 to vector<1024x1xf32>
    %div3A_24 = arith.divf %broadcast_in_dim3A, %div3A_23 : vector<1024x1xf32>
    %sub3A = vector.broadcast %div3A_24 : vector<1024x1xf32> to vector<1024x128xf32>
    %sub3A_25 = arith.subf %add3A_20, %sub3A : vector<1024x128xf32>
    %integer_pow3A = arith.mulf %sub3A_25, %sub3A_25 : vector<1024x128xf32>
    %reduce_sum3A_26 = arith.constant dense<0.000000e+00> : vector<1024xf32>
    %reduce_sum3A_27 = vector.multi_reduction <add>, %integer_pow3A, %reduce_sum3A_26 [1] : vector<1024x128xf32> to vector<1024xf32>
    %broadcast_in_dim3A_28 = vector.shape_cast %reduce_sum3A_27 : vector<1024xf32> to vector<1024x1xf32>
    %div3A_29 = arith.constant 1.280000e+02 : f32
    %div3A_30 = vector.broadcast %div3A_29 : f32 to vector<1024x1xf32>
    %div3A_31 = arith.divf %broadcast_in_dim3A_28, %div3A_30 : vector<1024x1xf32>
    %sub3A_32 = vector.broadcast %div3A_24 : vector<1024x1xf32> to vector<1024x128xf32>
    %sub3A_33 = arith.subf %add3A_20, %sub3A_32 : vector<1024x128xf32>
    %add3A_34 = arith.constant 9.99999974E-6 : f32
    %add3A_35 = vector.broadcast %add3A_34 : f32 to vector<1024x1xf32>
    %add3A_36 = arith.addf %div3A_31, %add3A_35 : vector<1024x1xf32>
    %rsqrt3A = math.rsqrt %add3A_36 : vector<1024x1xf32>
    %mul3A_37 = vector.broadcast %rsqrt3A : vector<1024x1xf32> to vector<1024x128xf32>
    %mul3A_38 = arith.mulf %sub3A_33, %mul3A_37 : vector<1024x128xf32>
    %get3A_39 = arith.constant 0 : index
    %get3A_40 = arith.constant 0 : index
    %get3A_41 = vector.load %arg6[%get3A_39, %get3A_40] : memref<1x128xf32, #tpu.memory_space<vmem>>, vector<1x128xf32>
    %mul3A_42 = vector.broadcast %get3A_41 : vector<1x128xf32> to vector<1024x128xf32>
    %mul3A_43 = arith.mulf %mul3A_38, %mul3A_42 : vector<1024x128xf32>
    %get3A_44 = arith.constant 0 : index
    %get3A_45 = arith.constant 0 : index
    %get3A_46 = vector.load %arg7[%get3A_44, %get3A_45] : memref<1x128xf32, #tpu.memory_space<vmem>>, vector<1x128xf32>
    %add3A_47 = vector.broadcast %get3A_46 : vector<1x128xf32> to vector<1024x128xf32>
    %add3A_48 = arith.addf %mul3A_43, %add3A_47 : vector<1024x128xf32>
    %swap3A = arith.constant 0 : index
    %swap3A_49 = arith.constant 0 : index
    %swap3A_50 = vector.load %arg8[%swap3A, %swap3A_49] : memref<1024x128xf32, #tpu.memory_space<vmem>>, vector<1024x128xf32>
    tpu.vector_store %arg8[%swap3A, %swap3A_49], %add3A_48 {strides = array<i32>} : memref<1024x128xf32, #tpu.memory_space<vmem>>, vector<1024x128xf32>,
    return
  }
  func.func @transform_0(%arg0: i32) -> (i32, i32) {
    %c0_i32 = arith.constant 0 : i32
    %c0_i32_0 = arith.constant 0 : i32
    return %arg0, %c0_i32 : i32, i32
  }
  func.func @transform_1(%arg0: i32) -> (i32, i32) {
    %c0_i32 = arith.constant 0 : i32
    %c0_i32_0 = arith.constant 0 : i32
    return %arg0, %c0_i32 : i32, i32
  }
  func.func @transform_2(%arg0: i32) -> (i32, i32) {
    %c0_i32 = arith.constant 0 : i32
    %c0_i32_0 = arith.constant 0 : i32
    return %arg0, %c0_i32 : i32, i32
  }
  func.func @transform_3(%arg0: i32) -> (i32, i32) {
    %c0_i32 = arith.constant 0 : i32
    %c0_i32_0 = arith.constant 0 : i32
    %c0_i32_1 = arith.constant 0 : i32
    return %c0_i32, %c0_i32_0 : i32, i32
  }
  func.func @transform_4(%arg0: i32) -> (i32, i32) {
    %c0_i32 = arith.constant 0 : i32
    %c0_i32_0 = arith.constant 0 : i32
    %c0_i32_1 = arith.constant 0 : i32
    return %c0_i32, %c0_i32_0 : i32, i32
  }
  func.func @transform_5(%arg0: i32) -> (i32, i32) {
    %c0_i32 = arith.constant 0 : i32
    %c0_i32_0 = arith.constant 0 : i32
    %c0_i32_1 = arith.constant 0 : i32
    return %c0_i32, %c0_i32_0 : i32, i32
  }
  func.func @transform_6(%arg0: i32) -> (i32, i32) {
    %c0_i32 = arith.constant 0 : i32
    %c0_i32_0 = arith.constant 0 : i32
    %c0_i32_1 = arith.constant 0 : i32
    return %c0_i32, %c0_i32_0 : i32, i32
  }
  func.func @transform_7(%arg0: i32) -> (i32, i32) {
    %c0_i32 = arith.constant 0 : i32
    %c0_i32_0 = arith.constant 0 : i32
    return %arg0, %c0_i32 : i32, i32
  }
}

</mosaic_0001>

<sc_bundles>
// kernel: kernel.4.cloned.1.call-start
scs
__scs_entry_jumppad:
0x0: {  	(pc) =	sbr.rel $0x88, $3  }
0x1: {  	(tag) =	ssettag $0x0;
	lr =	simm.s32 $0x1  }
0x2: {  	[smem:$0x3F99] =	sst lr;
	_ =	strace $0xD0000000  }
0x3: {  	_ = 	snop  }
0x4: {  	_ = 	snop  }
0x5: {  	_ = 	snop  }
0x6: {  	_ = 	snop  }
0x7: {  	_ = 	snop  }
__scs_overlays_trampoline_lowered:
0x8: {  	[smem:$0x3FA8] =	sst s0  }
0x9: {  	[smem:$0x3FA9] =	sst s1  }
0xa: {  	[smem:$0x3FAA] =	sst s2  }
0xb: {  	[smem:$0x3FAB] =	sst s3  }
0xc: {  	[smem:$0x3FAC] =	sst s4  }
0xd: {  	[smem:$0x3FAD] =	sst s5  }
0xe: {  	[smem:$0x3FAE] =	sst s6  }
0xf: {  	[smem:$0x3FAF] =	sst s7  }
0x10: {  	[smem:$0x3FB0] =	sst s8  }
0x11: {  	[smem:$0x3FB1] =	sst s9;
	s0 =	simm.s32 @!p0 $0x0  }
0x12: {  	s1 =	sld [smem:$0x3F97];
	s0 =	simm.s32 @p0 $0x1  }
0x13: {  	[smem:$0x3FB2] =	sst s0;
	s0 =	simm.s32 @!p1 $0x0  }
0x14: {  	s2 =	sld [smem:$0x3F96];
	s0 =	simm.s32 @p1 $0x1  }
0x15: {  	[smem:$0x3FB3] =	sst s0;
	s0 =	simm.s32 @!p2 $0x0  }
0x16: {  	s3 =	sld [smem:$0x3FDB];
	s0 =	simm.s32 @p2 $0x1  }
0x17: {  	s4 =	simm.s32 $0x1BF5;
	[smem:$0x3FB5] =	sst s0  }
0x18: {  	s0 =	sld [smem:$0x3F98];
	_ =	swait.ge [sflag:s4], $0x0  }
0x19: {  	s7 =	sld [smem:$0x3F99]  }
0x1a: {  	s8 =	sadd.s32 $0xFFFFE003, lr  }
0x1b: {  	s9 =	sadd.s32 $0xFFFFFEF7, lr;
	s5 =	simm.s32 $0xFFFFFFFF;
	p2 =	slt.u32 s8, $0xFFFFF086  }
0x1c: {  	p1 =	slt.u32 s9, $0xF7A;
	s5 =	simm.s32 @!p2 $0x0  }
0x1d: {  	s5 =	simm.s32 @p1 $0x1;
	p0 =	seq.s32 s7, s2  }
0x1e: {  	s7 =	smul.u32 @!p0 $0xF7A, s2;
	p2 =	seq.s32 @!p0 s5, $0x0  }
0x1f: {  	s9 =	smul.u32 $0xF7A, s1;
	s8 =	simm.s32 @!p0 $0x1BF5;
	p2 =	por !p2, p0  }
0x20: {  	[sflag:s8] =	ssyncset.s32 @!p0 $0xFFFFF086;
	s6 =	sadd.s32 @!p0 s3, s7;
	s7 =	simm.s32 @!p0 $0x108  }
0x21: {  	s3 =	sadd.s32 s3, s9;
	s6 =	sadd.s32 @!p0 $0x88, s6;
	s7 =	simm.s32 @p2 $0x1082  }
0x22: {  	[simem:s7], [sflag:s8] =	dma.local @!p0 [hbm:s6], $0xF7A  }
0x23: {  	s9 =	sor.u32 $0xD0000000, s2;
	s6 =	simm.s32 $0x108;
	_ =	swait.ge @!p0 [sflag:s8], $0x0  }
0x24: {  	s3 =	sadd.s32 $0x88, s3;
	s6 =	simm.s32 @!p1 $0x1082;
	[sflag:s4] =	ssyncset.s32 $0xFFFFF086  }
0x25: {  	[simem:s6], [sflag:s4] =	dma.local [hbm:s3], $0xF7A  }
0x26: {  	[smem:$0x3F99] =	sst s1;
	(tag) =	ssettag s2;
	_ =	strace s9  }
0x27: {  	s1 =	sld [smem:$0x3FA9]  }
0x28: {  	s2 =	sld [smem:$0x3FAA]  }
0x29: {  	s4 =	sld [smem:$0x3FAC]  }
0x2a: {  	p0 =	seq.s32 s5, $0x0;
	s5 =	sld [smem:$0x3FAD]  }
0x2b: {  	s6 =	sld [smem:$0x3FAE]  }
0x2c: {  	s7 =	sld [smem:$0x3FAF]  }
0x2d: {  	s3 =	simm.s32 $0x108;
	s8 =	sld [smem:$0x3FB0]  }
0x2e: {  	s3 =	simm.s32 @!p0 $0x1082;
	s9 =	sld [smem:$0x3FB1]  }
0x2f: {  	lr =	sadd.s32 s0, s3;
	s0 =	sld [smem:$0x3FA8]  }
0x30: {  	s3 =	sld [smem:$0x3FAB]  }
0x31: {  	[smem:$0x3FB4] =	sst s10  }
0x32: {  	s10 =	sld [smem:$0x3FB2];
	_ =	sdelay $0x3  }
0x33: {  	p0 =	seq.s32 s10, $0x1;
	s10 =	sld [smem:$0x3FB4];
	_ =	sdelay $0x3  }
0x34: {  	[smem:$0x3FB4] =	sst s10  }
0x35: {  	s10 =	sld [smem:$0x3FB3];
	_ =	sdelay $0x3  }
0x36: {  	p1 =	seq.s32 s10, $0x1;
	s10 =	sld [smem:$0x3FB4];
	_ =	sdelay $0x3  }
0x37: {  	[smem:$0x3FB4] =	sst s10  }
0x38: {  	s10 =	sld [smem:$0x3FB5]  }
0x39: {  	_ = 	snop;
	(pc) =	sbr.ind lr, $3  }
0x3a: {  	_ = 	snop  }
0x3b: {  	_ = 	snop  }
0x3c: {  	p2 =	seq.s32 s10, $0x1;
	s10 =	sld [smem:$0x3FB4]  }
0x3d: {  	_ =	shalt  }
0x3e: {  	_ =	shalt  }
0x3f: {  	_ =	shalt  }
0x40: {  	_ =	shalt  }
0x41: {  	_ =	shalt  }
0x42: {  	_ =	shalt  }
0x43: {  	_ =	shalt  }
0x44: {  	_ =	shalt  }
0x45: {  	_ =	shalt  }
0x46: {  	_ =	shalt  }
0x47: {  	_ =	shalt  }
0x48: {  	_ =	shalt  }
0x49: {  	_ =	shalt  }
0x4a: {  	_ =	shalt  }
0x4b: {  	_ =	shalt  }
0x4c: {  	_ =	shalt  }
0x4d: {  	_ =	shalt  }
0x4e: {  	_ =	shalt  }
0x4f: {  	_ =	shalt  }
0x50: {  	_ =	shalt  }
0x51: {  	_ =	shalt  }
0x52: {  	_ =	shalt  }
0x53: {  	_ =	shalt  }
0x54: {  	_ =	shalt  }
0x55: {  	_ =	shalt  }
0x56: {  	_ =	shalt  }
0x57: {  	_ =	shalt  }
0x58: {  	_ =	shalt  }
0x59: {  	_ =	shalt  }
0x5a: {  	_ =	shalt  }
0x5b: {  	_ =	shalt  }
0x5c: {  	_ =	shalt  }
0x5d: {  	_ =	shalt  }
0x5e: {  	_ =	shalt  }
0x5f: {  	_ =	shalt  }
0x60: {  	_ =	shalt  }
0x61: {  	_ =	shalt  }
0x62: {  	_ =	shalt  }
0x63: {  	_ =	shalt  }
0x64: {  	_ =	shalt  }
0x65: {  	_ =	shalt  }
0x66: {  	_ =	shalt  }
0x67: {  	_ =	shalt  }
0x68: {  	_ =	shalt  }
0x69: {  	_ =	shalt  }
0x6a: {  	_ =	shalt  }
0x6b: {  	_ =	shalt  }
0x6c: {  	_ =	shalt  }
0x6d: {  	_ =	shalt  }
0x6e: {  	_ =	shalt  }
0x6f: {  	_ =	shalt  }
0x70: {  	_ =	shalt  }
0x71: {  	_ =	shalt  }
0x72: {  	_ =	shalt  }
0x73: {  	_ =	shalt  }
0x74: {  	_ =	shalt  }
0x75: {  	_ =	shalt  }
0x76: {  	_ =	shalt  }
0x77: {  	_ =	shalt  }
0x78: {  	_ =	shalt  }
0x79: {  	_ =	shalt  }
0x7a: {  	_ =	shalt  }
0x7b: {  	_ =	shalt  }
0x7c: {  	_ =	shalt  }
0x7d: {  	_ =	shalt  }
0x7e: {  	_ =	shalt  }
0x7f: {  	_ =	shalt  }
0x80: {  	_ =	shalt  }
0x81: {  	_ =	shalt  }
0x82: {  	_ =	shalt  }
0x83: {  	_ =	shalt  }
0x84: {  	_ =	shalt  }
0x85: {  	_ =	shalt  }
0x86: {  	_ =	shalt  }
0x87: {  	_ =	shalt  }
.Lfunc_end0:
.L_simem_size_0:
called_computation_lowered:
.L_overlay_start_0:
0x88: {  	s2 =	sld [smem:$0x3FD9]  }
0x89: {  	s3 =	sld [smem:$0x3FFE];
	_ =	sdelay $0x1  }
0x8a: {  	s1 =	srdreg.scid  }
0x8b: {  	s0 =	sand.u32 $0x1, s1  }
0x8c: {  	s14 =	sshll.u32 s0, $0xA;
	s2 =	sadd.s32 s3, s2  }
0x8d: {  	s2 =	sadd.s32 s2, s14  }
0x8e: {  	[smem:$0x3FC0] =	sst s2  }
0x8f: {  	_ = 	snop  }
0x90: {  	s2 =	sld [smem:$0x3FD0];
	_ =	sdelay $0x2  }
0x91: {  	s4 =	simm.s32 $0xA;
	s5 =	simm.s32 $0x10;
	s15 =	sld [smem:$0x3FC8]  }
0x92: {  	[smem:s5], [sflag:s4] =	dma.local [hbm:s2], $0x1  }
0x93: {  	_ =	swait.eq [sflag:s4], $0x1  }
0x94: {  	[sflag:s4] =	ssyncset.done $0x0  }
0x95: {  	s16 =	sld [smem:$0x10];
	[sflag:s4] =	ssyncadd.s32 $0xFFFFFFFF  }
0x96: {  	s17 =	sld [smem:$0x11];
	(tm) =	ssettm $0x1  }
0x97: {  	s18 =	sld [smem:$0x3FFB];
	_ =	sdelay $0x3  }
0x98: {  	_ =	strace s18  }
0x99: {  	s5 =	sld [smem:$0x3FFC];
	_ =	sdelay $0x3  }
0x9a: {  	_ =	strace s5  }
0x9b: {  	s5 =	sld [smem:$0x3FFD];
	_ =	sdelay $0x3  }
0x9c: {  	_ =	strace s5  }
0x9d: {  	_ =	strace $0x8FFFFFFF  }
0x9e: {  	s19 =	sld [smem:$0x3FDB];
	_ =	sdelay $0x1  }
0x9f: {  	s6 =	simm.s32 $_scs_section_size  }
0xa0: {  	s7 =	simm.s32 $_size__tile_overlayer_lowered;
	s8 =	simm.s32 $_tile_overlayer_lowered  }
0xa1: {  	s22 =	simm.s32 $0x1BFF;
	s21 =	sshll.u32 s8, $0x1;
	s5 =	sadd.s32 s6, s19  }
0xa2: {  	s9 =	simm.s32 $0x0;
	s20 =	sshll.u32 s7, $0x1;
	s7 =	sadd.s32 s21, s5  }
0xa3: {  	[timem:s9], [sflag:s22] =	dma.local [hbm:s7], s20  }
0xa4: {  	_ =	swait.ge [sflag:s22], s20  }
0xa5: {  	s6 =	ssub.s32 $0x0, s20;
	[sflag:s22] =	ssyncset.done $0x0  }
0xa6: {  	[sflag:s22] =	ssyncadd.s32 s6;
	_ =	sdelay $0x1  }
0xa7: {  	s23 =	simm.s32 $0x1B8B  }
0xa8: {  	_ =	swait.ge [sflag:s23], $0x1  }
0xa9: {  	[sflag:s23] =	ssyncset.done $0x0  }
0xaa: {  	s25 =	simm.s32 $0x1B8E;
	s24 =	sld [smem:$0x3FFE];
	[sflag:s23] =	ssyncadd.s32 $0xFFFFFFFF  }
0xab: {  	s26 =	simm.s32 $execute0_lowered;
	[smem:$0x3FD2] =	sst s25  }
0xac: {  	s7 =	sshll.u32 s26, $0x1;
	_ =	strace $0x80000046;
	[dreg:$0x1] =	wrdreg $0xFFFFFFFF  }
0xad: {  	s28 =	simm.s32 $_size_execute0_lowered;
	s5 =	sadd.s32 s5, s7;
	[dreg:$0x0] =	wrdreg $0x0  }
0xae: {  	s7 =	sshll.u32 s28, $0x1;
	[dreg:$0x2] =	wrdreg s5  }
0xaf: {  	[dreg:$0x3] =	wrdreg s7  }
0xb0: {  	[dreg:$0x4] =	wrdreg $0xC0  }
0xb1: {  	_ =	task [dreg:s9], $0x5FFFF  }
0xb2: {  	[dreg:$0x1] =	wrdreg $0xFFFFFFFF  }
0xb3: {  	[dreg:$0x0] =	wrdreg $0x60  }
0xb4: {  	[dreg:$0x2] =	wrdreg s15  }
0xb5: {  	[dreg:$0x3] =	wrdreg s16  }
0xb6: {  	[dreg:$0x4] =	wrdreg s24  }
0xb7: {  	[dreg:$0x5] =	wrdreg s17  }
0xb8: {  	[dreg:$0x6] =	wrdreg $0x0  }
0xb9: {  	[dreg:$0x7] =	wrdreg $0xA0000  }
0xba: {  	[dreg:$0x8] =	wrdreg $0xF0000  }
0xbb: {  	[dreg:$0x9] =	wrdreg $0x9  }
0xbc: {  	_ =	task.clear_ibuf [dreg:s9], $0xAFFFF;
	_ =	strace $0x90000046  }
0xbd: {  	s29 =	simm.s32 $0x9;
	_ =	strace $0x80000048  }
0xbe: {  	_ =	swait.ge [sflag:s29], $0x1  }
0xbf: {  	[sflag:s29] =	ssyncadd.s32 $0xFFFFFFFF  }
0xc0: {  	_ =	strace $0x90000048  }
0xc1: {  	_ =	sfence  }
0xc2: {  	s30 =	sld [smem:$0x0];
	_ =	sdelay $0x2  }
0xc3: {  	s31 =	sshll.u32 s1, $0xD;
	s1 =	sshrl.u32 s1, $0x2  }
0xc4: {  	s3 =	sand.u32 $0x4000, s31;
	s1 =	sadd.s32 s1, s30  }
0xc5: {  	s0 =	sor.u32 s3, s0;
	s1 =	sshll.u32 s1, $0x11  }
0xc6: {  	s0 =	sor.u32 s1, s0  }
0xc7: {  	s0 =	sadd.s32 $0x8F2B, s0  }
0xc8: {  	[sflag:s0] =	ssyncadd.remote.s32 $0x1  }
0xc9: {  	_ =	sfence.sel $0xFFFF  }
0xca: {  	[dreg:$0x0] =	wrdreg $0xFFFFFFFF;
	(pc) =	sbr.abs _section_cstart, $3  }
0xcb: {  	[dreg:$0x1] =	wrdreg $0xFFFFFFFF  }
0xcc: {  	_ =	task.clear_ibuf [dreg:s9], $0x2FFFF;
	_ =	strace $0x9FFFFFFF  }
0xcd: {  	(tm) =	ssettm $0x7FFFFFFF  }
tec
execute0_lowered:
.L_overlay_start_1:
0x0: {  	(tag) =	ssettag $0x1  }
0x1: {  	s0 =	rddreg [dreg:$0x0]  }
0x2: {  	s12 =	rddreg [dreg:$0x1]  }
0x3: {  	s6 =	rddreg [dreg:$0x2];
	s4 =	stileid.u32  }
0x4: {  	s13 =	rddreg [dreg:$0x3];
	s1 =	smul.u32 $0x2800, s4  }
0x5: {  	s2 =	rddreg [dreg:$0x4];
	s14 =	smul.u32 $0x280, s4  }
0x6: {  	s5 =	rddreg [dreg:$0x5];
	s8 =	smul.u32 $0x28000, s4  }
0x7: {  	s7 =	rddreg [dreg:$0x6];
	s24 =	simm.s32 $0x0;
	s11 =	smul.u32 $0x14000, s4  }
0x8: {  	s3 =	srdreg.scid;
	s31 =	simm.s32 $0x11A80;
	s17 =	smul.u32 $0xA000, s4  }
0x9: {  	s29 =	simm.s32 $0x5;
	[smem:$0x7FF] =	sst s24;
	s26 =	smul.u32 $0x4E00, s4  }
0xa: {  	s28 =	sadd.s32 $0x4E3C00, s6;
	s3 =	sand.u32 $0x1, s3;
	s21 =	smul.u32 $0x1E000, s4  }
0xb: {  	p0 =	seq.s32 s4, $0xF;
	s19 =	smul.u32 $0x138000, s4;
	_ =	strace $0x80000047  }
0xc: {  	s10 =	ssub.s32 $0x2, s3;
	s18 =	sshll.u32 s3, $0x5;
	s20 =	sshll.u32 s3, $0x6  }
0xd: {  	[dreg:$0x1d] =	wrdreg s28;
	s9 =	sshrl.u32 s1, $0x3;
	s15 =	sshrl.u32 s10, $0x1  }
0xe: {  	s16 =	sshrl.u32 s8, $0x2;
	s22 =	sshrl.u32 s11, $0x2;
	s23 =	sshrl.u32 s17, $0x2  }
0xf: {  	s11 =	simm.s32 $0xA0;
	s17 =	sshrl.u32 s26, $0x3;
	s20 =	sor.u32 s20, s21  }
0x10: {  	s26 =	simm.s32 $0x13B00;
	s1 =	sadd.s32 s1, s7;
	s8 =	sadd.s32 s9, s6  }
0x11: {  	s6 =	ssub.s32 s10, s15;
	s30 =	sadd.s32 s16, s2;
	s9 =	sadd.s32 s22, s5  }
0x12: {  	s22 =	sshrl.u32 s20, $0x3;
	[dreg:$0x9] =	wrdreg s26;
	s20 =	simm.s32 $0x16B00  }
0x13: {  	s16 =	sadd.s32 $0x80, s14;
	s11 =	simm.s32 @!p0 $0x9C;
	[dreg:$0xa] =	wrdreg s20  }
0x14: {  	s10 =	sadd.s32 s23, s7;
	s23 =	sshll.u32 s11, $0x4;
	[dreg:$0xc] =	wrdreg s30  }
0x15: {  	p0 =	sne.s32 s3, $0x0;
	s8 =	sadd.s32 $0x1C00, s8;
	[dreg:$0x8] =	wrdreg s23  }
0x16: {  	s25 =	sshll.u32 s16, $0x6;
	s6 =	smax.u32 s6, $0x1;
	[dreg:$0x15] =	wrdreg s8  }
0x17: {  	s1 =	sshrl.u32 @!p0 s1, $0x3;
	s15 =	sadd.s32 s25, s2;
	[dreg:$0x16] =	wrdreg s6  }
0x18: {  	s25 =	smul.u32 $0x9C0, s4;
	s4 =	sadd.s32 s12, s17;
	[dreg:$0x19] =	wrdreg s1  }
0x19: {  	s23 =	sshll.u32 s16, $0x4;
	s1 =	simm.s32 $0x80;
	[dreg:$0xd] =	wrdreg s15  }
0x1a: {  	s15 =	sor.u32 s21, s18;
	s18 =	sor.u32 s18, s19;
	s19 =	sadd.s32 s13, s22  }
0x1b: {  	s21 =	sadd.s32 $0x100, s14;
	s22 =	sshll.u32 s16, $0x5;
	[dreg:$0xf] =	wrdreg s4  }
0x1c: {  	s17 =	sadd.s32 s23, s7;
	s15 =	sshrl.u32 s15, $0x3;
	[dreg:$0xe] =	wrdreg s19  }
0x1d: {  	s16 =	sadd.s32 s22, s5;
	s20 =	sshll.u32 s21, $0x5;
	s13 =	sadd.s32 s15, s13  }
0x1e: {  	s15 =	sadd.s32 s25, s12;
	s25 =	sshll.u32 s21, $0x6;
	s12 =	sshll.u32 s21, $0x4  }
0x1f: {  	s21 =	sadd.s32 $0x180, s14;
	s19 =	sadd.s32 s20, s5;
	s26 =	sadd.s32 s25, s2  }
0x20: {  	s20 =	sadd.s32 s12, s7;
	s22 =	sshll.u32 s21, $0x6;
	s23 =	sshll.u32 s21, $0x5  }
0x21: {  	s25 =	sshll.u32 s21, $0x4;
	s21 =	sshrl.u32 s18, $0x3;
	[dreg:$0x10] =	wrdreg s26  }
0x22: {  	s12 =	sadd.s32 s22, s2;
	s22 =	sadd.s32 s23, s5;
	s23 =	sadd.s32 s25, s7  }
0x23: {  	s21 =	sadd.s32 s28, s21;
	[dreg:$0x11] =	wrdreg s12;
	s12 =	sadd.s32 $0x200, s14  }
0x24: {  	[dreg:$0x13] =	wrdreg s21;
	s14 =	sadd.s32 $0x10, s13;
	s21 =	sor.u32 $0x2000, s18  }
0x25: {  	s13 =	sor.u32 $0x4000, s18;
	s18 =	sadd.s32 $0x10, s4;
	[dreg:$0x14] =	wrdreg s14  }
0x26: {  	s26 =	sshll.u32 s12, $0x6;
	[dreg:$0x18] =	wrdreg s13;
	s14 =	sadd.s32 $0x9C40, s4  }
0x27: {  	[dreg:$0x1b] =	wrdreg s18;
	s13 =	simm.s32 $0x11B00;
	s18 =	simm.s32 $0x15B00  }
0x28: {  	s25 =	sadd.s32 s26, s2;
	s26 =	sshll.u32 s12, $0x5;
	[dreg:$0x1a] =	wrdreg s14  }
0x29: {  	s12 =	sshll.u32 s12, $0x4;
	[dreg:$0x12] =	wrdreg s25;
	s25 =	sadd.s32 s26, s5  }
0x2a: {  	s26 =	sadd.s32 s12, s7;
	s12 =	sshrl.u32 s21, $0x3;
	s21 =	sadd.s32 $0x9C50, s4  }
0x2b: {  	s14 =	simm.s32 $0x9;
	s6 =	sadd.s32 s12, s28;
	[dreg:$0x1c] =	wrdreg s21  }
0x2c: {  	v1 =	vimm.f32 $0.0e+00;
	v2 =	vimm.f32 $1.000000000e+00;
	v0 =	vmov s3;
	s12 =	simm.s32 $0x11A00;
	s21 =	simm.s32 $0x3;
	[dreg:$0x17] =	wrdreg s6  }
.LBB2_1:
0x2d: {  	s6 =	simm.s32 $0x100;
	s3 =	simm.s32 $0x0  }
.LBB2_2:
0x2e: {  	p1 =	sne.s32 s6, $0x7F00;
	[tilespmem:s3+$0x11B30] =	vst v1;
	s8 =	smov.u32 s6;
	s6 =	sadd.s32 $0x100, s6  }
.Ltmp0:
0x2f: {  	[tilespmem:s3+$0x11B20] =	vst v1;
	(pc) =	sbr.rel @p1 .LBB2_2-.Ltmp0, $3  }
0x30: {  	[tilespmem:s3+$0x11B00] =	vst v1  }
0x31: {  	[tilespmem:s3+$0x11B10] =	vst v1;
	_ =	sdelay $0x1  }
0x32: {  	s3 =	sshra.s32 s8, $0x2  }
0x33: {  	[tilespmem:s3+$0x11B30] =	vst v1  }
0x34: {  	[tilespmem:s3+$0x11B20] =	vst v1  }
0x35: {  	[tilespmem:s3+$0x11B00] =	vst v1  }
0x36: {  	[tilespmem:s3+$0x11B10] =	vst v1;
	s3 =	simm.s32 $0x11B00  }
0x37: {  	[spmem:s30] =	stream.linear.scatter [tilespmem:s3], [sflag:$0x9], $0x2000, $0x38;
	[tilespmem:$0x18300] =	vst v63  }
0x38: {  	_ =	swait.ge [sflag:s14], $0x2000  }
0x39: {  	[sflag:s14] =	ssyncset.done $0x0  }
0x3a: {  	s6 =	sadd.s32 $0x0, s9;
	[sflag:s14] =	ssyncadd.s32 $0xFFFFE000  }
0x3b: {  	[spmem:s6] =	stream.linear.scatter [tilespmem:s3], [sflag:$0x9], $0x20, $0x38;
	[tilespmem:$0x18300] =	vst v63  }
0x3c: {  	s6 =	simm.s32 $0x80  }
.LBB2_4:
0x3d: {  	p1 =	sne.s32 s6, $0x3F80  }
.Ltmp1:
0x3e: {  	_ = 	snop;
	(pc) =	sbr.rel @p1 .LBB2_4-.Ltmp1, $4  }
0x3f: {  	_ = 	snop  }
0x40: {  	s8 =	sshra.s32 s6, $0x2;
	s6 =	sadd.s32 $0x80, s6  }
0x41: {  	s3 =	sadd.s32 $0x40, s3;
	s8 =	sadd.s32 s8, s9  }
0x42: {  	[spmem:s8] =	stream.linear.scatter [tilespmem:s3], [sflag:$0x9], $0x20, $0x38;
	[tilespmem:$0x18300] =	vst v63  }
.Ltmp2:
0x43: {  	(pc) =	sbr.rel @p0 .LBB2_9-.Ltmp2, $4  }
0x44: {  	_ = 	snop  }
0x45: {  	_ =	swait.ge [sflag:s14], $0x1000  }
0x46: {  	[sflag:s14] =	ssyncset.done $0x0  }
0x47: {  	[sflag:s14] =	ssyncadd.s32 $0xFFFFF000  }
0x48: {  	s3 =	simm.s32 $0x11B00;
	s6 =	sadd.s32 $0x0, s10  }
0x49: {  	[spmem:s6] =	stream.linear.scatter [tilespmem:s3], [sflag:$0x9], $0x10, $0x38;
	[tilespmem:$0x18300] =	vst v63  }
0x4a: {  	s6 =	simm.s32 $0x40  }
.LBB2_7:
0x4b: {  	p1 =	sne.s32 s6, $0x1FC0  }
.Ltmp3:
0x4c: {  	_ = 	snop;
	(pc) =	sbr.rel @p1 .LBB2_7-.Ltmp3, $4  }
0x4d: {  	_ = 	snop  }
0x4e: {  	s8 =	sshra.s32 s6, $0x2;
	s6 =	sadd.s32 $0x40, s6  }
0x4f: {  	s3 =	sadd.s32 $0x40, s3;
	s8 =	sadd.s32 s8, s10  }
0x50: {  	[spmem:s8] =	stream.linear.scatter [tilespmem:s3], [sflag:$0x9], $0x10, $0x38;
	[tilespmem:$0x18300] =	vst v63  }
0x51: {  	_ =	swait.ge [sflag:s14], $0x800  }
0x52: {  	[sflag:s14] =	ssyncset.done $0x0  }
0x53: {  	[sflag:s14] =	ssyncadd.s32 $0xFFFFF800  }
.LBB2_9:
0x54: {  	s3 =	simm.s32 $0x11B00;
	s4 =	rddreg [dreg:$0xd]  }
0x55: {  	[spmem:s4] =	stream.linear.scatter [tilespmem:s3], [sflag:$0x9], $0x2000, $0x38;
	[tilespmem:$0x18300] =	vst v63  }
0x56: {  	_ =	swait.ge [sflag:s14], $0x2000  }
0x57: {  	[sflag:s14] =	ssyncset.done $0x0  }
0x58: {  	s6 =	sadd.s32 $0x0, s16;
	[sflag:s14] =	ssyncadd.s32 $0xFFFFE000  }
0x59: {  	[spmem:s6] =	stream.linear.scatter [tilespmem:s3], [sflag:$0x9], $0x20, $0x38;
	[tilespmem:$0x18300] =	vst v63  }
0x5a: {  	s6 =	simm.s32 $0x80  }
.LBB2_10:
0x5b: {  	p1 =	sne.s32 s6, $0x3F80  }
.Ltmp4:
0x5c: {  	_ = 	snop;
	(pc) =	sbr.rel @p1 .LBB2_10-.Ltmp4, $4  }
0x5d: {  	_ = 	snop  }
0x5e: {  	s8 =	sshra.s32 s6, $0x2;
	s6 =	sadd.s32 $0x80, s6  }
0x5f: {  	s3 =	sadd.s32 $0x40, s3;
	s8 =	sadd.s32 s8, s16  }
0x60: {  	[spmem:s8] =	stream.linear.scatter [tilespmem:s3], [sflag:$0x9], $0x20, $0x38;
	[tilespmem:$0x18300] =	vst v63  }
.Ltmp5:
0x61: {  	(pc) =	sbr.rel @p0 .LBB2_15-.Ltmp5, $4  }
0x62: {  	_ = 	snop  }
0x63: {  	_ =	swait.ge [sflag:s14], $0x1000  }
0x64: {  	[sflag:s14] =	ssyncset.done $0x0  }
0x65: {  	[sflag:s14] =	ssyncadd.s32 $0xFFFFF000  }
0x66: {  	s3 =	simm.s32 $0x11B00;
	s6 =	sadd.s32 $0x0, s17  }
0x67: {  	[spmem:s6] =	stream.linear.scatter [tilespmem:s3], [sflag:$0x9], $0x10, $0x38;
	[tilespmem:$0x18300] =	vst v63  }
0x68: {  	s6 =	simm.s32 $0x40  }
.LBB2_13:
0x69: {  	p1 =	sne.s32 s6, $0x1FC0  }
.Ltmp6:
0x6a: {  	_ = 	snop;
	(pc) =	sbr.rel @p1 .LBB2_13-.Ltmp6, $4  }
0x6b: {  	_ = 	snop  }
0x6c: {  	s8 =	sshra.s32 s6, $0x2;
	s6 =	sadd.s32 $0x40, s6  }
0x6d: {  	s3 =	sadd.s32 $0x40, s3;
	s8 =	sadd.s32 s8, s17  }
0x6e: {  	[spmem:s8] =	stream.linear.scatter [tilespmem:s3], [sflag:$0x9], $0x10, $0x38;
	[tilespmem:$0x18300] =	vst v63  }
0x6f: {  	_ =	swait.ge [sflag:s14], $0x800  }
0x70: {  	[sflag:s14] =	ssyncset.done $0x0  }
0x71: {  	[sflag:s14] =	ssyncadd.s32 $0xFFFFF800  }
.LBB2_15:
0x72: {  	s3 =	simm.s32 $0x11B00;
	s4 =	rddreg [dreg:$0x10]  }
0x73: {  	[spmem:s4] =	stream.linear.scatter [tilespmem:s3], [sflag:$0x9], $0x2000, $0x38;
	[tilespmem:$0x18300] =	vst v63  }
0x74: {  	_ =	swait.ge [sflag:s14], $0x2000  }
0x75: {  	[sflag:s14] =	ssyncset.done $0x0  }
0x76: {  	s6 =	sadd.s32 $0x0, s19;
	[sflag:s14] =	ssyncadd.s32 $0xFFFFE000  }
0x77: {  	[spmem:s6] =	stream.linear.scatter [tilespmem:s3], [sflag:$0x9], $0x20, $0x38;
	[tilespmem:$0x18300] =	vst v63  }
0x78: {  	s6 =	simm.s32 $0x80  }
.LBB2_16:
0x79: {  	p1 =	sne.s32 s6, $0x3F80  }
.Ltmp7:
0x7a: {  	_ = 	snop;
	(pc) =	sbr.rel @p1 .LBB2_16-.Ltmp7, $4  }
0x7b: {  	_ = 	snop  }
0x7c: {  	s8 =	sshra.s32 s6, $0x2;
	s6 =	sadd.s32 $0x80, s6  }
0x7d: {  	s3 =	sadd.s32 $0x40, s3;
	s8 =	sadd.s32 s8, s19  }
0x7e: {  	[spmem:s8] =	stream.linear.scatter [tilespmem:s3], [sflag:$0x9], $0x20, $0x38;
	[tilespmem:$0x18300] =	vst v63  }
.Ltmp8:
0x7f: {  	(pc) =	sbr.rel @p0 .LBB2_21-.Ltmp8, $4  }
0x80: {  	_ = 	snop  }
0x81: {  	_ =	swait.ge [sflag:s14], $0x1000  }
0x82: {  	[sflag:s14] =	ssyncset.done $0x0  }
0x83: {  	[sflag:s14] =	ssyncadd.s32 $0xFFFFF000  }
0x84: {  	s3 =	simm.s32 $0x11B00;
	s6 =	sadd.s32 $0x0, s20  }
0x85: {  	[spmem:s6] =	stream.linear.scatter [tilespmem:s3], [sflag:$0x9], $0x10, $0x38;
	[tilespmem:$0x18300] =	vst v63  }
0x86: {  	s6 =	simm.s32 $0x40  }
.LBB2_19:
0x87: {  	p1 =	sne.s32 s6, $0x1FC0  }
.Ltmp9:
0x88: {  	_ = 	snop;
	(pc) =	sbr.rel @p1 .LBB2_19-.Ltmp9, $4  }
0x89: {  	_ = 	snop  }
0x8a: {  	s8 =	sshra.s32 s6, $0x2;
	s6 =	sadd.s32 $0x40, s6  }
0x8b: {  	s3 =	sadd.s32 $0x40, s3;
	s8 =	sadd.s32 s8, s20  }
0x8c: {  	[spmem:s8] =	stream.linear.scatter [tilespmem:s3], [sflag:$0x9], $0x10, $0x38;
	[tilespmem:$0x18300] =	vst v63  }
0x8d: {  	_ =	swait.ge [sflag:s14], $0x800  }
0x8e: {  	[sflag:s14] =	ssyncset.done $0x0  }
0x8f: {  	[sflag:s14] =	ssyncadd.s32 $0xFFFFF800  }
.LBB2_21:
0x90: {  	s3 =	simm.s32 $0x11B00;
	s4 =	rddreg [dreg:$0x11]  }
0x91: {  	[spmem:s4] =	stream.linear.scatter [tilespmem:s3], [sflag:$0x9], $0x2000, $0x38;
	[tilespmem:$0x18300] =	vst v63  }
0x92: {  	_ =	swait.ge [sflag:s14], $0x2000  }
0x93: {  	[sflag:s14] =	ssyncset.done $0x0  }
0x94: {  	s6 =	sadd.s32 $0x0, s22;
	[sflag:s14] =	ssyncadd.s32 $0xFFFFE000  }
0x95: {  	[spmem:s6] =	stream.linear.scatter [tilespmem:s3], [sflag:$0x9], $0x20, $0x38;
	[tilespmem:$0x18300] =	vst v63  }
0x96: {  	s6 =	simm.s32 $0x80  }
.LBB2_22:
0x97: {  	p1 =	sne.s32 s6, $0x3F80  }
.Ltmp10:
0x98: {  	_ = 	snop;
	(pc) =	sbr.rel @p1 .LBB2_22-.Ltmp10, $4  }
0x99: {  	_ = 	snop  }
0x9a: {  	s8 =	sshra.s32 s6, $0x2;
	s6 =	sadd.s32 $0x80, s6  }
0x9b: {  	s3 =	sadd.s32 $0x40, s3;
	s8 =	sadd.s32 s8, s22  }
0x9c: {  	[spmem:s8] =	stream.linear.scatter [tilespmem:s3], [sflag:$0x9], $0x20, $0x38;
	[tilespmem:$0x18300] =	vst v63  }
.Ltmp11:
0x9d: {  	(pc) =	sbr.rel @p0 .LBB2_27-.Ltmp11, $4  }
0x9e: {  	_ = 	snop  }
0x9f: {  	_ =	swait.ge [sflag:s14], $0x1000  }
0xa0: {  	[sflag:s14] =	ssyncset.done $0x0  }
0xa1: {  	[sflag:s14] =	ssyncadd.s32 $0xFFFFF000  }
0xa2: {  	s3 =	simm.s32 $0x11B00;
	s6 =	sadd.s32 $0x0, s23  }
0xa3: {  	[spmem:s6] =	stream.linear.scatter [tilespmem:s3], [sflag:$0x9], $0x10, $0x38;
	[tilespmem:$0x18300] =	vst v63  }
0xa4: {  	s6 =	simm.s32 $0x40  }
.LBB2_25:
0xa5: {  	p1 =	sne.s32 s6, $0x1FC0  }
.Ltmp12:
0xa6: {  	_ = 	snop;
	(pc) =	sbr.rel @p1 .LBB2_25-.Ltmp12, $4  }
0xa7: {  	_ = 	snop  }
0xa8: {  	s8 =	sshra.s32 s6, $0x2;
	s6 =	sadd.s32 $0x40, s6  }
0xa9: {  	s3 =	sadd.s32 $0x40, s3;
	s8 =	sadd.s32 s8, s23  }
0xaa: {  	[spmem:s8] =	stream.linear.scatter [tilespmem:s3], [sflag:$0x9], $0x10, $0x38;
	[tilespmem:$0x18300] =	vst v63  }
0xab: {  	_ =	swait.ge [sflag:s14], $0x800  }
0xac: {  	[sflag:s14] =	ssyncset.done $0x0  }
0xad: {  	[sflag:s14] =	ssyncadd.s32 $0xFFFFF800  }
.LBB2_27:
0xae: {  	[dreg:$0xb] =	wrdreg s24  }
0xaf: {  	s3 =	simm.s32 $0x11B00;
	s4 =	rddreg [dreg:$0x12]  }
0xb0: {  	[spmem:s4] =	stream.linear.scatter [tilespmem:s3], [sflag:$0x9], $0x2000, $0x38;
	[tilespmem:$0x18300] =	vst v63  }
0xb1: {  	_ =	swait.ge [sflag:s14], $0x2000  }
0xb2: {  	[sflag:s14] =	ssyncset.done $0x0  }
0xb3: {  	s6 =	sadd.s32 $0x0, s25;
	[sflag:s14] =	ssyncadd.s32 $0xFFFFE000  }
0xb4: {  	[spmem:s6] =	stream.linear.scatter [tilespmem:s3], [sflag:$0x9], $0x20, $0x38;
	[tilespmem:$0x18300] =	vst v63  }
0xb5: {  	s6 =	simm.s32 $0x80  }
.LBB2_28:
0xb6: {  	p1 =	sne.s32 s6, $0x3F80  }
.Ltmp13:
0xb7: {  	_ = 	snop;
	(pc) =	sbr.rel @p1 .LBB2_28-.Ltmp13, $4  }
0xb8: {  	_ = 	snop  }
0xb9: {  	s8 =	sshra.s32 s6, $0x2;
	s6 =	sadd.s32 $0x80, s6  }
0xba: {  	s3 =	sadd.s32 $0x40, s3;
	s8 =	sadd.s32 s8, s25  }
0xbb: {  	[spmem:s8] =	stream.linear.scatter [tilespmem:s3], [sflag:$0x9], $0x20, $0x38;
	[tilespmem:$0x18300] =	vst v63  }
.Ltmp14:
0xbc: {  	(pc) =	sbr.rel @p0 .LBB2_33-.Ltmp14, $4  }
0xbd: {  	_ = 	snop  }
0xbe: {  	_ =	swait.ge [sflag:s14], $0x1000  }
0xbf: {  	[sflag:s14] =	ssyncset.done $0x0  }
0xc0: {  	[sflag:s14] =	ssyncadd.s32 $0xFFFFF000  }
0xc1: {  	s3 =	simm.s32 $0x11B00;
	s6 =	sadd.s32 $0x0, s26  }
0xc2: {  	[spmem:s6] =	stream.linear.scatter [tilespmem:s3], [sflag:$0x9], $0x10, $0x38;
	[tilespmem:$0x18300] =	vst v63  }
0xc3: {  	s6 =	simm.s32 $0x40  }
.LBB2_31:
0xc4: {  	p1 =	sne.s32 s6, $0x1FC0  }
.Ltmp15:
0xc5: {  	_ = 	snop;
	(pc) =	sbr.rel @p1 .LBB2_31-.Ltmp15, $4  }
0xc6: {  	_ = 	snop  }
0xc7: {  	s8 =	sshra.s32 s6, $0x2;
	s6 =	sadd.s32 $0x40, s6  }
0xc8: {  	s3 =	sadd.s32 $0x40, s3;
	s8 =	sadd.s32 s8, s26  }
0xc9: {  	[spmem:s8] =	stream.linear.scatter [tilespmem:s3], [sflag:$0x9], $0x10, $0x38;
	[tilespmem:$0x18300] =	vst v63  }
0xca: {  	_ =	swait.ge [sflag:s14], $0x800  }
0xcb: {  	[sflag:s14] =	ssyncset.done $0x0  }
0xcc: {  	[sflag:s14] =	ssyncadd.s32 $0xFFFFF800  }
.LBB2_33:
0xcd: {  	[tilespmem:$0x17B00] =	vst v2  }
0xce: {  	[tilespmem:$0x17B10] =	vst v2  }
0xcf: {  	[tilespmem:$0x17B20] =	vst v2  }
0xd0: {  	[tilespmem:$0x17B30] =	vst v2  }
0xd1: {  	[tilespmem:$0x17B40] =	vst v2  }
0xd2: {  	[tilespmem:$0x17B50] =	vst v2  }
0xd3: {  	[tilespmem:$0x17B60] =	vst v2  }
0xd4: {  	[tilespmem:$0x17B70] =	vst v2  }
0xd5: {  	[tilespmem:$0x17B80] =	vst v2  }
0xd6: {  	[tilespmem:$0x17B90] =	vst v2  }
0xd7: {  	[tilespmem:$0x17BA0] =	vst v2  }
0xd8: {  	[tilespmem:$0x17BB0] =	vst v2  }
0xd9: {  	[tilespmem:$0x17BC0] =	vst v2  }
0xda: {  	[tilespmem:$0x17BD0] =	vst v2  }
0xdb: {  	[tilespmem:$0x17BE0] =	vst v2  }
0xdc: {  	[tilespmem:$0x17BF0] =	vst v2  }
0xdd: {  	[tilespmem:$0x17C00] =	vst v2  }
0xde: {  	[tilespmem:$0x17C10] =	vst v2  }
0xdf: {  	[tilespmem:$0x17C20] =	vst v2  }
0xe0: {  	[tilespmem:$0x17C30] =	vst v2  }
0xe1: {  	[tilespmem:$0x17C40] =	vst v2  }
0xe2: {  	[tilespmem:$0x17C50] =	vst v2  }
0xe3: {  	[tilespmem:$0x17C60] =	vst v2  }
0xe4: {  	[tilespmem:$0x17C70] =	vst v2  }
0xe5: {  	[tilespmem:$0x17C80] =	vst v2  }
0xe6: {  	[tilespmem:$0x17C90] =	vst v2  }
0xe7: {  	[tilespmem:$0x17CA0] =	vst v2  }
0xe8: {  	[tilespmem:$0x17CB0] =	vst v2  }
0xe9: {  	[tilespmem:$0x17CC0] =	vst v2  }
0xea: {  	[tilespmem:$0x17CD0] =	vst v2  }
0xeb: {  	[tilespmem:$0x17CE0] =	vst v2  }
0xec: {  	[tilespmem:$0x17CF0] =	vst v2  }
0xed: {  	[tilespmem:$0x17D00] =	vst v2  }
0xee: {  	[tilespmem:$0x17D10] =	vst v2  }
0xef: {  	[tilespmem:$0x17D20] =	vst v2  }
0xf0: {  	[tilespmem:$0x17D30] =	vst v2  }
0xf1: {  	[tilespmem:$0x17D40] =	vst v2  }
0xf2: {  	[tilespmem:$0x17D50] =	vst v2  }
0xf3: {  	[tilespmem:$0x17D60] =	vst v2  }
0xf4: {  	[tilespmem:$0x17D70] =	vst v2  }
0xf5: {  	[tilespmem:$0x17D80] =	vst v2  }
0xf6: {  	[tilespmem:$0x17D90] =	vst v2  }
0xf7: {  	[tilespmem:$0x17DA0] =	vst v2  }
0xf8: {  	[tilespmem:$0x17DB0] =	vst v2  }
0xf9: {  	[tilespmem:$0x17DC0] =	vst v2  }
0xfa: {  	[tilespmem:$0x17DD0] =	vst v2  }
0xfb: {  	[tilespmem:$0x17DE0] =	vst v2  }
0xfc: {  	[tilespmem:$0x17DF0] =	vst v2  }
0xfd: {  	[tilespmem:$0x17E00] =	vst v2  }
0xfe: {  	[tilespmem:$0x17E10] =	vst v2  }
0xff: {  	[tilespmem:$0x17E20] =	vst v2  }
0x100: {  	[tilespmem:$0x17E30] =	vst v2  }
0x101: {  	[tilespmem:$0x17E40] =	vst v2  }
0x102: {  	[tilespmem:$0x17E50] =	vst v2  }
0x103: {  	[tilespmem:$0x17E60] =	vst v2  }
0x104: {  	[tilespmem:$0x17E70] =	vst v2  }
0x105: {  	[tilespmem:$0x17E80] =	vst v2  }
0x106: {  	[tilespmem:$0x17E90] =	vst v2  }
0x107: {  	[tilespmem:$0x17EA0] =	vst v2  }
0x108: {  	[tilespmem:$0x17EB0] =	vst v2  }
0x109: {  	[tilespmem:$0x17EC0] =	vst v2  }
0x10a: {  	[tilespmem:$0x17ED0] =	vst v2  }
0x10b: {  	[tilespmem:$0x17EE0] =	vst v2  }
0x10c: {  	[tilespmem:$0x17EF0] =	vst v2  }
0x10d: {  	[tilespmem:$0x17F00] =	vst v2  }
0x10e: {  	[tilespmem:$0x17F10] =	vst v2  }
0x10f: {  	[tilespmem:$0x17F20] =	vst v2  }
0x110: {  	[tilespmem:$0x17F30] =	vst v2  }
0x111: {  	[tilespmem:$0x17F40] =	vst v2  }
0x112: {  	[tilespmem:$0x17F50] =	vst v2  }
0x113: {  	[tilespmem:$0x17F60] =	vst v2  }
0x114: {  	[tilespmem:$0x17F70] =	vst v2  }
0x115: {  	[tilespmem:$0x17F80] =	vst v2  }
0x116: {  	[tilespmem:$0x17F90] =	vst v2  }
0x117: {  	[tilespmem:$0x17FA0] =	vst v2  }
0x118: {  	[tilespmem:$0x17FB0] =	vst v2  }
0x119: {  	[tilespmem:$0x17FC0] =	vst v2  }
0x11a: {  	[tilespmem:$0x17FD0] =	vst v2  }
0x11b: {  	[tilespmem:$0x17FE0] =	vst v2  }
0x11c: {  	[tilespmem:$0x17FF0] =	vst v2  }
0x11d: {  	[tilespmem:$0x18000] =	vst v2  }
0x11e: {  	[tilespmem:$0x18010] =	vst v2  }
0x11f: {  	[tilespmem:$0x18020] =	vst v2  }
0x120: {  	[tilespmem:$0x18030] =	vst v2  }
0x121: {  	[tilespmem:$0x18040] =	vst v2  }
0x122: {  	[tilespmem:$0x18050] =	vst v2  }
0x123: {  	[tilespmem:$0x18060] =	vst v2  }
0x124: {  	[tilespmem:$0x18070] =	vst v2  }
0x125: {  	[tilespmem:$0x18080] =	vst v2  }
0x126: {  	[tilespmem:$0x18090] =	vst v2  }
0x127: {  	[tilespmem:$0x180A0] =	vst v2  }
0x128: {  	[tilespmem:$0x180B0] =	vst v2  }
0x129: {  	[tilespmem:$0x180C0] =	vst v2  }
0x12a: {  	[tilespmem:$0x180D0] =	vst v2  }
0x12b: {  	[tilespmem:$0x180E0] =	vst v2  }
0x12c: {  	[tilespmem:$0x180F0] =	vst v2  }
0x12d: {  	[tilespmem:$0x18100] =	vst v2  }
0x12e: {  	[tilespmem:$0x18110] =	vst v2  }
0x12f: {  	[tilespmem:$0x18120] =	vst v2  }
0x130: {  	[tilespmem:$0x18130] =	vst v2  }
0x131: {  	[tilespmem:$0x18140] =	vst v2  }
0x132: {  	[tilespmem:$0x18150] =	vst v2  }
0x133: {  	[tilespmem:$0x18160] =	vst v2  }
0x134: {  	[tilespmem:$0x18170] =	vst v2  }
0x135: {  	[tilespmem:$0x18180] =	vst v2  }
0x136: {  	[tilespmem:$0x18190] =	vst v2  }
0x137: {  	[tilespmem:$0x181A0] =	vst v2  }
0x138: {  	[tilespmem:$0x181B0] =	vst v2  }
0x139: {  	[tilespmem:$0x181C0] =	vst v2  }
0x13a: {  	[tilespmem:$0x181D0] =	vst v2  }
0x13b: {  	[tilespmem:$0x181E0] =	vst v2  }
0x13c: {  	[tilespmem:$0x181F0] =	vst v2  }
0x13d: {  	[tilespmem:$0x18200] =	vst v2  }
0x13e: {  	[tilespmem:$0x18210] =	vst v2  }
0x13f: {  	[tilespmem:$0x18220] =	vst v2  }
0x140: {  	[tilespmem:$0x18230] =	vst v2  }
0x141: {  	[tilespmem:$0x18240] =	vst v2  }
0x142: {  	[tilespmem:$0x18250] =	vst v2  }
0x143: {  	[tilespmem:$0x18260] =	vst v2  }
0x144: {  	[tilespmem:$0x18270] =	vst v2  }
0x145: {  	[tilespmem:$0x18280] =	vst v2  }
0x146: {  	[tilespmem:$0x18290] =	vst v2  }
0x147: {  	[tilespmem:$0x182A0] =	vst v2  }
0x148: {  	[tilespmem:$0x182B0] =	vst v2  }
0x149: {  	[tilespmem:$0x182C0] =	vst v2  }
0x14a: {  	[tilespmem:$0x182D0] =	vst v2  }
0x14b: {  	[tilespmem:$0x182E0] =	vst v2  }
0x14c: {  	[tilespmem:$0x182F0] =	vst v2  }
0x14d: {  	[bflag:$0x0] =	sbarrier.arrive $0xFFFF  }
0x14e: {  	s3 =	simm.s32 $0x0;
	s6 =	simm.s32 $0x11900;
	s4 =	rddreg [dreg:$0xf]  }
0x14f: {  	[tilespmem:s6], [sflag:$0x1] =	stream.linear.gather [hbm4b:s4+s3], $0x80, $0x38;
	[tilespmem:$0x18300] =	vst v63  }
0x150: {  	s14 =	simm.s32 $0x1;
	s24 =	rddreg [dreg:$0x1a]  }
0x151: {  	[tilespmem:s12], [sflag:$0x1] =	stream.linear.gather [hbm4b:s24+s3], $0x80, $0x38;
	[tilespmem:$0x18300] =	vst v63  }
0x152: {  	_ =	swait.ge [sflag:s14], $0x80  }
0x153: {  	[sflag:s14] =	ssyncset.done $0x0  }
0x154: {  	[sflag:s14] =	ssyncadd.s32 $0xFFFFFF80  }
0x155: {  	_ =	swait.ge [sflag:s14], $0x80  }
0x156: {  	[sflag:s14] =	ssyncset.done $0x0  }
0x157: {  	[sflag:s14] =	ssyncadd.s32 $0xFFFFFF80  }
0x158: {  	v3 =	vld [tilespmem:$0x11900]  }
0x159: {  	v4 =	vld [tilespmem:$0x11910]  }
0x15a: {  	v5 =	vld [tilespmem:$0x11920]  }
0x15b: {  	v6 =	vld [tilespmem:$0x11930]  }
0x15c: {  	v7 =	vld [tilespmem:$0x11940]  }
0x15d: {  	v8 =	vld [tilespmem:$0x11950];
	v3 =	vshll.u32 v3, $0x1  }
0x15e: {  	v9 =	vld [tilespmem:$0x11960];
	v4 =	vshll.u32 v4, $0x1;
	v3 =	vor.u32 v0, v3  }
0x15f: {  	v58 =	vld [tilespmem:$0x11970];
	v57 =	vshll.u32 v5, $0x1;
	[tilespmem:$0x11800] =	vst v3;
	v3 =	vor.u32 v0, v4  }
0x160: {  	v59 =	vshll.u32 v6, $0x1;
	[tilespmem:$0x11810] =	vst v3;
	v3 =	vor.u32 v0, v57  }
0x161: {  	v60 =	vshll.u32 v7, $0x1;
	[tilespmem:$0x11820] =	vst v3;
	v3 =	vor.u32 v0, v59  }
0x162: {  	v61 =	vshll.u32 v8, $0x1;
	[tilespmem:$0x11830] =	vst v3;
	v3 =	vor.u32 v0, v60  }
0x163: {  	v62 =	vshll.u32 v9, $0x1;
	[tilespmem:$0x11840] =	vst v3;
	v3 =	vor.u32 v0, v61  }
0x164: {  	v63 =	vshll.u32 v58, $0x1;
	[tilespmem:$0x11850] =	vst v3;
	v3 =	vor.u32 v0, v62  }
0x165: {  	[tilespmem:$0x11860] =	vst v3;
	v3 =	vor.u32 v0, v63  }
0x166: {  	s30 =	simm.s32 $0x11800;
	s6 =	rddreg [dreg:$0x13];
	[tilespmem:$0x11870] =	vst v3  }
0x167: {  	[tilespmem:s13], [sflag:$0x3] =	stream.indirect.gather [hbm4b:s0+s1], $0x40, s30, s1, $0xb8;
	[tilespmem:$0x18300] =	vst v63  }
0x168: {  	s8 =	simm.s32 $0x20;
	s12 =	simm.s32 $0x40;
	s30 =	rddreg [dreg:$0x1c]  }
0x169: {  	[tilespmem:s18], [sflag:$0x5] =	stream.strided.gather [hbm4b:s6+s8], $0x1000, s12, s8, $0x38;
	[tilespmem:$0x18300] =	vst v63  }
0x16a: {  	s28 =	smov.u32 s5;
	s18 =	rddreg [dreg:$0x1b]  }
0x16b: {  	s24 =	simm.s32 $0x11980;
	s13 =	simm.s32 $0x80;
	s8 =	rddreg [dreg:$0x18]  }
0x16c: {  	s1 =	simm.s32 $0x6;
	s6 =	rddreg [dreg:$0x17];
	s12 =	smov.u32 s7  }
0x16d: {  	[tilespmem:s24], [sflag:$0x2] =	stream.linear.gather [hbm4b:s18+s3], $0x80, $0x38;
	[tilespmem:$0x18300] =	vst v63  }
0x16e: {  	s7 =	smov.u32 s0;
	s0 =	smov.u32 s2;
	s18 =	simm.s32 $0x4  }
0x16f: {  	[tilespmem:s31], [sflag:$0x2] =	stream.linear.gather [hbm4b:s30+s3], $0x80, $0x38;
	[tilespmem:$0x18300] =	vst v63  }
.LBB2_34:
0x170: {  	p1 =	sge.u32 s14, s11  }
0x171: {  	s30 =	simm.s32 @!p1 $0x2  }
0x172: {  	_ =	swait.ge @!p1 [sflag:s30], $0x80  }
0x173: {  	[sflag:s30] =	ssyncset.done @!p1 $0x0  }
0x174: {  	[sflag:s30] =	ssyncadd.s32 @!p1 $0xFFFFFF80  }
0x175: {  	_ =	swait.ge @!p1 [sflag:s30], $0x80  }
0x176: {  	[sflag:s30] =	ssyncset.done @!p1 $0x0  }
0x177: {  	[sflag:s30] =	ssyncadd.s32 @!p1 $0xFFFFFF80  }
0x178: {  	v3 =	vld @!p1 [tilespmem:$0x11980]  }
0x179: {  	v4 =	vld @!p1 [tilespmem:$0x11990]  }
0x17a: {  	v5 =	vld @!p1 [tilespmem:$0x119A0]  }
0x17b: {  	v6 =	vld @!p1 [tilespmem:$0x119B0]  }
0x17c: {  	v7 =	vld @!p1 [tilespmem:$0x119C0]  }
0x17d: {  	v8 =	vld @!p1 [tilespmem:$0x119D0];
	v3 =	vshll.u32 @!p1 v3, $0x1  }
0x17e: {  	v9 =	vld @!p1 [tilespmem:$0x119E0];
	v4 =	vshll.u32 @!p1 v4, $0x1;
	v3 =	vor.u32 @!p1 v0, v3  }
0x17f: {  	[tilespmem:$0x11880] =	vst @!p1 v3;
	v3 =	vor.u32 @!p1 v0, v4;
	v4 =	vshll.u32 @!p1 v5, $0x1;
	v5 =	vld @!p1 [tilespmem:$0x119F0]  }
0x180: {  	[tilespmem:$0x11890] =	vst @!p1 v3;
	v3 =	vor.u32 @!p1 v0, v4;
	v4 =	vshll.u32 @!p1 v6, $0x1  }
0x181: {  	[tilespmem:$0x118A0] =	vst @!p1 v3;
	v3 =	vor.u32 @!p1 v0, v4;
	v4 =	vshll.u32 @!p1 v7, $0x1  }
0x182: {  	[tilespmem:$0x118B0] =	vst @!p1 v3;
	v3 =	vor.u32 @!p1 v0, v4;
	v4 =	vshll.u32 @!p1 v8, $0x1  }
0x183: {  	[tilespmem:$0x118C0] =	vst @!p1 v3;
	v3 =	vor.u32 @!p1 v0, v4;
	v4 =	vshll.u32 @!p1 v9, $0x1  }
0x184: {  	[tilespmem:$0x118D0] =	vst @!p1 v3;
	v3 =	vor.u32 @!p1 v0, v4;
	v4 =	vshll.u32 @!p1 v5, $0x1  }
0x185: {  	[tilespmem:$0x118E0] =	vst @!p1 v3;
	v3 =	vor.u32 @!p1 v0, v4  }
0x186: {  	s31 =	simm.s32 @!p1 $0x11880;
	s24 =	simm.s32 @!p1 $0x13B00;
	s30 =	simm.s32 @!p1 $0x80;
	[tilespmem:$0x118F0] =	vst @!p1 v3  }
0x187: {  	[tilespmem:s24], [sflag:$0x4] =	stream.indirect.gather @!p1 [hbm4b:s7+s30], $0x40, s31, s30, $0xb8;
	[tilespmem:$0x18300] =	vst v63  }
0x188: {  	s24 =	simm.s32 @!p1 $0x20;
	s30 =	simm.s32 @!p1 $0x40;
	s31 =	simm.s32 @!p1 $0x16B00  }
0x189: {  	[tilespmem:s31], [sflag:$0x6] =	stream.strided.gather @!p1 [hbm4b:s6+s24], $0x1000, s30, s24, $0x38;
	[tilespmem:$0x18300] =	vst v63  }
0x18a: {  	_ =	swait.ge [sflag:s21], $0x2000  }
0x18b: {  	[sflag:s21] =	ssyncset.done $0x0  }
0x18c: {  	[sflag:s21] =	ssyncadd.s32 $0xFFFFE000  }
0x18d: {  	_ =	swait.ge [sflag:s29], $0x1000  }
0x18e: {  	[sflag:s29] =	ssyncset.done $0x0  }
0x18f: {  	s2 =	simm.s32 $0x11B00;
	s4 =	simm.s32 $0x11A00;
	[sflag:s29] =	ssyncadd.s32 $0xFFFFF000  }
0x190: {  	[spmem:s0] =	stream.indirect.scatter.add.f32 [tilespmem:s2], [sflag:$0x7], $0x40, s4, s13, $0xb8;
	[tilespmem:$0x18300] =	vst v63  }
0x191: {  	s31 =	simm.s32 $0x15B00;
	s24 =	simm.s32 @p0 $0x7  }
0x192: {  	[spmem:s28] =	stream.indirect.scatter.add.f32 [tilespmem:s31], [sflag:$0x7], $0x20, s4, s13, $0xb8;
	[tilespmem:$0x18300] =	vst v63  }
0x193: {  	_ =	swait.ge @p0 [sflag:s24], $0x2000  }
0x194: {  	[sflag:s24] =	ssyncset.done @p0 $0x0  }
0x195: {  	[sflag:s24] =	ssyncadd.s32 @p0 $0xFFFFE000  }
0x196: {  	_ =	swait.ge @p0 [sflag:s24], $0x1000  }
0x197: {  	s30 =	simm.s32 @!p0 $0x80;
	[sflag:s24] =	ssyncset.done @p0 $0x0  }
0x198: {  	s31 =	simm.s32 @!p0 $0x17B00;
	[sflag:s24] =	ssyncadd.s32 @p0 $0xFFFFF000;
	s24 =	simm.s32 @!p0 $0x11A00  }
0x199: {  	[spmem:s12] =	stream.indirect.scatter.add.f32 @!p0 [tilespmem:s31], [sflag:$0x7], $0x10, s24, s30, $0xb8;
	[tilespmem:$0x18300] =	vst v63  }
0x19a: {  	s24 =	simm.s32 @!p0 $0x7  }
0x19b: {  	_ =	swait.ge @!p0 [sflag:s24], $0x2000  }
0x19c: {  	[sflag:s24] =	ssyncset.done @!p0 $0x0  }
0x19d: {  	[sflag:s24] =	ssyncadd.s32 @!p0 $0xFFFFE000  }
0x19e: {  	_ =	swait.ge @!p0 [sflag:s24], $0x1000  }
0x19f: {  	[sflag:s24] =	ssyncset.done @!p0 $0x0  }
0x1a0: {  	s5 =	sadd.s32 $0x1, s14;
	[sflag:s24] =	ssyncadd.s32 @!p0 $0xFFFFF000  }
0x1a1: {  	p1 =	sge.u32 s5, s11;
	_ =	swait.ge @!p0 [sflag:s24], $0x800  }
0x1a2: {  	s5 =	simm.s32 @!p1 $0x11900;
	s2 =	sadd.s32 @!p1 s3, s15;
	[sflag:s24] =	ssyncset.done @!p0 $0x0  }
0x1a3: {  	s4 =	simm.s32 @!p1 $0x0;
	[sflag:s24] =	ssyncadd.s32 @!p0 $0xFFFFF800;
	s24 =	sadd.s32 @!p1 $0x20, s2  }
0x1a4: {  	[tilespmem:s5], [sflag:$0x1] =	stream.linear.gather @!p1 [hbm4b:s24+s4], $0x80, $0x38;
	[tilespmem:$0x18300] =	vst v63  }
0x1a5: {  	s2 =	sadd.s32 @!p1 $0x9C60, s2;
	s5 =	simm.s32 @!p1 $0x11A00  }
0x1a6: {  	[tilespmem:s5], [sflag:$0x1] =	stream.linear.gather @!p1 [hbm4b:s2+s4], $0x80, $0x38;
	[tilespmem:$0x18300] =	vst v63  }
0x1a7: {  	s2 =	simm.s32 @!p1 $0x1  }
0x1a8: {  	_ =	swait.ge @!p1 [sflag:s2], $0x80  }
0x1a9: {  	[sflag:s2] =	ssyncset.done @!p1 $0x0  }
0x1aa: {  	[sflag:s2] =	ssyncadd.s32 @!p1 $0xFFFFFF80  }
0x1ab: {  	_ =	swait.ge @!p1 [sflag:s2], $0x80  }
0x1ac: {  	[sflag:s2] =	ssyncset.done @!p1 $0x0  }
0x1ad: {  	[sflag:s2] =	ssyncadd.s32 @!p1 $0xFFFFFF80  }
0x1ae: {  	v3 =	vld @!p1 [tilespmem:$0x11900]  }
0x1af: {  	v4 =	vld @!p1 [tilespmem:$0x11910]  }
0x1b0: {  	v5 =	vld @!p1 [tilespmem:$0x11920]  }
0x1b1: {  	v6 =	vld @!p1 [tilespmem:$0x11930]  }
0x1b2: {  	v7 =	vld @!p1 [tilespmem:$0x11940]  }
0x1b3: {  	v8 =	vld @!p1 [tilespmem:$0x11950];
	v3 =	vshll.u32 @!p1 v3, $0x1  }
0x1b4: {  	v9 =	vld @!p1 [tilespmem:$0x11960];
	v4 =	vshll.u32 @!p1 v4, $0x1;
	v3 =	vor.u32 @!p1 v0, v3  }
0x1b5: {  	[tilespmem:$0x11800] =	vst @!p1 v3;
	v3 =	vor.u32 @!p1 v0, v4;
	v4 =	vshll.u32 @!p1 v5, $0x1;
	v5 =	vld @!p1 [tilespmem:$0x11970]  }
0x1b6: {  	[tilespmem:$0x11810] =	vst @!p1 v3;
	v3 =	vor.u32 @!p1 v0, v4;
	v4 =	vshll.u32 @!p1 v6, $0x1  }
0x1b7: {  	[tilespmem:$0x11820] =	vst @!p1 v3;
	v3 =	vor.u32 @!p1 v0, v4;
	v4 =	vshll.u32 @!p1 v7, $0x1  }
0x1b8: {  	[tilespmem:$0x11830] =	vst @!p1 v3;
	v3 =	vor.u32 @!p1 v0, v4;
	v4 =	vshll.u32 @!p1 v8, $0x1  }
0x1b9: {  	[tilespmem:$0x11840] =	vst @!p1 v3;
	v3 =	vor.u32 @!p1 v0, v4;
	v4 =	vshll.u32 @!p1 v9, $0x1  }
0x1ba: {  	[tilespmem:$0x11850] =	vst @!p1 v3;
	v3 =	vor.u32 @!p1 v0, v4;
	v4 =	vshll.u32 @!p1 v5, $0x1  }
0x1bb: {  	[tilespmem:$0x11860] =	vst @!p1 v3;
	v3 =	vor.u32 @!p1 v0, v4  }
0x1bc: {  	s4 =	simm.s32 @!p1 $0x11800;
	s5 =	simm.s32 @!p1 $0x11B00;
	s2 =	simm.s32 @!p1 $0x80;
	[tilespmem:$0x11870] =	vst @!p1 v3  }
0x1bd: {  	[tilespmem:s5], [sflag:$0x3] =	stream.indirect.gather @!p1 [hbm4b:s7+s2], $0x40, s4, s2, $0xb8;
	[tilespmem:$0x18300] =	vst v63  }
0x1be: {  	s24 =	simm.s32 @!p1 $0x15B00;
	s2 =	sshrl.u32 @!p1 s8, $0x3;
	s4 =	rddreg [dreg:$0x1d]  }
0x1bf: {  	s5 =	simm.s32 @!p1 $0x40;
	s2 =	sadd.s32 @!p1 s4, s2;
	s4 =	simm.s32 @!p1 $0x20  }
0x1c0: {  	[tilespmem:s24], [sflag:$0x5] =	stream.strided.gather @!p1 [hbm4b:s2+s4], $0x1000, s5, s4, $0x38;
	[tilespmem:$0x18300] =	vst v63  }
0x1c1: {  	_ =	swait.ge [sflag:s18], $0x2000  }
0x1c2: {  	[sflag:s18] =	ssyncset.done $0x0  }
0x1c3: {  	[sflag:s18] =	ssyncadd.s32 $0xFFFFE000  }
0x1c4: {  	_ =	swait.ge [sflag:s1], $0x1000  }
0x1c5: {  	[sflag:s1] =	ssyncset.done $0x0  }
0x1c6: {  	s24 =	simm.s32 $0x11A80;
	s4 =	rddreg [dreg:$0x9];
	[sflag:s1] =	ssyncadd.s32 $0xFFFFF000  }
0x1c7: {  	[spmem:s0] =	stream.indirect.scatter.add.f32 [tilespmem:s4], [sflag:$0x8], $0x40, s24, s13, $0xb8;
	[tilespmem:$0x18300] =	vst v63  }
0x1c8: {  	s2 =	simm.s32 @p0 $0x8;
	s5 =	rddreg [dreg:$0xa]  }
0x1c9: {  	[spmem:s28] =	stream.indirect.scatter.add.f32 [tilespmem:s5], [sflag:$0x8], $0x20, s24, s13, $0xb8;
	[tilespmem:$0x18300] =	vst v63  }
0x1ca: {  	_ =	swait.ge @p0 [sflag:s2], $0x2000  }
0x1cb: {  	[sflag:s2] =	ssyncset.done @p0 $0x0  }
0x1cc: {  	[sflag:s2] =	ssyncadd.s32 @p0 $0xFFFFE000  }
0x1cd: {  	_ =	swait.ge @p0 [sflag:s2], $0x1000  }
0x1ce: {  	[sflag:s2] =	ssyncset.done @p0 $0x0  }
0x1cf: {  	[sflag:s2] =	ssyncadd.s32 @p0 $0xFFFFF000;
	s2 =	simm.s32 @!p0 $0x11A80  }
0x1d0: {  	[spmem:s12] =	stream.indirect.scatter.add.f32 @!p0 [tilespmem:s31], [sflag:$0x8], $0x10, s2, s30, $0xb8;
	[tilespmem:$0x18300] =	vst v63  }
0x1d1: {  	s2 =	simm.s32 @!p0 $0x8  }
0x1d2: {  	_ =	swait.ge @!p0 [sflag:s2], $0x2000  }
0x1d3: {  	[sflag:s2] =	ssyncset.done @!p0 $0x0  }
0x1d4: {  	[sflag:s2] =	ssyncadd.s32 @!p0 $0xFFFFE000  }
0x1d5: {  	_ =	swait.ge @!p0 [sflag:s2], $0x1000  }
0x1d6: {  	[sflag:s2] =	ssyncset.done @!p0 $0x0  }
0x1d7: {  	[sflag:s2] =	ssyncadd.s32 @!p0 $0xFFFFF000  }
0x1d8: {  	s14 =	sadd.s32 $0x2, s14;
	_ =	swait.ge @!p0 [sflag:s2], $0x800  }
0x1d9: {  	p1 =	sge.u32 s14, s11;
	[sflag:s2] =	ssyncset.done @!p0 $0x0  }
0x1da: {  	s5 =	simm.s32 @!p1 $0x0;
	[sflag:s2] =	ssyncadd.s32 @!p0 $0xFFFFF800;
	s2 =	sadd.s32 @!p1 s3, s15  }
0x1db: {  	s24 =	simm.s32 @!p1 $0x11980;
	s31 =	rddreg [dreg:$0x8];
	s4 =	sadd.s32 @!p1 $0x30, s2  }
0x1dc: {  	[tilespmem:s24], [sflag:$0x2] =	stream.linear.gather @!p1 [hbm4b:s4+s5], $0x80, $0x38;
	[tilespmem:$0x18300] =	vst v63  }
0x1dd: {  	s3 =	sadd.s32 $0x20, s3;
	s2 =	sadd.s32 @!p1 $0x9C70, s2;
	s4 =	simm.s32 @!p1 $0x11A80  }
0x1de: {  	[tilespmem:s4], [sflag:$0x2] =	stream.linear.gather @!p1 [hbm4b:s2+s5], $0x80, $0x38;
	[tilespmem:$0x18300] =	vst v63  }
0x1df: {  	p1 =	sne.s32 s31, s3  }
.Ltmp16:
0x1e0: {  	_ = 	snop;
	(pc) =	sbr.rel @p1 .LBB2_34-.Ltmp16, $2  }
0x1e1: {  	_ =	sdelay $0x2  }
0x1e2: {  	s6 =	sadd.s32 $0x800, s6;
	s8 =	sadd.s32 $0x4000, s8  }
0x1e3: {  	s2 =	stileid.u32;
	[bflag:$0x0] =	sbarrier.arrive $0xFFFF  }
0x1e4: {  	s1 =	simm.s32 $0x1;
	s5 =	simm.s32 $0x18;
	s6 =	simm.s32 $0x8  }
0x1e5: {  	s14 =	simm.s32 $0x9;
	s2 =	sshll.u32 s2, $0x6;
	s30 =	rddreg [dreg:$0xc]  }
0x1e6: {  	s4 =	rddreg [dreg:$0xe];
	s2 =	sor.u32 $0x1C09, s2;
	s3 =	sshrl.u32 s30, $0x3  }
0x1e7: {  	[hbm:s4@s5], [sflag:s2] =	dma.strided [spmem:s3@s6], $0x1400, s1, $0x8   }
0x1e8: {  	_ =	swait.ge [sflag:s14], $0x1400  }
0x1e9: {  	[sflag:s14] =	ssyncset.done $0x0  }
0x1ea: {  	s8 =	sshrl.u32 s9, $0x3;
	s13 =	rddreg [dreg:$0x14];
	[sflag:s14] =	ssyncadd.s32 $0xFFFFEC00  }
0x1eb: {  	[hbm:s13@s5], [sflag:s2] =	dma.strided [spmem:s8@s18], $0xA00, s1, $0x4   }
0x1ec: {  	_ =	swait.ge [sflag:s14], $0xA00  }
0x1ed: {  	[sflag:s14] =	ssyncset.done $0x0;
	s3 =	rddreg [dreg:$0x15]  }
0x1ee: {  	s4 =	rddreg [dreg:$0x19];
	[sflag:s14] =	ssyncadd.s32 $0xFFFFF600  }
0x1ef: {  	[hbm:s3], [sflag:s2] =	dma.local @!p0 [spmem:s4], $0x500  }
0x1f0: {  	s2 =	simm.s32 @!p0 $0x9  }
0x1f1: {  	_ =	swait.ge @!p0 [sflag:s2], $0x500  }
0x1f2: {  	s24 =	rddreg [dreg:$0xb]  }
0x1f3: {  	s18 =	rddreg [dreg:$0x16];
	s24 =	sadd.s32 $0x1, s24  }
0x1f4: {  	p1 =	sne.s32 s24, s18  }
.Ltmp17:
0x1f5: {  	_ = 	snop;
	(pc) =	sbr.rel @p1 .LBB2_1-.Ltmp17, $4  }
0x1f6: {  	s31 =	simm.s32 $0x11A80;
	s5 =	smov.u32 s28  }
0x1f7: {  	s13 =	simm.s32 $0x11B00;
	s1 =	simm.s32 $0x80;
	[sflag:s2] =	ssyncset.done @!p0 $0x0  }
0x1f8: {  	[sflag:s2] =	ssyncadd.s32 @!p0 $0xFFFFFB00;
	s2 =	smov.u32 s0;
	s0 =	smov.u32 s7  }
0x1f9: {  	s7 =	smov.u32 s12;
	s12 =	simm.s32 $0x11A00;
	s18 =	simm.s32 $0x15B00  }
0x1fa: {  	_ =	sfence.sel $0x180000  }
0x1fb: {  	[bflag:$0x0] =	sbarrier.arrive $0xFFFF  }
0x1fc: {  	_ =	strace $0x90000047  }
0x1fd: {  	s0 =	stileid.u32;
	[bflag:$0x2] =	sbarrier.arrive $0xFFFF  }
0x1fe: {  	p0 =	sne.s32 s0, $0x0;
	s0 =	rddreg [dreg:$0x7]  }
0x1ff: {  	s0 =	sadd.s32 @!p0 $0x100000, s0  }
0x200: {  	[sflag:s0] =	ssyncadd.tile.s32 @!p0 $0x1;
	_ =	shalt  }
.Lfunc_end2:
_tile_overlayer_lowered:
.L_overlay_start_2:
0x201: {  	(tag) =	ssettag $0x2  }
0x202: {  	s0 =	rddreg [dreg:$0x0];
	s2 =	stileid.u32  }
0x203: {  	s1 =	rddreg [dreg:$0x1];
	p0 =	sne.s32 s2, $0x0  }
0x204: {  	s3 =	rddreg [dreg:$0x2];
	[bflag:$0x3] =	sbarrier.arrive $0xFFFF;
	s2 =	simm.s32 @!p0 $0x1C09  }
0x205: {  	[timem:s3], [sflag:s2] =	dma.local @!p0 [hbm:s0], s1  }
0x206: {  	s0 =	simm.s32 @!p0 $0x9  }
0x207: {  	_ =	swait.ge @!p0 [sflag:s0], s1  }
0x208: {  	s1 =	ssub.s32 @!p0 $0x0, s1;
	[sflag:s0] =	ssyncset.done @!p0 $0x0  }
0x209: {  	[sflag:s0] =	ssyncadd.s32 @!p0 s1  }
0x20a: {  	[bflag:$0x3] =	sbarrier.arrive $0xFFFF  }
0x20b: {  	_ =	shalt  }

</sc_bundles>
